<compile_context>
chip_gen: v7x
topology: tpu7x:2x2x1
jax: 0.10.2.dev20260603
libtpu: 0.0.44.dev20260713+nightly
codegen_flags: <defaults>
</compile_context>

<pallas_src>
import functools

import jax
import jax.numpy as jnp
from jax import lax
from jax.experimental import pallas as pl
from jax.experimental.pallas import tpu as pltpu
from jax.experimental.pallas import tpu_sc as plsc

NG = 16
DF = 128
NC = 2
NS = 16
NW = NC * NS
CHUNK = 128
BR = 512



NBUF = 1


def _sc_message_pass(g, src2, dst, zeros2, npad, nchunk):
    rpt = npad // NS
    mesh = plsc.VectorSubcoreMesh(core_axis_name="c", subcore_axis_name="s")

    @functools.partial(
        pl.kernel,
        out_type=jax.ShapeDtypeStruct((NC, npad, DF), jnp.float32),
        mesh=mesh,
        scratch_types=[
            pltpu.VMEM_SHARED((npad, DF), jnp.float32),
            pltpu.VMEM((nchunk, CHUNK), jnp.int32),
            pltpu.VMEM((CHUNK,), jnp.int32),
            pltpu.VMEM((CHUNK, DF), jnp.float32),
            pltpu.SemaphoreType.DMA,
        ],
    )
    def k(g_hbm, src_hbm, dst_hbm, z_hbm, out_hbm, acc, isrc, idst, rows, sem):
        c = lax.axis_index("c")
        s = lax.axis_index("s")
        wid = c * NS + s
        rbase = s * rpt

        pltpu.sync_copy(src_hbm.at[wid], isrc)

        @pl.when(c == 0)
        def _():
            pltpu.sync_copy(g_hbm.at[pl.ds(rbase, rpt)], acc.at[pl.ds(rbase, rpt)])

        @pl.when(c != 0)
        def _():
            pltpu.sync_copy(z_hbm.at[pl.ds(rbase, rpt)], acc.at[pl.ds(rbase, rpt)])

        plsc.subcore_barrier()

        ebase = wid * nchunk

        def body(j, carry):
            cp = pltpu.async_copy(g_hbm.at[isrc.at[j]], rows, sem)
            pltpu.sync_copy(dst_hbm.at[pl.ds((ebase + j) * CHUNK, CHUNK)], idst)
            cp.wait()
            pltpu.sync_copy(rows, acc.at[idst], add=True)
            return carry

        lax.fori_loop(0, nchunk, body, 0)
        plsc.subcore_barrier()
        pltpu.sync_copy(acc.at[pl.ds(rbase, rpt)],
                        out_hbm.at[c, pl.ds(rbase, rpt)])

    return k(g, src2, dst, zeros2)


def _sc_degree(dst, zeros1, ones_c, npad, epw, nchunk):
    rpt = npad // NS
    mesh = plsc.VectorSubcoreMesh(core_axis_name="c", subcore_axis_name="s")

    @functools.partial(
        pl.kernel,
        out_type=jax.ShapeDtypeStruct((NC, npad), jnp.float32),
        mesh=mesh,
        scratch_types=[
            pltpu.VMEM_SHARED((npad,), jnp.float32),
            pltpu.VMEM((CHUNK,), jnp.int32),
            pltpu.VMEM((CHUNK,), jnp.float32),
        ],
    )
    def k(dst_hbm, z_hbm, ones_hbm, out_hbm, acc, idst, ones_v):
        c = lax.axis_index("c")
        s = lax.axis_index("s")
        wid = c * NS + s
        rbase = s * rpt
        pltpu.sync_copy(z_hbm.at[pl.ds(rbase, rpt)], acc.at[pl.ds(rbase, rpt)])
        pltpu.sync_copy(ones_hbm, ones_v)
        plsc.subcore_barrier()

        ebase = wid * epw

        def body(i, carry):
            b = ebase + i * CHUNK
            pltpu.sync_copy(dst_hbm.at[pl.ds(b, CHUNK)], idst)
            pltpu.sync_copy(ones_v, acc.at[idst], add=True)
            return carry

        lax.fori_loop(0, nchunk, body, 0)
        plsc.subcore_barrier()
        pltpu.sync_copy(acc.at[pl.ds(rbase, rpt)], out_hbm.at[c, pl.ds(rbase, rpt)])

    return k(dst, zeros1, ones_c)



def _prep_body(d_ref, batch_ref, dis_ref, cnt_ref):
    i = pl.program_id(0)
    deg = d_ref[0] + d_ref[1] + 1.0
    dis_ref[...] = lax.rsqrt(deg)
    segs = lax.broadcasted_iota(jnp.int32, (1, NG), 1)
    oh = (batch_ref[...] == segs).astype(jnp.float32)
    ones = jnp.ones((BR, 1), jnp.float32)
    cnt = lax.dot_general(oh, ones, (((0,), (0,)), ((), ())),
                          preferred_element_type=jnp.float32)

    @pl.when(i == 0)
    def _():
        cnt_ref[...] = cnt

    @pl.when(i != 0)
    def _():
        cnt_ref[...] = cnt_ref[...] + cnt


def _tc_prep(dpart, batch2, npad):
    grid = (npad // BR,)
    return pl.pallas_call(
        _prep_body,
        grid=grid,
        in_specs=[
            pl.BlockSpec((NC, BR, 1), lambda i: (0, i, 0)),
            pl.BlockSpec((BR, 1), lambda i: (i, 0)),
        ],
        out_specs=[
            pl.BlockSpec((BR, 1), lambda i: (i, 0)),
            pl.BlockSpec((NG, 1), lambda i: (0, 0)),
        ],
        out_shape=[
            jax.ShapeDtypeStruct((npad, 1), jnp.float32),
            jax.ShapeDtypeStruct((NG, 1), jnp.float32),
        ],
    )(dpart, batch2)


def _head_body(x_ref, dis_ref, w_ref, g_ref):
    g_ref[...] = jnp.dot(x_ref[...], w_ref[...],
                         preferred_element_type=jnp.float32) * dis_ref[...]


def _tc_head(xt, dis, W, npad):
    grid = (npad // BR,)
    return pl.pallas_call(
        _head_body,
        grid=grid,
        in_specs=[
            pl.BlockSpec((BR, DF), lambda i: (i, 0)),
            pl.BlockSpec((BR, 1), lambda i: (i, 0)),
            pl.BlockSpec((DF, DF), lambda i: (0, 0)),
        ],
        out_specs=pl.BlockSpec((BR, DF), lambda i: (i, 0)),
        out_shape=jax.ShapeDtypeStruct((npad, DF), jnp.float32),
    )(xt, dis, W)


def _pools(h, batch_blk, mx_ref, sm_ref, i):
    segs = lax.broadcasted_iota(jnp.int32, (1, NG), 1)
    oh = (batch_blk == segs).astype(jnp.float32)
    smb = lax.dot_general(oh, h, (((0,), (0,)), ((), ())),
                          preferred_element_type=jnp.float32)
    m3 = batch_blk[None] == lax.broadcasted_iota(jnp.int32, (NG, 1, 1), 0)
    mxb = jnp.max(jnp.where(m3, h[None], -jnp.inf), axis=1)

    @pl.when(i == 0)
    def _():
        mx_ref[...] = mxb
        sm_ref[...] = smb

    @pl.when(i != 0)
    def _():
        mx_ref[...] = jnp.maximum(mx_ref[...], mxb)
        sm_ref[...] = sm_ref[...] + smb


def _mid_body(p_ref, dis_ref, b_ref, w_ref, batch_ref, g_ref, mx_ref, sm_ref):
    i = pl.program_id(0)
    dis = dis_ref[...]
    h = jnp.maximum((p_ref[0] + p_ref[1]) * dis + b_ref[...], 0.0)
    g_ref[...] = jnp.dot(h, w_ref[...],
                         preferred_element_type=jnp.float32) * dis
    _pools(h, batch_ref[...], mx_ref, sm_ref, i)


def _tc_mid(p, dis, b, Wn, batch2, npad):
    grid = (npad // BR,)
    return pl.pallas_call(
        _mid_body,
        grid=grid,
        in_specs=[
            pl.BlockSpec((NC, BR, DF), lambda i: (0, i, 0)),
            pl.BlockSpec((BR, 1), lambda i: (i, 0)),
            pl.BlockSpec((1, DF), lambda i: (0, 0)),
            pl.BlockSpec((DF, DF), lambda i: (0, 0)),
            pl.BlockSpec((BR, 1), lambda i: (i, 0)),
        ],
        out_specs=[
            pl.BlockSpec((BR, DF), lambda i: (i, 0)),
            pl.BlockSpec((NG, DF), lambda i: (0, 0)),
            pl.BlockSpec((NG, DF), lambda i: (0, 0)),
        ],
        out_shape=[
            jax.ShapeDtypeStruct((npad, DF), jnp.float32),
            jax.ShapeDtypeStruct((NG, DF), jnp.float32),
            jax.ShapeDtypeStruct((NG, DF), jnp.float32),
        ],
    )(p, dis, b, Wn, batch2)


def _tail_body(p_ref, dis_ref, b_ref, batch_ref, mx_ref, sm_ref):
    i = pl.program_id(0)
    h = jnp.maximum((p_ref[0] + p_ref[1]) * dis_ref[...] + b_ref[...], 0.0)
    _pools(h, batch_ref[...], mx_ref, sm_ref, i)


def _tc_tail(p, dis, b, batch2, npad):
    grid = (npad // BR,)
    return pl.pallas_call(
        _tail_body,
        grid=grid,
        in_specs=[
            pl.BlockSpec((NC, BR, DF), lambda i: (0, i, 0)),
            pl.BlockSpec((BR, 1), lambda i: (i, 0)),
            pl.BlockSpec((1, DF), lambda i: (0, 0)),
            pl.BlockSpec((BR, 1), lambda i: (i, 0)),
        ],
        out_specs=[
            pl.BlockSpec((NG, DF), lambda i: (0, 0)),
            pl.BlockSpec((NG, DF), lambda i: (0, 0)),
        ],
        out_shape=[
            jax.ShapeDtypeStruct((NG, DF), jnp.float32),
            jax.ShapeDtypeStruct((NG, DF), jnp.float32),
        ],
    )(p, dis, b, batch2)



def kernel(x, edge_index, batch, W1, b1, W2, b2, W3, b3):
    n, df, t_steps = x.shape
    e = edge_index.shape[1]

    npad = ((n + BR - 1) // BR) * BR
    step = NW * CHUNK * NBUF
    ep = ((e + step - 1) // step) * step
    epw = ep // NW
    nchunk = epw // CHUNK

    xpad = jnp.pad(x, ((0, npad - n), (0, 0), (0, 0)))
    batch2 = jnp.pad(batch, (0, npad - n), constant_values=NG).reshape(npad, 1)
    src = jnp.pad(edge_index[0], (0, ep - e))
    dst = jnp.pad(edge_index[1], (0, ep - e), constant_values=npad - 1)
    src2 = src.reshape(NW, nchunk, CHUNK)
    zeros2 = jnp.zeros((npad, DF), jnp.float32)
    zeros1 = jnp.zeros((npad,), jnp.float32)
    ones_c = jnp.ones((CHUNK,), jnp.float32)

    dpart = _sc_degree(dst, zeros1, ones_c, npad, epw, nchunk)
    dis, cnt = _tc_prep(dpart.reshape(NC, npad, 1), batch2, npad)

    b1r = b1.reshape(1, DF)
    b2r = b2.reshape(1, DF)
    b3r = b3.reshape(1, DF)

    cntc = jnp.maximum(cnt, 1.0)
    totals = []
    for t in range(t_steps):
        g1 = _tc_head(xpad[:, :, t], dis, W1, npad)
        p1 = _sc_message_pass(g1, src2, dst, zeros2, npad, nchunk)
        g2, mx1, sm1 = _tc_mid(p1, dis, b1r, W2, batch2, npad)
        p2 = _sc_message_pass(g2, src2, dst, zeros2, npad, nchunk)
        g3, mx2, sm2 = _tc_mid(p2, dis, b2r, W3, batch2, npad)
        p3 = _sc_message_pass(g3, src2, dst, zeros2, npad, nchunk)
        mx3, sm3 = _tc_tail(p3, dis, b3r, batch2, npad)
        mx = mx1 + mx2 + mx3
        mean = (sm1 + sm2 + sm3) / cntc
        totals.append(jnp.concatenate([mx, mean], axis=1))
    return jnp.stack(totals, axis=2)

# --- scband reference (transcript-rebuilt; emitter-appended) ---
"""Pipeline reference for scband-gcnlayer-49323404427940 (READ-ONLY COPY).

The authoritative reference and input builder live on the scoring server;
editing this copy changes nothing except your own understanding.
"""

import jax, jax.numpy as jnp
import numpy as np

N = 10000
E = 320000
DF = 128
T = 4
NG = 16


def setup_inputs(seed: int = 0) -> dict:
    key = jax.random.key(seed)
    ks = jax.random.split(key, 10)
    x = jax.random.normal(ks[0], (N, DF, T), dtype=jnp.float32)
    edge_index = jax.random.randint(ks[1], (2, E), 0, N, dtype=jnp.int32)
    batch = jnp.sort(jax.random.randint(ks[2], (N,), 0, NG, dtype=jnp.int32))
    s = 1.0 / np.sqrt(DF)
    W1 = jax.random.uniform(ks[3], (DF, DF), jnp.float32, -s, s)
    b1 = jnp.zeros((DF,), jnp.float32)
    W2 = jax.random.uniform(ks[4], (DF, DF), jnp.float32, -s, s)
    b2 = jnp.zeros((DF,), jnp.float32)
    W3 = jax.random.uniform(ks[5], (DF, DF), jnp.float32, -s, s)
    b3 = jnp.zeros((DF,), jnp.float32)
    return {"x": x, "edge_index": edge_index, "batch": batch,
            "W1": W1, "b1": b1, "W2": W2, "b2": b2, "W3": W3, "b3": b3}


def gcn_conv(x, edge_index, W, b):
    n = x.shape[0]
    sl = jnp.arange(n, dtype=edge_index.dtype)
    src = jnp.concatenate([edge_index[0], sl])
    dst = jnp.concatenate([edge_index[1], sl])
    h = x @ W
    deg = jnp.zeros((n,), x.dtype).at[dst].add(1.0)
    dis = jnp.where(deg > 0, jax.lax.rsqrt(jnp.maximum(deg, 1e-12)), 0.0)
    norm = dis[src] * dis[dst]
    msgs = h[src] * norm[:, None]
    out = jnp.zeros_like(h).at[dst].add(msgs)
    return out + b


def pools(x, batch):
    mx = jax.ops.segment_max(x, batch, num_segments=NG)
    sm = jax.ops.segment_sum(x, batch, num_segments=NG)
    cnt = jax.ops.segment_sum(jnp.ones((x.shape[0], 1), x.dtype), batch, num_segments=NG)
    mean = sm / jnp.maximum(cnt, 1.0)
    return jnp.concatenate([mx, mean], axis=1)


def reference(x, edge_index, batch, W1, b1, W2, b2, W3, b3):
    total = []
    for k_t in range(x.shape[2]):
        xt = x[:, :, k_t]
        h = jax.nn.relu(gcn_conv(xt, edge_index, W1, b1))
        x1 = pools(h, batch)
        h = jax.nn.relu(gcn_conv(h, edge_index, W2, b2))
        x2 = pools(h, batch)
        h = jax.nn.relu(gcn_conv(h, edge_index, W3, b3))
        x3 = pools(h, batch)
        total.append(x1 + x2 + x3)
    return jnp.stack(total, axis=2)

if __name__ == "__main__":
    import jax
    _d = setup_inputs()
    print(jax.jit(kernel)(*tuple(_d.values())))

</pallas_src>

<mosaic_0001>
#map = affine_map<(d0, d1) -> (0, 0)>
#map1 = affine_map<(d0, d1) -> (0, 0, 0)>
#map2 = affine_map<(d0, d1) -> (0)>
module attributes {stable_mosaic.version = 14 : i64} {
  func.func @k(%arg0: i32, %arg1: i32, %arg2: memref<10240x128xf32, #tpu.memory_space<hbm>>, %arg3: memref<32x79x128xi32, #tpu.memory_space<hbm>>, %arg4: memref<323584xi32, #tpu.memory_space<hbm>>, %arg5: memref<10240x128xf32, #tpu.memory_space<hbm>>, %arg6: memref<2x10240x128xf32, #tpu.memory_space<hbm>>, %arg7: memref<10240x128xf32, #tpu.memory_space<vmem_shared>>, %arg8: memref<79x128xi32, #tpu.memory_space<vmem>>, %arg9: memref<128xi32, #tpu.memory_space<vmem>>, %arg10: memref<128x128xf32, #tpu.memory_space<vmem>>, %arg11: memref<!tpu.dma_semaphore, #tpu.memory_space<semaphore_mem>>) attributes {dimension_semantics = [#tpu.dimension_semantics<core_parallel>, #tpu.dimension_semantics<subcore_parallel>], iteration_bounds = array<i64: 2, 16>, scalar_prefetch = 0 : i64, scratch_operands = 5 : i64, tpu.core_type = #tpu.core_type<sc_vector_subcore>, window_params = [{transform_indices = #map}, {transform_indices = #map1}, {transform_indices = #map2}, {transform_indices = #map}, {transform_indices = #map1}]} {
    %mul3A = arith.constant 16 : i32
    %mul3A_0 = arith.muli %arg0, %mul3A : i32
    %add3A = arith.addi %mul3A_0, %arg1 : i32
    %mul3A_1 = arith.constant 640 : i32
    %mul3A_2 = arith.muli %arg1, %mul3A_1 : i32
    "tpu.region"() ({
      %run_scoped3A = tpu.sem_alloc : memref<!tpu.dma_semaphore, #tpu.memory_space<semaphore_mem>>
      %dma_start3A = arith.constant 0 : i32
      %dma_start3A_17 = arith.constant 0 : i32
      %dma_start3A_18 = tpu.memref_slice %arg3[%add3A, %dma_start3A, %dma_start3A_17] : memref<32x79x128xi32, #tpu.memory_space<hbm>> -> memref<1x79x128xi32, #tpu.memory_space<hbm>>
      %dma_start3A_19 = tpu.memref_squeeze %dma_start3A_18 : memref<1x79x128xi32, #tpu.memory_space<hbm>> -> memref<79x128xi32, #tpu.memory_space<hbm>>
      %dma_start3A_20 = arith.constant 0 : i32
      %dma_start3A_21 = arith.constant 0 : i32
      %dma_start3A_22 = tpu.memref_slice %arg3[%add3A, %dma_start3A_20, %dma_start3A_21] : memref<32x79x128xi32, #tpu.memory_space<hbm>> -> memref<1x79x128xi32, #tpu.memory_space<hbm>>
      %dma_start3A_23 = tpu.memref_squeeze %dma_start3A_22 : memref<1x79x128xi32, #tpu.memory_space<hbm>> -> memref<79x128xi32, #tpu.memory_space<hbm>>
      tpu.enqueue_dma source(%dma_start3A_23 : memref<79x128xi32, #tpu.memory_space<hbm>>) target(%arg8 : memref<79x128xi32, #tpu.memory_space<vmem>>) target_semaphore(%run_scoped3A : memref<!tpu.dma_semaphore, #tpu.memory_space<semaphore_mem>>)
      %dma_wait3A = arith.constant 0 : i32
      %dma_wait3A_24 = arith.constant 0 : i32
      %dma_wait3A_25 = tpu.memref_slice %arg3[%add3A, %dma_wait3A, %dma_wait3A_24] : memref<32x79x128xi32, #tpu.memory_space<hbm>> -> memref<1x79x128xi32, #tpu.memory_space<hbm>>
      %dma_wait3A_26 = tpu.memref_squeeze %dma_wait3A_25 : memref<1x79x128xi32, #tpu.memory_space<hbm>> -> memref<79x128xi32, #tpu.memory_space<hbm>>
      %dma_wait3A_27 = arith.constant 0 : i32
      %dma_wait3A_28 = arith.constant 0 : i32
      %dma_wait3A_29 = tpu.memref_slice %arg3[%add3A, %dma_wait3A_27, %dma_wait3A_28] : memref<32x79x128xi32, #tpu.memory_space<hbm>> -> memref<1x79x128xi32, #tpu.memory_space<hbm>>
      %dma_wait3A_30 = tpu.memref_squeeze %dma_wait3A_29 : memref<1x79x128xi32, #tpu.memory_space<hbm>> -> memref<79x128xi32, #tpu.memory_space<hbm>>
      tpu.wait_dma2 semaphore(%run_scoped3A : memref<!tpu.dma_semaphore, #tpu.memory_space<semaphore_mem>>) src(%dma_wait3A_30 : memref<79x128xi32, #tpu.memory_space<hbm>>) dst(%arg8 : memref<79x128xi32, #tpu.memory_space<vmem>>)
      tpu.yield
    }) : () -> ()
    %eq3A = arith.constant 0 : i32
    %eq3A_3 = arith.cmpi eq, %arg0, %eq3A : i32
    %convert_element_type3A = arith.extui %eq3A_3 : i1 to i32
    %cond3A = arith.constant 0 : i32
    %cond3A_4 = arith.cmpi ne, %convert_element_type3A, %cond3A : i32
    scf.if %cond3A_4 {
      "tpu.region"() ({
        %run_scoped3A = tpu.sem_alloc : memref<!tpu.dma_semaphore, #tpu.memory_space<semaphore_mem>>
        %dma_start3A = arith.constant 0 : i32
        %dma_start3A_17 = tpu.memref_slice %arg7[%mul3A_2, %dma_start3A] : memref<10240x128xf32, #tpu.memory_space<vmem_shared>> -> memref<640x128xf32, #tpu.memory_space<vmem_shared>>
        %dma_start3A_18 = arith.constant 0 : i32
        %dma_start3A_19 = tpu.memref_slice %arg2[%mul3A_2, %dma_start3A_18] : memref<10240x128xf32, #tpu.memory_space<hbm>> -> memref<640x128xf32, #tpu.memory_space<hbm>>
        tpu.enqueue_dma source(%dma_start3A_19 : memref<640x128xf32, #tpu.memory_space<hbm>>) target(%dma_start3A_17 : memref<640x128xf32, #tpu.memory_space<vmem_shared>>) target_semaphore(%run_scoped3A : memref<!tpu.dma_semaphore, #tpu.memory_space<semaphore_mem>>)
        %dma_wait3A = arith.constant 0 : i32
        %dma_wait3A_20 = tpu.memref_slice %arg7[%mul3A_2, %dma_wait3A] : memref<10240x128xf32, #tpu.memory_space<vmem_shared>> -> memref<640x128xf32, #tpu.memory_space<vmem_shared>>
        %dma_wait3A_21 = arith.constant 0 : i32
        %dma_wait3A_22 = tpu.memref_slice %arg2[%mul3A_2, %dma_wait3A_21] : memref<10240x128xf32, #tpu.memory_space<hbm>> -> memref<640x128xf32, #tpu.memory_space<hbm>>
        tpu.wait_dma2 semaphore(%run_scoped3A : memref<!tpu.dma_semaphore, #tpu.memory_space<semaphore_mem>>) src(%dma_wait3A_22 : memref<640x128xf32, #tpu.memory_space<hbm>>) dst(%dma_wait3A_20 : memref<640x128xf32, #tpu.memory_space<vmem_shared>>)
        tpu.yield
      }) : () -> ()
    } else {
    }
    %ne3A = arith.constant 0 : i32
    %ne3A_5 = arith.cmpi ne, %arg0, %ne3A : i32
    %convert_element_type3A_6 = arith.extui %ne3A_5 : i1 to i32
    %cond3A_7 = arith.constant 0 : i32
    %cond3A_8 = arith.cmpi ne, %convert_element_type3A_6, %cond3A_7 : i32
    scf.if %cond3A_8 {
      "tpu.region"() ({
        %run_scoped3A = tpu.sem_alloc : memref<!tpu.dma_semaphore, #tpu.memory_space<semaphore_mem>>
        %dma_start3A = arith.constant 0 : i32
        %dma_start3A_17 = tpu.memref_slice %arg7[%mul3A_2, %dma_start3A] : memref<10240x128xf32, #tpu.memory_space<vmem_shared>> -> memref<640x128xf32, #tpu.memory_space<vmem_shared>>
        %dma_start3A_18 = arith.constant 0 : i32
        %dma_start3A_19 = tpu.memref_slice %arg5[%mul3A_2, %dma_start3A_18] : memref<10240x128xf32, #tpu.memory_space<hbm>> -> memref<640x128xf32, #tpu.memory_space<hbm>>
        tpu.enqueue_dma source(%dma_start3A_19 : memref<640x128xf32, #tpu.memory_space<hbm>>) target(%dma_start3A_17 : memref<640x128xf32, #tpu.memory_space<vmem_shared>>) target_semaphore(%run_scoped3A : memref<!tpu.dma_semaphore, #tpu.memory_space<semaphore_mem>>)
        %dma_wait3A = arith.constant 0 : i32
        %dma_wait3A_20 = tpu.memref_slice %arg7[%mul3A_2, %dma_wait3A] : memref<10240x128xf32, #tpu.memory_space<vmem_shared>> -> memref<640x128xf32, #tpu.memory_space<vmem_shared>>
        %dma_wait3A_21 = arith.constant 0 : i32
        %dma_wait3A_22 = tpu.memref_slice %arg5[%mul3A_2, %dma_wait3A_21] : memref<10240x128xf32, #tpu.memory_space<hbm>> -> memref<640x128xf32, #tpu.memory_space<hbm>>
        tpu.wait_dma2 semaphore(%run_scoped3A : memref<!tpu.dma_semaphore, #tpu.memory_space<semaphore_mem>>) src(%dma_wait3A_22 : memref<640x128xf32, #tpu.memory_space<hbm>>) dst(%dma_wait3A_20 : memref<640x128xf32, #tpu.memory_space<vmem_shared>>)
        tpu.yield
      }) : () -> ()
    } else {
    }
    %barrier3A = arith.constant 0 : index
    tpu.barrier barrier_id(%barrier3A)
    %mul3A_9 = arith.constant 79 : i32
    %mul3A_10 = arith.muli %add3A, %mul3A_9 : i32
    %scan3A = arith.constant 0 : i32
    %scan3A_11 = arith.constant 0 : i32
    %scan3A_12 = arith.constant 79 : i32
    %scan3A_13 = arith.addi %scan3A_11, %scan3A_12 : i32
    %scan3A_14 = arith.constant 1 : i32
    scf.for %scan3A_17 = %scan3A_11 to %scan3A_13 step %scan3A_14  : i32 {
      %dma_start3A = arith.constant 0 : i32
      %dma_start3A_18 = tpu.memref_slice %arg8[%scan3A_17, %dma_start3A] : memref<79x128xi32, #tpu.memory_space<vmem>> -> memref<1x128xi32, #tpu.memory_space<vmem>>
      %dma_start3A_19 = tpu.memref_squeeze %dma_start3A_18 : memref<1x128xi32, #tpu.memory_space<vmem>> -> memref<128xi32, #tpu.memory_space<vmem>>
      %dma_start3A_20 = arith.constant 0 : i32
      %dma_start3A_21 = arith.constant 0 : i32
      %dma_start3A_22 = tpu.memref_slice %arg2[%dma_start3A_20, %dma_start3A_21] : memref<10240x128xf32, #tpu.memory_space<hbm>> -> memref<10240x128xf32, #tpu.memory_space<hbm>>
      tpu.enqueue_indirect_dma source(%dma_start3A_22 : memref<10240x128xf32, #tpu.memory_space<hbm>>) target(%arg10 : memref<128x128xf32, #tpu.memory_space<vmem>>) offsets(%dma_start3A_19 : memref<128xi32, #tpu.memory_space<vmem>>) semaphore(%arg11 : memref<!tpu.dma_semaphore, #tpu.memory_space<semaphore_mem>>)
      %add3A_23 = arith.addi %mul3A_10, %scan3A_17 : i32
      %mul3A_24 = arith.constant 128 : i32
      %mul3A_25 = arith.muli %add3A_23, %mul3A_24 : i32
      "tpu.region"() ({
        %run_scoped3A = tpu.sem_alloc : memref<!tpu.dma_semaphore, #tpu.memory_space<semaphore_mem>>
        %dma_start3A_31 = tpu.memref_slice %arg4[%mul3A_25] : memref<323584xi32, #tpu.memory_space<hbm>> -> memref<128xi32, #tpu.memory_space<hbm>>
        %dma_start3A_32 = tpu.memref_slice %arg4[%mul3A_25] : memref<323584xi32, #tpu.memory_space<hbm>> -> memref<128xi32, #tpu.memory_space<hbm>>
        tpu.enqueue_dma source(%dma_start3A_32 : memref<128xi32, #tpu.memory_space<hbm>>) target(%arg9 : memref<128xi32, #tpu.memory_space<vmem>>) target_semaphore(%run_scoped3A : memref<!tpu.dma_semaphore, #tpu.memory_space<semaphore_mem>>)
        %dma_wait3A_33 = tpu.memref_slice %arg4[%mul3A_25] : memref<323584xi32, #tpu.memory_space<hbm>> -> memref<128xi32, #tpu.memory_space<hbm>>
        %dma_wait3A_34 = tpu.memref_slice %arg4[%mul3A_25] : memref<323584xi32, #tpu.memory_space<hbm>> -> memref<128xi32, #tpu.memory_space<hbm>>
        tpu.wait_dma2 semaphore(%run_scoped3A : memref<!tpu.dma_semaphore, #tpu.memory_space<semaphore_mem>>) src(%dma_wait3A_34 : memref<128xi32, #tpu.memory_space<hbm>>) dst(%arg9 : memref<128xi32, #tpu.memory_space<vmem>>)
        tpu.yield
      }) : () -> ()
      %dma_wait3A = arith.constant 0 : i32
      %dma_wait3A_26 = tpu.memref_slice %arg8[%scan3A_17, %dma_wait3A] : memref<79x128xi32, #tpu.memory_space<vmem>> -> memref<1x128xi32, #tpu.memory_space<vmem>>
      %dma_wait3A_27 = tpu.memref_squeeze %dma_wait3A_26 : memref<1x128xi32, #tpu.memory_space<vmem>> -> memref<128xi32, #tpu.memory_space<vmem>>
      %dma_wait3A_28 = arith.constant 0 : i32
      %dma_wait3A_29 = arith.constant 0 : i32
      %dma_wait3A_30 = tpu.memref_slice %arg2[%dma_wait3A_28, %dma_wait3A_29] : memref<10240x128xf32, #tpu.memory_space<hbm>> -> memref<10240x128xf32, #tpu.memory_space<hbm>>
      tpu.wait_indirect_dma semaphore(%arg11 : memref<!tpu.dma_semaphore, #tpu.memory_space<semaphore_mem>>) src(%dma_wait3A_30 : memref<10240x128xf32, #tpu.memory_space<hbm>>) dst(%arg10 : memref<128x128xf32, #tpu.memory_space<vmem>>)
      "tpu.region"() ({
        %run_scoped3A = tpu.sem_alloc : memref<!tpu.dma_semaphore, #tpu.memory_space<semaphore_mem>>
        %dma_start3A_31 = arith.constant 0 : i32
        %dma_start3A_32 = arith.constant 0 : i32
        %dma_start3A_33 = tpu.memref_slice %arg7[%dma_start3A_31, %dma_start3A_32] : memref<10240x128xf32, #tpu.memory_space<vmem_shared>> -> memref<10240x128xf32, #tpu.memory_space<vmem_shared>>
        tpu.enqueue_indirect_dma source(%arg10 : memref<128x128xf32, #tpu.memory_space<vmem>>) target(%dma_start3A_33 : memref<10240x128xf32, #tpu.memory_space<vmem_shared>>) offsets(%arg9 : memref<128xi32, #tpu.memory_space<vmem>>) semaphore(%run_scoped3A : memref<!tpu.dma_semaphore, #tpu.memory_space<semaphore_mem>>) {add = true}
        %dma_wait3A_34 = arith.constant 0 : i32
        %dma_wait3A_35 = arith.constant 0 : i32
        %dma_wait3A_36 = tpu.memref_slice %arg7[%dma_wait3A_34, %dma_wait3A_35] : memref<10240x128xf32, #tpu.memory_space<vmem_shared>> -> memref<10240x128xf32, #tpu.memory_space<vmem_shared>>
        tpu.wait_indirect_dma semaphore(%run_scoped3A : memref<!tpu.dma_semaphore, #tpu.memory_space<semaphore_mem>>) src(%arg10 : memref<128x128xf32, #tpu.memory_space<vmem>>) dst(%dma_wait3A_36 : memref<10240x128xf32, #tpu.memory_space<vmem_shared>>)
        tpu.yield
      }) : () -> ()
    }
    %scan3A_15 = arith.constant 79 : i32
    %barrier3A_16 = arith.constant 0 : index
    tpu.barrier barrier_id(%barrier3A_16)
    "tpu.region"() ({
      %run_scoped3A = tpu.sem_alloc : memref<!tpu.dma_semaphore, #tpu.memory_space<semaphore_mem>>
      %dma_start3A = arith.constant 0 : i32
      %dma_start3A_17 = tpu.memref_slice %arg6[%arg0, %mul3A_2, %dma_start3A] : memref<2x10240x128xf32, #tpu.memory_space<hbm>> -> memref<1x640x128xf32, #tpu.memory_space<hbm>>
      %dma_start3A_18 = tpu.memref_squeeze %dma_start3A_17 : memref<1x640x128xf32, #tpu.memory_space<hbm>> -> memref<640x128xf32, #tpu.memory_space<hbm>>
      %dma_start3A_19 = arith.constant 0 : i32
      %dma_start3A_20 = tpu.memref_slice %arg7[%mul3A_2, %dma_start3A_19] : memref<10240x128xf32, #tpu.memory_space<vmem_shared>> -> memref<640x128xf32, #tpu.memory_space<vmem_shared>>
      tpu.enqueue_dma source(%dma_start3A_20 : memref<640x128xf32, #tpu.memory_space<vmem_shared>>) target(%dma_start3A_18 : memref<640x128xf32, #tpu.memory_space<hbm>>) target_semaphore(%run_scoped3A : memref<!tpu.dma_semaphore, #tpu.memory_space<semaphore_mem>>)
      %dma_wait3A = arith.constant 0 : i32
      %dma_wait3A_21 = tpu.memref_slice %arg6[%arg0, %mul3A_2, %dma_wait3A] : memref<2x10240x128xf32, #tpu.memory_space<hbm>> -> memref<1x640x128xf32, #tpu.memory_space<hbm>>
      %dma_wait3A_22 = tpu.memref_squeeze %dma_wait3A_21 : memref<1x640x128xf32, #tpu.memory_space<hbm>> -> memref<640x128xf32, #tpu.memory_space<hbm>>
      %dma_wait3A_23 = arith.constant 0 : i32
      %dma_wait3A_24 = tpu.memref_slice %arg7[%mul3A_2, %dma_wait3A_23] : memref<10240x128xf32, #tpu.memory_space<vmem_shared>> -> memref<640x128xf32, #tpu.memory_space<vmem_shared>>
      tpu.wait_dma2 semaphore(%run_scoped3A : memref<!tpu.dma_semaphore, #tpu.memory_space<semaphore_mem>>) src(%dma_wait3A_24 : memref<640x128xf32, #tpu.memory_space<vmem_shared>>) dst(%dma_wait3A_22 : memref<640x128xf32, #tpu.memory_space<hbm>>)
      tpu.yield
    }) : () -> ()
    return
  }
}

#map = affine_map<(d0, d1) -> (0, 0)>
#map1 = affine_map<(d0, d1) -> (0, 0, 0)>
#map2 = affine_map<(d0, d1) -> (0)>
module attributes {stable_mosaic.version = 14 : i64} {
  func.func @k(%arg0: i32, %arg1: i32, %arg2: memref<10240x128xf32, #tpu.memory_space<hbm>>, %arg3: memref<32x79x128xi32, #tpu.memory_space<hbm>>, %arg4: memref<323584xi32, #tpu.memory_space<hbm>>, %arg5: memref<10240x128xf32, #tpu.memory_space<hbm>>, %arg6: memref<2x10240x128xf32, #tpu.memory_space<hbm>>, %arg7: memref<10240x128xf32, #tpu.memory_space<vmem_shared>>, %arg8: memref<79x128xi32, #tpu.memory_space<vmem>>, %arg9: memref<128xi32, #tpu.memory_space<vmem>>, %arg10: memref<128x128xf32, #tpu.memory_space<vmem>>, %arg11: memref<!tpu.dma_semaphore, #tpu.memory_space<semaphore_mem>>) attributes {dimension_semantics = [#tpu.dimension_semantics<core_parallel>, #tpu.dimension_semantics<subcore_parallel>], iteration_bounds = array<i64: 2, 16>, scalar_prefetch = 0 : i64, scratch_operands = 5 : i64, tpu.core_type = #tpu.core_type<sc_vector_subcore>, window_params = [{transform_indices = #map}, {transform_indices = #map1}, {transform_indices = #map2}, {transform_indices = #map}, {transform_indices = #map1}]} {
    %mul3A = arith.constant 16 : i32
    %mul3A_0 = arith.muli %arg0, %mul3A : i32
    %add3A = arith.addi %mul3A_0, %arg1 : i32
    %mul3A_1 = arith.constant 640 : i32
    %mul3A_2 = arith.muli %arg1, %mul3A_1 : i32
    "tpu.region"() ({
      %run_scoped3A = tpu.sem_alloc : memref<!tpu.dma_semaphore, #tpu.memory_space<semaphore_mem>>
      %dma_start3A = arith.constant 0 : i32
      %dma_start3A_17 = arith.constant 0 : i32
      %dma_start3A_18 = tpu.memref_slice %arg3[%add3A, %dma_start3A, %dma_start3A_17] : memref<32x79x128xi32, #tpu.memory_space<hbm>> -> memref<1x79x128xi32, #tpu.memory_space<hbm>>
      %dma_start3A_19 = tpu.memref_squeeze %dma_start3A_18 : memref<1x79x128xi32, #tpu.memory_space<hbm>> -> memref<79x128xi32, #tpu.memory_space<hbm>>
      %dma_start3A_20 = arith.constant 0 : i32
      %dma_start3A_21 = arith.constant 0 : i32
      %dma_start3A_22 = tpu.memref_slice %arg3[%add3A, %dma_start3A_20, %dma_start3A_21] : memref<32x79x128xi32, #tpu.memory_space<hbm>> -> memref<1x79x128xi32, #tpu.memory_space<hbm>>
      %dma_start3A_23 = tpu.memref_squeeze %dma_start3A_22 : memref<1x79x128xi32, #tpu.memory_space<hbm>> -> memref<79x128xi32, #tpu.memory_space<hbm>>
      tpu.enqueue_dma source(%dma_start3A_23 : memref<79x128xi32, #tpu.memory_space<hbm>>) target(%arg8 : memref<79x128xi32, #tpu.memory_space<vmem>>) target_semaphore(%run_scoped3A : memref<!tpu.dma_semaphore, #tpu.memory_space<semaphore_mem>>)
      %dma_wait3A = arith.constant 0 : i32
      %dma_wait3A_24 = arith.constant 0 : i32
      %dma_wait3A_25 = tpu.memref_slice %arg3[%add3A, %dma_wait3A, %dma_wait3A_24] : memref<32x79x128xi32, #tpu.memory_space<hbm>> -> memref<1x79x128xi32, #tpu.memory_space<hbm>>
      %dma_wait3A_26 = tpu.memref_squeeze %dma_wait3A_25 : memref<1x79x128xi32, #tpu.memory_space<hbm>> -> memref<79x128xi32, #tpu.memory_space<hbm>>
      %dma_wait3A_27 = arith.constant 0 : i32
      %dma_wait3A_28 = arith.constant 0 : i32
      %dma_wait3A_29 = tpu.memref_slice %arg3[%add3A, %dma_wait3A_27, %dma_wait3A_28] : memref<32x79x128xi32, #tpu.memory_space<hbm>> -> memref<1x79x128xi32, #tpu.memory_space<hbm>>
      %dma_wait3A_30 = tpu.memref_squeeze %dma_wait3A_29 : memref<1x79x128xi32, #tpu.memory_space<hbm>> -> memref<79x128xi32, #tpu.memory_space<hbm>>
      tpu.wait_dma2 semaphore(%run_scoped3A : memref<!tpu.dma_semaphore, #tpu.memory_space<semaphore_mem>>) src(%dma_wait3A_30 : memref<79x128xi32, #tpu.memory_space<hbm>>) dst(%arg8 : memref<79x128xi32, #tpu.memory_space<vmem>>)
      tpu.yield
    }) : () -> ()
    %eq3A = arith.constant 0 : i32
    %eq3A_3 = arith.cmpi eq, %arg0, %eq3A : i32
    %convert_element_type3A = arith.extui %eq3A_3 : i1 to i32
    %cond3A = arith.constant 0 : i32
    %cond3A_4 = arith.cmpi ne, %convert_element_type3A, %cond3A : i32
    scf.if %cond3A_4 {
      "tpu.region"() ({
        %run_scoped3A = tpu.sem_alloc : memref<!tpu.dma_semaphore, #tpu.memory_space<semaphore_mem>>
        %dma_start3A = arith.constant 0 : i32
        %dma_start3A_17 = tpu.memref_slice %arg7[%mul3A_2, %dma_start3A] : memref<10240x128xf32, #tpu.memory_space<vmem_shared>> -> memref<640x128xf32, #tpu.memory_space<vmem_shared>>
        %dma_start3A_18 = arith.constant 0 : i32
        %dma_start3A_19 = tpu.memref_slice %arg2[%mul3A_2, %dma_start3A_18] : memref<10240x128xf32, #tpu.memory_space<hbm>> -> memref<640x128xf32, #tpu.memory_space<hbm>>
        tpu.enqueue_dma source(%dma_start3A_19 : memref<640x128xf32, #tpu.memory_space<hbm>>) target(%dma_start3A_17 : memref<640x128xf32, #tpu.memory_space<vmem_shared>>) target_semaphore(%run_scoped3A : memref<!tpu.dma_semaphore, #tpu.memory_space<semaphore_mem>>)
        %dma_wait3A = arith.constant 0 : i32
        %dma_wait3A_20 = tpu.memref_slice %arg7[%mul3A_2, %dma_wait3A] : memref<10240x128xf32, #tpu.memory_space<vmem_shared>> -> memref<640x128xf32, #tpu.memory_space<vmem_shared>>
        %dma_wait3A_21 = arith.constant 0 : i32
        %dma_wait3A_22 = tpu.memref_slice %arg2[%mul3A_2, %dma_wait3A_21] : memref<10240x128xf32, #tpu.memory_space<hbm>> -> memref<640x128xf32, #tpu.memory_space<hbm>>
        tpu.wait_dma2 semaphore(%run_scoped3A : memref<!tpu.dma_semaphore, #tpu.memory_space<semaphore_mem>>) src(%dma_wait3A_22 : memref<640x128xf32, #tpu.memory_space<hbm>>) dst(%dma_wait3A_20 : memref<640x128xf32, #tpu.memory_space<vmem_shared>>)
        tpu.yield
      }) : () -> ()
    } else {
    }
    %ne3A = arith.constant 0 : i32
    %ne3A_5 = arith.cmpi ne, %arg0, %ne3A : i32
    %convert_element_type3A_6 = arith.extui %ne3A_5 : i1 to i32
    %cond3A_7 = arith.constant 0 : i32
    %cond3A_8 = arith.cmpi ne, %convert_element_type3A_6, %cond3A_7 : i32
    scf.if %cond3A_8 {
      "tpu.region"() ({
        %run_scoped3A = tpu.sem_alloc : memref<!tpu.dma_semaphore, #tpu.memory_space<semaphore_mem>>
        %dma_start3A = arith.constant 0 : i32
        %dma_start3A_17 = tpu.memref_slice %arg7[%mul3A_2, %dma_start3A] : memref<10240x128xf32, #tpu.memory_space<vmem_shared>> -> memref<640x128xf32, #tpu.memory_space<vmem_shared>>
        %dma_start3A_18 = arith.constant 0 : i32
        %dma_start3A_19 = tpu.memref_slice %arg5[%mul3A_2, %dma_start3A_18] : memref<10240x128xf32, #tpu.memory_space<hbm>> -> memref<640x128xf32, #tpu.memory_space<hbm>>
        tpu.enqueue_dma source(%dma_start3A_19 : memref<640x128xf32, #tpu.memory_space<hbm>>) target(%dma_start3A_17 : memref<640x128xf32, #tpu.memory_space<vmem_shared>>) target_semaphore(%run_scoped3A : memref<!tpu.dma_semaphore, #tpu.memory_space<semaphore_mem>>)
        %dma_wait3A = arith.constant 0 : i32
        %dma_wait3A_20 = tpu.memref_slice %arg7[%mul3A_2, %dma_wait3A] : memref<10240x128xf32, #tpu.memory_space<vmem_shared>> -> memref<640x128xf32, #tpu.memory_space<vmem_shared>>
        %dma_wait3A_21 = arith.constant 0 : i32
        %dma_wait3A_22 = tpu.memref_slice %arg5[%mul3A_2, %dma_wait3A_21] : memref<10240x128xf32, #tpu.memory_space<hbm>> -> memref<640x128xf32, #tpu.memory_space<hbm>>
        tpu.wait_dma2 semaphore(%run_scoped3A : memref<!tpu.dma_semaphore, #tpu.memory_space<semaphore_mem>>) src(%dma_wait3A_22 : memref<640x128xf32, #tpu.memory_space<hbm>>) dst(%dma_wait3A_20 : memref<640x128xf32, #tpu.memory_space<vmem_shared>>)
        tpu.yield
      }) : () -> ()
    } else {
    }
    %barrier3A = arith.constant 0 : index
    tpu.barrier barrier_id(%barrier3A)
    %mul3A_9 = arith.constant 79 : i32
    %mul3A_10 = arith.muli %add3A, %mul3A_9 : i32
    %scan3A = arith.constant 0 : i32
    %scan3A_11 = arith.constant 0 : i32
    %scan3A_12 = arith.constant 79 : i32
    %scan3A_13 = arith.addi %scan3A_11, %scan3A_12 : i32
    %scan3A_14 = arith.constant 1 : i32
    scf.for %scan3A_17 = %scan3A_11 to %scan3A_13 step %scan3A_14  : i32 {
      %dma_start3A = arith.constant 0 : i32
      %dma_start3A_18 = tpu.memref_slice %arg8[%scan3A_17, %dma_start3A] : memref<79x128xi32, #tpu.memory_space<vmem>> -> memref<1x128xi32, #tpu.memory_space<vmem>>
      %dma_start3A_19 = tpu.memref_squeeze %dma_start3A_18 : memref<1x128xi32, #tpu.memory_space<vmem>> -> memref<128xi32, #tpu.memory_space<vmem>>
      %dma_start3A_20 = arith.constant 0 : i32
      %dma_start3A_21 = arith.constant 0 : i32
      %dma_start3A_22 = tpu.memref_slice %arg2[%dma_start3A_20, %dma_start3A_21] : memref<10240x128xf32, #tpu.memory_space<hbm>> -> memref<10240x128xf32, #tpu.memory_space<hbm>>
      tpu.enqueue_indirect_dma source(%dma_start3A_22 : memref<10240x128xf32, #tpu.memory_space<hbm>>) target(%arg10 : memref<128x128xf32, #tpu.memory_space<vmem>>) offsets(%dma_start3A_19 : memref<128xi32, #tpu.memory_space<vmem>>) semaphore(%arg11 : memref<!tpu.dma_semaphore, #tpu.memory_space<semaphore_mem>>)
      %add3A_23 = arith.addi %mul3A_10, %scan3A_17 : i32
      %mul3A_24 = arith.constant 128 : i32
      %mul3A_25 = arith.muli %add3A_23, %mul3A_24 : i32
      "tpu.region"() ({
        %run_scoped3A = tpu.sem_alloc : memref<!tpu.dma_semaphore, #tpu.memory_space<semaphore_mem>>
        %dma_start3A_31 = tpu.memref_slice %arg4[%mul3A_25] : memref<323584xi32, #tpu.memory_space<hbm>> -> memref<128xi32, #tpu.memory_space<hbm>>
        %dma_start3A_32 = tpu.memref_slice %arg4[%mul3A_25] : memref<323584xi32, #tpu.memory_space<hbm>> -> memref<128xi32, #tpu.memory_space<hbm>>
        tpu.enqueue_dma source(%dma_start3A_32 : memref<128xi32, #tpu.memory_space<hbm>>) target(%arg9 : memref<128xi32, #tpu.memory_space<vmem>>) target_semaphore(%run_scoped3A : memref<!tpu.dma_semaphore, #tpu.memory_space<semaphore_mem>>)
        %dma_wait3A_33 = tpu.memref_slice %arg4[%mul3A_25] : memref<323584xi32, #tpu.memory_space<hbm>> -> memref<128xi32, #tpu.memory_space<hbm>>
        %dma_wait3A_34 = tpu.memref_slice %arg4[%mul3A_25] : memref<323584xi32, #tpu.memory_space<hbm>> -> memref<128xi32, #tpu.memory_space<hbm>>
        tpu.wait_dma2 semaphore(%run_scoped3A : memref<!tpu.dma_semaphore, #tpu.memory_space<semaphore_mem>>) src(%dma_wait3A_34 : memref<128xi32, #tpu.memory_space<hbm>>) dst(%arg9 : memref<128xi32, #tpu.memory_space<vmem>>)
        tpu.yield
      }) : () -> ()
      %dma_wait3A = arith.constant 0 : i32
      %dma_wait3A_26 = tpu.memref_slice %arg8[%scan3A_17, %dma_wait3A] : memref<79x128xi32, #tpu.memory_space<vmem>> -> memref<1x128xi32, #tpu.memory_space<vmem>>
      %dma_wait3A_27 = tpu.memref_squeeze %dma_wait3A_26 : memref<1x128xi32, #tpu.memory_space<vmem>> -> memref<128xi32, #tpu.memory_space<vmem>>
      %dma_wait3A_28 = arith.constant 0 : i32
      %dma_wait3A_29 = arith.constant 0 : i32
      %dma_wait3A_30 = tpu.memref_slice %arg2[%dma_wait3A_28, %dma_wait3A_29] : memref<10240x128xf32, #tpu.memory_space<hbm>> -> memref<10240x128xf32, #tpu.memory_space<hbm>>
      tpu.wait_indirect_dma semaphore(%arg11 : memref<!tpu.dma_semaphore, #tpu.memory_space<semaphore_mem>>) src(%dma_wait3A_30 : memref<10240x128xf32, #tpu.memory_space<hbm>>) dst(%arg10 : memref<128x128xf32, #tpu.memory_space<vmem>>)
      "tpu.region"() ({
        %run_scoped3A = tpu.sem_alloc : memref<!tpu.dma_semaphore, #tpu.memory_space<semaphore_mem>>
        %dma_start3A_31 = arith.constant 0 : i32
        %dma_start3A_32 = arith.constant 0 : i32
        %dma_start3A_33 = tpu.memref_slice %arg7[%dma_start3A_31, %dma_start3A_32] : memref<10240x128xf32, #tpu.memory_space<vmem_shared>> -> memref<10240x128xf32, #tpu.memory_space<vmem_shared>>
        tpu.enqueue_indirect_dma source(%arg10 : memref<128x128xf32, #tpu.memory_space<vmem>>) target(%dma_start3A_33 : memref<10240x128xf32, #tpu.memory_space<vmem_shared>>) offsets(%arg9 : memref<128xi32, #tpu.memory_space<vmem>>) semaphore(%run_scoped3A : memref<!tpu.dma_semaphore, #tpu.memory_space<semaphore_mem>>) {add = true}
        %dma_wait3A_34 = arith.constant 0 : i32
        %dma_wait3A_35 = arith.constant 0 : i32
        %dma_wait3A_36 = tpu.memref_slice %arg7[%dma_wait3A_34, %dma_wait3A_35] : memref<10240x128xf32, #tpu.memory_space<vmem_shared>> -> memref<10240x128xf32, #tpu.memory_space<vmem_shared>>
        tpu.wait_indirect_dma semaphore(%run_scoped3A : memref<!tpu.dma_semaphore, #tpu.memory_space<semaphore_mem>>) src(%arg10 : memref<128x128xf32, #tpu.memory_space<vmem>>) dst(%dma_wait3A_36 : memref<10240x128xf32, #tpu.memory_space<vmem_shared>>)
        tpu.yield
      }) : () -> ()
    }
    %scan3A_15 = arith.constant 79 : i32
    %barrier3A_16 = arith.constant 0 : index
    tpu.barrier barrier_id(%barrier3A_16)
    "tpu.region"() ({
      %run_scoped3A = tpu.sem_alloc : memref<!tpu.dma_semaphore, #tpu.memory_space<semaphore_mem>>
      %dma_start3A = arith.constant 0 : i32
      %dma_start3A_17 = tpu.memref_slice %arg6[%arg0, %mul3A_2, %dma_start3A] : memref<2x10240x128xf32, #tpu.memory_space<hbm>> -> memref<1x640x128xf32, #tpu.memory_space<hbm>>
      %dma_start3A_18 = tpu.memref_squeeze %dma_start3A_17 : memref<1x640x128xf32, #tpu.memory_space<hbm>> -> memref<640x128xf32, #tpu.memory_space<hbm>>
      %dma_start3A_19 = arith.constant 0 : i32
      %dma_start3A_20 = tpu.memref_slice %arg7[%mul3A_2, %dma_start3A_19] : memref<10240x128xf32, #tpu.memory_space<vmem_shared>> -> memref<640x128xf32, #tpu.memory_space<vmem_shared>>
      tpu.enqueue_dma source(%dma_start3A_20 : memref<640x128xf32, #tpu.memory_space<vmem_shared>>) target(%dma_start3A_18 : memref<640x128xf32, #tpu.memory_space<hbm>>) target_semaphore(%run_scoped3A : memref<!tpu.dma_semaphore, #tpu.memory_space<semaphore_mem>>)
      %dma_wait3A = arith.constant 0 : i32
      %dma_wait3A_21 = tpu.memref_slice %arg6[%arg0, %mul3A_2, %dma_wait3A] : memref<2x10240x128xf32, #tpu.memory_space<hbm>> -> memref<1x640x128xf32, #tpu.memory_space<hbm>>
      %dma_wait3A_22 = tpu.memref_squeeze %dma_wait3A_21 : memref<1x640x128xf32, #tpu.memory_space<hbm>> -> memref<640x128xf32, #tpu.memory_space<hbm>>
      %dma_wait3A_23 = arith.constant 0 : i32
      %dma_wait3A_24 = tpu.memref_slice %arg7[%mul3A_2, %dma_wait3A_23] : memref<10240x128xf32, #tpu.memory_space<vmem_shared>> -> memref<640x128xf32, #tpu.memory_space<vmem_shared>>
      tpu.wait_dma2 semaphore(%run_scoped3A : memref<!tpu.dma_semaphore, #tpu.memory_space<semaphore_mem>>) src(%dma_wait3A_24 : memref<640x128xf32, #tpu.memory_space<vmem_shared>>) dst(%dma_wait3A_22 : memref<640x128xf32, #tpu.memory_space<hbm>>)
      tpu.yield
    }) : () -> ()
    return
  }
}

#map = affine_map<(d0, d1) -> (0, 0)>
#map1 = affine_map<(d0, d1) -> (0, 0, 0)>
#map2 = affine_map<(d0, d1) -> (0)>
module attributes {stable_mosaic.version = 14 : i64} {
  func.func @k(%arg0: i32, %arg1: i32, %arg2: memref<10240x128xf32, #tpu.memory_space<hbm>>, %arg3: memref<32x79x128xi32, #tpu.memory_space<hbm>>, %arg4: memref<323584xi32, #tpu.memory_space<hbm>>, %arg5: memref<10240x128xf32, #tpu.memory_space<hbm>>, %arg6: memref<2x10240x128xf32, #tpu.memory_space<hbm>>, %arg7: memref<10240x128xf32, #tpu.memory_space<vmem_shared>>, %arg8: memref<79x128xi32, #tpu.memory_space<vmem>>, %arg9: memref<128xi32, #tpu.memory_space<vmem>>, %arg10: memref<128x128xf32, #tpu.memory_space<vmem>>, %arg11: memref<!tpu.dma_semaphore, #tpu.memory_space<semaphore_mem>>) attributes {dimension_semantics = [#tpu.dimension_semantics<core_parallel>, #tpu.dimension_semantics<subcore_parallel>], iteration_bounds = array<i64: 2, 16>, scalar_prefetch = 0 : i64, scratch_operands = 5 : i64, tpu.core_type = #tpu.core_type<sc_vector_subcore>, window_params = [{transform_indices = #map}, {transform_indices = #map1}, {transform_indices = #map2}, {transform_indices = #map}, {transform_indices = #map1}]} {
    %mul3A = arith.constant 16 : i32
    %mul3A_0 = arith.muli %arg0, %mul3A : i32
    %add3A = arith.addi %mul3A_0, %arg1 : i32
    %mul3A_1 = arith.constant 640 : i32
    %mul3A_2 = arith.muli %arg1, %mul3A_1 : i32
    "tpu.region"() ({
      %run_scoped3A = tpu.sem_alloc : memref<!tpu.dma_semaphore, #tpu.memory_space<semaphore_mem>>
      %dma_start3A = arith.constant 0 : i32
      %dma_start3A_17 = arith.constant 0 : i32
      %dma_start3A_18 = tpu.memref_slice %arg3[%add3A, %dma_start3A, %dma_start3A_17] : memref<32x79x128xi32, #tpu.memory_space<hbm>> -> memref<1x79x128xi32, #tpu.memory_space<hbm>>
      %dma_start3A_19 = tpu.memref_squeeze %dma_start3A_18 : memref<1x79x128xi32, #tpu.memory_space<hbm>> -> memref<79x128xi32, #tpu.memory_space<hbm>>
      %dma_start3A_20 = arith.constant 0 : i32
      %dma_start3A_21 = arith.constant 0 : i32
      %dma_start3A_22 = tpu.memref_slice %arg3[%add3A, %dma_start3A_20, %dma_start3A_21] : memref<32x79x128xi32, #tpu.memory_space<hbm>> -> memref<1x79x128xi32, #tpu.memory_space<hbm>>
      %dma_start3A_23 = tpu.memref_squeeze %dma_start3A_22 : memref<1x79x128xi32, #tpu.memory_space<hbm>> -> memref<79x128xi32, #tpu.memory_space<hbm>>
      tpu.enqueue_dma source(%dma_start3A_23 : memref<79x128xi32, #tpu.memory_space<hbm>>) target(%arg8 : memref<79x128xi32, #tpu.memory_space<vmem>>) target_semaphore(%run_scoped3A : memref<!tpu.dma_semaphore, #tpu.memory_space<semaphore_mem>>)
      %dma_wait3A = arith.constant 0 : i32
      %dma_wait3A_24 = arith.constant 0 : i32
      %dma_wait3A_25 = tpu.memref_slice %arg3[%add3A, %dma_wait3A, %dma_wait3A_24] : memref<32x79x128xi32, #tpu.memory_space<hbm>> -> memref<1x79x128xi32, #tpu.memory_space<hbm>>
      %dma_wait3A_26 = tpu.memref_squeeze %dma_wait3A_25 : memref<1x79x128xi32, #tpu.memory_space<hbm>> -> memref<79x128xi32, #tpu.memory_space<hbm>>
      %dma_wait3A_27 = arith.constant 0 : i32
      %dma_wait3A_28 = arith.constant 0 : i32
      %dma_wait3A_29 = tpu.memref_slice %arg3[%add3A, %dma_wait3A_27, %dma_wait3A_28] : memref<32x79x128xi32, #tpu.memory_space<hbm>> -> memref<1x79x128xi32, #tpu.memory_space<hbm>>
      %dma_wait3A_30 = tpu.memref_squeeze %dma_wait3A_29 : memref<1x79x128xi32, #tpu.memory_space<hbm>> -> memref<79x128xi32, #tpu.memory_space<hbm>>
      tpu.wait_dma2 semaphore(%run_scoped3A : memref<!tpu.dma_semaphore, #tpu.memory_space<semaphore_mem>>) src(%dma_wait3A_30 : memref<79x128xi32, #tpu.memory_space<hbm>>) dst(%arg8 : memref<79x128xi32, #tpu.memory_space<vmem>>)
      tpu.yield
    }) : () -> ()
    %eq3A = arith.constant 0 : i32
    %eq3A_3 = arith.cmpi eq, %arg0, %eq3A : i32
    %convert_element_type3A = arith.extui %eq3A_3 : i1 to i32
    %cond3A = arith.constant 0 : i32
    %cond3A_4 = arith.cmpi ne, %convert_element_type3A, %cond3A : i32
    scf.if %cond3A_4 {
      "tpu.region"() ({
        %run_scoped3A = tpu.sem_alloc : memref<!tpu.dma_semaphore, #tpu.memory_space<semaphore_mem>>
        %dma_start3A = arith.constant 0 : i32
        %dma_start3A_17 = tpu.memref_slice %arg7[%mul3A_2, %dma_start3A] : memref<10240x128xf32, #tpu.memory_space<vmem_shared>> -> memref<640x128xf32, #tpu.memory_space<vmem_shared>>
        %dma_start3A_18 = arith.constant 0 : i32
        %dma_start3A_19 = tpu.memref_slice %arg2[%mul3A_2, %dma_start3A_18] : memref<10240x128xf32, #tpu.memory_space<hbm>> -> memref<640x128xf32, #tpu.memory_space<hbm>>
        tpu.enqueue_dma source(%dma_start3A_19 : memref<640x128xf32, #tpu.memory_space<hbm>>) target(%dma_start3A_17 : memref<640x128xf32, #tpu.memory_space<vmem_shared>>) target_semaphore(%run_scoped3A : memref<!tpu.dma_semaphore, #tpu.memory_space<semaphore_mem>>)
        %dma_wait3A = arith.constant 0 : i32
        %dma_wait3A_20 = tpu.memref_slice %arg7[%mul3A_2, %dma_wait3A] : memref<10240x128xf32, #tpu.memory_space<vmem_shared>> -> memref<640x128xf32, #tpu.memory_space<vmem_shared>>
        %dma_wait3A_21 = arith.constant 0 : i32
        %dma_wait3A_22 = tpu.memref_slice %arg2[%mul3A_2, %dma_wait3A_21] : memref<10240x128xf32, #tpu.memory_space<hbm>> -> memref<640x128xf32, #tpu.memory_space<hbm>>
        tpu.wait_dma2 semaphore(%run_scoped3A : memref<!tpu.dma_semaphore, #tpu.memory_space<semaphore_mem>>) src(%dma_wait3A_22 : memref<640x128xf32, #tpu.memory_space<hbm>>) dst(%dma_wait3A_20 : memref<640x128xf32, #tpu.memory_space<vmem_shared>>)
        tpu.yield
      }) : () -> ()
    } else {
    }
    %ne3A = arith.constant 0 : i32
    %ne3A_5 = arith.cmpi ne, %arg0, %ne3A : i32
    %convert_element_type3A_6 = arith.extui %ne3A_5 : i1 to i32
    %cond3A_7 = arith.constant 0 : i32
    %cond3A_8 = arith.cmpi ne, %convert_element_type3A_6, %cond3A_7 : i32
    scf.if %cond3A_8 {
      "tpu.region"() ({
        %run_scoped3A = tpu.sem_alloc : memref<!tpu.dma_semaphore, #tpu.memory_space<semaphore_mem>>
        %dma_start3A = arith.constant 0 : i32
        %dma_start3A_17 = tpu.memref_slice %arg7[%mul3A_2, %dma_start3A] : memref<10240x128xf32, #tpu.memory_space<vmem_shared>> -> memref<640x128xf32, #tpu.memory_space<vmem_shared>>
        %dma_start3A_18 = arith.constant 0 : i32
        %dma_start3A_19 = tpu.memref_slice %arg5[%mul3A_2, %dma_start3A_18] : memref<10240x128xf32, #tpu.memory_space<hbm>> -> memref<640x128xf32, #tpu.memory_space<hbm>>
        tpu.enqueue_dma source(%dma_start3A_19 : memref<640x128xf32, #tpu.memory_space<hbm>>) target(%dma_start3A_17 : memref<640x128xf32, #tpu.memory_space<vmem_shared>>) target_semaphore(%run_scoped3A : memref<!tpu.dma_semaphore, #tpu.memory_space<semaphore_mem>>)
        %dma_wait3A = arith.constant 0 : i32
        %dma_wait3A_20 = tpu.memref_slice %arg7[%mul3A_2, %dma_wait3A] : memref<10240x128xf32, #tpu.memory_space<vmem_shared>> -> memref<640x128xf32, #tpu.memory_space<vmem_shared>>
        %dma_wait3A_21 = arith.constant 0 : i32
        %dma_wait3A_22 = tpu.memref_slice %arg5[%mul3A_2, %dma_wait3A_21] : memref<10240x128xf32, #tpu.memory_space<hbm>> -> memref<640x128xf32, #tpu.memory_space<hbm>>
        tpu.wait_dma2 semaphore(%run_scoped3A : memref<!tpu.dma_semaphore, #tpu.memory_space<semaphore_mem>>) src(%dma_wait3A_22 : memref<640x128xf32, #tpu.memory_space<hbm>>) dst(%dma_wait3A_20 : memref<640x128xf32, #tpu.memory_space<vmem_shared>>)
        tpu.yield
      }) : () -> ()
    } else {
    }
    %barrier3A = arith.constant 0 : index
    tpu.barrier barrier_id(%barrier3A)
    %mul3A_9 = arith.constant 79 : i32
    %mul3A_10 = arith.muli %add3A, %mul3A_9 : i32
    %scan3A = arith.constant 0 : i32
    %scan3A_11 = arith.constant 0 : i32
    %scan3A_12 = arith.constant 79 : i32
    %scan3A_13 = arith.addi %scan3A_11, %scan3A_12 : i32
    %scan3A_14 = arith.constant 1 : i32
    scf.for %scan3A_17 = %scan3A_11 to %scan3A_13 step %scan3A_14  : i32 {
      %dma_start3A = arith.constant 0 : i32
      %dma_start3A_18 = tpu.memref_slice %arg8[%scan3A_17, %dma_start3A] : memref<79x128xi32, #tpu.memory_space<vmem>> -> memref<1x128xi32, #tpu.memory_space<vmem>>
      %dma_start3A_19 = tpu.memref_squeeze %dma_start3A_18 : memref<1x128xi32, #tpu.memory_space<vmem>> -> memref<128xi32, #tpu.memory_space<vmem>>
      %dma_start3A_20 = arith.constant 0 : i32
      %dma_start3A_21 = arith.constant 0 : i32
      %dma_start3A_22 = tpu.memref_slice %arg2[%dma_start3A_20, %dma_start3A_21] : memref<10240x128xf32, #tpu.memory_space<hbm>> -> memref<10240x128xf32, #tpu.memory_space<hbm>>
      tpu.enqueue_indirect_dma source(%dma_start3A_22 : memref<10240x128xf32, #tpu.memory_space<hbm>>) target(%arg10 : memref<128x128xf32, #tpu.memory_space<vmem>>) offsets(%dma_start3A_19 : memref<128xi32, #tpu.memory_space<vmem>>) semaphore(%arg11 : memref<!tpu.dma_semaphore, #tpu.memory_space<semaphore_mem>>)
      %add3A_23 = arith.addi %mul3A_10, %scan3A_17 : i32
      %mul3A_24 = arith.constant 128 : i32
      %mul3A_25 = arith.muli %add3A_23, %mul3A_24 : i32
      "tpu.region"() ({
        %run_scoped3A = tpu.sem_alloc : memref<!tpu.dma_semaphore, #tpu.memory_space<semaphore_mem>>
        %dma_start3A_31 = tpu.memref_slice %arg4[%mul3A_25] : memref<323584xi32, #tpu.memory_space<hbm>> -> memref<128xi32, #tpu.memory_space<hbm>>
        %dma_start3A_32 = tpu.memref_slice %arg4[%mul3A_25] : memref<323584xi32, #tpu.memory_space<hbm>> -> memref<128xi32, #tpu.memory_space<hbm>>
        tpu.enqueue_dma source(%dma_start3A_32 : memref<128xi32, #tpu.memory_space<hbm>>) target(%arg9 : memref<128xi32, #tpu.memory_space<vmem>>) target_semaphore(%run_scoped3A : memref<!tpu.dma_semaphore, #tpu.memory_space<semaphore_mem>>)
        %dma_wait3A_33 = tpu.memref_slice %arg4[%mul3A_25] : memref<323584xi32, #tpu.memory_space<hbm>> -> memref<128xi32, #tpu.memory_space<hbm>>
        %dma_wait3A_34 = tpu.memref_slice %arg4[%mul3A_25] : memref<323584xi32, #tpu.memory_space<hbm>> -> memref<128xi32, #tpu.memory_space<hbm>>
        tpu.wait_dma2 semaphore(%run_scoped3A : memref<!tpu.dma_semaphore, #tpu.memory_space<semaphore_mem>>) src(%dma_wait3A_34 : memref<128xi32, #tpu.memory_space<hbm>>) dst(%arg9 : memref<128xi32, #tpu.memory_space<vmem>>)
        tpu.yield
      }) : () -> ()
      %dma_wait3A = arith.constant 0 : i32
      %dma_wait3A_26 = tpu.memref_slice %arg8[%scan3A_17, %dma_wait3A] : memref<79x128xi32, #tpu.memory_space<vmem>> -> memref<1x128xi32, #tpu.memory_space<vmem>>
      %dma_wait3A_27 = tpu.memref_squeeze %dma_wait3A_26 : memref<1x128xi32, #tpu.memory_space<vmem>> -> memref<128xi32, #tpu.memory_space<vmem>>
      %dma_wait3A_28 = arith.constant 0 : i32
      %dma_wait3A_29 = arith.constant 0 : i32
      %dma_wait3A_30 = tpu.memref_slice %arg2[%dma_wait3A_28, %dma_wait3A_29] : memref<10240x128xf32, #tpu.memory_space<hbm>> -> memref<10240x128xf32, #tpu.memory_space<hbm>>
      tpu.wait_indirect_dma semaphore(%arg11 : memref<!tpu.dma_semaphore, #tpu.memory_space<semaphore_mem>>) src(%dma_wait3A_30 : memref<10240x128xf32, #tpu.memory_space<hbm>>) dst(%arg10 : memref<128x128xf32, #tpu.memory_space<vmem>>)
      "tpu.region"() ({
        %run_scoped3A = tpu.sem_alloc : memref<!tpu.dma_semaphore, #tpu.memory_space<semaphore_mem>>
        %dma_start3A_31 = arith.constant 0 : i32
        %dma_start3A_32 = arith.constant 0 : i32
        %dma_start3A_33 = tpu.memref_slice %arg7[%dma_start3A_31, %dma_start3A_32] : memref<10240x128xf32, #tpu.memory_space<vmem_shared>> -> memref<10240x128xf32, #tpu.memory_space<vmem_shared>>
        tpu.enqueue_indirect_dma source(%arg10 : memref<128x128xf32, #tpu.memory_space<vmem>>) target(%dma_start3A_33 : memref<10240x128xf32, #tpu.memory_space<vmem_shared>>) offsets(%arg9 : memref<128xi32, #tpu.memory_space<vmem>>) semaphore(%run_scoped3A : memref<!tpu.dma_semaphore, #tpu.memory_space<semaphore_mem>>) {add = true}
        %dma_wait3A_34 = arith.constant 0 : i32
        %dma_wait3A_35 = arith.constant 0 : i32
        %dma_wait3A_36 = tpu.memref_slice %arg7[%dma_wait3A_34, %dma_wait3A_35] : memref<10240x128xf32, #tpu.memory_space<vmem_shared>> -> memref<10240x128xf32, #tpu.memory_space<vmem_shared>>
        tpu.wait_indirect_dma semaphore(%run_scoped3A : memref<!tpu.dma_semaphore, #tpu.memory_space<semaphore_mem>>) src(%arg10 : memref<128x128xf32, #tpu.memory_space<vmem>>) dst(%dma_wait3A_36 : memref<10240x128xf32, #tpu.memory_space<vmem_shared>>)
        tpu.yield
      }) : () -> ()
    }
    %scan3A_15 = arith.constant 79 : i32
    %barrier3A_16 = arith.constant 0 : index
    tpu.barrier barrier_id(%barrier3A_16)
    "tpu.region"() ({
      %run_scoped3A = tpu.sem_alloc : memref<!tpu.dma_semaphore, #tpu.memory_space<semaphore_mem>>
      %dma_start3A = arith.constant 0 : i32
      %dma_start3A_17 = tpu.memref_slice %arg6[%arg0, %mul3A_2, %dma_start3A] : memref<2x10240x128xf32, #tpu.memory_space<hbm>> -> memref<1x640x128xf32, #tpu.memory_space<hbm>>
      %dma_start3A_18 = tpu.memref_squeeze %dma_start3A_17 : memref<1x640x128xf32, #tpu.memory_space<hbm>> -> memref<640x128xf32, #tpu.memory_space<hbm>>
      %dma_start3A_19 = arith.constant 0 : i32
      %dma_start3A_20 = tpu.memref_slice %arg7[%mul3A_2, %dma_start3A_19] : memref<10240x128xf32, #tpu.memory_space<vmem_shared>> -> memref<640x128xf32, #tpu.memory_space<vmem_shared>>
      tpu.enqueue_dma source(%dma_start3A_20 : memref<640x128xf32, #tpu.memory_space<vmem_shared>>) target(%dma_start3A_18 : memref<640x128xf32, #tpu.memory_space<hbm>>) target_semaphore(%run_scoped3A : memref<!tpu.dma_semaphore, #tpu.memory_space<semaphore_mem>>)
      %dma_wait3A = arith.constant 0 : i32
      %dma_wait3A_21 = tpu.memref_slice %arg6[%arg0, %mul3A_2, %dma_wait3A] : memref<2x10240x128xf32, #tpu.memory_space<hbm>> -> memref<1x640x128xf32, #tpu.memory_space<hbm>>
      %dma_wait3A_22 = tpu.memref_squeeze %dma_wait3A_21 : memref<1x640x128xf32, #tpu.memory_space<hbm>> -> memref<640x128xf32, #tpu.memory_space<hbm>>
      %dma_wait3A_23 = arith.constant 0 : i32
      %dma_wait3A_24 = tpu.memref_slice %arg7[%mul3A_2, %dma_wait3A_23] : memref<10240x128xf32, #tpu.memory_space<vmem_shared>> -> memref<640x128xf32, #tpu.memory_space<vmem_shared>>
      tpu.wait_dma2 semaphore(%run_scoped3A : memref<!tpu.dma_semaphore, #tpu.memory_space<semaphore_mem>>) src(%dma_wait3A_24 : memref<640x128xf32, #tpu.memory_space<vmem_shared>>) dst(%dma_wait3A_22 : memref<640x128xf32, #tpu.memory_space<hbm>>)
      tpu.yield
    }) : () -> ()
    return
  }
}

#map = affine_map<(d0, d1) -> (0)>
#map1 = affine_map<(d0, d1) -> (0, 0)>
module attributes {stable_mosaic.version = 14 : i64} {
  func.func @k(%arg0: i32, %arg1: i32, %arg2: memref<323584xi32, #tpu.memory_space<hbm>>, %arg3: memref<10240xf32, #tpu.memory_space<hbm>>, %arg4: memref<128xf32, #tpu.memory_space<hbm>>, %arg5: memref<2x10240xf32, #tpu.memory_space<hbm>>, %arg6: memref<10240xf32, #tpu.memory_space<vmem_shared>>, %arg7: memref<128xi32, #tpu.memory_space<vmem>>, %arg8: memref<128xf32, #tpu.memory_space<vmem>>) attributes {dimension_semantics = [#tpu.dimension_semantics<core_parallel>, #tpu.dimension_semantics<subcore_parallel>], iteration_bounds = array<i64: 2, 16>, scalar_prefetch = 0 : i64, scratch_operands = 3 : i64, tpu.core_type = #tpu.core_type<sc_vector_subcore>, window_params = [{transform_indices = #map}, {transform_indices = #map}, {transform_indices = #map}, {transform_indices = #map1}]} {
    %mul3A = arith.constant 16 : i32
    %mul3A_0 = arith.muli %arg0, %mul3A : i32
    %add3A = arith.addi %mul3A_0, %arg1 : i32
    %mul3A_1 = arith.constant 640 : i32
    %mul3A_2 = arith.muli %arg1, %mul3A_1 : i32
    "tpu.region"() ({
      %run_scoped3A = tpu.sem_alloc : memref<!tpu.dma_semaphore, #tpu.memory_space<semaphore_mem>>
      %dma_start3A = tpu.memref_slice %arg6[%mul3A_2] : memref<10240xf32, #tpu.memory_space<vmem_shared>> -> memref<640xf32, #tpu.memory_space<vmem_shared>>
      %dma_start3A_11 = tpu.memref_slice %arg3[%mul3A_2] : memref<10240xf32, #tpu.memory_space<hbm>> -> memref<640xf32, #tpu.memory_space<hbm>>
      tpu.enqueue_dma source(%dma_start3A_11 : memref<640xf32, #tpu.memory_space<hbm>>) target(%dma_start3A : memref<640xf32, #tpu.memory_space<vmem_shared>>) target_semaphore(%run_scoped3A : memref<!tpu.dma_semaphore, #tpu.memory_space<semaphore_mem>>)
      %dma_wait3A = tpu.memref_slice %arg6[%mul3A_2] : memref<10240xf32, #tpu.memory_space<vmem_shared>> -> memref<640xf32, #tpu.memory_space<vmem_shared>>
      %dma_wait3A_12 = tpu.memref_slice %arg3[%mul3A_2] : memref<10240xf32, #tpu.memory_space<hbm>> -> memref<640xf32, #tpu.memory_space<hbm>>
      tpu.wait_dma2 semaphore(%run_scoped3A : memref<!tpu.dma_semaphore, #tpu.memory_space<semaphore_mem>>) src(%dma_wait3A_12 : memref<640xf32, #tpu.memory_space<hbm>>) dst(%dma_wait3A : memref<640xf32, #tpu.memory_space<vmem_shared>>)
      tpu.yield
    }) : () -> ()
    "tpu.region"() ({
      %run_scoped3A = tpu.sem_alloc : memref<!tpu.dma_semaphore, #tpu.memory_space<semaphore_mem>>
      tpu.enqueue_dma source(%arg4 : memref<128xf32, #tpu.memory_space<hbm>>) target(%arg8 : memref<128xf32, #tpu.memory_space<vmem>>) target_semaphore(%run_scoped3A : memref<!tpu.dma_semaphore, #tpu.memory_space<semaphore_mem>>)
      tpu.wait_dma2 semaphore(%run_scoped3A : memref<!tpu.dma_semaphore, #tpu.memory_space<semaphore_mem>>) src(%arg4 : memref<128xf32, #tpu.memory_space<hbm>>) dst(%arg8 : memref<128xf32, #tpu.memory_space<vmem>>)
      tpu.yield
    }) : () -> ()
    %barrier3A = arith.constant 0 : index
    tpu.barrier barrier_id(%barrier3A)
    %mul3A_3 = arith.constant 10112 : i32
    %mul3A_4 = arith.muli %add3A, %mul3A_3 : i32
    %scan3A = arith.constant 0 : i32
    %scan3A_5 = arith.constant 0 : i32
    %scan3A_6 = arith.constant 79 : i32
    %scan3A_7 = arith.addi %scan3A_5, %scan3A_6 : i32
    %scan3A_8 = arith.constant 1 : i32
    scf.for %scan3A_11 = %scan3A_5 to %scan3A_7 step %scan3A_8  : i32 {
      %mul3A_12 = arith.constant 128 : i32
      %mul3A_13 = arith.muli %scan3A_11, %mul3A_12 : i32
      %add3A_14 = arith.addi %mul3A_4, %mul3A_13 : i32
      "tpu.region"() ({
        %run_scoped3A = tpu.sem_alloc : memref<!tpu.dma_semaphore, #tpu.memory_space<semaphore_mem>>
        %dma_start3A = tpu.memref_slice %arg2[%add3A_14] : memref<323584xi32, #tpu.memory_space<hbm>> -> memref<128xi32, #tpu.memory_space<hbm>>
        %dma_start3A_15 = tpu.memref_slice %arg2[%add3A_14] : memref<323584xi32, #tpu.memory_space<hbm>> -> memref<128xi32, #tpu.memory_space<hbm>>
        tpu.enqueue_dma source(%dma_start3A_15 : memref<128xi32, #tpu.memory_space<hbm>>) target(%arg7 : memref<128xi32, #tpu.memory_space<vmem>>) target_semaphore(%run_scoped3A : memref<!tpu.dma_semaphore, #tpu.memory_space<semaphore_mem>>)
        %dma_wait3A = tpu.memref_slice %arg2[%add3A_14] : memref<323584xi32, #tpu.memory_space<hbm>> -> memref<128xi32, #tpu.memory_space<hbm>>
        %dma_wait3A_16 = tpu.memref_slice %arg2[%add3A_14] : memref<323584xi32, #tpu.memory_space<hbm>> -> memref<128xi32, #tpu.memory_space<hbm>>
        tpu.wait_dma2 semaphore(%run_scoped3A : memref<!tpu.dma_semaphore, #tpu.memory_space<semaphore_mem>>) src(%dma_wait3A_16 : memref<128xi32, #tpu.memory_space<hbm>>) dst(%arg7 : memref<128xi32, #tpu.memory_space<vmem>>)
        tpu.yield
      }) : () -> ()
      "tpu.region"() ({
        %run_scoped3A = tpu.sem_alloc : memref<!tpu.dma_semaphore, #tpu.memory_space<semaphore_mem>>
        %dma_start3A = arith.constant 0 : i32
        %dma_start3A_15 = tpu.memref_slice %arg6[%dma_start3A] : memref<10240xf32, #tpu.memory_space<vmem_shared>> -> memref<10240xf32, #tpu.memory_space<vmem_shared>>
        tpu.enqueue_indirect_dma source(%arg8 : memref<128xf32, #tpu.memory_space<vmem>>) target(%dma_start3A_15 : memref<10240xf32, #tpu.memory_space<vmem_shared>>) offsets(%arg7 : memref<128xi32, #tpu.memory_space<vmem>>) semaphore(%run_scoped3A : memref<!tpu.dma_semaphore, #tpu.memory_space<semaphore_mem>>) {add = true}
        %dma_wait3A = arith.constant 0 : i32
        %dma_wait3A_16 = tpu.memref_slice %arg6[%dma_wait3A] : memref<10240xf32, #tpu.memory_space<vmem_shared>> -> memref<10240xf32, #tpu.memory_space<vmem_shared>>
        tpu.wait_indirect_dma semaphore(%run_scoped3A : memref<!tpu.dma_semaphore, #tpu.memory_space<semaphore_mem>>) src(%arg8 : memref<128xf32, #tpu.memory_space<vmem>>) dst(%dma_wait3A_16 : memref<10240xf32, #tpu.memory_space<vmem_shared>>)
        tpu.yield
      }) : () -> ()
    }
    %scan3A_9 = arith.constant 79 : i32
    %barrier3A_10 = arith.constant 0 : index
    tpu.barrier barrier_id(%barrier3A_10)
    "tpu.region"() ({
      %run_scoped3A = tpu.sem_alloc : memref<!tpu.dma_semaphore, #tpu.memory_space<semaphore_mem>>
      %dma_start3A = tpu.memref_slice %arg5[%arg0, %mul3A_2] : memref<2x10240xf32, #tpu.memory_space<hbm>> -> memref<1x640xf32, #tpu.memory_space<hbm>>
      %dma_start3A_11 = tpu.memref_squeeze %dma_start3A : memref<1x640xf32, #tpu.memory_space<hbm>> -> memref<640xf32, #tpu.memory_space<hbm>>
      %dma_start3A_12 = tpu.memref_slice %arg6[%mul3A_2] : memref<10240xf32, #tpu.memory_space<vmem_shared>> -> memref<640xf32, #tpu.memory_space<vmem_shared>>
      tpu.enqueue_dma source(%dma_start3A_12 : memref<640xf32, #tpu.memory_space<vmem_shared>>) target(%dma_start3A_11 : memref<640xf32, #tpu.memory_space<hbm>>) target_semaphore(%run_scoped3A : memref<!tpu.dma_semaphore, #tpu.memory_space<semaphore_mem>>)
      %dma_wait3A = tpu.memref_slice %arg5[%arg0, %mul3A_2] : memref<2x10240xf32, #tpu.memory_space<hbm>> -> memref<1x640xf32, #tpu.memory_space<hbm>>
      %dma_wait3A_13 = tpu.memref_squeeze %dma_wait3A : memref<1x640xf32, #tpu.memory_space<hbm>> -> memref<640xf32, #tpu.memory_space<hbm>>
      %dma_wait3A_14 = tpu.memref_slice %arg6[%mul3A_2] : memref<10240xf32, #tpu.memory_space<vmem_shared>> -> memref<640xf32, #tpu.memory_space<vmem_shared>>
      tpu.wait_dma2 semaphore(%run_scoped3A : memref<!tpu.dma_semaphore, #tpu.memory_space<semaphore_mem>>) src(%dma_wait3A_14 : memref<640xf32, #tpu.memory_space<vmem_shared>>) dst(%dma_wait3A_13 : memref<640xf32, #tpu.memory_space<hbm>>)
      tpu.yield
    }) : () -> ()
    return
  }
}

#map = affine_map<(d0, d1) -> (0, 0)>
#map1 = affine_map<(d0, d1) -> (0, 0, 0)>
#map2 = affine_map<(d0, d1) -> (0)>
module attributes {stable_mosaic.version = 14 : i64} {
  func.func @k(%arg0: i32, %arg1: i32, %arg2: memref<10240x128xf32, #tpu.memory_space<hbm>>, %arg3: memref<32x79x128xi32, #tpu.memory_space<hbm>>, %arg4: memref<323584xi32, #tpu.memory_space<hbm>>, %arg5: memref<10240x128xf32, #tpu.memory_space<hbm>>, %arg6: memref<2x10240x128xf32, #tpu.memory_space<hbm>>, %arg7: memref<10240x128xf32, #tpu.memory_space<vmem_shared>>, %arg8: memref<79x128xi32, #tpu.memory_space<vmem>>, %arg9: memref<128xi32, #tpu.memory_space<vmem>>, %arg10: memref<128x128xf32, #tpu.memory_space<vmem>>, %arg11: memref<!tpu.dma_semaphore, #tpu.memory_space<semaphore_mem>>) attributes {dimension_semantics = [#tpu.dimension_semantics<core_parallel>, #tpu.dimension_semantics<subcore_parallel>], iteration_bounds = array<i64: 2, 16>, scalar_prefetch = 0 : i64, scratch_operands = 5 : i64, tpu.core_type = #tpu.core_type<sc_vector_subcore>, window_params = [{transform_indices = #map}, {transform_indices = #map1}, {transform_indices = #map2}, {transform_indices = #map}, {transform_indices = #map1}]} {
    %mul3A = arith.constant 16 : i32
    %mul3A_0 = arith.muli %arg0, %mul3A : i32
    %add3A = arith.addi %mul3A_0, %arg1 : i32
    %mul3A_1 = arith.constant 640 : i32
    %mul3A_2 = arith.muli %arg1, %mul3A_1 : i32
    "tpu.region"() ({
      %run_scoped3A = tpu.sem_alloc : memref<!tpu.dma_semaphore, #tpu.memory_space<semaphore_mem>>
      %dma_start3A = arith.constant 0 : i32
      %dma_start3A_17 = arith.constant 0 : i32
      %dma_start3A_18 = tpu.memref_slice %arg3[%add3A, %dma_start3A, %dma_start3A_17] : memref<32x79x128xi32, #tpu.memory_space<hbm>> -> memref<1x79x128xi32, #tpu.memory_space<hbm>>
      %dma_start3A_19 = tpu.memref_squeeze %dma_start3A_18 : memref<1x79x128xi32, #tpu.memory_space<hbm>> -> memref<79x128xi32, #tpu.memory_space<hbm>>
      %dma_start3A_20 = arith.constant 0 : i32
      %dma_start3A_21 = arith.constant 0 : i32
      %dma_start3A_22 = tpu.memref_slice %arg3[%add3A, %dma_start3A_20, %dma_start3A_21] : memref<32x79x128xi32, #tpu.memory_space<hbm>> -> memref<1x79x128xi32, #tpu.memory_space<hbm>>
      %dma_start3A_23 = tpu.memref_squeeze %dma_start3A_22 : memref<1x79x128xi32, #tpu.memory_space<hbm>> -> memref<79x128xi32, #tpu.memory_space<hbm>>
      tpu.enqueue_dma source(%dma_start3A_23 : memref<79x128xi32, #tpu.memory_space<hbm>>) target(%arg8 : memref<79x128xi32, #tpu.memory_space<vmem>>) target_semaphore(%run_scoped3A : memref<!tpu.dma_semaphore, #tpu.memory_space<semaphore_mem>>)
      %dma_wait3A = arith.constant 0 : i32
      %dma_wait3A_24 = arith.constant 0 : i32
      %dma_wait3A_25 = tpu.memref_slice %arg3[%add3A, %dma_wait3A, %dma_wait3A_24] : memref<32x79x128xi32, #tpu.memory_space<hbm>> -> memref<1x79x128xi32, #tpu.memory_space<hbm>>
      %dma_wait3A_26 = tpu.memref_squeeze %dma_wait3A_25 : memref<1x79x128xi32, #tpu.memory_space<hbm>> -> memref<79x128xi32, #tpu.memory_space<hbm>>
      %dma_wait3A_27 = arith.constant 0 : i32
      %dma_wait3A_28 = arith.constant 0 : i32
      %dma_wait3A_29 = tpu.memref_slice %arg3[%add3A, %dma_wait3A_27, %dma_wait3A_28] : memref<32x79x128xi32, #tpu.memory_space<hbm>> -> memref<1x79x128xi32, #tpu.memory_space<hbm>>
      %dma_wait3A_30 = tpu.memref_squeeze %dma_wait3A_29 : memref<1x79x128xi32, #tpu.memory_space<hbm>> -> memref<79x128xi32, #tpu.memory_space<hbm>>
      tpu.wait_dma2 semaphore(%run_scoped3A : memref<!tpu.dma_semaphore, #tpu.memory_space<semaphore_mem>>) src(%dma_wait3A_30 : memref<79x128xi32, #tpu.memory_space<hbm>>) dst(%arg8 : memref<79x128xi32, #tpu.memory_space<vmem>>)
      tpu.yield
    }) : () -> ()
    %eq3A = arith.constant 0 : i32
    %eq3A_3 = arith.cmpi eq, %arg0, %eq3A : i32
    %convert_element_type3A = arith.extui %eq3A_3 : i1 to i32
    %cond3A = arith.constant 0 : i32
    %cond3A_4 = arith.cmpi ne, %convert_element_type3A, %cond3A : i32
    scf.if %cond3A_4 {
      "tpu.region"() ({
        %run_scoped3A = tpu.sem_alloc : memref<!tpu.dma_semaphore, #tpu.memory_space<semaphore_mem>>
        %dma_start3A = arith.constant 0 : i32
        %dma_start3A_17 = tpu.memref_slice %arg7[%mul3A_2, %dma_start3A] : memref<10240x128xf32, #tpu.memory_space<vmem_shared>> -> memref<640x128xf32, #tpu.memory_space<vmem_shared>>
        %dma_start3A_18 = arith.constant 0 : i32
        %dma_start3A_19 = tpu.memref_slice %arg2[%mul3A_2, %dma_start3A_18] : memref<10240x128xf32, #tpu.memory_space<hbm>> -> memref<640x128xf32, #tpu.memory_space<hbm>>
        tpu.enqueue_dma source(%dma_start3A_19 : memref<640x128xf32, #tpu.memory_space<hbm>>) target(%dma_start3A_17 : memref<640x128xf32, #tpu.memory_space<vmem_shared>>) target_semaphore(%run_scoped3A : memref<!tpu.dma_semaphore, #tpu.memory_space<semaphore_mem>>)
        %dma_wait3A = arith.constant 0 : i32
        %dma_wait3A_20 = tpu.memref_slice %arg7[%mul3A_2, %dma_wait3A] : memref<10240x128xf32, #tpu.memory_space<vmem_shared>> -> memref<640x128xf32, #tpu.memory_space<vmem_shared>>
        %dma_wait3A_21 = arith.constant 0 : i32
        %dma_wait3A_22 = tpu.memref_slice %arg2[%mul3A_2, %dma_wait3A_21] : memref<10240x128xf32, #tpu.memory_space<hbm>> -> memref<640x128xf32, #tpu.memory_space<hbm>>
        tpu.wait_dma2 semaphore(%run_scoped3A : memref<!tpu.dma_semaphore, #tpu.memory_space<semaphore_mem>>) src(%dma_wait3A_22 : memref<640x128xf32, #tpu.memory_space<hbm>>) dst(%dma_wait3A_20 : memref<640x128xf32, #tpu.memory_space<vmem_shared>>)
        tpu.yield
      }) : () -> ()
    } else {
    }
    %ne3A = arith.constant 0 : i32
    %ne3A_5 = arith.cmpi ne, %arg0, %ne3A : i32
    %convert_element_type3A_6 = arith.extui %ne3A_5 : i1 to i32
    %cond3A_7 = arith.constant 0 : i32
    %cond3A_8 = arith.cmpi ne, %convert_element_type3A_6, %cond3A_7 : i32
    scf.if %cond3A_8 {
      "tpu.region"() ({
        %run_scoped3A = tpu.sem_alloc : memref<!tpu.dma_semaphore, #tpu.memory_space<semaphore_mem>>
        %dma_start3A = arith.constant 0 : i32
        %dma_start3A_17 = tpu.memref_slice %arg7[%mul3A_2, %dma_start3A] : memref<10240x128xf32, #tpu.memory_space<vmem_shared>> -> memref<640x128xf32, #tpu.memory_space<vmem_shared>>
        %dma_start3A_18 = arith.constant 0 : i32
        %dma_start3A_19 = tpu.memref_slice %arg5[%mul3A_2, %dma_start3A_18] : memref<10240x128xf32, #tpu.memory_space<hbm>> -> memref<640x128xf32, #tpu.memory_space<hbm>>
        tpu.enqueue_dma source(%dma_start3A_19 : memref<640x128xf32, #tpu.memory_space<hbm>>) target(%dma_start3A_17 : memref<640x128xf32, #tpu.memory_space<vmem_shared>>) target_semaphore(%run_scoped3A : memref<!tpu.dma_semaphore, #tpu.memory_space<semaphore_mem>>)
        %dma_wait3A = arith.constant 0 : i32
        %dma_wait3A_20 = tpu.memref_slice %arg7[%mul3A_2, %dma_wait3A] : memref<10240x128xf32, #tpu.memory_space<vmem_shared>> -> memref<640x128xf32, #tpu.memory_space<vmem_shared>>
        %dma_wait3A_21 = arith.constant 0 : i32
        %dma_wait3A_22 = tpu.memref_slice %arg5[%mul3A_2, %dma_wait3A_21] : memref<10240x128xf32, #tpu.memory_space<hbm>> -> memref<640x128xf32, #tpu.memory_space<hbm>>
        tpu.wait_dma2 semaphore(%run_scoped3A : memref<!tpu.dma_semaphore, #tpu.memory_space<semaphore_mem>>) src(%dma_wait3A_22 : memref<640x128xf32, #tpu.memory_space<hbm>>) dst(%dma_wait3A_20 : memref<640x128xf32, #tpu.memory_space<vmem_shared>>)
        tpu.yield
      }) : () -> ()
    } else {
    }
    %barrier3A = arith.constant 0 : index
    tpu.barrier barrier_id(%barrier3A)
    %mul3A_9 = arith.constant 79 : i32
    %mul3A_10 = arith.muli %add3A, %mul3A_9 : i32
    %scan3A = arith.constant 0 : i32
    %scan3A_11 = arith.constant 0 : i32
    %scan3A_12 = arith.constant 79 : i32
    %scan3A_13 = arith.addi %scan3A_11, %scan3A_12 : i32
    %scan3A_14 = arith.constant 1 : i32
    scf.for %scan3A_17 = %scan3A_11 to %scan3A_13 step %scan3A_14  : i32 {
      %dma_start3A = arith.constant 0 : i32
      %dma_start3A_18 = tpu.memref_slice %arg8[%scan3A_17, %dma_start3A] : memref<79x128xi32, #tpu.memory_space<vmem>> -> memref<1x128xi32, #tpu.memory_space<vmem>>
      %dma_start3A_19 = tpu.memref_squeeze %dma_start3A_18 : memref<1x128xi32, #tpu.memory_space<vmem>> -> memref<128xi32, #tpu.memory_space<vmem>>
      %dma_start3A_20 = arith.constant 0 : i32
      %dma_start3A_21 = arith.constant 0 : i32
      %dma_start3A_22 = tpu.memref_slice %arg2[%dma_start3A_20, %dma_start3A_21] : memref<10240x128xf32, #tpu.memory_space<hbm>> -> memref<10240x128xf32, #tpu.memory_space<hbm>>
      tpu.enqueue_indirect_dma source(%dma_start3A_22 : memref<10240x128xf32, #tpu.memory_space<hbm>>) target(%arg10 : memref<128x128xf32, #tpu.memory_space<vmem>>) offsets(%dma_start3A_19 : memref<128xi32, #tpu.memory_space<vmem>>) semaphore(%arg11 : memref<!tpu.dma_semaphore, #tpu.memory_space<semaphore_mem>>)
      %add3A_23 = arith.addi %mul3A_10, %scan3A_17 : i32
      %mul3A_24 = arith.constant 128 : i32
      %mul3A_25 = arith.muli %add3A_23, %mul3A_24 : i32
      "tpu.region"() ({
        %run_scoped3A = tpu.sem_alloc : memref<!tpu.dma_semaphore, #tpu.memory_space<semaphore_mem>>
        %dma_start3A_31 = tpu.memref_slice %arg4[%mul3A_25] : memref<323584xi32, #tpu.memory_space<hbm>> -> memref<128xi32, #tpu.memory_space<hbm>>
        %dma_start3A_32 = tpu.memref_slice %arg4[%mul3A_25] : memref<323584xi32, #tpu.memory_space<hbm>> -> memref<128xi32, #tpu.memory_space<hbm>>
        tpu.enqueue_dma source(%dma_start3A_32 : memref<128xi32, #tpu.memory_space<hbm>>) target(%arg9 : memref<128xi32, #tpu.memory_space<vmem>>) target_semaphore(%run_scoped3A : memref<!tpu.dma_semaphore, #tpu.memory_space<semaphore_mem>>)
        %dma_wait3A_33 = tpu.memref_slice %arg4[%mul3A_25] : memref<323584xi32, #tpu.memory_space<hbm>> -> memref<128xi32, #tpu.memory_space<hbm>>
        %dma_wait3A_34 = tpu.memref_slice %arg4[%mul3A_25] : memref<323584xi32, #tpu.memory_space<hbm>> -> memref<128xi32, #tpu.memory_space<hbm>>
        tpu.wait_dma2 semaphore(%run_scoped3A : memref<!tpu.dma_semaphore, #tpu.memory_space<semaphore_mem>>) src(%dma_wait3A_34 : memref<128xi32, #tpu.memory_space<hbm>>) dst(%arg9 : memref<128xi32, #tpu.memory_space<vmem>>)
        tpu.yield
      }) : () -> ()
      %dma_wait3A = arith.constant 0 : i32
      %dma_wait3A_26 = tpu.memref_slice %arg8[%scan3A_17, %dma_wait3A] : memref<79x128xi32, #tpu.memory_space<vmem>> -> memref<1x128xi32, #tpu.memory_space<vmem>>
      %dma_wait3A_27 = tpu.memref_squeeze %dma_wait3A_26 : memref<1x128xi32, #tpu.memory_space<vmem>> -> memref<128xi32, #tpu.memory_space<vmem>>
      %dma_wait3A_28 = arith.constant 0 : i32
      %dma_wait3A_29 = arith.constant 0 : i32
      %dma_wait3A_30 = tpu.memref_slice %arg2[%dma_wait3A_28, %dma_wait3A_29] : memref<10240x128xf32, #tpu.memory_space<hbm>> -> memref<10240x128xf32, #tpu.memory_space<hbm>>
      tpu.wait_indirect_dma semaphore(%arg11 : memref<!tpu.dma_semaphore, #tpu.memory_space<semaphore_mem>>) src(%dma_wait3A_30 : memref<10240x128xf32, #tpu.memory_space<hbm>>) dst(%arg10 : memref<128x128xf32, #tpu.memory_space<vmem>>)
      "tpu.region"() ({
        %run_scoped3A = tpu.sem_alloc : memref<!tpu.dma_semaphore, #tpu.memory_space<semaphore_mem>>
        %dma_start3A_31 = arith.constant 0 : i32
        %dma_start3A_32 = arith.constant 0 : i32
        %dma_start3A_33 = tpu.memref_slice %arg7[%dma_start3A_31, %dma_start3A_32] : memref<10240x128xf32, #tpu.memory_space<vmem_shared>> -> memref<10240x128xf32, #tpu.memory_space<vmem_shared>>
        tpu.enqueue_indirect_dma source(%arg10 : memref<128x128xf32, #tpu.memory_space<vmem>>) target(%dma_start3A_33 : memref<10240x128xf32, #tpu.memory_space<vmem_shared>>) offsets(%arg9 : memref<128xi32, #tpu.memory_space<vmem>>) semaphore(%run_scoped3A : memref<!tpu.dma_semaphore, #tpu.memory_space<semaphore_mem>>) {add = true}
        %dma_wait3A_34 = arith.constant 0 : i32
        %dma_wait3A_35 = arith.constant 0 : i32
        %dma_wait3A_36 = tpu.memref_slice %arg7[%dma_wait3A_34, %dma_wait3A_35] : memref<10240x128xf32, #tpu.memory_space<vmem_shared>> -> memref<10240x128xf32, #tpu.memory_space<vmem_shared>>
        tpu.wait_indirect_dma semaphore(%run_scoped3A : memref<!tpu.dma_semaphore, #tpu.memory_space<semaphore_mem>>) src(%arg10 : memref<128x128xf32, #tpu.memory_space<vmem>>) dst(%dma_wait3A_36 : memref<10240x128xf32, #tpu.memory_space<vmem_shared>>)
        tpu.yield
      }) : () -> ()
    }
    %scan3A_15 = arith.constant 79 : i32
    %barrier3A_16 = arith.constant 0 : index
    tpu.barrier barrier_id(%barrier3A_16)
    "tpu.region"() ({
      %run_scoped3A = tpu.sem_alloc : memref<!tpu.dma_semaphore, #tpu.memory_space<semaphore_mem>>
      %dma_start3A = arith.constant 0 : i32
      %dma_start3A_17 = tpu.memref_slice %arg6[%arg0, %mul3A_2, %dma_start3A] : memref<2x10240x128xf32, #tpu.memory_space<hbm>> -> memref<1x640x128xf32, #tpu.memory_space<hbm>>
      %dma_start3A_18 = tpu.memref_squeeze %dma_start3A_17 : memref<1x640x128xf32, #tpu.memory_space<hbm>> -> memref<640x128xf32, #tpu.memory_space<hbm>>
      %dma_start3A_19 = arith.constant 0 : i32
      %dma_start3A_20 = tpu.memref_slice %arg7[%mul3A_2, %dma_start3A_19] : memref<10240x128xf32, #tpu.memory_space<vmem_shared>> -> memref<640x128xf32, #tpu.memory_space<vmem_shared>>
      tpu.enqueue_dma source(%dma_start3A_20 : memref<640x128xf32, #tpu.memory_space<vmem_shared>>) target(%dma_start3A_18 : memref<640x128xf32, #tpu.memory_space<hbm>>) target_semaphore(%run_scoped3A : memref<!tpu.dma_semaphore, #tpu.memory_space<semaphore_mem>>)
      %dma_wait3A = arith.constant 0 : i32
      %dma_wait3A_21 = tpu.memref_slice %arg6[%arg0, %mul3A_2, %dma_wait3A] : memref<2x10240x128xf32, #tpu.memory_space<hbm>> -> memref<1x640x128xf32, #tpu.memory_space<hbm>>
      %dma_wait3A_22 = tpu.memref_squeeze %dma_wait3A_21 : memref<1x640x128xf32, #tpu.memory_space<hbm>> -> memref<640x128xf32, #tpu.memory_space<hbm>>
      %dma_wait3A_23 = arith.constant 0 : i32
      %dma_wait3A_24 = tpu.memref_slice %arg7[%mul3A_2, %dma_wait3A_23] : memref<10240x128xf32, #tpu.memory_space<vmem_shared>> -> memref<640x128xf32, #tpu.memory_space<vmem_shared>>
      tpu.wait_dma2 semaphore(%run_scoped3A : memref<!tpu.dma_semaphore, #tpu.memory_space<semaphore_mem>>) src(%dma_wait3A_24 : memref<640x128xf32, #tpu.memory_space<vmem_shared>>) dst(%dma_wait3A_22 : memref<640x128xf32, #tpu.memory_space<hbm>>)
      tpu.yield
    }) : () -> ()
    return
  }
}

#map = affine_map<(d0, d1) -> (0, 0)>
#map1 = affine_map<(d0, d1) -> (0, 0, 0)>
#map2 = affine_map<(d0, d1) -> (0)>
module attributes {stable_mosaic.version = 14 : i64} {
  func.func @k(%arg0: i32, %arg1: i32, %arg2: memref<10240x128xf32, #tpu.memory_space<hbm>>, %arg3: memref<32x79x128xi32, #tpu.memory_space<hbm>>, %arg4: memref<323584xi32, #tpu.memory_space<hbm>>, %arg5: memref<10240x128xf32, #tpu.memory_space<hbm>>, %arg6: memref<2x10240x128xf32, #tpu.memory_space<hbm>>, %arg7: memref<10240x128xf32, #tpu.memory_space<vmem_shared>>, %arg8: memref<79x128xi32, #tpu.memory_space<vmem>>, %arg9: memref<128xi32, #tpu.memory_space<vmem>>, %arg10: memref<128x128xf32, #tpu.memory_space<vmem>>, %arg11: memref<!tpu.dma_semaphore, #tpu.memory_space<semaphore_mem>>) attributes {dimension_semantics = [#tpu.dimension_semantics<core_parallel>, #tpu.dimension_semantics<subcore_parallel>], iteration_bounds = array<i64: 2, 16>, scalar_prefetch = 0 : i64, scratch_operands = 5 : i64, tpu.core_type = #tpu.core_type<sc_vector_subcore>, window_params = [{transform_indices = #map}, {transform_indices = #map1}, {transform_indices = #map2}, {transform_indices = #map}, {transform_indices = #map1}]} {
    %mul3A = arith.constant 16 : i32
    %mul3A_0 = arith.muli %arg0, %mul3A : i32
    %add3A = arith.addi %mul3A_0, %arg1 : i32
    %mul3A_1 = arith.constant 640 : i32
    %mul3A_2 = arith.muli %arg1, %mul3A_1 : i32
    "tpu.region"() ({
      %run_scoped3A = tpu.sem_alloc : memref<!tpu.dma_semaphore, #tpu.memory_space<semaphore_mem>>
      %dma_start3A = arith.constant 0 : i32
      %dma_start3A_17 = arith.constant 0 : i32
      %dma_start3A_18 = tpu.memref_slice %arg3[%add3A, %dma_start3A, %dma_start3A_17] : memref<32x79x128xi32, #tpu.memory_space<hbm>> -> memref<1x79x128xi32, #tpu.memory_space<hbm>>
      %dma_start3A_19 = tpu.memref_squeeze %dma_start3A_18 : memref<1x79x128xi32, #tpu.memory_space<hbm>> -> memref<79x128xi32, #tpu.memory_space<hbm>>
      %dma_start3A_20 = arith.constant 0 : i32
      %dma_start3A_21 = arith.constant 0 : i32
      %dma_start3A_22 = tpu.memref_slice %arg3[%add3A, %dma_start3A_20, %dma_start3A_21] : memref<32x79x128xi32, #tpu.memory_space<hbm>> -> memref<1x79x128xi32, #tpu.memory_space<hbm>>
      %dma_start3A_23 = tpu.memref_squeeze %dma_start3A_22 : memref<1x79x128xi32, #tpu.memory_space<hbm>> -> memref<79x128xi32, #tpu.memory_space<hbm>>
      tpu.enqueue_dma source(%dma_start3A_23 : memref<79x128xi32, #tpu.memory_space<hbm>>) target(%arg8 : memref<79x128xi32, #tpu.memory_space<vmem>>) target_semaphore(%run_scoped3A : memref<!tpu.dma_semaphore, #tpu.memory_space<semaphore_mem>>)
      %dma_wait3A = arith.constant 0 : i32
      %dma_wait3A_24 = arith.constant 0 : i32
      %dma_wait3A_25 = tpu.memref_slice %arg3[%add3A, %dma_wait3A, %dma_wait3A_24] : memref<32x79x128xi32, #tpu.memory_space<hbm>> -> memref<1x79x128xi32, #tpu.memory_space<hbm>>
      %dma_wait3A_26 = tpu.memref_squeeze %dma_wait3A_25 : memref<1x79x128xi32, #tpu.memory_space<hbm>> -> memref<79x128xi32, #tpu.memory_space<hbm>>
      %dma_wait3A_27 = arith.constant 0 : i32
      %dma_wait3A_28 = arith.constant 0 : i32
      %dma_wait3A_29 = tpu.memref_slice %arg3[%add3A, %dma_wait3A_27, %dma_wait3A_28] : memref<32x79x128xi32, #tpu.memory_space<hbm>> -> memref<1x79x128xi32, #tpu.memory_space<hbm>>
      %dma_wait3A_30 = tpu.memref_squeeze %dma_wait3A_29 : memref<1x79x128xi32, #tpu.memory_space<hbm>> -> memref<79x128xi32, #tpu.memory_space<hbm>>
      tpu.wait_dma2 semaphore(%run_scoped3A : memref<!tpu.dma_semaphore, #tpu.memory_space<semaphore_mem>>) src(%dma_wait3A_30 : memref<79x128xi32, #tpu.memory_space<hbm>>) dst(%arg8 : memref<79x128xi32, #tpu.memory_space<vmem>>)
      tpu.yield
    }) : () -> ()
    %eq3A = arith.constant 0 : i32
    %eq3A_3 = arith.cmpi eq, %arg0, %eq3A : i32
    %convert_element_type3A = arith.extui %eq3A_3 : i1 to i32
    %cond3A = arith.constant 0 : i32
    %cond3A_4 = arith.cmpi ne, %convert_element_type3A, %cond3A : i32
    scf.if %cond3A_4 {
      "tpu.region"() ({
        %run_scoped3A = tpu.sem_alloc : memref<!tpu.dma_semaphore, #tpu.memory_space<semaphore_mem>>
        %dma_start3A = arith.constant 0 : i32
        %dma_start3A_17 = tpu.memref_slice %arg7[%mul3A_2, %dma_start3A] : memref<10240x128xf32, #tpu.memory_space<vmem_shared>> -> memref<640x128xf32, #tpu.memory_space<vmem_shared>>
        %dma_start3A_18 = arith.constant 0 : i32
        %dma_start3A_19 = tpu.memref_slice %arg2[%mul3A_2, %dma_start3A_18] : memref<10240x128xf32, #tpu.memory_space<hbm>> -> memref<640x128xf32, #tpu.memory_space<hbm>>
        tpu.enqueue_dma source(%dma_start3A_19 : memref<640x128xf32, #tpu.memory_space<hbm>>) target(%dma_start3A_17 : memref<640x128xf32, #tpu.memory_space<vmem_shared>>) target_semaphore(%run_scoped3A : memref<!tpu.dma_semaphore, #tpu.memory_space<semaphore_mem>>)
        %dma_wait3A = arith.constant 0 : i32
        %dma_wait3A_20 = tpu.memref_slice %arg7[%mul3A_2, %dma_wait3A] : memref<10240x128xf32, #tpu.memory_space<vmem_shared>> -> memref<640x128xf32, #tpu.memory_space<vmem_shared>>
        %dma_wait3A_21 = arith.constant 0 : i32
        %dma_wait3A_22 = tpu.memref_slice %arg2[%mul3A_2, %dma_wait3A_21] : memref<10240x128xf32, #tpu.memory_space<hbm>> -> memref<640x128xf32, #tpu.memory_space<hbm>>
        tpu.wait_dma2 semaphore(%run_scoped3A : memref<!tpu.dma_semaphore, #tpu.memory_space<semaphore_mem>>) src(%dma_wait3A_22 : memref<640x128xf32, #tpu.memory_space<hbm>>) dst(%dma_wait3A_20 : memref<640x128xf32, #tpu.memory_space<vmem_shared>>)
        tpu.yield
      }) : () -> ()
    } else {
    }
    %ne3A = arith.constant 0 : i32
    %ne3A_5 = arith.cmpi ne, %arg0, %ne3A : i32
    %convert_element_type3A_6 = arith.extui %ne3A_5 : i1 to i32
    %cond3A_7 = arith.constant 0 : i32
    %cond3A_8 = arith.cmpi ne, %convert_element_type3A_6, %cond3A_7 : i32
    scf.if %cond3A_8 {
      "tpu.region"() ({
        %run_scoped3A = tpu.sem_alloc : memref<!tpu.dma_semaphore, #tpu.memory_space<semaphore_mem>>
        %dma_start3A = arith.constant 0 : i32
        %dma_start3A_17 = tpu.memref_slice %arg7[%mul3A_2, %dma_start3A] : memref<10240x128xf32, #tpu.memory_space<vmem_shared>> -> memref<640x128xf32, #tpu.memory_space<vmem_shared>>
        %dma_start3A_18 = arith.constant 0 : i32
        %dma_start3A_19 = tpu.memref_slice %arg5[%mul3A_2, %dma_start3A_18] : memref<10240x128xf32, #tpu.memory_space<hbm>> -> memref<640x128xf32, #tpu.memory_space<hbm>>
        tpu.enqueue_dma source(%dma_start3A_19 : memref<640x128xf32, #tpu.memory_space<hbm>>) target(%dma_start3A_17 : memref<640x128xf32, #tpu.memory_space<vmem_shared>>) target_semaphore(%run_scoped3A : memref<!tpu.dma_semaphore, #tpu.memory_space<semaphore_mem>>)
        %dma_wait3A = arith.constant 0 : i32
        %dma_wait3A_20 = tpu.memref_slice %arg7[%mul3A_2, %dma_wait3A] : memref<10240x128xf32, #tpu.memory_space<vmem_shared>> -> memref<640x128xf32, #tpu.memory_space<vmem_shared>>
        %dma_wait3A_21 = arith.constant 0 : i32
        %dma_wait3A_22 = tpu.memref_slice %arg5[%mul3A_2, %dma_wait3A_21] : memref<10240x128xf32, #tpu.memory_space<hbm>> -> memref<640x128xf32, #tpu.memory_space<hbm>>
        tpu.wait_dma2 semaphore(%run_scoped3A : memref<!tpu.dma_semaphore, #tpu.memory_space<semaphore_mem>>) src(%dma_wait3A_22 : memref<640x128xf32, #tpu.memory_space<hbm>>) dst(%dma_wait3A_20 : memref<640x128xf32, #tpu.memory_space<vmem_shared>>)
        tpu.yield
      }) : () -> ()
    } else {
    }
    %barrier3A = arith.constant 0 : index
    tpu.barrier barrier_id(%barrier3A)
    %mul3A_9 = arith.constant 79 : i32
    %mul3A_10 = arith.muli %add3A, %mul3A_9 : i32
    %scan3A = arith.constant 0 : i32
    %scan3A_11 = arith.constant 0 : i32
    %scan3A_12 = arith.constant 79 : i32
    %scan3A_13 = arith.addi %scan3A_11, %scan3A_12 : i32
    %scan3A_14 = arith.constant 1 : i32
    scf.for %scan3A_17 = %scan3A_11 to %scan3A_13 step %scan3A_14  : i32 {
      %dma_start3A = arith.constant 0 : i32
      %dma_start3A_18 = tpu.memref_slice %arg8[%scan3A_17, %dma_start3A] : memref<79x128xi32, #tpu.memory_space<vmem>> -> memref<1x128xi32, #tpu.memory_space<vmem>>
      %dma_start3A_19 = tpu.memref_squeeze %dma_start3A_18 : memref<1x128xi32, #tpu.memory_space<vmem>> -> memref<128xi32, #tpu.memory_space<vmem>>
      %dma_start3A_20 = arith.constant 0 : i32
      %dma_start3A_21 = arith.constant 0 : i32
      %dma_start3A_22 = tpu.memref_slice %arg2[%dma_start3A_20, %dma_start3A_21] : memref<10240x128xf32, #tpu.memory_space<hbm>> -> memref<10240x128xf32, #tpu.memory_space<hbm>>
      tpu.enqueue_indirect_dma source(%dma_start3A_22 : memref<10240x128xf32, #tpu.memory_space<hbm>>) target(%arg10 : memref<128x128xf32, #tpu.memory_space<vmem>>) offsets(%dma_start3A_19 : memref<128xi32, #tpu.memory_space<vmem>>) semaphore(%arg11 : memref<!tpu.dma_semaphore, #tpu.memory_space<semaphore_mem>>)
      %add3A_23 = arith.addi %mul3A_10, %scan3A_17 : i32
      %mul3A_24 = arith.constant 128 : i32
      %mul3A_25 = arith.muli %add3A_23, %mul3A_24 : i32
      "tpu.region"() ({
        %run_scoped3A = tpu.sem_alloc : memref<!tpu.dma_semaphore, #tpu.memory_space<semaphore_mem>>
        %dma_start3A_31 = tpu.memref_slice %arg4[%mul3A_25] : memref<323584xi32, #tpu.memory_space<hbm>> -> memref<128xi32, #tpu.memory_space<hbm>>
        %dma_start3A_32 = tpu.memref_slice %arg4[%mul3A_25] : memref<323584xi32, #tpu.memory_space<hbm>> -> memref<128xi32, #tpu.memory_space<hbm>>
        tpu.enqueue_dma source(%dma_start3A_32 : memref<128xi32, #tpu.memory_space<hbm>>) target(%arg9 : memref<128xi32, #tpu.memory_space<vmem>>) target_semaphore(%run_scoped3A : memref<!tpu.dma_semaphore, #tpu.memory_space<semaphore_mem>>)
        %dma_wait3A_33 = tpu.memref_slice %arg4[%mul3A_25] : memref<323584xi32, #tpu.memory_space<hbm>> -> memref<128xi32, #tpu.memory_space<hbm>>
        %dma_wait3A_34 = tpu.memref_slice %arg4[%mul3A_25] : memref<323584xi32, #tpu.memory_space<hbm>> -> memref<128xi32, #tpu.memory_space<hbm>>
        tpu.wait_dma2 semaphore(%run_scoped3A : memref<!tpu.dma_semaphore, #tpu.memory_space<semaphore_mem>>) src(%dma_wait3A_34 : memref<128xi32, #tpu.memory_space<hbm>>) dst(%arg9 : memref<128xi32, #tpu.memory_space<vmem>>)
        tpu.yield
      }) : () -> ()
      %dma_wait3A = arith.constant 0 : i32
      %dma_wait3A_26 = tpu.memref_slice %arg8[%scan3A_17, %dma_wait3A] : memref<79x128xi32, #tpu.memory_space<vmem>> -> memref<1x128xi32, #tpu.memory_space<vmem>>
      %dma_wait3A_27 = tpu.memref_squeeze %dma_wait3A_26 : memref<1x128xi32, #tpu.memory_space<vmem>> -> memref<128xi32, #tpu.memory_space<vmem>>
      %dma_wait3A_28 = arith.constant 0 : i32
      %dma_wait3A_29 = arith.constant 0 : i32
      %dma_wait3A_30 = tpu.memref_slice %arg2[%dma_wait3A_28, %dma_wait3A_29] : memref<10240x128xf32, #tpu.memory_space<hbm>> -> memref<10240x128xf32, #tpu.memory_space<hbm>>
      tpu.wait_indirect_dma semaphore(%arg11 : memref<!tpu.dma_semaphore, #tpu.memory_space<semaphore_mem>>) src(%dma_wait3A_30 : memref<10240x128xf32, #tpu.memory_space<hbm>>) dst(%arg10 : memref<128x128xf32, #tpu.memory_space<vmem>>)
      "tpu.region"() ({
        %run_scoped3A = tpu.sem_alloc : memref<!tpu.dma_semaphore, #tpu.memory_space<semaphore_mem>>
        %dma_start3A_31 = arith.constant 0 : i32
        %dma_start3A_32 = arith.constant 0 : i32
        %dma_start3A_33 = tpu.memref_slice %arg7[%dma_start3A_31, %dma_start3A_32] : memref<10240x128xf32, #tpu.memory_space<vmem_shared>> -> memref<10240x128xf32, #tpu.memory_space<vmem_shared>>
        tpu.enqueue_indirect_dma source(%arg10 : memref<128x128xf32, #tpu.memory_space<vmem>>) target(%dma_start3A_33 : memref<10240x128xf32, #tpu.memory_space<vmem_shared>>) offsets(%arg9 : memref<128xi32, #tpu.memory_space<vmem>>) semaphore(%run_scoped3A : memref<!tpu.dma_semaphore, #tpu.memory_space<semaphore_mem>>) {add = true}
        %dma_wait3A_34 = arith.constant 0 : i32
        %dma_wait3A_35 = arith.constant 0 : i32
        %dma_wait3A_36 = tpu.memref_slice %arg7[%dma_wait3A_34, %dma_wait3A_35] : memref<10240x128xf32, #tpu.memory_space<vmem_shared>> -> memref<10240x128xf32, #tpu.memory_space<vmem_shared>>
        tpu.wait_indirect_dma semaphore(%run_scoped3A : memref<!tpu.dma_semaphore, #tpu.memory_space<semaphore_mem>>) src(%arg10 : memref<128x128xf32, #tpu.memory_space<vmem>>) dst(%dma_wait3A_36 : memref<10240x128xf32, #tpu.memory_space<vmem_shared>>)
        tpu.yield
      }) : () -> ()
    }
    %scan3A_15 = arith.constant 79 : i32
    %barrier3A_16 = arith.constant 0 : index
    tpu.barrier barrier_id(%barrier3A_16)
    "tpu.region"() ({
      %run_scoped3A = tpu.sem_alloc : memref<!tpu.dma_semaphore, #tpu.memory_space<semaphore_mem>>
      %dma_start3A = arith.constant 0 : i32
      %dma_start3A_17 = tpu.memref_slice %arg6[%arg0, %mul3A_2, %dma_start3A] : memref<2x10240x128xf32, #tpu.memory_space<hbm>> -> memref<1x640x128xf32, #tpu.memory_space<hbm>>
      %dma_start3A_18 = tpu.memref_squeeze %dma_start3A_17 : memref<1x640x128xf32, #tpu.memory_space<hbm>> -> memref<640x128xf32, #tpu.memory_space<hbm>>
      %dma_start3A_19 = arith.constant 0 : i32
      %dma_start3A_20 = tpu.memref_slice %arg7[%mul3A_2, %dma_start3A_19] : memref<10240x128xf32, #tpu.memory_space<vmem_shared>> -> memref<640x128xf32, #tpu.memory_space<vmem_shared>>
      tpu.enqueue_dma source(%dma_start3A_20 : memref<640x128xf32, #tpu.memory_space<vmem_shared>>) target(%dma_start3A_18 : memref<640x128xf32, #tpu.memory_space<hbm>>) target_semaphore(%run_scoped3A : memref<!tpu.dma_semaphore, #tpu.memory_space<semaphore_mem>>)
      %dma_wait3A = arith.constant 0 : i32
      %dma_wait3A_21 = tpu.memref_slice %arg6[%arg0, %mul3A_2, %dma_wait3A] : memref<2x10240x128xf32, #tpu.memory_space<hbm>> -> memref<1x640x128xf32, #tpu.memory_space<hbm>>
      %dma_wait3A_22 = tpu.memref_squeeze %dma_wait3A_21 : memref<1x640x128xf32, #tpu.memory_space<hbm>> -> memref<640x128xf32, #tpu.memory_space<hbm>>
      %dma_wait3A_23 = arith.constant 0 : i32
      %dma_wait3A_24 = tpu.memref_slice %arg7[%mul3A_2, %dma_wait3A_23] : memref<10240x128xf32, #tpu.memory_space<vmem_shared>> -> memref<640x128xf32, #tpu.memory_space<vmem_shared>>
      tpu.wait_dma2 semaphore(%run_scoped3A : memref<!tpu.dma_semaphore, #tpu.memory_space<semaphore_mem>>) src(%dma_wait3A_24 : memref<640x128xf32, #tpu.memory_space<vmem_shared>>) dst(%dma_wait3A_22 : memref<640x128xf32, #tpu.memory_space<hbm>>)
      tpu.yield
    }) : () -> ()
    return
  }
}

#map = affine_map<(d0, d1) -> (0, 0)>
#map1 = affine_map<(d0, d1) -> (0, 0, 0)>
#map2 = affine_map<(d0, d1) -> (0)>
module attributes {stable_mosaic.version = 14 : i64} {
  func.func @k(%arg0: i32, %arg1: i32, %arg2: memref<10240x128xf32, #tpu.memory_space<hbm>>, %arg3: memref<32x79x128xi32, #tpu.memory_space<hbm>>, %arg4: memref<323584xi32, #tpu.memory_space<hbm>>, %arg5: memref<10240x128xf32, #tpu.memory_space<hbm>>, %arg6: memref<2x10240x128xf32, #tpu.memory_space<hbm>>, %arg7: memref<10240x128xf32, #tpu.memory_space<vmem_shared>>, %arg8: memref<79x128xi32, #tpu.memory_space<vmem>>, %arg9: memref<128xi32, #tpu.memory_space<vmem>>, %arg10: memref<128x128xf32, #tpu.memory_space<vmem>>, %arg11: memref<!tpu.dma_semaphore, #tpu.memory_space<semaphore_mem>>) attributes {dimension_semantics = [#tpu.dimension_semantics<core_parallel>, #tpu.dimension_semantics<subcore_parallel>], iteration_bounds = array<i64: 2, 16>, scalar_prefetch = 0 : i64, scratch_operands = 5 : i64, tpu.core_type = #tpu.core_type<sc_vector_subcore>, window_params = [{transform_indices = #map}, {transform_indices = #map1}, {transform_indices = #map2}, {transform_indices = #map}, {transform_indices = #map1}]} {
    %mul3A = arith.constant 16 : i32
    %mul3A_0 = arith.muli %arg0, %mul3A : i32
    %add3A = arith.addi %mul3A_0, %arg1 : i32
    %mul3A_1 = arith.constant 640 : i32
    %mul3A_2 = arith.muli %arg1, %mul3A_1 : i32
    "tpu.region"() ({
      %run_scoped3A = tpu.sem_alloc : memref<!tpu.dma_semaphore, #tpu.memory_space<semaphore_mem>>
      %dma_start3A = arith.constant 0 : i32
      %dma_start3A_17 = arith.constant 0 : i32
      %dma_start3A_18 = tpu.memref_slice %arg3[%add3A, %dma_start3A, %dma_start3A_17] : memref<32x79x128xi32, #tpu.memory_space<hbm>> -> memref<1x79x128xi32, #tpu.memory_space<hbm>>
      %dma_start3A_19 = tpu.memref_squeeze %dma_start3A_18 : memref<1x79x128xi32, #tpu.memory_space<hbm>> -> memref<79x128xi32, #tpu.memory_space<hbm>>
      %dma_start3A_20 = arith.constant 0 : i32
      %dma_start3A_21 = arith.constant 0 : i32
      %dma_start3A_22 = tpu.memref_slice %arg3[%add3A, %dma_start3A_20, %dma_start3A_21] : memref<32x79x128xi32, #tpu.memory_space<hbm>> -> memref<1x79x128xi32, #tpu.memory_space<hbm>>
      %dma_start3A_23 = tpu.memref_squeeze %dma_start3A_22 : memref<1x79x128xi32, #tpu.memory_space<hbm>> -> memref<79x128xi32, #tpu.memory_space<hbm>>
      tpu.enqueue_dma source(%dma_start3A_23 : memref<79x128xi32, #tpu.memory_space<hbm>>) target(%arg8 : memref<79x128xi32, #tpu.memory_space<vmem>>) target_semaphore(%run_scoped3A : memref<!tpu.dma_semaphore, #tpu.memory_space<semaphore_mem>>)
      %dma_wait3A = arith.constant 0 : i32
      %dma_wait3A_24 = arith.constant 0 : i32
      %dma_wait3A_25 = tpu.memref_slice %arg3[%add3A, %dma_wait3A, %dma_wait3A_24] : memref<32x79x128xi32, #tpu.memory_space<hbm>> -> memref<1x79x128xi32, #tpu.memory_space<hbm>>
      %dma_wait3A_26 = tpu.memref_squeeze %dma_wait3A_25 : memref<1x79x128xi32, #tpu.memory_space<hbm>> -> memref<79x128xi32, #tpu.memory_space<hbm>>
      %dma_wait3A_27 = arith.constant 0 : i32
      %dma_wait3A_28 = arith.constant 0 : i32
      %dma_wait3A_29 = tpu.memref_slice %arg3[%add3A, %dma_wait3A_27, %dma_wait3A_28] : memref<32x79x128xi32, #tpu.memory_space<hbm>> -> memref<1x79x128xi32, #tpu.memory_space<hbm>>
      %dma_wait3A_30 = tpu.memref_squeeze %dma_wait3A_29 : memref<1x79x128xi32, #tpu.memory_space<hbm>> -> memref<79x128xi32, #tpu.memory_space<hbm>>
      tpu.wait_dma2 semaphore(%run_scoped3A : memref<!tpu.dma_semaphore, #tpu.memory_space<semaphore_mem>>) src(%dma_wait3A_30 : memref<79x128xi32, #tpu.memory_space<hbm>>) dst(%arg8 : memref<79x128xi32, #tpu.memory_space<vmem>>)
      tpu.yield
    }) : () -> ()
    %eq3A = arith.constant 0 : i32
    %eq3A_3 = arith.cmpi eq, %arg0, %eq3A : i32
    %convert_element_type3A = arith.extui %eq3A_3 : i1 to i32
    %cond3A = arith.constant 0 : i32
    %cond3A_4 = arith.cmpi ne, %convert_element_type3A, %cond3A : i32
    scf.if %cond3A_4 {
      "tpu.region"() ({
        %run_scoped3A = tpu.sem_alloc : memref<!tpu.dma_semaphore, #tpu.memory_space<semaphore_mem>>
        %dma_start3A = arith.constant 0 : i32
        %dma_start3A_17 = tpu.memref_slice %arg7[%mul3A_2, %dma_start3A] : memref<10240x128xf32, #tpu.memory_space<vmem_shared>> -> memref<640x128xf32, #tpu.memory_space<vmem_shared>>
        %dma_start3A_18 = arith.constant 0 : i32
        %dma_start3A_19 = tpu.memref_slice %arg2[%mul3A_2, %dma_start3A_18] : memref<10240x128xf32, #tpu.memory_space<hbm>> -> memref<640x128xf32, #tpu.memory_space<hbm>>
        tpu.enqueue_dma source(%dma_start3A_19 : memref<640x128xf32, #tpu.memory_space<hbm>>) target(%dma_start3A_17 : memref<640x128xf32, #tpu.memory_space<vmem_shared>>) target_semaphore(%run_scoped3A : memref<!tpu.dma_semaphore, #tpu.memory_space<semaphore_mem>>)
        %dma_wait3A = arith.constant 0 : i32
        %dma_wait3A_20 = tpu.memref_slice %arg7[%mul3A_2, %dma_wait3A] : memref<10240x128xf32, #tpu.memory_space<vmem_shared>> -> memref<640x128xf32, #tpu.memory_space<vmem_shared>>
        %dma_wait3A_21 = arith.constant 0 : i32
        %dma_wait3A_22 = tpu.memref_slice %arg2[%mul3A_2, %dma_wait3A_21] : memref<10240x128xf32, #tpu.memory_space<hbm>> -> memref<640x128xf32, #tpu.memory_space<hbm>>
        tpu.wait_dma2 semaphore(%run_scoped3A : memref<!tpu.dma_semaphore, #tpu.memory_space<semaphore_mem>>) src(%dma_wait3A_22 : memref<640x128xf32, #tpu.memory_space<hbm>>) dst(%dma_wait3A_20 : memref<640x128xf32, #tpu.memory_space<vmem_shared>>)
        tpu.yield
      }) : () -> ()
    } else {
    }
    %ne3A = arith.constant 0 : i32
    %ne3A_5 = arith.cmpi ne, %arg0, %ne3A : i32
    %convert_element_type3A_6 = arith.extui %ne3A_5 : i1 to i32
    %cond3A_7 = arith.constant 0 : i32
    %cond3A_8 = arith.cmpi ne, %convert_element_type3A_6, %cond3A_7 : i32
    scf.if %cond3A_8 {
      "tpu.region"() ({
        %run_scoped3A = tpu.sem_alloc : memref<!tpu.dma_semaphore, #tpu.memory_space<semaphore_mem>>
        %dma_start3A = arith.constant 0 : i32
        %dma_start3A_17 = tpu.memref_slice %arg7[%mul3A_2, %dma_start3A] : memref<10240x128xf32, #tpu.memory_space<vmem_shared>> -> memref<640x128xf32, #tpu.memory_space<vmem_shared>>
        %dma_start3A_18 = arith.constant 0 : i32
        %dma_start3A_19 = tpu.memref_slice %arg5[%mul3A_2, %dma_start3A_18] : memref<10240x128xf32, #tpu.memory_space<hbm>> -> memref<640x128xf32, #tpu.memory_space<hbm>>
        tpu.enqueue_dma source(%dma_start3A_19 : memref<640x128xf32, #tpu.memory_space<hbm>>) target(%dma_start3A_17 : memref<640x128xf32, #tpu.memory_space<vmem_shared>>) target_semaphore(%run_scoped3A : memref<!tpu.dma_semaphore, #tpu.memory_space<semaphore_mem>>)
        %dma_wait3A = arith.constant 0 : i32
        %dma_wait3A_20 = tpu.memref_slice %arg7[%mul3A_2, %dma_wait3A] : memref<10240x128xf32, #tpu.memory_space<vmem_shared>> -> memref<640x128xf32, #tpu.memory_space<vmem_shared>>
        %dma_wait3A_21 = arith.constant 0 : i32
        %dma_wait3A_22 = tpu.memref_slice %arg5[%mul3A_2, %dma_wait3A_21] : memref<10240x128xf32, #tpu.memory_space<hbm>> -> memref<640x128xf32, #tpu.memory_space<hbm>>
        tpu.wait_dma2 semaphore(%run_scoped3A : memref<!tpu.dma_semaphore, #tpu.memory_space<semaphore_mem>>) src(%dma_wait3A_22 : memref<640x128xf32, #tpu.memory_space<hbm>>) dst(%dma_wait3A_20 : memref<640x128xf32, #tpu.memory_space<vmem_shared>>)
        tpu.yield
      }) : () -> ()
    } else {
    }
    %barrier3A = arith.constant 0 : index
    tpu.barrier barrier_id(%barrier3A)
    %mul3A_9 = arith.constant 79 : i32
    %mul3A_10 = arith.muli %add3A, %mul3A_9 : i32
    %scan3A = arith.constant 0 : i32
    %scan3A_11 = arith.constant 0 : i32
    %scan3A_12 = arith.constant 79 : i32
    %scan3A_13 = arith.addi %scan3A_11, %scan3A_12 : i32
    %scan3A_14 = arith.constant 1 : i32
    scf.for %scan3A_17 = %scan3A_11 to %scan3A_13 step %scan3A_14  : i32 {
      %dma_start3A = arith.constant 0 : i32
      %dma_start3A_18 = tpu.memref_slice %arg8[%scan3A_17, %dma_start3A] : memref<79x128xi32, #tpu.memory_space<vmem>> -> memref<1x128xi32, #tpu.memory_space<vmem>>
      %dma_start3A_19 = tpu.memref_squeeze %dma_start3A_18 : memref<1x128xi32, #tpu.memory_space<vmem>> -> memref<128xi32, #tpu.memory_space<vmem>>
      %dma_start3A_20 = arith.constant 0 : i32
      %dma_start3A_21 = arith.constant 0 : i32
      %dma_start3A_22 = tpu.memref_slice %arg2[%dma_start3A_20, %dma_start3A_21] : memref<10240x128xf32, #tpu.memory_space<hbm>> -> memref<10240x128xf32, #tpu.memory_space<hbm>>
      tpu.enqueue_indirect_dma source(%dma_start3A_22 : memref<10240x128xf32, #tpu.memory_space<hbm>>) target(%arg10 : memref<128x128xf32, #tpu.memory_space<vmem>>) offsets(%dma_start3A_19 : memref<128xi32, #tpu.memory_space<vmem>>) semaphore(%arg11 : memref<!tpu.dma_semaphore, #tpu.memory_space<semaphore_mem>>)
      %add3A_23 = arith.addi %mul3A_10, %scan3A_17 : i32
      %mul3A_24 = arith.constant 128 : i32
      %mul3A_25 = arith.muli %add3A_23, %mul3A_24 : i32
      "tpu.region"() ({
        %run_scoped3A = tpu.sem_alloc : memref<!tpu.dma_semaphore, #tpu.memory_space<semaphore_mem>>
        %dma_start3A_31 = tpu.memref_slice %arg4[%mul3A_25] : memref<323584xi32, #tpu.memory_space<hbm>> -> memref<128xi32, #tpu.memory_space<hbm>>
        %dma_start3A_32 = tpu.memref_slice %arg4[%mul3A_25] : memref<323584xi32, #tpu.memory_space<hbm>> -> memref<128xi32, #tpu.memory_space<hbm>>
        tpu.enqueue_dma source(%dma_start3A_32 : memref<128xi32, #tpu.memory_space<hbm>>) target(%arg9 : memref<128xi32, #tpu.memory_space<vmem>>) target_semaphore(%run_scoped3A : memref<!tpu.dma_semaphore, #tpu.memory_space<semaphore_mem>>)
        %dma_wait3A_33 = tpu.memref_slice %arg4[%mul3A_25] : memref<323584xi32, #tpu.memory_space<hbm>> -> memref<128xi32, #tpu.memory_space<hbm>>
        %dma_wait3A_34 = tpu.memref_slice %arg4[%mul3A_25] : memref<323584xi32, #tpu.memory_space<hbm>> -> memref<128xi32, #tpu.memory_space<hbm>>
        tpu.wait_dma2 semaphore(%run_scoped3A : memref<!tpu.dma_semaphore, #tpu.memory_space<semaphore_mem>>) src(%dma_wait3A_34 : memref<128xi32, #tpu.memory_space<hbm>>) dst(%arg9 : memref<128xi32, #tpu.memory_space<vmem>>)
        tpu.yield
      }) : () -> ()
      %dma_wait3A = arith.constant 0 : i32
      %dma_wait3A_26 = tpu.memref_slice %arg8[%scan3A_17, %dma_wait3A] : memref<79x128xi32, #tpu.memory_space<vmem>> -> memref<1x128xi32, #tpu.memory_space<vmem>>
      %dma_wait3A_27 = tpu.memref_squeeze %dma_wait3A_26 : memref<1x128xi32, #tpu.memory_space<vmem>> -> memref<128xi32, #tpu.memory_space<vmem>>
      %dma_wait3A_28 = arith.constant 0 : i32
      %dma_wait3A_29 = arith.constant 0 : i32
      %dma_wait3A_30 = tpu.memref_slice %arg2[%dma_wait3A_28, %dma_wait3A_29] : memref<10240x128xf32, #tpu.memory_space<hbm>> -> memref<10240x128xf32, #tpu.memory_space<hbm>>
      tpu.wait_indirect_dma semaphore(%arg11 : memref<!tpu.dma_semaphore, #tpu.memory_space<semaphore_mem>>) src(%dma_wait3A_30 : memref<10240x128xf32, #tpu.memory_space<hbm>>) dst(%arg10 : memref<128x128xf32, #tpu.memory_space<vmem>>)
      "tpu.region"() ({
        %run_scoped3A = tpu.sem_alloc : memref<!tpu.dma_semaphore, #tpu.memory_space<semaphore_mem>>
        %dma_start3A_31 = arith.constant 0 : i32
        %dma_start3A_32 = arith.constant 0 : i32
        %dma_start3A_33 = tpu.memref_slice %arg7[%dma_start3A_31, %dma_start3A_32] : memref<10240x128xf32, #tpu.memory_space<vmem_shared>> -> memref<10240x128xf32, #tpu.memory_space<vmem_shared>>
        tpu.enqueue_indirect_dma source(%arg10 : memref<128x128xf32, #tpu.memory_space<vmem>>) target(%dma_start3A_33 : memref<10240x128xf32, #tpu.memory_space<vmem_shared>>) offsets(%arg9 : memref<128xi32, #tpu.memory_space<vmem>>) semaphore(%run_scoped3A : memref<!tpu.dma_semaphore, #tpu.memory_space<semaphore_mem>>) {add = true}
        %dma_wait3A_34 = arith.constant 0 : i32
        %dma_wait3A_35 = arith.constant 0 : i32
        %dma_wait3A_36 = tpu.memref_slice %arg7[%dma_wait3A_34, %dma_wait3A_35] : memref<10240x128xf32, #tpu.memory_space<vmem_shared>> -> memref<10240x128xf32, #tpu.memory_space<vmem_shared>>
        tpu.wait_indirect_dma semaphore(%run_scoped3A : memref<!tpu.dma_semaphore, #tpu.memory_space<semaphore_mem>>) src(%arg10 : memref<128x128xf32, #tpu.memory_space<vmem>>) dst(%dma_wait3A_36 : memref<10240x128xf32, #tpu.memory_space<vmem_shared>>)
        tpu.yield
      }) : () -> ()
    }
    %scan3A_15 = arith.constant 79 : i32
    %barrier3A_16 = arith.constant 0 : index
    tpu.barrier barrier_id(%barrier3A_16)
    "tpu.region"() ({
      %run_scoped3A = tpu.sem_alloc : memref<!tpu.dma_semaphore, #tpu.memory_space<semaphore_mem>>
      %dma_start3A = arith.constant 0 : i32
      %dma_start3A_17 = tpu.memref_slice %arg6[%arg0, %mul3A_2, %dma_start3A] : memref<2x10240x128xf32, #tpu.memory_space<hbm>> -> memref<1x640x128xf32, #tpu.memory_space<hbm>>
      %dma_start3A_18 = tpu.memref_squeeze %dma_start3A_17 : memref<1x640x128xf32, #tpu.memory_space<hbm>> -> memref<640x128xf32, #tpu.memory_space<hbm>>
      %dma_start3A_19 = arith.constant 0 : i32
      %dma_start3A_20 = tpu.memref_slice %arg7[%mul3A_2, %dma_start3A_19] : memref<10240x128xf32, #tpu.memory_space<vmem_shared>> -> memref<640x128xf32, #tpu.memory_space<vmem_shared>>
      tpu.enqueue_dma source(%dma_start3A_20 : memref<640x128xf32, #tpu.memory_space<vmem_shared>>) target(%dma_start3A_18 : memref<640x128xf32, #tpu.memory_space<hbm>>) target_semaphore(%run_scoped3A : memref<!tpu.dma_semaphore, #tpu.memory_space<semaphore_mem>>)
      %dma_wait3A = arith.constant 0 : i32
      %dma_wait3A_21 = tpu.memref_slice %arg6[%arg0, %mul3A_2, %dma_wait3A] : memref<2x10240x128xf32, #tpu.memory_space<hbm>> -> memref<1x640x128xf32, #tpu.memory_space<hbm>>
      %dma_wait3A_22 = tpu.memref_squeeze %dma_wait3A_21 : memref<1x640x128xf32, #tpu.memory_space<hbm>> -> memref<640x128xf32, #tpu.memory_space<hbm>>
      %dma_wait3A_23 = arith.constant 0 : i32
      %dma_wait3A_24 = tpu.memref_slice %arg7[%mul3A_2, %dma_wait3A_23] : memref<10240x128xf32, #tpu.memory_space<vmem_shared>> -> memref<640x128xf32, #tpu.memory_space<vmem_shared>>
      tpu.wait_dma2 semaphore(%run_scoped3A : memref<!tpu.dma_semaphore, #tpu.memory_space<semaphore_mem>>) src(%dma_wait3A_24 : memref<640x128xf32, #tpu.memory_space<vmem_shared>>) dst(%dma_wait3A_22 : memref<640x128xf32, #tpu.memory_space<hbm>>)
      tpu.yield
    }) : () -> ()
    return
  }
}

#map = affine_map<(d0, d1) -> (0, 0)>
#map1 = affine_map<(d0, d1) -> (0, 0, 0)>
#map2 = affine_map<(d0, d1) -> (0)>
module attributes {stable_mosaic.version = 14 : i64} {
  func.func @k(%arg0: i32, %arg1: i32, %arg2: memref<10240x128xf32, #tpu.memory_space<hbm>>, %arg3: memref<32x79x128xi32, #tpu.memory_space<hbm>>, %arg4: memref<323584xi32, #tpu.memory_space<hbm>>, %arg5: memref<10240x128xf32, #tpu.memory_space<hbm>>, %arg6: memref<2x10240x128xf32, #tpu.memory_space<hbm>>, %arg7: memref<10240x128xf32, #tpu.memory_space<vmem_shared>>, %arg8: memref<79x128xi32, #tpu.memory_space<vmem>>, %arg9: memref<128xi32, #tpu.memory_space<vmem>>, %arg10: memref<128x128xf32, #tpu.memory_space<vmem>>, %arg11: memref<!tpu.dma_semaphore, #tpu.memory_space<semaphore_mem>>) attributes {dimension_semantics = [#tpu.dimension_semantics<core_parallel>, #tpu.dimension_semantics<subcore_parallel>], iteration_bounds = array<i64: 2, 16>, scalar_prefetch = 0 : i64, scratch_operands = 5 : i64, tpu.core_type = #tpu.core_type<sc_vector_subcore>, window_params = [{transform_indices = #map}, {transform_indices = #map1}, {transform_indices = #map2}, {transform_indices = #map}, {transform_indices = #map1}]} {
    %mul3A = arith.constant 16 : i32
    %mul3A_0 = arith.muli %arg0, %mul3A : i32
    %add3A = arith.addi %mul3A_0, %arg1 : i32
    %mul3A_1 = arith.constant 640 : i32
    %mul3A_2 = arith.muli %arg1, %mul3A_1 : i32
    "tpu.region"() ({
      %run_scoped3A = tpu.sem_alloc : memref<!tpu.dma_semaphore, #tpu.memory_space<semaphore_mem>>
      %dma_start3A = arith.constant 0 : i32
      %dma_start3A_17 = arith.constant 0 : i32
      %dma_start3A_18 = tpu.memref_slice %arg3[%add3A, %dma_start3A, %dma_start3A_17] : memref<32x79x128xi32, #tpu.memory_space<hbm>> -> memref<1x79x128xi32, #tpu.memory_space<hbm>>
      %dma_start3A_19 = tpu.memref_squeeze %dma_start3A_18 : memref<1x79x128xi32, #tpu.memory_space<hbm>> -> memref<79x128xi32, #tpu.memory_space<hbm>>
      %dma_start3A_20 = arith.constant 0 : i32
      %dma_start3A_21 = arith.constant 0 : i32
      %dma_start3A_22 = tpu.memref_slice %arg3[%add3A, %dma_start3A_20, %dma_start3A_21] : memref<32x79x128xi32, #tpu.memory_space<hbm>> -> memref<1x79x128xi32, #tpu.memory_space<hbm>>
      %dma_start3A_23 = tpu.memref_squeeze %dma_start3A_22 : memref<1x79x128xi32, #tpu.memory_space<hbm>> -> memref<79x128xi32, #tpu.memory_space<hbm>>
      tpu.enqueue_dma source(%dma_start3A_23 : memref<79x128xi32, #tpu.memory_space<hbm>>) target(%arg8 : memref<79x128xi32, #tpu.memory_space<vmem>>) target_semaphore(%run_scoped3A : memref<!tpu.dma_semaphore, #tpu.memory_space<semaphore_mem>>)
      %dma_wait3A = arith.constant 0 : i32
      %dma_wait3A_24 = arith.constant 0 : i32
      %dma_wait3A_25 = tpu.memref_slice %arg3[%add3A, %dma_wait3A, %dma_wait3A_24] : memref<32x79x128xi32, #tpu.memory_space<hbm>> -> memref<1x79x128xi32, #tpu.memory_space<hbm>>
      %dma_wait3A_26 = tpu.memref_squeeze %dma_wait3A_25 : memref<1x79x128xi32, #tpu.memory_space<hbm>> -> memref<79x128xi32, #tpu.memory_space<hbm>>
      %dma_wait3A_27 = arith.constant 0 : i32
      %dma_wait3A_28 = arith.constant 0 : i32
      %dma_wait3A_29 = tpu.memref_slice %arg3[%add3A, %dma_wait3A_27, %dma_wait3A_28] : memref<32x79x128xi32, #tpu.memory_space<hbm>> -> memref<1x79x128xi32, #tpu.memory_space<hbm>>
      %dma_wait3A_30 = tpu.memref_squeeze %dma_wait3A_29 : memref<1x79x128xi32, #tpu.memory_space<hbm>> -> memref<79x128xi32, #tpu.memory_space<hbm>>
      tpu.wait_dma2 semaphore(%run_scoped3A : memref<!tpu.dma_semaphore, #tpu.memory_space<semaphore_mem>>) src(%dma_wait3A_30 : memref<79x128xi32, #tpu.memory_space<hbm>>) dst(%arg8 : memref<79x128xi32, #tpu.memory_space<vmem>>)
      tpu.yield
    }) : () -> ()
    %eq3A = arith.constant 0 : i32
    %eq3A_3 = arith.cmpi eq, %arg0, %eq3A : i32
    %convert_element_type3A = arith.extui %eq3A_3 : i1 to i32
    %cond3A = arith.constant 0 : i32
    %cond3A_4 = arith.cmpi ne, %convert_element_type3A, %cond3A : i32
    scf.if %cond3A_4 {
      "tpu.region"() ({
        %run_scoped3A = tpu.sem_alloc : memref<!tpu.dma_semaphore, #tpu.memory_space<semaphore_mem>>
        %dma_start3A = arith.constant 0 : i32
        %dma_start3A_17 = tpu.memref_slice %arg7[%mul3A_2, %dma_start3A] : memref<10240x128xf32, #tpu.memory_space<vmem_shared>> -> memref<640x128xf32, #tpu.memory_space<vmem_shared>>
        %dma_start3A_18 = arith.constant 0 : i32
        %dma_start3A_19 = tpu.memref_slice %arg2[%mul3A_2, %dma_start3A_18] : memref<10240x128xf32, #tpu.memory_space<hbm>> -> memref<640x128xf32, #tpu.memory_space<hbm>>
        tpu.enqueue_dma source(%dma_start3A_19 : memref<640x128xf32, #tpu.memory_space<hbm>>) target(%dma_start3A_17 : memref<640x128xf32, #tpu.memory_space<vmem_shared>>) target_semaphore(%run_scoped3A : memref<!tpu.dma_semaphore, #tpu.memory_space<semaphore_mem>>)
        %dma_wait3A = arith.constant 0 : i32
        %dma_wait3A_20 = tpu.memref_slice %arg7[%mul3A_2, %dma_wait3A] : memref<10240x128xf32, #tpu.memory_space<vmem_shared>> -> memref<640x128xf32, #tpu.memory_space<vmem_shared>>
        %dma_wait3A_21 = arith.constant 0 : i32
        %dma_wait3A_22 = tpu.memref_slice %arg2[%mul3A_2, %dma_wait3A_21] : memref<10240x128xf32, #tpu.memory_space<hbm>> -> memref<640x128xf32, #tpu.memory_space<hbm>>
        tpu.wait_dma2 semaphore(%run_scoped3A : memref<!tpu.dma_semaphore, #tpu.memory_space<semaphore_mem>>) src(%dma_wait3A_22 : memref<640x128xf32, #tpu.memory_space<hbm>>) dst(%dma_wait3A_20 : memref<640x128xf32, #tpu.memory_space<vmem_shared>>)
        tpu.yield
      }) : () -> ()
    } else {
    }
    %ne3A = arith.constant 0 : i32
    %ne3A_5 = arith.cmpi ne, %arg0, %ne3A : i32
    %convert_element_type3A_6 = arith.extui %ne3A_5 : i1 to i32
    %cond3A_7 = arith.constant 0 : i32
    %cond3A_8 = arith.cmpi ne, %convert_element_type3A_6, %cond3A_7 : i32
    scf.if %cond3A_8 {
      "tpu.region"() ({
        %run_scoped3A = tpu.sem_alloc : memref<!tpu.dma_semaphore, #tpu.memory_space<semaphore_mem>>
        %dma_start3A = arith.constant 0 : i32
        %dma_start3A_17 = tpu.memref_slice %arg7[%mul3A_2, %dma_start3A] : memref<10240x128xf32, #tpu.memory_space<vmem_shared>> -> memref<640x128xf32, #tpu.memory_space<vmem_shared>>
        %dma_start3A_18 = arith.constant 0 : i32
        %dma_start3A_19 = tpu.memref_slice %arg5[%mul3A_2, %dma_start3A_18] : memref<10240x128xf32, #tpu.memory_space<hbm>> -> memref<640x128xf32, #tpu.memory_space<hbm>>
        tpu.enqueue_dma source(%dma_start3A_19 : memref<640x128xf32, #tpu.memory_space<hbm>>) target(%dma_start3A_17 : memref<640x128xf32, #tpu.memory_space<vmem_shared>>) target_semaphore(%run_scoped3A : memref<!tpu.dma_semaphore, #tpu.memory_space<semaphore_mem>>)
        %dma_wait3A = arith.constant 0 : i32
        %dma_wait3A_20 = tpu.memref_slice %arg7[%mul3A_2, %dma_wait3A] : memref<10240x128xf32, #tpu.memory_space<vmem_shared>> -> memref<640x128xf32, #tpu.memory_space<vmem_shared>>
        %dma_wait3A_21 = arith.constant 0 : i32
        %dma_wait3A_22 = tpu.memref_slice %arg5[%mul3A_2, %dma_wait3A_21] : memref<10240x128xf32, #tpu.memory_space<hbm>> -> memref<640x128xf32, #tpu.memory_space<hbm>>
        tpu.wait_dma2 semaphore(%run_scoped3A : memref<!tpu.dma_semaphore, #tpu.memory_space<semaphore_mem>>) src(%dma_wait3A_22 : memref<640x128xf32, #tpu.memory_space<hbm>>) dst(%dma_wait3A_20 : memref<640x128xf32, #tpu.memory_space<vmem_shared>>)
        tpu.yield
      }) : () -> ()
    } else {
    }
    %barrier3A = arith.constant 0 : index
    tpu.barrier barrier_id(%barrier3A)
    %mul3A_9 = arith.constant 79 : i32
    %mul3A_10 = arith.muli %add3A, %mul3A_9 : i32
    %scan3A = arith.constant 0 : i32
    %scan3A_11 = arith.constant 0 : i32
    %scan3A_12 = arith.constant 79 : i32
    %scan3A_13 = arith.addi %scan3A_11, %scan3A_12 : i32
    %scan3A_14 = arith.constant 1 : i32
    scf.for %scan3A_17 = %scan3A_11 to %scan3A_13 step %scan3A_14  : i32 {
      %dma_start3A = arith.constant 0 : i32
      %dma_start3A_18 = tpu.memref_slice %arg8[%scan3A_17, %dma_start3A] : memref<79x128xi32, #tpu.memory_space<vmem>> -> memref<1x128xi32, #tpu.memory_space<vmem>>
      %dma_start3A_19 = tpu.memref_squeeze %dma_start3A_18 : memref<1x128xi32, #tpu.memory_space<vmem>> -> memref<128xi32, #tpu.memory_space<vmem>>
      %dma_start3A_20 = arith.constant 0 : i32
      %dma_start3A_21 = arith.constant 0 : i32
      %dma_start3A_22 = tpu.memref_slice %arg2[%dma_start3A_20, %dma_start3A_21] : memref<10240x128xf32, #tpu.memory_space<hbm>> -> memref<10240x128xf32, #tpu.memory_space<hbm>>
      tpu.enqueue_indirect_dma source(%dma_start3A_22 : memref<10240x128xf32, #tpu.memory_space<hbm>>) target(%arg10 : memref<128x128xf32, #tpu.memory_space<vmem>>) offsets(%dma_start3A_19 : memref<128xi32, #tpu.memory_space<vmem>>) semaphore(%arg11 : memref<!tpu.dma_semaphore, #tpu.memory_space<semaphore_mem>>)
      %add3A_23 = arith.addi %mul3A_10, %scan3A_17 : i32
      %mul3A_24 = arith.constant 128 : i32
      %mul3A_25 = arith.muli %add3A_23, %mul3A_24 : i32
      "tpu.region"() ({
        %run_scoped3A = tpu.sem_alloc : memref<!tpu.dma_semaphore, #tpu.memory_space<semaphore_mem>>
        %dma_start3A_31 = tpu.memref_slice %arg4[%mul3A_25] : memref<323584xi32, #tpu.memory_space<hbm>> -> memref<128xi32, #tpu.memory_space<hbm>>
        %dma_start3A_32 = tpu.memref_slice %arg4[%mul3A_25] : memref<323584xi32, #tpu.memory_space<hbm>> -> memref<128xi32, #tpu.memory_space<hbm>>
        tpu.enqueue_dma source(%dma_start3A_32 : memref<128xi32, #tpu.memory_space<hbm>>) target(%arg9 : memref<128xi32, #tpu.memory_space<vmem>>) target_semaphore(%run_scoped3A : memref<!tpu.dma_semaphore, #tpu.memory_space<semaphore_mem>>)
        %dma_wait3A_33 = tpu.memref_slice %arg4[%mul3A_25] : memref<323584xi32, #tpu.memory_space<hbm>> -> memref<128xi32, #tpu.memory_space<hbm>>
        %dma_wait3A_34 = tpu.memref_slice %arg4[%mul3A_25] : memref<323584xi32, #tpu.memory_space<hbm>> -> memref<128xi32, #tpu.memory_space<hbm>>
        tpu.wait_dma2 semaphore(%run_scoped3A : memref<!tpu.dma_semaphore, #tpu.memory_space<semaphore_mem>>) src(%dma_wait3A_34 : memref<128xi32, #tpu.memory_space<hbm>>) dst(%arg9 : memref<128xi32, #tpu.memory_space<vmem>>)
        tpu.yield
      }) : () -> ()
      %dma_wait3A = arith.constant 0 : i32
      %dma_wait3A_26 = tpu.memref_slice %arg8[%scan3A_17, %dma_wait3A] : memref<79x128xi32, #tpu.memory_space<vmem>> -> memref<1x128xi32, #tpu.memory_space<vmem>>
      %dma_wait3A_27 = tpu.memref_squeeze %dma_wait3A_26 : memref<1x128xi32, #tpu.memory_space<vmem>> -> memref<128xi32, #tpu.memory_space<vmem>>
      %dma_wait3A_28 = arith.constant 0 : i32
      %dma_wait3A_29 = arith.constant 0 : i32
      %dma_wait3A_30 = tpu.memref_slice %arg2[%dma_wait3A_28, %dma_wait3A_29] : memref<10240x128xf32, #tpu.memory_space<hbm>> -> memref<10240x128xf32, #tpu.memory_space<hbm>>
      tpu.wait_indirect_dma semaphore(%arg11 : memref<!tpu.dma_semaphore, #tpu.memory_space<semaphore_mem>>) src(%dma_wait3A_30 : memref<10240x128xf32, #tpu.memory_space<hbm>>) dst(%arg10 : memref<128x128xf32, #tpu.memory_space<vmem>>)
      "tpu.region"() ({
        %run_scoped3A = tpu.sem_alloc : memref<!tpu.dma_semaphore, #tpu.memory_space<semaphore_mem>>
        %dma_start3A_31 = arith.constant 0 : i32
        %dma_start3A_32 = arith.constant 0 : i32
        %dma_start3A_33 = tpu.memref_slice %arg7[%dma_start3A_31, %dma_start3A_32] : memref<10240x128xf32, #tpu.memory_space<vmem_shared>> -> memref<10240x128xf32, #tpu.memory_space<vmem_shared>>
        tpu.enqueue_indirect_dma source(%arg10 : memref<128x128xf32, #tpu.memory_space<vmem>>) target(%dma_start3A_33 : memref<10240x128xf32, #tpu.memory_space<vmem_shared>>) offsets(%arg9 : memref<128xi32, #tpu.memory_space<vmem>>) semaphore(%run_scoped3A : memref<!tpu.dma_semaphore, #tpu.memory_space<semaphore_mem>>) {add = true}
        %dma_wait3A_34 = arith.constant 0 : i32
        %dma_wait3A_35 = arith.constant 0 : i32
        %dma_wait3A_36 = tpu.memref_slice %arg7[%dma_wait3A_34, %dma_wait3A_35] : memref<10240x128xf32, #tpu.memory_space<vmem_shared>> -> memref<10240x128xf32, #tpu.memory_space<vmem_shared>>
        tpu.wait_indirect_dma semaphore(%run_scoped3A : memref<!tpu.dma_semaphore, #tpu.memory_space<semaphore_mem>>) src(%arg10 : memref<128x128xf32, #tpu.memory_space<vmem>>) dst(%dma_wait3A_36 : memref<10240x128xf32, #tpu.memory_space<vmem_shared>>)
        tpu.yield
      }) : () -> ()
    }
    %scan3A_15 = arith.constant 79 : i32
    %barrier3A_16 = arith.constant 0 : index
    tpu.barrier barrier_id(%barrier3A_16)
    "tpu.region"() ({
      %run_scoped3A = tpu.sem_alloc : memref<!tpu.dma_semaphore, #tpu.memory_space<semaphore_mem>>
      %dma_start3A = arith.constant 0 : i32
      %dma_start3A_17 = tpu.memref_slice %arg6[%arg0, %mul3A_2, %dma_start3A] : memref<2x10240x128xf32, #tpu.memory_space<hbm>> -> memref<1x640x128xf32, #tpu.memory_space<hbm>>
      %dma_start3A_18 = tpu.memref_squeeze %dma_start3A_17 : memref<1x640x128xf32, #tpu.memory_space<hbm>> -> memref<640x128xf32, #tpu.memory_space<hbm>>
      %dma_start3A_19 = arith.constant 0 : i32
      %dma_start3A_20 = tpu.memref_slice %arg7[%mul3A_2, %dma_start3A_19] : memref<10240x128xf32, #tpu.memory_space<vmem_shared>> -> memref<640x128xf32, #tpu.memory_space<vmem_shared>>
      tpu.enqueue_dma source(%dma_start3A_20 : memref<640x128xf32, #tpu.memory_space<vmem_shared>>) target(%dma_start3A_18 : memref<640x128xf32, #tpu.memory_space<hbm>>) target_semaphore(%run_scoped3A : memref<!tpu.dma_semaphore, #tpu.memory_space<semaphore_mem>>)
      %dma_wait3A = arith.constant 0 : i32
      %dma_wait3A_21 = tpu.memref_slice %arg6[%arg0, %mul3A_2, %dma_wait3A] : memref<2x10240x128xf32, #tpu.memory_space<hbm>> -> memref<1x640x128xf32, #tpu.memory_space<hbm>>
      %dma_wait3A_22 = tpu.memref_squeeze %dma_wait3A_21 : memref<1x640x128xf32, #tpu.memory_space<hbm>> -> memref<640x128xf32, #tpu.memory_space<hbm>>
      %dma_wait3A_23 = arith.constant 0 : i32
      %dma_wait3A_24 = tpu.memref_slice %arg7[%mul3A_2, %dma_wait3A_23] : memref<10240x128xf32, #tpu.memory_space<vmem_shared>> -> memref<640x128xf32, #tpu.memory_space<vmem_shared>>
      tpu.wait_dma2 semaphore(%run_scoped3A : memref<!tpu.dma_semaphore, #tpu.memory_space<semaphore_mem>>) src(%dma_wait3A_24 : memref<640x128xf32, #tpu.memory_space<vmem_shared>>) dst(%dma_wait3A_22 : memref<640x128xf32, #tpu.memory_space<hbm>>)
      tpu.yield
    }) : () -> ()
    return
  }
}

#map = affine_map<(d0, d1) -> (0, 0)>
#map1 = affine_map<(d0, d1) -> (0, 0, 0)>
#map2 = affine_map<(d0, d1) -> (0)>
module attributes {stable_mosaic.version = 14 : i64} {
  func.func @k(%arg0: i32, %arg1: i32, %arg2: memref<10240x128xf32, #tpu.memory_space<hbm>>, %arg3: memref<32x79x128xi32, #tpu.memory_space<hbm>>, %arg4: memref<323584xi32, #tpu.memory_space<hbm>>, %arg5: memref<10240x128xf32, #tpu.memory_space<hbm>>, %arg6: memref<2x10240x128xf32, #tpu.memory_space<hbm>>, %arg7: memref<10240x128xf32, #tpu.memory_space<vmem_shared>>, %arg8: memref<79x128xi32, #tpu.memory_space<vmem>>, %arg9: memref<128xi32, #tpu.memory_space<vmem>>, %arg10: memref<128x128xf32, #tpu.memory_space<vmem>>, %arg11: memref<!tpu.dma_semaphore, #tpu.memory_space<semaphore_mem>>) attributes {dimension_semantics = [#tpu.dimension_semantics<core_parallel>, #tpu.dimension_semantics<subcore_parallel>], iteration_bounds = array<i64: 2, 16>, scalar_prefetch = 0 : i64, scratch_operands = 5 : i64, tpu.core_type = #tpu.core_type<sc_vector_subcore>, window_params = [{transform_indices = #map}, {transform_indices = #map1}, {transform_indices = #map2}, {transform_indices = #map}, {transform_indices = #map1}]} {
    %mul3A = arith.constant 16 : i32
    %mul3A_0 = arith.muli %arg0, %mul3A : i32
    %add3A = arith.addi %mul3A_0, %arg1 : i32
    %mul3A_1 = arith.constant 640 : i32
    %mul3A_2 = arith.muli %arg1, %mul3A_1 : i32
    "tpu.region"() ({
      %run_scoped3A = tpu.sem_alloc : memref<!tpu.dma_semaphore, #tpu.memory_space<semaphore_mem>>
      %dma_start3A = arith.constant 0 : i32
      %dma_start3A_17 = arith.constant 0 : i32
      %dma_start3A_18 = tpu.memref_slice %arg3[%add3A, %dma_start3A, %dma_start3A_17] : memref<32x79x128xi32, #tpu.memory_space<hbm>> -> memref<1x79x128xi32, #tpu.memory_space<hbm>>
      %dma_start3A_19 = tpu.memref_squeeze %dma_start3A_18 : memref<1x79x128xi32, #tpu.memory_space<hbm>> -> memref<79x128xi32, #tpu.memory_space<hbm>>
      %dma_start3A_20 = arith.constant 0 : i32
      %dma_start3A_21 = arith.constant 0 : i32
      %dma_start3A_22 = tpu.memref_slice %arg3[%add3A, %dma_start3A_20, %dma_start3A_21] : memref<32x79x128xi32, #tpu.memory_space<hbm>> -> memref<1x79x128xi32, #tpu.memory_space<hbm>>
      %dma_start3A_23 = tpu.memref_squeeze %dma_start3A_22 : memref<1x79x128xi32, #tpu.memory_space<hbm>> -> memref<79x128xi32, #tpu.memory_space<hbm>>
      tpu.enqueue_dma source(%dma_start3A_23 : memref<79x128xi32, #tpu.memory_space<hbm>>) target(%arg8 : memref<79x128xi32, #tpu.memory_space<vmem>>) target_semaphore(%run_scoped3A : memref<!tpu.dma_semaphore, #tpu.memory_space<semaphore_mem>>)
      %dma_wait3A = arith.constant 0 : i32
      %dma_wait3A_24 = arith.constant 0 : i32
      %dma_wait3A_25 = tpu.memref_slice %arg3[%add3A, %dma_wait3A, %dma_wait3A_24] : memref<32x79x128xi32, #tpu.memory_space<hbm>> -> memref<1x79x128xi32, #tpu.memory_space<hbm>>
      %dma_wait3A_26 = tpu.memref_squeeze %dma_wait3A_25 : memref<1x79x128xi32, #tpu.memory_space<hbm>> -> memref<79x128xi32, #tpu.memory_space<hbm>>
      %dma_wait3A_27 = arith.constant 0 : i32
      %dma_wait3A_28 = arith.constant 0 : i32
      %dma_wait3A_29 = tpu.memref_slice %arg3[%add3A, %dma_wait3A_27, %dma_wait3A_28] : memref<32x79x128xi32, #tpu.memory_space<hbm>> -> memref<1x79x128xi32, #tpu.memory_space<hbm>>
      %dma_wait3A_30 = tpu.memref_squeeze %dma_wait3A_29 : memref<1x79x128xi32, #tpu.memory_space<hbm>> -> memref<79x128xi32, #tpu.memory_space<hbm>>
      tpu.wait_dma2 semaphore(%run_scoped3A : memref<!tpu.dma_semaphore, #tpu.memory_space<semaphore_mem>>) src(%dma_wait3A_30 : memref<79x128xi32, #tpu.memory_space<hbm>>) dst(%arg8 : memref<79x128xi32, #tpu.memory_space<vmem>>)
      tpu.yield
    }) : () -> ()
    %eq3A = arith.constant 0 : i32
    %eq3A_3 = arith.cmpi eq, %arg0, %eq3A : i32
    %convert_element_type3A = arith.extui %eq3A_3 : i1 to i32
    %cond3A = arith.constant 0 : i32
    %cond3A_4 = arith.cmpi ne, %convert_element_type3A, %cond3A : i32
    scf.if %cond3A_4 {
      "tpu.region"() ({
        %run_scoped3A = tpu.sem_alloc : memref<!tpu.dma_semaphore, #tpu.memory_space<semaphore_mem>>
        %dma_start3A = arith.constant 0 : i32
        %dma_start3A_17 = tpu.memref_slice %arg7[%mul3A_2, %dma_start3A] : memref<10240x128xf32, #tpu.memory_space<vmem_shared>> -> memref<640x128xf32, #tpu.memory_space<vmem_shared>>
        %dma_start3A_18 = arith.constant 0 : i32
        %dma_start3A_19 = tpu.memref_slice %arg2[%mul3A_2, %dma_start3A_18] : memref<10240x128xf32, #tpu.memory_space<hbm>> -> memref<640x128xf32, #tpu.memory_space<hbm>>
        tpu.enqueue_dma source(%dma_start3A_19 : memref<640x128xf32, #tpu.memory_space<hbm>>) target(%dma_start3A_17 : memref<640x128xf32, #tpu.memory_space<vmem_shared>>) target_semaphore(%run_scoped3A : memref<!tpu.dma_semaphore, #tpu.memory_space<semaphore_mem>>)
        %dma_wait3A = arith.constant 0 : i32
        %dma_wait3A_20 = tpu.memref_slice %arg7[%mul3A_2, %dma_wait3A] : memref<10240x128xf32, #tpu.memory_space<vmem_shared>> -> memref<640x128xf32, #tpu.memory_space<vmem_shared>>
        %dma_wait3A_21 = arith.constant 0 : i32
        %dma_wait3A_22 = tpu.memref_slice %arg2[%mul3A_2, %dma_wait3A_21] : memref<10240x128xf32, #tpu.memory_space<hbm>> -> memref<640x128xf32, #tpu.memory_space<hbm>>
        tpu.wait_dma2 semaphore(%run_scoped3A : memref<!tpu.dma_semaphore, #tpu.memory_space<semaphore_mem>>) src(%dma_wait3A_22 : memref<640x128xf32, #tpu.memory_space<hbm>>) dst(%dma_wait3A_20 : memref<640x128xf32, #tpu.memory_space<vmem_shared>>)
        tpu.yield
      }) : () -> ()
    } else {
    }
    %ne3A = arith.constant 0 : i32
    %ne3A_5 = arith.cmpi ne, %arg0, %ne3A : i32
    %convert_element_type3A_6 = arith.extui %ne3A_5 : i1 to i32
    %cond3A_7 = arith.constant 0 : i32
    %cond3A_8 = arith.cmpi ne, %convert_element_type3A_6, %cond3A_7 : i32
    scf.if %cond3A_8 {
      "tpu.region"() ({
        %run_scoped3A = tpu.sem_alloc : memref<!tpu.dma_semaphore, #tpu.memory_space<semaphore_mem>>
        %dma_start3A = arith.constant 0 : i32
        %dma_start3A_17 = tpu.memref_slice %arg7[%mul3A_2, %dma_start3A] : memref<10240x128xf32, #tpu.memory_space<vmem_shared>> -> memref<640x128xf32, #tpu.memory_space<vmem_shared>>
        %dma_start3A_18 = arith.constant 0 : i32
        %dma_start3A_19 = tpu.memref_slice %arg5[%mul3A_2, %dma_start3A_18] : memref<10240x128xf32, #tpu.memory_space<hbm>> -> memref<640x128xf32, #tpu.memory_space<hbm>>
        tpu.enqueue_dma source(%dma_start3A_19 : memref<640x128xf32, #tpu.memory_space<hbm>>) target(%dma_start3A_17 : memref<640x128xf32, #tpu.memory_space<vmem_shared>>) target_semaphore(%run_scoped3A : memref<!tpu.dma_semaphore, #tpu.memory_space<semaphore_mem>>)
        %dma_wait3A = arith.constant 0 : i32
        %dma_wait3A_20 = tpu.memref_slice %arg7[%mul3A_2, %dma_wait3A] : memref<10240x128xf32, #tpu.memory_space<vmem_shared>> -> memref<640x128xf32, #tpu.memory_space<vmem_shared>>
        %dma_wait3A_21 = arith.constant 0 : i32
        %dma_wait3A_22 = tpu.memref_slice %arg5[%mul3A_2, %dma_wait3A_21] : memref<10240x128xf32, #tpu.memory_space<hbm>> -> memref<640x128xf32, #tpu.memory_space<hbm>>
        tpu.wait_dma2 semaphore(%run_scoped3A : memref<!tpu.dma_semaphore, #tpu.memory_space<semaphore_mem>>) src(%dma_wait3A_22 : memref<640x128xf32, #tpu.memory_space<hbm>>) dst(%dma_wait3A_20 : memref<640x128xf32, #tpu.memory_space<vmem_shared>>)
        tpu.yield
      }) : () -> ()
    } else {
    }
    %barrier3A = arith.constant 0 : index
    tpu.barrier barrier_id(%barrier3A)
    %mul3A_9 = arith.constant 79 : i32
    %mul3A_10 = arith.muli %add3A, %mul3A_9 : i32
    %scan3A = arith.constant 0 : i32
    %scan3A_11 = arith.constant 0 : i32
    %scan3A_12 = arith.constant 79 : i32
    %scan3A_13 = arith.addi %scan3A_11, %scan3A_12 : i32
    %scan3A_14 = arith.constant 1 : i32
    scf.for %scan3A_17 = %scan3A_11 to %scan3A_13 step %scan3A_14  : i32 {
      %dma_start3A = arith.constant 0 : i32
      %dma_start3A_18 = tpu.memref_slice %arg8[%scan3A_17, %dma_start3A] : memref<79x128xi32, #tpu.memory_space<vmem>> -> memref<1x128xi32, #tpu.memory_space<vmem>>
      %dma_start3A_19 = tpu.memref_squeeze %dma_start3A_18 : memref<1x128xi32, #tpu.memory_space<vmem>> -> memref<128xi32, #tpu.memory_space<vmem>>
      %dma_start3A_20 = arith.constant 0 : i32
      %dma_start3A_21 = arith.constant 0 : i32
      %dma_start3A_22 = tpu.memref_slice %arg2[%dma_start3A_20, %dma_start3A_21] : memref<10240x128xf32, #tpu.memory_space<hbm>> -> memref<10240x128xf32, #tpu.memory_space<hbm>>
      tpu.enqueue_indirect_dma source(%dma_start3A_22 : memref<10240x128xf32, #tpu.memory_space<hbm>>) target(%arg10 : memref<128x128xf32, #tpu.memory_space<vmem>>) offsets(%dma_start3A_19 : memref<128xi32, #tpu.memory_space<vmem>>) semaphore(%arg11 : memref<!tpu.dma_semaphore, #tpu.memory_space<semaphore_mem>>)
      %add3A_23 = arith.addi %mul3A_10, %scan3A_17 : i32
      %mul3A_24 = arith.constant 128 : i32
      %mul3A_25 = arith.muli %add3A_23, %mul3A_24 : i32
      "tpu.region"() ({
        %run_scoped3A = tpu.sem_alloc : memref<!tpu.dma_semaphore, #tpu.memory_space<semaphore_mem>>
        %dma_start3A_31 = tpu.memref_slice %arg4[%mul3A_25] : memref<323584xi32, #tpu.memory_space<hbm>> -> memref<128xi32, #tpu.memory_space<hbm>>
        %dma_start3A_32 = tpu.memref_slice %arg4[%mul3A_25] : memref<323584xi32, #tpu.memory_space<hbm>> -> memref<128xi32, #tpu.memory_space<hbm>>
        tpu.enqueue_dma source(%dma_start3A_32 : memref<128xi32, #tpu.memory_space<hbm>>) target(%arg9 : memref<128xi32, #tpu.memory_space<vmem>>) target_semaphore(%run_scoped3A : memref<!tpu.dma_semaphore, #tpu.memory_space<semaphore_mem>>)
        %dma_wait3A_33 = tpu.memref_slice %arg4[%mul3A_25] : memref<323584xi32, #tpu.memory_space<hbm>> -> memref<128xi32, #tpu.memory_space<hbm>>
        %dma_wait3A_34 = tpu.memref_slice %arg4[%mul3A_25] : memref<323584xi32, #tpu.memory_space<hbm>> -> memref<128xi32, #tpu.memory_space<hbm>>
        tpu.wait_dma2 semaphore(%run_scoped3A : memref<!tpu.dma_semaphore, #tpu.memory_space<semaphore_mem>>) src(%dma_wait3A_34 : memref<128xi32, #tpu.memory_space<hbm>>) dst(%arg9 : memref<128xi32, #tpu.memory_space<vmem>>)
        tpu.yield
      }) : () -> ()
      %dma_wait3A = arith.constant 0 : i32
      %dma_wait3A_26 = tpu.memref_slice %arg8[%scan3A_17, %dma_wait3A] : memref<79x128xi32, #tpu.memory_space<vmem>> -> memref<1x128xi32, #tpu.memory_space<vmem>>
      %dma_wait3A_27 = tpu.memref_squeeze %dma_wait3A_26 : memref<1x128xi32, #tpu.memory_space<vmem>> -> memref<128xi32, #tpu.memory_space<vmem>>
      %dma_wait3A_28 = arith.constant 0 : i32
      %dma_wait3A_29 = arith.constant 0 : i32
      %dma_wait3A_30 = tpu.memref_slice %arg2[%dma_wait3A_28, %dma_wait3A_29] : memref<10240x128xf32, #tpu.memory_space<hbm>> -> memref<10240x128xf32, #tpu.memory_space<hbm>>
      tpu.wait_indirect_dma semaphore(%arg11 : memref<!tpu.dma_semaphore, #tpu.memory_space<semaphore_mem>>) src(%dma_wait3A_30 : memref<10240x128xf32, #tpu.memory_space<hbm>>) dst(%arg10 : memref<128x128xf32, #tpu.memory_space<vmem>>)
      "tpu.region"() ({
        %run_scoped3A = tpu.sem_alloc : memref<!tpu.dma_semaphore, #tpu.memory_space<semaphore_mem>>
        %dma_start3A_31 = arith.constant 0 : i32
        %dma_start3A_32 = arith.constant 0 : i32
        %dma_start3A_33 = tpu.memref_slice %arg7[%dma_start3A_31, %dma_start3A_32] : memref<10240x128xf32, #tpu.memory_space<vmem_shared>> -> memref<10240x128xf32, #tpu.memory_space<vmem_shared>>
        tpu.enqueue_indirect_dma source(%arg10 : memref<128x128xf32, #tpu.memory_space<vmem>>) target(%dma_start3A_33 : memref<10240x128xf32, #tpu.memory_space<vmem_shared>>) offsets(%arg9 : memref<128xi32, #tpu.memory_space<vmem>>) semaphore(%run_scoped3A : memref<!tpu.dma_semaphore, #tpu.memory_space<semaphore_mem>>) {add = true}
        %dma_wait3A_34 = arith.constant 0 : i32
        %dma_wait3A_35 = arith.constant 0 : i32
        %dma_wait3A_36 = tpu.memref_slice %arg7[%dma_wait3A_34, %dma_wait3A_35] : memref<10240x128xf32, #tpu.memory_space<vmem_shared>> -> memref<10240x128xf32, #tpu.memory_space<vmem_shared>>
        tpu.wait_indirect_dma semaphore(%run_scoped3A : memref<!tpu.dma_semaphore, #tpu.memory_space<semaphore_mem>>) src(%arg10 : memref<128x128xf32, #tpu.memory_space<vmem>>) dst(%dma_wait3A_36 : memref<10240x128xf32, #tpu.memory_space<vmem_shared>>)
        tpu.yield
      }) : () -> ()
    }
    %scan3A_15 = arith.constant 79 : i32
    %barrier3A_16 = arith.constant 0 : index
    tpu.barrier barrier_id(%barrier3A_16)
    "tpu.region"() ({
      %run_scoped3A = tpu.sem_alloc : memref<!tpu.dma_semaphore, #tpu.memory_space<semaphore_mem>>
      %dma_start3A = arith.constant 0 : i32
      %dma_start3A_17 = tpu.memref_slice %arg6[%arg0, %mul3A_2, %dma_start3A] : memref<2x10240x128xf32, #tpu.memory_space<hbm>> -> memref<1x640x128xf32, #tpu.memory_space<hbm>>
      %dma_start3A_18 = tpu.memref_squeeze %dma_start3A_17 : memref<1x640x128xf32, #tpu.memory_space<hbm>> -> memref<640x128xf32, #tpu.memory_space<hbm>>
      %dma_start3A_19 = arith.constant 0 : i32
      %dma_start3A_20 = tpu.memref_slice %arg7[%mul3A_2, %dma_start3A_19] : memref<10240x128xf32, #tpu.memory_space<vmem_shared>> -> memref<640x128xf32, #tpu.memory_space<vmem_shared>>
      tpu.enqueue_dma source(%dma_start3A_20 : memref<640x128xf32, #tpu.memory_space<vmem_shared>>) target(%dma_start3A_18 : memref<640x128xf32, #tpu.memory_space<hbm>>) target_semaphore(%run_scoped3A : memref<!tpu.dma_semaphore, #tpu.memory_space<semaphore_mem>>)
      %dma_wait3A = arith.constant 0 : i32
      %dma_wait3A_21 = tpu.memref_slice %arg6[%arg0, %mul3A_2, %dma_wait3A] : memref<2x10240x128xf32, #tpu.memory_space<hbm>> -> memref<1x640x128xf32, #tpu.memory_space<hbm>>
      %dma_wait3A_22 = tpu.memref_squeeze %dma_wait3A_21 : memref<1x640x128xf32, #tpu.memory_space<hbm>> -> memref<640x128xf32, #tpu.memory_space<hbm>>
      %dma_wait3A_23 = arith.constant 0 : i32
      %dma_wait3A_24 = tpu.memref_slice %arg7[%mul3A_2, %dma_wait3A_23] : memref<10240x128xf32, #tpu.memory_space<vmem_shared>> -> memref<640x128xf32, #tpu.memory_space<vmem_shared>>
      tpu.wait_dma2 semaphore(%run_scoped3A : memref<!tpu.dma_semaphore, #tpu.memory_space<semaphore_mem>>) src(%dma_wait3A_24 : memref<640x128xf32, #tpu.memory_space<vmem_shared>>) dst(%dma_wait3A_22 : memref<640x128xf32, #tpu.memory_space<hbm>>)
      tpu.yield
    }) : () -> ()
    return
  }
}

#map = affine_map<(d0, d1) -> (0, 0)>
#map1 = affine_map<(d0, d1) -> (0, 0, 0)>
#map2 = affine_map<(d0, d1) -> (0)>
module attributes {stable_mosaic.version = 14 : i64} {
  func.func @k(%arg0: i32, %arg1: i32, %arg2: memref<10240x128xf32, #tpu.memory_space<hbm>>, %arg3: memref<32x79x128xi32, #tpu.memory_space<hbm>>, %arg4: memref<323584xi32, #tpu.memory_space<hbm>>, %arg5: memref<10240x128xf32, #tpu.memory_space<hbm>>, %arg6: memref<2x10240x128xf32, #tpu.memory_space<hbm>>, %arg7: memref<10240x128xf32, #tpu.memory_space<vmem_shared>>, %arg8: memref<79x128xi32, #tpu.memory_space<vmem>>, %arg9: memref<128xi32, #tpu.memory_space<vmem>>, %arg10: memref<128x128xf32, #tpu.memory_space<vmem>>, %arg11: memref<!tpu.dma_semaphore, #tpu.memory_space<semaphore_mem>>) attributes {dimension_semantics = [#tpu.dimension_semantics<core_parallel>, #tpu.dimension_semantics<subcore_parallel>], iteration_bounds = array<i64: 2, 16>, scalar_prefetch = 0 : i64, scratch_operands = 5 : i64, tpu.core_type = #tpu.core_type<sc_vector_subcore>, window_params = [{transform_indices = #map}, {transform_indices = #map1}, {transform_indices = #map2}, {transform_indices = #map}, {transform_indices = #map1}]} {
    %mul3A = arith.constant 16 : i32
    %mul3A_0 = arith.muli %arg0, %mul3A : i32
    %add3A = arith.addi %mul3A_0, %arg1 : i32
    %mul3A_1 = arith.constant 640 : i32
    %mul3A_2 = arith.muli %arg1, %mul3A_1 : i32
    "tpu.region"() ({
      %run_scoped3A = tpu.sem_alloc : memref<!tpu.dma_semaphore, #tpu.memory_space<semaphore_mem>>
      %dma_start3A = arith.constant 0 : i32
      %dma_start3A_17 = arith.constant 0 : i32
      %dma_start3A_18 = tpu.memref_slice %arg3[%add3A, %dma_start3A, %dma_start3A_17] : memref<32x79x128xi32, #tpu.memory_space<hbm>> -> memref<1x79x128xi32, #tpu.memory_space<hbm>>
      %dma_start3A_19 = tpu.memref_squeeze %dma_start3A_18 : memref<1x79x128xi32, #tpu.memory_space<hbm>> -> memref<79x128xi32, #tpu.memory_space<hbm>>
      %dma_start3A_20 = arith.constant 0 : i32
      %dma_start3A_21 = arith.constant 0 : i32
      %dma_start3A_22 = tpu.memref_slice %arg3[%add3A, %dma_start3A_20, %dma_start3A_21] : memref<32x79x128xi32, #tpu.memory_space<hbm>> -> memref<1x79x128xi32, #tpu.memory_space<hbm>>
      %dma_start3A_23 = tpu.memref_squeeze %dma_start3A_22 : memref<1x79x128xi32, #tpu.memory_space<hbm>> -> memref<79x128xi32, #tpu.memory_space<hbm>>
      tpu.enqueue_dma source(%dma_start3A_23 : memref<79x128xi32, #tpu.memory_space<hbm>>) target(%arg8 : memref<79x128xi32, #tpu.memory_space<vmem>>) target_semaphore(%run_scoped3A : memref<!tpu.dma_semaphore, #tpu.memory_space<semaphore_mem>>)
      %dma_wait3A = arith.constant 0 : i32
      %dma_wait3A_24 = arith.constant 0 : i32
      %dma_wait3A_25 = tpu.memref_slice %arg3[%add3A, %dma_wait3A, %dma_wait3A_24] : memref<32x79x128xi32, #tpu.memory_space<hbm>> -> memref<1x79x128xi32, #tpu.memory_space<hbm>>
      %dma_wait3A_26 = tpu.memref_squeeze %dma_wait3A_25 : memref<1x79x128xi32, #tpu.memory_space<hbm>> -> memref<79x128xi32, #tpu.memory_space<hbm>>
      %dma_wait3A_27 = arith.constant 0 : i32
      %dma_wait3A_28 = arith.constant 0 : i32
      %dma_wait3A_29 = tpu.memref_slice %arg3[%add3A, %dma_wait3A_27, %dma_wait3A_28] : memref<32x79x128xi32, #tpu.memory_space<hbm>> -> memref<1x79x128xi32, #tpu.memory_space<hbm>>
      %dma_wait3A_30 = tpu.memref_squeeze %dma_wait3A_29 : memref<1x79x128xi32, #tpu.memory_space<hbm>> -> memref<79x128xi32, #tpu.memory_space<hbm>>
      tpu.wait_dma2 semaphore(%run_scoped3A : memref<!tpu.dma_semaphore, #tpu.memory_space<semaphore_mem>>) src(%dma_wait3A_30 : memref<79x128xi32, #tpu.memory_space<hbm>>) dst(%arg8 : memref<79x128xi32, #tpu.memory_space<vmem>>)
      tpu.yield
    }) : () -> ()
    %eq3A = arith.constant 0 : i32
    %eq3A_3 = arith.cmpi eq, %arg0, %eq3A : i32
    %convert_element_type3A = arith.extui %eq3A_3 : i1 to i32
    %cond3A = arith.constant 0 : i32
    %cond3A_4 = arith.cmpi ne, %convert_element_type3A, %cond3A : i32
    scf.if %cond3A_4 {
      "tpu.region"() ({
        %run_scoped3A = tpu.sem_alloc : memref<!tpu.dma_semaphore, #tpu.memory_space<semaphore_mem>>
        %dma_start3A = arith.constant 0 : i32
        %dma_start3A_17 = tpu.memref_slice %arg7[%mul3A_2, %dma_start3A] : memref<10240x128xf32, #tpu.memory_space<vmem_shared>> -> memref<640x128xf32, #tpu.memory_space<vmem_shared>>
        %dma_start3A_18 = arith.constant 0 : i32
        %dma_start3A_19 = tpu.memref_slice %arg2[%mul3A_2, %dma_start3A_18] : memref<10240x128xf32, #tpu.memory_space<hbm>> -> memref<640x128xf32, #tpu.memory_space<hbm>>
        tpu.enqueue_dma source(%dma_start3A_19 : memref<640x128xf32, #tpu.memory_space<hbm>>) target(%dma_start3A_17 : memref<640x128xf32, #tpu.memory_space<vmem_shared>>) target_semaphore(%run_scoped3A : memref<!tpu.dma_semaphore, #tpu.memory_space<semaphore_mem>>)
        %dma_wait3A = arith.constant 0 : i32
        %dma_wait3A_20 = tpu.memref_slice %arg7[%mul3A_2, %dma_wait3A] : memref<10240x128xf32, #tpu.memory_space<vmem_shared>> -> memref<640x128xf32, #tpu.memory_space<vmem_shared>>
        %dma_wait3A_21 = arith.constant 0 : i32
        %dma_wait3A_22 = tpu.memref_slice %arg2[%mul3A_2, %dma_wait3A_21] : memref<10240x128xf32, #tpu.memory_space<hbm>> -> memref<640x128xf32, #tpu.memory_space<hbm>>
        tpu.wait_dma2 semaphore(%run_scoped3A : memref<!tpu.dma_semaphore, #tpu.memory_space<semaphore_mem>>) src(%dma_wait3A_22 : memref<640x128xf32, #tpu.memory_space<hbm>>) dst(%dma_wait3A_20 : memref<640x128xf32, #tpu.memory_space<vmem_shared>>)
        tpu.yield
      }) : () -> ()
    } else {
    }
    %ne3A = arith.constant 0 : i32
    %ne3A_5 = arith.cmpi ne, %arg0, %ne3A : i32
    %convert_element_type3A_6 = arith.extui %ne3A_5 : i1 to i32
    %cond3A_7 = arith.constant 0 : i32
    %cond3A_8 = arith.cmpi ne, %convert_element_type3A_6, %cond3A_7 : i32
    scf.if %cond3A_8 {
      "tpu.region"() ({
        %run_scoped3A = tpu.sem_alloc : memref<!tpu.dma_semaphore, #tpu.memory_space<semaphore_mem>>
        %dma_start3A = arith.constant 0 : i32
        %dma_start3A_17 = tpu.memref_slice %arg7[%mul3A_2, %dma_start3A] : memref<10240x128xf32, #tpu.memory_space<vmem_shared>> -> memref<640x128xf32, #tpu.memory_space<vmem_shared>>
        %dma_start3A_18 = arith.constant 0 : i32
        %dma_start3A_19 = tpu.memref_slice %arg5[%mul3A_2, %dma_start3A_18] : memref<10240x128xf32, #tpu.memory_space<hbm>> -> memref<640x128xf32, #tpu.memory_space<hbm>>
        tpu.enqueue_dma source(%dma_start3A_19 : memref<640x128xf32, #tpu.memory_space<hbm>>) target(%dma_start3A_17 : memref<640x128xf32, #tpu.memory_space<vmem_shared>>) target_semaphore(%run_scoped3A : memref<!tpu.dma_semaphore, #tpu.memory_space<semaphore_mem>>)
        %dma_wait3A = arith.constant 0 : i32
        %dma_wait3A_20 = tpu.memref_slice %arg7[%mul3A_2, %dma_wait3A] : memref<10240x128xf32, #tpu.memory_space<vmem_shared>> -> memref<640x128xf32, #tpu.memory_space<vmem_shared>>
        %dma_wait3A_21 = arith.constant 0 : i32
        %dma_wait3A_22 = tpu.memref_slice %arg5[%mul3A_2, %dma_wait3A_21] : memref<10240x128xf32, #tpu.memory_space<hbm>> -> memref<640x128xf32, #tpu.memory_space<hbm>>
        tpu.wait_dma2 semaphore(%run_scoped3A : memref<!tpu.dma_semaphore, #tpu.memory_space<semaphore_mem>>) src(%dma_wait3A_22 : memref<640x128xf32, #tpu.memory_space<hbm>>) dst(%dma_wait3A_20 : memref<640x128xf32, #tpu.memory_space<vmem_shared>>)
        tpu.yield
      }) : () -> ()
    } else {
    }
    %barrier3A = arith.constant 0 : index
    tpu.barrier barrier_id(%barrier3A)
    %mul3A_9 = arith.constant 79 : i32
    %mul3A_10 = arith.muli %add3A, %mul3A_9 : i32
    %scan3A = arith.constant 0 : i32
    %scan3A_11 = arith.constant 0 : i32
    %scan3A_12 = arith.constant 79 : i32
    %scan3A_13 = arith.addi %scan3A_11, %scan3A_12 : i32
    %scan3A_14 = arith.constant 1 : i32
    scf.for %scan3A_17 = %scan3A_11 to %scan3A_13 step %scan3A_14  : i32 {
      %dma_start3A = arith.constant 0 : i32
      %dma_start3A_18 = tpu.memref_slice %arg8[%scan3A_17, %dma_start3A] : memref<79x128xi32, #tpu.memory_space<vmem>> -> memref<1x128xi32, #tpu.memory_space<vmem>>
      %dma_start3A_19 = tpu.memref_squeeze %dma_start3A_18 : memref<1x128xi32, #tpu.memory_space<vmem>> -> memref<128xi32, #tpu.memory_space<vmem>>
      %dma_start3A_20 = arith.constant 0 : i32
      %dma_start3A_21 = arith.constant 0 : i32
      %dma_start3A_22 = tpu.memref_slice %arg2[%dma_start3A_20, %dma_start3A_21] : memref<10240x128xf32, #tpu.memory_space<hbm>> -> memref<10240x128xf32, #tpu.memory_space<hbm>>
      tpu.enqueue_indirect_dma source(%dma_start3A_22 : memref<10240x128xf32, #tpu.memory_space<hbm>>) target(%arg10 : memref<128x128xf32, #tpu.memory_space<vmem>>) offsets(%dma_start3A_19 : memref<128xi32, #tpu.memory_space<vmem>>) semaphore(%arg11 : memref<!tpu.dma_semaphore, #tpu.memory_space<semaphore_mem>>)
      %add3A_23 = arith.addi %mul3A_10, %scan3A_17 : i32
      %mul3A_24 = arith.constant 128 : i32
      %mul3A_25 = arith.muli %add3A_23, %mul3A_24 : i32
      "tpu.region"() ({
        %run_scoped3A = tpu.sem_alloc : memref<!tpu.dma_semaphore, #tpu.memory_space<semaphore_mem>>
        %dma_start3A_31 = tpu.memref_slice %arg4[%mul3A_25] : memref<323584xi32, #tpu.memory_space<hbm>> -> memref<128xi32, #tpu.memory_space<hbm>>
        %dma_start3A_32 = tpu.memref_slice %arg4[%mul3A_25] : memref<323584xi32, #tpu.memory_space<hbm>> -> memref<128xi32, #tpu.memory_space<hbm>>
        tpu.enqueue_dma source(%dma_start3A_32 : memref<128xi32, #tpu.memory_space<hbm>>) target(%arg9 : memref<128xi32, #tpu.memory_space<vmem>>) target_semaphore(%run_scoped3A : memref<!tpu.dma_semaphore, #tpu.memory_space<semaphore_mem>>)
        %dma_wait3A_33 = tpu.memref_slice %arg4[%mul3A_25] : memref<323584xi32, #tpu.memory_space<hbm>> -> memref<128xi32, #tpu.memory_space<hbm>>
        %dma_wait3A_34 = tpu.memref_slice %arg4[%mul3A_25] : memref<323584xi32, #tpu.memory_space<hbm>> -> memref<128xi32, #tpu.memory_space<hbm>>
        tpu.wait_dma2 semaphore(%run_scoped3A : memref<!tpu.dma_semaphore, #tpu.memory_space<semaphore_mem>>) src(%dma_wait3A_34 : memref<128xi32, #tpu.memory_space<hbm>>) dst(%arg9 : memref<128xi32, #tpu.memory_space<vmem>>)
        tpu.yield
      }) : () -> ()
      %dma_wait3A = arith.constant 0 : i32
      %dma_wait3A_26 = tpu.memref_slice %arg8[%scan3A_17, %dma_wait3A] : memref<79x128xi32, #tpu.memory_space<vmem>> -> memref<1x128xi32, #tpu.memory_space<vmem>>
      %dma_wait3A_27 = tpu.memref_squeeze %dma_wait3A_26 : memref<1x128xi32, #tpu.memory_space<vmem>> -> memref<128xi32, #tpu.memory_space<vmem>>
      %dma_wait3A_28 = arith.constant 0 : i32
      %dma_wait3A_29 = arith.constant 0 : i32
      %dma_wait3A_30 = tpu.memref_slice %arg2[%dma_wait3A_28, %dma_wait3A_29] : memref<10240x128xf32, #tpu.memory_space<hbm>> -> memref<10240x128xf32, #tpu.memory_space<hbm>>
      tpu.wait_indirect_dma semaphore(%arg11 : memref<!tpu.dma_semaphore, #tpu.memory_space<semaphore_mem>>) src(%dma_wait3A_30 : memref<10240x128xf32, #tpu.memory_space<hbm>>) dst(%arg10 : memref<128x128xf32, #tpu.memory_space<vmem>>)
      "tpu.region"() ({
        %run_scoped3A = tpu.sem_alloc : memref<!tpu.dma_semaphore, #tpu.memory_space<semaphore_mem>>
        %dma_start3A_31 = arith.constant 0 : i32
        %dma_start3A_32 = arith.constant 0 : i32
        %dma_start3A_33 = tpu.memref_slice %arg7[%dma_start3A_31, %dma_start3A_32] : memref<10240x128xf32, #tpu.memory_space<vmem_shared>> -> memref<10240x128xf32, #tpu.memory_space<vmem_shared>>
        tpu.enqueue_indirect_dma source(%arg10 : memref<128x128xf32, #tpu.memory_space<vmem>>) target(%dma_start3A_33 : memref<10240x128xf32, #tpu.memory_space<vmem_shared>>) offsets(%arg9 : memref<128xi32, #tpu.memory_space<vmem>>) semaphore(%run_scoped3A : memref<!tpu.dma_semaphore, #tpu.memory_space<semaphore_mem>>) {add = true}
        %dma_wait3A_34 = arith.constant 0 : i32
        %dma_wait3A_35 = arith.constant 0 : i32
        %dma_wait3A_36 = tpu.memref_slice %arg7[%dma_wait3A_34, %dma_wait3A_35] : memref<10240x128xf32, #tpu.memory_space<vmem_shared>> -> memref<10240x128xf32, #tpu.memory_space<vmem_shared>>
        tpu.wait_indirect_dma semaphore(%run_scoped3A : memref<!tpu.dma_semaphore, #tpu.memory_space<semaphore_mem>>) src(%arg10 : memref<128x128xf32, #tpu.memory_space<vmem>>) dst(%dma_wait3A_36 : memref<10240x128xf32, #tpu.memory_space<vmem_shared>>)
        tpu.yield
      }) : () -> ()
    }
    %scan3A_15 = arith.constant 79 : i32
    %barrier3A_16 = arith.constant 0 : index
    tpu.barrier barrier_id(%barrier3A_16)
    "tpu.region"() ({
      %run_scoped3A = tpu.sem_alloc : memref<!tpu.dma_semaphore, #tpu.memory_space<semaphore_mem>>
      %dma_start3A = arith.constant 0 : i32
      %dma_start3A_17 = tpu.memref_slice %arg6[%arg0, %mul3A_2, %dma_start3A] : memref<2x10240x128xf32, #tpu.memory_space<hbm>> -> memref<1x640x128xf32, #tpu.memory_space<hbm>>
      %dma_start3A_18 = tpu.memref_squeeze %dma_start3A_17 : memref<1x640x128xf32, #tpu.memory_space<hbm>> -> memref<640x128xf32, #tpu.memory_space<hbm>>
      %dma_start3A_19 = arith.constant 0 : i32
      %dma_start3A_20 = tpu.memref_slice %arg7[%mul3A_2, %dma_start3A_19] : memref<10240x128xf32, #tpu.memory_space<vmem_shared>> -> memref<640x128xf32, #tpu.memory_space<vmem_shared>>
      tpu.enqueue_dma source(%dma_start3A_20 : memref<640x128xf32, #tpu.memory_space<vmem_shared>>) target(%dma_start3A_18 : memref<640x128xf32, #tpu.memory_space<hbm>>) target_semaphore(%run_scoped3A : memref<!tpu.dma_semaphore, #tpu.memory_space<semaphore_mem>>)
      %dma_wait3A = arith.constant 0 : i32
      %dma_wait3A_21 = tpu.memref_slice %arg6[%arg0, %mul3A_2, %dma_wait3A] : memref<2x10240x128xf32, #tpu.memory_space<hbm>> -> memref<1x640x128xf32, #tpu.memory_space<hbm>>
      %dma_wait3A_22 = tpu.memref_squeeze %dma_wait3A_21 : memref<1x640x128xf32, #tpu.memory_space<hbm>> -> memref<640x128xf32, #tpu.memory_space<hbm>>
      %dma_wait3A_23 = arith.constant 0 : i32
      %dma_wait3A_24 = tpu.memref_slice %arg7[%mul3A_2, %dma_wait3A_23] : memref<10240x128xf32, #tpu.memory_space<vmem_shared>> -> memref<640x128xf32, #tpu.memory_space<vmem_shared>>
      tpu.wait_dma2 semaphore(%run_scoped3A : memref<!tpu.dma_semaphore, #tpu.memory_space<semaphore_mem>>) src(%dma_wait3A_24 : memref<640x128xf32, #tpu.memory_space<vmem_shared>>) dst(%dma_wait3A_22 : memref<640x128xf32, #tpu.memory_space<hbm>>)
      tpu.yield
    }) : () -> ()
    return
  }
}

#map = affine_map<(d0, d1) -> (0, 0)>
#map1 = affine_map<(d0, d1) -> (0, 0, 0)>
#map2 = affine_map<(d0, d1) -> (0)>
module attributes {stable_mosaic.version = 14 : i64} {
  func.func @k(%arg0: i32, %arg1: i32, %arg2: memref<10240x128xf32, #tpu.memory_space<hbm>>, %arg3: memref<32x79x128xi32, #tpu.memory_space<hbm>>, %arg4: memref<323584xi32, #tpu.memory_space<hbm>>, %arg5: memref<10240x128xf32, #tpu.memory_space<hbm>>, %arg6: memref<2x10240x128xf32, #tpu.memory_space<hbm>>, %arg7: memref<10240x128xf32, #tpu.memory_space<vmem_shared>>, %arg8: memref<79x128xi32, #tpu.memory_space<vmem>>, %arg9: memref<128xi32, #tpu.memory_space<vmem>>, %arg10: memref<128x128xf32, #tpu.memory_space<vmem>>, %arg11: memref<!tpu.dma_semaphore, #tpu.memory_space<semaphore_mem>>) attributes {dimension_semantics = [#tpu.dimension_semantics<core_parallel>, #tpu.dimension_semantics<subcore_parallel>], iteration_bounds = array<i64: 2, 16>, scalar_prefetch = 0 : i64, scratch_operands = 5 : i64, tpu.core_type = #tpu.core_type<sc_vector_subcore>, window_params = [{transform_indices = #map}, {transform_indices = #map1}, {transform_indices = #map2}, {transform_indices = #map}, {transform_indices = #map1}]} {
    %mul3A = arith.constant 16 : i32
    %mul3A_0 = arith.muli %arg0, %mul3A : i32
    %add3A = arith.addi %mul3A_0, %arg1 : i32
    %mul3A_1 = arith.constant 640 : i32
    %mul3A_2 = arith.muli %arg1, %mul3A_1 : i32
    "tpu.region"() ({
      %run_scoped3A = tpu.sem_alloc : memref<!tpu.dma_semaphore, #tpu.memory_space<semaphore_mem>>
      %dma_start3A = arith.constant 0 : i32
      %dma_start3A_17 = arith.constant 0 : i32
      %dma_start3A_18 = tpu.memref_slice %arg3[%add3A, %dma_start3A, %dma_start3A_17] : memref<32x79x128xi32, #tpu.memory_space<hbm>> -> memref<1x79x128xi32, #tpu.memory_space<hbm>>
      %dma_start3A_19 = tpu.memref_squeeze %dma_start3A_18 : memref<1x79x128xi32, #tpu.memory_space<hbm>> -> memref<79x128xi32, #tpu.memory_space<hbm>>
      %dma_start3A_20 = arith.constant 0 : i32
      %dma_start3A_21 = arith.constant 0 : i32
      %dma_start3A_22 = tpu.memref_slice %arg3[%add3A, %dma_start3A_20, %dma_start3A_21] : memref<32x79x128xi32, #tpu.memory_space<hbm>> -> memref<1x79x128xi32, #tpu.memory_space<hbm>>
      %dma_start3A_23 = tpu.memref_squeeze %dma_start3A_22 : memref<1x79x128xi32, #tpu.memory_space<hbm>> -> memref<79x128xi32, #tpu.memory_space<hbm>>
      tpu.enqueue_dma source(%dma_start3A_23 : memref<79x128xi32, #tpu.memory_space<hbm>>) target(%arg8 : memref<79x128xi32, #tpu.memory_space<vmem>>) target_semaphore(%run_scoped3A : memref<!tpu.dma_semaphore, #tpu.memory_space<semaphore_mem>>)
      %dma_wait3A = arith.constant 0 : i32
      %dma_wait3A_24 = arith.constant 0 : i32
      %dma_wait3A_25 = tpu.memref_slice %arg3[%add3A, %dma_wait3A, %dma_wait3A_24] : memref<32x79x128xi32, #tpu.memory_space<hbm>> -> memref<1x79x128xi32, #tpu.memory_space<hbm>>
      %dma_wait3A_26 = tpu.memref_squeeze %dma_wait3A_25 : memref<1x79x128xi32, #tpu.memory_space<hbm>> -> memref<79x128xi32, #tpu.memory_space<hbm>>
      %dma_wait3A_27 = arith.constant 0 : i32
      %dma_wait3A_28 = arith.constant 0 : i32
      %dma_wait3A_29 = tpu.memref_slice %arg3[%add3A, %dma_wait3A_27, %dma_wait3A_28] : memref<32x79x128xi32, #tpu.memory_space<hbm>> -> memref<1x79x128xi32, #tpu.memory_space<hbm>>
      %dma_wait3A_30 = tpu.memref_squeeze %dma_wait3A_29 : memref<1x79x128xi32, #tpu.memory_space<hbm>> -> memref<79x128xi32, #tpu.memory_space<hbm>>
      tpu.wait_dma2 semaphore(%run_scoped3A : memref<!tpu.dma_semaphore, #tpu.memory_space<semaphore_mem>>) src(%dma_wait3A_30 : memref<79x128xi32, #tpu.memory_space<hbm>>) dst(%arg8 : memref<79x128xi32, #tpu.memory_space<vmem>>)
      tpu.yield
    }) : () -> ()
    %eq3A = arith.constant 0 : i32
    %eq3A_3 = arith.cmpi eq, %arg0, %eq3A : i32
    %convert_element_type3A = arith.extui %eq3A_3 : i1 to i32
    %cond3A = arith.constant 0 : i32
    %cond3A_4 = arith.cmpi ne, %convert_element_type3A, %cond3A : i32
    scf.if %cond3A_4 {
      "tpu.region"() ({
        %run_scoped3A = tpu.sem_alloc : memref<!tpu.dma_semaphore, #tpu.memory_space<semaphore_mem>>
        %dma_start3A = arith.constant 0 : i32
        %dma_start3A_17 = tpu.memref_slice %arg7[%mul3A_2, %dma_start3A] : memref<10240x128xf32, #tpu.memory_space<vmem_shared>> -> memref<640x128xf32, #tpu.memory_space<vmem_shared>>
        %dma_start3A_18 = arith.constant 0 : i32
        %dma_start3A_19 = tpu.memref_slice %arg2[%mul3A_2, %dma_start3A_18] : memref<10240x128xf32, #tpu.memory_space<hbm>> -> memref<640x128xf32, #tpu.memory_space<hbm>>
        tpu.enqueue_dma source(%dma_start3A_19 : memref<640x128xf32, #tpu.memory_space<hbm>>) target(%dma_start3A_17 : memref<640x128xf32, #tpu.memory_space<vmem_shared>>) target_semaphore(%run_scoped3A : memref<!tpu.dma_semaphore, #tpu.memory_space<semaphore_mem>>)
        %dma_wait3A = arith.constant 0 : i32
        %dma_wait3A_20 = tpu.memref_slice %arg7[%mul3A_2, %dma_wait3A] : memref<10240x128xf32, #tpu.memory_space<vmem_shared>> -> memref<640x128xf32, #tpu.memory_space<vmem_shared>>
        %dma_wait3A_21 = arith.constant 0 : i32
        %dma_wait3A_22 = tpu.memref_slice %arg2[%mul3A_2, %dma_wait3A_21] : memref<10240x128xf32, #tpu.memory_space<hbm>> -> memref<640x128xf32, #tpu.memory_space<hbm>>
        tpu.wait_dma2 semaphore(%run_scoped3A : memref<!tpu.dma_semaphore, #tpu.memory_space<semaphore_mem>>) src(%dma_wait3A_22 : memref<640x128xf32, #tpu.memory_space<hbm>>) dst(%dma_wait3A_20 : memref<640x128xf32, #tpu.memory_space<vmem_shared>>)
        tpu.yield
      }) : () -> ()
    } else {
    }
    %ne3A = arith.constant 0 : i32
    %ne3A_5 = arith.cmpi ne, %arg0, %ne3A : i32
    %convert_element_type3A_6 = arith.extui %ne3A_5 : i1 to i32
    %cond3A_7 = arith.constant 0 : i32
    %cond3A_8 = arith.cmpi ne, %convert_element_type3A_6, %cond3A_7 : i32
    scf.if %cond3A_8 {
      "tpu.region"() ({
        %run_scoped3A = tpu.sem_alloc : memref<!tpu.dma_semaphore, #tpu.memory_space<semaphore_mem>>
        %dma_start3A = arith.constant 0 : i32
        %dma_start3A_17 = tpu.memref_slice %arg7[%mul3A_2, %dma_start3A] : memref<10240x128xf32, #tpu.memory_space<vmem_shared>> -> memref<640x128xf32, #tpu.memory_space<vmem_shared>>
        %dma_start3A_18 = arith.constant 0 : i32
        %dma_start3A_19 = tpu.memref_slice %arg5[%mul3A_2, %dma_start3A_18] : memref<10240x128xf32, #tpu.memory_space<hbm>> -> memref<640x128xf32, #tpu.memory_space<hbm>>
        tpu.enqueue_dma source(%dma_start3A_19 : memref<640x128xf32, #tpu.memory_space<hbm>>) target(%dma_start3A_17 : memref<640x128xf32, #tpu.memory_space<vmem_shared>>) target_semaphore(%run_scoped3A : memref<!tpu.dma_semaphore, #tpu.memory_space<semaphore_mem>>)
        %dma_wait3A = arith.constant 0 : i32
        %dma_wait3A_20 = tpu.memref_slice %arg7[%mul3A_2, %dma_wait3A] : memref<10240x128xf32, #tpu.memory_space<vmem_shared>> -> memref<640x128xf32, #tpu.memory_space<vmem_shared>>
        %dma_wait3A_21 = arith.constant 0 : i32
        %dma_wait3A_22 = tpu.memref_slice %arg5[%mul3A_2, %dma_wait3A_21] : memref<10240x128xf32, #tpu.memory_space<hbm>> -> memref<640x128xf32, #tpu.memory_space<hbm>>
        tpu.wait_dma2 semaphore(%run_scoped3A : memref<!tpu.dma_semaphore, #tpu.memory_space<semaphore_mem>>) src(%dma_wait3A_22 : memref<640x128xf32, #tpu.memory_space<hbm>>) dst(%dma_wait3A_20 : memref<640x128xf32, #tpu.memory_space<vmem_shared>>)
        tpu.yield
      }) : () -> ()
    } else {
    }
    %barrier3A = arith.constant 0 : index
    tpu.barrier barrier_id(%barrier3A)
    %mul3A_9 = arith.constant 79 : i32
    %mul3A_10 = arith.muli %add3A, %mul3A_9 : i32
    %scan3A = arith.constant 0 : i32
    %scan3A_11 = arith.constant 0 : i32
    %scan3A_12 = arith.constant 79 : i32
    %scan3A_13 = arith.addi %scan3A_11, %scan3A_12 : i32
    %scan3A_14 = arith.constant 1 : i32
    scf.for %scan3A_17 = %scan3A_11 to %scan3A_13 step %scan3A_14  : i32 {
      %dma_start3A = arith.constant 0 : i32
      %dma_start3A_18 = tpu.memref_slice %arg8[%scan3A_17, %dma_start3A] : memref<79x128xi32, #tpu.memory_space<vmem>> -> memref<1x128xi32, #tpu.memory_space<vmem>>
      %dma_start3A_19 = tpu.memref_squeeze %dma_start3A_18 : memref<1x128xi32, #tpu.memory_space<vmem>> -> memref<128xi32, #tpu.memory_space<vmem>>
      %dma_start3A_20 = arith.constant 0 : i32
      %dma_start3A_21 = arith.constant 0 : i32
      %dma_start3A_22 = tpu.memref_slice %arg2[%dma_start3A_20, %dma_start3A_21] : memref<10240x128xf32, #tpu.memory_space<hbm>> -> memref<10240x128xf32, #tpu.memory_space<hbm>>
      tpu.enqueue_indirect_dma source(%dma_start3A_22 : memref<10240x128xf32, #tpu.memory_space<hbm>>) target(%arg10 : memref<128x128xf32, #tpu.memory_space<vmem>>) offsets(%dma_start3A_19 : memref<128xi32, #tpu.memory_space<vmem>>) semaphore(%arg11 : memref<!tpu.dma_semaphore, #tpu.memory_space<semaphore_mem>>)
      %add3A_23 = arith.addi %mul3A_10, %scan3A_17 : i32
      %mul3A_24 = arith.constant 128 : i32
      %mul3A_25 = arith.muli %add3A_23, %mul3A_24 : i32
      "tpu.region"() ({
        %run_scoped3A = tpu.sem_alloc : memref<!tpu.dma_semaphore, #tpu.memory_space<semaphore_mem>>
        %dma_start3A_31 = tpu.memref_slice %arg4[%mul3A_25] : memref<323584xi32, #tpu.memory_space<hbm>> -> memref<128xi32, #tpu.memory_space<hbm>>
        %dma_start3A_32 = tpu.memref_slice %arg4[%mul3A_25] : memref<323584xi32, #tpu.memory_space<hbm>> -> memref<128xi32, #tpu.memory_space<hbm>>
        tpu.enqueue_dma source(%dma_start3A_32 : memref<128xi32, #tpu.memory_space<hbm>>) target(%arg9 : memref<128xi32, #tpu.memory_space<vmem>>) target_semaphore(%run_scoped3A : memref<!tpu.dma_semaphore, #tpu.memory_space<semaphore_mem>>)
        %dma_wait3A_33 = tpu.memref_slice %arg4[%mul3A_25] : memref<323584xi32, #tpu.memory_space<hbm>> -> memref<128xi32, #tpu.memory_space<hbm>>
        %dma_wait3A_34 = tpu.memref_slice %arg4[%mul3A_25] : memref<323584xi32, #tpu.memory_space<hbm>> -> memref<128xi32, #tpu.memory_space<hbm>>
        tpu.wait_dma2 semaphore(%run_scoped3A : memref<!tpu.dma_semaphore, #tpu.memory_space<semaphore_mem>>) src(%dma_wait3A_34 : memref<128xi32, #tpu.memory_space<hbm>>) dst(%arg9 : memref<128xi32, #tpu.memory_space<vmem>>)
        tpu.yield
      }) : () -> ()
      %dma_wait3A = arith.constant 0 : i32
      %dma_wait3A_26 = tpu.memref_slice %arg8[%scan3A_17, %dma_wait3A] : memref<79x128xi32, #tpu.memory_space<vmem>> -> memref<1x128xi32, #tpu.memory_space<vmem>>
      %dma_wait3A_27 = tpu.memref_squeeze %dma_wait3A_26 : memref<1x128xi32, #tpu.memory_space<vmem>> -> memref<128xi32, #tpu.memory_space<vmem>>
      %dma_wait3A_28 = arith.constant 0 : i32
      %dma_wait3A_29 = arith.constant 0 : i32
      %dma_wait3A_30 = tpu.memref_slice %arg2[%dma_wait3A_28, %dma_wait3A_29] : memref<10240x128xf32, #tpu.memory_space<hbm>> -> memref<10240x128xf32, #tpu.memory_space<hbm>>
      tpu.wait_indirect_dma semaphore(%arg11 : memref<!tpu.dma_semaphore, #tpu.memory_space<semaphore_mem>>) src(%dma_wait3A_30 : memref<10240x128xf32, #tpu.memory_space<hbm>>) dst(%arg10 : memref<128x128xf32, #tpu.memory_space<vmem>>)
      "tpu.region"() ({
        %run_scoped3A = tpu.sem_alloc : memref<!tpu.dma_semaphore, #tpu.memory_space<semaphore_mem>>
        %dma_start3A_31 = arith.constant 0 : i32
        %dma_start3A_32 = arith.constant 0 : i32
        %dma_start3A_33 = tpu.memref_slice %arg7[%dma_start3A_31, %dma_start3A_32] : memref<10240x128xf32, #tpu.memory_space<vmem_shared>> -> memref<10240x128xf32, #tpu.memory_space<vmem_shared>>
        tpu.enqueue_indirect_dma source(%arg10 : memref<128x128xf32, #tpu.memory_space<vmem>>) target(%dma_start3A_33 : memref<10240x128xf32, #tpu.memory_space<vmem_shared>>) offsets(%arg9 : memref<128xi32, #tpu.memory_space<vmem>>) semaphore(%run_scoped3A : memref<!tpu.dma_semaphore, #tpu.memory_space<semaphore_mem>>) {add = true}
        %dma_wait3A_34 = arith.constant 0 : i32
        %dma_wait3A_35 = arith.constant 0 : i32
        %dma_wait3A_36 = tpu.memref_slice %arg7[%dma_wait3A_34, %dma_wait3A_35] : memref<10240x128xf32, #tpu.memory_space<vmem_shared>> -> memref<10240x128xf32, #tpu.memory_space<vmem_shared>>
        tpu.wait_indirect_dma semaphore(%run_scoped3A : memref<!tpu.dma_semaphore, #tpu.memory_space<semaphore_mem>>) src(%arg10 : memref<128x128xf32, #tpu.memory_space<vmem>>) dst(%dma_wait3A_36 : memref<10240x128xf32, #tpu.memory_space<vmem_shared>>)
        tpu.yield
      }) : () -> ()
    }
    %scan3A_15 = arith.constant 79 : i32
    %barrier3A_16 = arith.constant 0 : index
    tpu.barrier barrier_id(%barrier3A_16)
    "tpu.region"() ({
      %run_scoped3A = tpu.sem_alloc : memref<!tpu.dma_semaphore, #tpu.memory_space<semaphore_mem>>
      %dma_start3A = arith.constant 0 : i32
      %dma_start3A_17 = tpu.memref_slice %arg6[%arg0, %mul3A_2, %dma_start3A] : memref<2x10240x128xf32, #tpu.memory_space<hbm>> -> memref<1x640x128xf32, #tpu.memory_space<hbm>>
      %dma_start3A_18 = tpu.memref_squeeze %dma_start3A_17 : memref<1x640x128xf32, #tpu.memory_space<hbm>> -> memref<640x128xf32, #tpu.memory_space<hbm>>
      %dma_start3A_19 = arith.constant 0 : i32
      %dma_start3A_20 = tpu.memref_slice %arg7[%mul3A_2, %dma_start3A_19] : memref<10240x128xf32, #tpu.memory_space<vmem_shared>> -> memref<640x128xf32, #tpu.memory_space<vmem_shared>>
      tpu.enqueue_dma source(%dma_start3A_20 : memref<640x128xf32, #tpu.memory_space<vmem_shared>>) target(%dma_start3A_18 : memref<640x128xf32, #tpu.memory_space<hbm>>) target_semaphore(%run_scoped3A : memref<!tpu.dma_semaphore, #tpu.memory_space<semaphore_mem>>)
      %dma_wait3A = arith.constant 0 : i32
      %dma_wait3A_21 = tpu.memref_slice %arg6[%arg0, %mul3A_2, %dma_wait3A] : memref<2x10240x128xf32, #tpu.memory_space<hbm>> -> memref<1x640x128xf32, #tpu.memory_space<hbm>>
      %dma_wait3A_22 = tpu.memref_squeeze %dma_wait3A_21 : memref<1x640x128xf32, #tpu.memory_space<hbm>> -> memref<640x128xf32, #tpu.memory_space<hbm>>
      %dma_wait3A_23 = arith.constant 0 : i32
      %dma_wait3A_24 = tpu.memref_slice %arg7[%mul3A_2, %dma_wait3A_23] : memref<10240x128xf32, #tpu.memory_space<vmem_shared>> -> memref<640x128xf32, #tpu.memory_space<vmem_shared>>
      tpu.wait_dma2 semaphore(%run_scoped3A : memref<!tpu.dma_semaphore, #tpu.memory_space<semaphore_mem>>) src(%dma_wait3A_24 : memref<640x128xf32, #tpu.memory_space<vmem_shared>>) dst(%dma_wait3A_22 : memref<640x128xf32, #tpu.memory_space<hbm>>)
      tpu.yield
    }) : () -> ()
    return
  }
}

#map = affine_map<(d0, d1) -> (0, 0)>
#map1 = affine_map<(d0, d1) -> (0, 0, 0)>
#map2 = affine_map<(d0, d1) -> (0)>
module attributes {stable_mosaic.version = 14 : i64} {
  func.func @k(%arg0: i32, %arg1: i32, %arg2: memref<10240x128xf32, #tpu.memory_space<hbm>>, %arg3: memref<32x79x128xi32, #tpu.memory_space<hbm>>, %arg4: memref<323584xi32, #tpu.memory_space<hbm>>, %arg5: memref<10240x128xf32, #tpu.memory_space<hbm>>, %arg6: memref<2x10240x128xf32, #tpu.memory_space<hbm>>, %arg7: memref<10240x128xf32, #tpu.memory_space<vmem_shared>>, %arg8: memref<79x128xi32, #tpu.memory_space<vmem>>, %arg9: memref<128xi32, #tpu.memory_space<vmem>>, %arg10: memref<128x128xf32, #tpu.memory_space<vmem>>, %arg11: memref<!tpu.dma_semaphore, #tpu.memory_space<semaphore_mem>>) attributes {dimension_semantics = [#tpu.dimension_semantics<core_parallel>, #tpu.dimension_semantics<subcore_parallel>], iteration_bounds = array<i64: 2, 16>, scalar_prefetch = 0 : i64, scratch_operands = 5 : i64, tpu.core_type = #tpu.core_type<sc_vector_subcore>, window_params = [{transform_indices = #map}, {transform_indices = #map1}, {transform_indices = #map2}, {transform_indices = #map}, {transform_indices = #map1}]} {
    %mul3A = arith.constant 16 : i32
    %mul3A_0 = arith.muli %arg0, %mul3A : i32
    %add3A = arith.addi %mul3A_0, %arg1 : i32
    %mul3A_1 = arith.constant 640 : i32
    %mul3A_2 = arith.muli %arg1, %mul3A_1 : i32
    "tpu.region"() ({
      %run_scoped3A = tpu.sem_alloc : memref<!tpu.dma_semaphore, #tpu.memory_space<semaphore_mem>>
      %dma_start3A = arith.constant 0 : i32
      %dma_start3A_17 = arith.constant 0 : i32
      %dma_start3A_18 = tpu.memref_slice %arg3[%add3A, %dma_start3A, %dma_start3A_17] : memref<32x79x128xi32, #tpu.memory_space<hbm>> -> memref<1x79x128xi32, #tpu.memory_space<hbm>>
      %dma_start3A_19 = tpu.memref_squeeze %dma_start3A_18 : memref<1x79x128xi32, #tpu.memory_space<hbm>> -> memref<79x128xi32, #tpu.memory_space<hbm>>
      %dma_start3A_20 = arith.constant 0 : i32
      %dma_start3A_21 = arith.constant 0 : i32
      %dma_start3A_22 = tpu.memref_slice %arg3[%add3A, %dma_start3A_20, %dma_start3A_21] : memref<32x79x128xi32, #tpu.memory_space<hbm>> -> memref<1x79x128xi32, #tpu.memory_space<hbm>>
      %dma_start3A_23 = tpu.memref_squeeze %dma_start3A_22 : memref<1x79x128xi32, #tpu.memory_space<hbm>> -> memref<79x128xi32, #tpu.memory_space<hbm>>
      tpu.enqueue_dma source(%dma_start3A_23 : memref<79x128xi32, #tpu.memory_space<hbm>>) target(%arg8 : memref<79x128xi32, #tpu.memory_space<vmem>>) target_semaphore(%run_scoped3A : memref<!tpu.dma_semaphore, #tpu.memory_space<semaphore_mem>>)
      %dma_wait3A = arith.constant 0 : i32
      %dma_wait3A_24 = arith.constant 0 : i32
      %dma_wait3A_25 = tpu.memref_slice %arg3[%add3A, %dma_wait3A, %dma_wait3A_24] : memref<32x79x128xi32, #tpu.memory_space<hbm>> -> memref<1x79x128xi32, #tpu.memory_space<hbm>>
      %dma_wait3A_26 = tpu.memref_squeeze %dma_wait3A_25 : memref<1x79x128xi32, #tpu.memory_space<hbm>> -> memref<79x128xi32, #tpu.memory_space<hbm>>
      %dma_wait3A_27 = arith.constant 0 : i32
      %dma_wait3A_28 = arith.constant 0 : i32
      %dma_wait3A_29 = tpu.memref_slice %arg3[%add3A, %dma_wait3A_27, %dma_wait3A_28] : memref<32x79x128xi32, #tpu.memory_space<hbm>> -> memref<1x79x128xi32, #tpu.memory_space<hbm>>
      %dma_wait3A_30 = tpu.memref_squeeze %dma_wait3A_29 : memref<1x79x128xi32, #tpu.memory_space<hbm>> -> memref<79x128xi32, #tpu.memory_space<hbm>>
      tpu.wait_dma2 semaphore(%run_scoped3A : memref<!tpu.dma_semaphore, #tpu.memory_space<semaphore_mem>>) src(%dma_wait3A_30 : memref<79x128xi32, #tpu.memory_space<hbm>>) dst(%arg8 : memref<79x128xi32, #tpu.memory_space<vmem>>)
      tpu.yield
    }) : () -> ()
    %eq3A = arith.constant 0 : i32
    %eq3A_3 = arith.cmpi eq, %arg0, %eq3A : i32
    %convert_element_type3A = arith.extui %eq3A_3 : i1 to i32
    %cond3A = arith.constant 0 : i32
    %cond3A_4 = arith.cmpi ne, %convert_element_type3A, %cond3A : i32
    scf.if %cond3A_4 {
      "tpu.region"() ({
        %run_scoped3A = tpu.sem_alloc : memref<!tpu.dma_semaphore, #tpu.memory_space<semaphore_mem>>
        %dma_start3A = arith.constant 0 : i32
        %dma_start3A_17 = tpu.memref_slice %arg7[%mul3A_2, %dma_start3A] : memref<10240x128xf32, #tpu.memory_space<vmem_shared>> -> memref<640x128xf32, #tpu.memory_space<vmem_shared>>
        %dma_start3A_18 = arith.constant 0 : i32
        %dma_start3A_19 = tpu.memref_slice %arg2[%mul3A_2, %dma_start3A_18] : memref<10240x128xf32, #tpu.memory_space<hbm>> -> memref<640x128xf32, #tpu.memory_space<hbm>>
        tpu.enqueue_dma source(%dma_start3A_19 : memref<640x128xf32, #tpu.memory_space<hbm>>) target(%dma_start3A_17 : memref<640x128xf32, #tpu.memory_space<vmem_shared>>) target_semaphore(%run_scoped3A : memref<!tpu.dma_semaphore, #tpu.memory_space<semaphore_mem>>)
        %dma_wait3A = arith.constant 0 : i32
        %dma_wait3A_20 = tpu.memref_slice %arg7[%mul3A_2, %dma_wait3A] : memref<10240x128xf32, #tpu.memory_space<vmem_shared>> -> memref<640x128xf32, #tpu.memory_space<vmem_shared>>
        %dma_wait3A_21 = arith.constant 0 : i32
        %dma_wait3A_22 = tpu.memref_slice %arg2[%mul3A_2, %dma_wait3A_21] : memref<10240x128xf32, #tpu.memory_space<hbm>> -> memref<640x128xf32, #tpu.memory_space<hbm>>
        tpu.wait_dma2 semaphore(%run_scoped3A : memref<!tpu.dma_semaphore, #tpu.memory_space<semaphore_mem>>) src(%dma_wait3A_22 : memref<640x128xf32, #tpu.memory_space<hbm>>) dst(%dma_wait3A_20 : memref<640x128xf32, #tpu.memory_space<vmem_shared>>)
        tpu.yield
      }) : () -> ()
    } else {
    }
    %ne3A = arith.constant 0 : i32
    %ne3A_5 = arith.cmpi ne, %arg0, %ne3A : i32
    %convert_element_type3A_6 = arith.extui %ne3A_5 : i1 to i32
    %cond3A_7 = arith.constant 0 : i32
    %cond3A_8 = arith.cmpi ne, %convert_element_type3A_6, %cond3A_7 : i32
    scf.if %cond3A_8 {
      "tpu.region"() ({
        %run_scoped3A = tpu.sem_alloc : memref<!tpu.dma_semaphore, #tpu.memory_space<semaphore_mem>>
        %dma_start3A = arith.constant 0 : i32
        %dma_start3A_17 = tpu.memref_slice %arg7[%mul3A_2, %dma_start3A] : memref<10240x128xf32, #tpu.memory_space<vmem_shared>> -> memref<640x128xf32, #tpu.memory_space<vmem_shared>>
        %dma_start3A_18 = arith.constant 0 : i32
        %dma_start3A_19 = tpu.memref_slice %arg5[%mul3A_2, %dma_start3A_18] : memref<10240x128xf32, #tpu.memory_space<hbm>> -> memref<640x128xf32, #tpu.memory_space<hbm>>
        tpu.enqueue_dma source(%dma_start3A_19 : memref<640x128xf32, #tpu.memory_space<hbm>>) target(%dma_start3A_17 : memref<640x128xf32, #tpu.memory_space<vmem_shared>>) target_semaphore(%run_scoped3A : memref<!tpu.dma_semaphore, #tpu.memory_space<semaphore_mem>>)
        %dma_wait3A = arith.constant 0 : i32
        %dma_wait3A_20 = tpu.memref_slice %arg7[%mul3A_2, %dma_wait3A] : memref<10240x128xf32, #tpu.memory_space<vmem_shared>> -> memref<640x128xf32, #tpu.memory_space<vmem_shared>>
        %dma_wait3A_21 = arith.constant 0 : i32
        %dma_wait3A_22 = tpu.memref_slice %arg5[%mul3A_2, %dma_wait3A_21] : memref<10240x128xf32, #tpu.memory_space<hbm>> -> memref<640x128xf32, #tpu.memory_space<hbm>>
        tpu.wait_dma2 semaphore(%run_scoped3A : memref<!tpu.dma_semaphore, #tpu.memory_space<semaphore_mem>>) src(%dma_wait3A_22 : memref<640x128xf32, #tpu.memory_space<hbm>>) dst(%dma_wait3A_20 : memref<640x128xf32, #tpu.memory_space<vmem_shared>>)
        tpu.yield
      }) : () -> ()
    } else {
    }
    %barrier3A = arith.constant 0 : index
    tpu.barrier barrier_id(%barrier3A)
    %mul3A_9 = arith.constant 79 : i32
    %mul3A_10 = arith.muli %add3A, %mul3A_9 : i32
    %scan3A = arith.constant 0 : i32
    %scan3A_11 = arith.constant 0 : i32
    %scan3A_12 = arith.constant 79 : i32
    %scan3A_13 = arith.addi %scan3A_11, %scan3A_12 : i32
    %scan3A_14 = arith.constant 1 : i32
    scf.for %scan3A_17 = %scan3A_11 to %scan3A_13 step %scan3A_14  : i32 {
      %dma_start3A = arith.constant 0 : i32
      %dma_start3A_18 = tpu.memref_slice %arg8[%scan3A_17, %dma_start3A] : memref<79x128xi32, #tpu.memory_space<vmem>> -> memref<1x128xi32, #tpu.memory_space<vmem>>
      %dma_start3A_19 = tpu.memref_squeeze %dma_start3A_18 : memref<1x128xi32, #tpu.memory_space<vmem>> -> memref<128xi32, #tpu.memory_space<vmem>>
      %dma_start3A_20 = arith.constant 0 : i32
      %dma_start3A_21 = arith.constant 0 : i32
      %dma_start3A_22 = tpu.memref_slice %arg2[%dma_start3A_20, %dma_start3A_21] : memref<10240x128xf32, #tpu.memory_space<hbm>> -> memref<10240x128xf32, #tpu.memory_space<hbm>>
      tpu.enqueue_indirect_dma source(%dma_start3A_22 : memref<10240x128xf32, #tpu.memory_space<hbm>>) target(%arg10 : memref<128x128xf32, #tpu.memory_space<vmem>>) offsets(%dma_start3A_19 : memref<128xi32, #tpu.memory_space<vmem>>) semaphore(%arg11 : memref<!tpu.dma_semaphore, #tpu.memory_space<semaphore_mem>>)
      %add3A_23 = arith.addi %mul3A_10, %scan3A_17 : i32
      %mul3A_24 = arith.constant 128 : i32
      %mul3A_25 = arith.muli %add3A_23, %mul3A_24 : i32
      "tpu.region"() ({
        %run_scoped3A = tpu.sem_alloc : memref<!tpu.dma_semaphore, #tpu.memory_space<semaphore_mem>>
        %dma_start3A_31 = tpu.memref_slice %arg4[%mul3A_25] : memref<323584xi32, #tpu.memory_space<hbm>> -> memref<128xi32, #tpu.memory_space<hbm>>
        %dma_start3A_32 = tpu.memref_slice %arg4[%mul3A_25] : memref<323584xi32, #tpu.memory_space<hbm>> -> memref<128xi32, #tpu.memory_space<hbm>>
        tpu.enqueue_dma source(%dma_start3A_32 : memref<128xi32, #tpu.memory_space<hbm>>) target(%arg9 : memref<128xi32, #tpu.memory_space<vmem>>) target_semaphore(%run_scoped3A : memref<!tpu.dma_semaphore, #tpu.memory_space<semaphore_mem>>)
        %dma_wait3A_33 = tpu.memref_slice %arg4[%mul3A_25] : memref<323584xi32, #tpu.memory_space<hbm>> -> memref<128xi32, #tpu.memory_space<hbm>>
        %dma_wait3A_34 = tpu.memref_slice %arg4[%mul3A_25] : memref<323584xi32, #tpu.memory_space<hbm>> -> memref<128xi32, #tpu.memory_space<hbm>>
        tpu.wait_dma2 semaphore(%run_scoped3A : memref<!tpu.dma_semaphore, #tpu.memory_space<semaphore_mem>>) src(%dma_wait3A_34 : memref<128xi32, #tpu.memory_space<hbm>>) dst(%arg9 : memref<128xi32, #tpu.memory_space<vmem>>)
        tpu.yield
      }) : () -> ()
      %dma_wait3A = arith.constant 0 : i32
      %dma_wait3A_26 = tpu.memref_slice %arg8[%scan3A_17, %dma_wait3A] : memref<79x128xi32, #tpu.memory_space<vmem>> -> memref<1x128xi32, #tpu.memory_space<vmem>>
      %dma_wait3A_27 = tpu.memref_squeeze %dma_wait3A_26 : memref<1x128xi32, #tpu.memory_space<vmem>> -> memref<128xi32, #tpu.memory_space<vmem>>
      %dma_wait3A_28 = arith.constant 0 : i32
      %dma_wait3A_29 = arith.constant 0 : i32
      %dma_wait3A_30 = tpu.memref_slice %arg2[%dma_wait3A_28, %dma_wait3A_29] : memref<10240x128xf32, #tpu.memory_space<hbm>> -> memref<10240x128xf32, #tpu.memory_space<hbm>>
      tpu.wait_indirect_dma semaphore(%arg11 : memref<!tpu.dma_semaphore, #tpu.memory_space<semaphore_mem>>) src(%dma_wait3A_30 : memref<10240x128xf32, #tpu.memory_space<hbm>>) dst(%arg10 : memref<128x128xf32, #tpu.memory_space<vmem>>)
      "tpu.region"() ({
        %run_scoped3A = tpu.sem_alloc : memref<!tpu.dma_semaphore, #tpu.memory_space<semaphore_mem>>
        %dma_start3A_31 = arith.constant 0 : i32
        %dma_start3A_32 = arith.constant 0 : i32
        %dma_start3A_33 = tpu.memref_slice %arg7[%dma_start3A_31, %dma_start3A_32] : memref<10240x128xf32, #tpu.memory_space<vmem_shared>> -> memref<10240x128xf32, #tpu.memory_space<vmem_shared>>
        tpu.enqueue_indirect_dma source(%arg10 : memref<128x128xf32, #tpu.memory_space<vmem>>) target(%dma_start3A_33 : memref<10240x128xf32, #tpu.memory_space<vmem_shared>>) offsets(%arg9 : memref<128xi32, #tpu.memory_space<vmem>>) semaphore(%run_scoped3A : memref<!tpu.dma_semaphore, #tpu.memory_space<semaphore_mem>>) {add = true}
        %dma_wait3A_34 = arith.constant 0 : i32
        %dma_wait3A_35 = arith.constant 0 : i32
        %dma_wait3A_36 = tpu.memref_slice %arg7[%dma_wait3A_34, %dma_wait3A_35] : memref<10240x128xf32, #tpu.memory_space<vmem_shared>> -> memref<10240x128xf32, #tpu.memory_space<vmem_shared>>
        tpu.wait_indirect_dma semaphore(%run_scoped3A : memref<!tpu.dma_semaphore, #tpu.memory_space<semaphore_mem>>) src(%arg10 : memref<128x128xf32, #tpu.memory_space<vmem>>) dst(%dma_wait3A_36 : memref<10240x128xf32, #tpu.memory_space<vmem_shared>>)
        tpu.yield
      }) : () -> ()
    }
    %scan3A_15 = arith.constant 79 : i32
    %barrier3A_16 = arith.constant 0 : index
    tpu.barrier barrier_id(%barrier3A_16)
    "tpu.region"() ({
      %run_scoped3A = tpu.sem_alloc : memref<!tpu.dma_semaphore, #tpu.memory_space<semaphore_mem>>
      %dma_start3A = arith.constant 0 : i32
      %dma_start3A_17 = tpu.memref_slice %arg6[%arg0, %mul3A_2, %dma_start3A] : memref<2x10240x128xf32, #tpu.memory_space<hbm>> -> memref<1x640x128xf32, #tpu.memory_space<hbm>>
      %dma_start3A_18 = tpu.memref_squeeze %dma_start3A_17 : memref<1x640x128xf32, #tpu.memory_space<hbm>> -> memref<640x128xf32, #tpu.memory_space<hbm>>
      %dma_start3A_19 = arith.constant 0 : i32
      %dma_start3A_20 = tpu.memref_slice %arg7[%mul3A_2, %dma_start3A_19] : memref<10240x128xf32, #tpu.memory_space<vmem_shared>> -> memref<640x128xf32, #tpu.memory_space<vmem_shared>>
      tpu.enqueue_dma source(%dma_start3A_20 : memref<640x128xf32, #tpu.memory_space<vmem_shared>>) target(%dma_start3A_18 : memref<640x128xf32, #tpu.memory_space<hbm>>) target_semaphore(%run_scoped3A : memref<!tpu.dma_semaphore, #tpu.memory_space<semaphore_mem>>)
      %dma_wait3A = arith.constant 0 : i32
      %dma_wait3A_21 = tpu.memref_slice %arg6[%arg0, %mul3A_2, %dma_wait3A] : memref<2x10240x128xf32, #tpu.memory_space<hbm>> -> memref<1x640x128xf32, #tpu.memory_space<hbm>>
      %dma_wait3A_22 = tpu.memref_squeeze %dma_wait3A_21 : memref<1x640x128xf32, #tpu.memory_space<hbm>> -> memref<640x128xf32, #tpu.memory_space<hbm>>
      %dma_wait3A_23 = arith.constant 0 : i32
      %dma_wait3A_24 = tpu.memref_slice %arg7[%mul3A_2, %dma_wait3A_23] : memref<10240x128xf32, #tpu.memory_space<vmem_shared>> -> memref<640x128xf32, #tpu.memory_space<vmem_shared>>
      tpu.wait_dma2 semaphore(%run_scoped3A : memref<!tpu.dma_semaphore, #tpu.memory_space<semaphore_mem>>) src(%dma_wait3A_24 : memref<640x128xf32, #tpu.memory_space<vmem_shared>>) dst(%dma_wait3A_22 : memref<640x128xf32, #tpu.memory_space<hbm>>)
      tpu.yield
    }) : () -> ()
    return
  }
}

#map = affine_map<(d0, d1) -> (0, 0)>
#map1 = affine_map<(d0, d1) -> (0, 0, 0)>
#map2 = affine_map<(d0, d1) -> (0)>
module attributes {stable_mosaic.version = 14 : i64} {
  func.func @k(%arg0: i32, %arg1: i32, %arg2: memref<10240x128xf32, #tpu.memory_space<hbm>>, %arg3: memref<32x79x128xi32, #tpu.memory_space<hbm>>, %arg4: memref<323584xi32, #tpu.memory_space<hbm>>, %arg5: memref<10240x128xf32, #tpu.memory_space<hbm>>, %arg6: memref<2x10240x128xf32, #tpu.memory_space<hbm>>, %arg7: memref<10240x128xf32, #tpu.memory_space<vmem_shared>>, %arg8: memref<79x128xi32, #tpu.memory_space<vmem>>, %arg9: memref<128xi32, #tpu.memory_space<vmem>>, %arg10: memref<128x128xf32, #tpu.memory_space<vmem>>, %arg11: memref<!tpu.dma_semaphore, #tpu.memory_space<semaphore_mem>>) attributes {dimension_semantics = [#tpu.dimension_semantics<core_parallel>, #tpu.dimension_semantics<subcore_parallel>], iteration_bounds = array<i64: 2, 16>, scalar_prefetch = 0 : i64, scratch_operands = 5 : i64, tpu.core_type = #tpu.core_type<sc_vector_subcore>, window_params = [{transform_indices = #map}, {transform_indices = #map1}, {transform_indices = #map2}, {transform_indices = #map}, {transform_indices = #map1}]} {
    %mul3A = arith.constant 16 : i32
    %mul3A_0 = arith.muli %arg0, %mul3A : i32
    %add3A = arith.addi %mul3A_0, %arg1 : i32
    %mul3A_1 = arith.constant 640 : i32
    %mul3A_2 = arith.muli %arg1, %mul3A_1 : i32
    "tpu.region"() ({
      %run_scoped3A = tpu.sem_alloc : memref<!tpu.dma_semaphore, #tpu.memory_space<semaphore_mem>>
      %dma_start3A = arith.constant 0 : i32
      %dma_start3A_17 = arith.constant 0 : i32
      %dma_start3A_18 = tpu.memref_slice %arg3[%add3A, %dma_start3A, %dma_start3A_17] : memref<32x79x128xi32, #tpu.memory_space<hbm>> -> memref<1x79x128xi32, #tpu.memory_space<hbm>>
      %dma_start3A_19 = tpu.memref_squeeze %dma_start3A_18 : memref<1x79x128xi32, #tpu.memory_space<hbm>> -> memref<79x128xi32, #tpu.memory_space<hbm>>
      %dma_start3A_20 = arith.constant 0 : i32
      %dma_start3A_21 = arith.constant 0 : i32
      %dma_start3A_22 = tpu.memref_slice %arg3[%add3A, %dma_start3A_20, %dma_start3A_21] : memref<32x79x128xi32, #tpu.memory_space<hbm>> -> memref<1x79x128xi32, #tpu.memory_space<hbm>>
      %dma_start3A_23 = tpu.memref_squeeze %dma_start3A_22 : memref<1x79x128xi32, #tpu.memory_space<hbm>> -> memref<79x128xi32, #tpu.memory_space<hbm>>
      tpu.enqueue_dma source(%dma_start3A_23 : memref<79x128xi32, #tpu.memory_space<hbm>>) target(%arg8 : memref<79x128xi32, #tpu.memory_space<vmem>>) target_semaphore(%run_scoped3A : memref<!tpu.dma_semaphore, #tpu.memory_space<semaphore_mem>>)
      %dma_wait3A = arith.constant 0 : i32
      %dma_wait3A_24 = arith.constant 0 : i32
      %dma_wait3A_25 = tpu.memref_slice %arg3[%add3A, %dma_wait3A, %dma_wait3A_24] : memref<32x79x128xi32, #tpu.memory_space<hbm>> -> memref<1x79x128xi32, #tpu.memory_space<hbm>>
      %dma_wait3A_26 = tpu.memref_squeeze %dma_wait3A_25 : memref<1x79x128xi32, #tpu.memory_space<hbm>> -> memref<79x128xi32, #tpu.memory_space<hbm>>
      %dma_wait3A_27 = arith.constant 0 : i32
      %dma_wait3A_28 = arith.constant 0 : i32
      %dma_wait3A_29 = tpu.memref_slice %arg3[%add3A, %dma_wait3A_27, %dma_wait3A_28] : memref<32x79x128xi32, #tpu.memory_space<hbm>> -> memref<1x79x128xi32, #tpu.memory_space<hbm>>
      %dma_wait3A_30 = tpu.memref_squeeze %dma_wait3A_29 : memref<1x79x128xi32, #tpu.memory_space<hbm>> -> memref<79x128xi32, #tpu.memory_space<hbm>>
      tpu.wait_dma2 semaphore(%run_scoped3A : memref<!tpu.dma_semaphore, #tpu.memory_space<semaphore_mem>>) src(%dma_wait3A_30 : memref<79x128xi32, #tpu.memory_space<hbm>>) dst(%arg8 : memref<79x128xi32, #tpu.memory_space<vmem>>)
      tpu.yield
    }) : () -> ()
    %eq3A = arith.constant 0 : i32
    %eq3A_3 = arith.cmpi eq, %arg0, %eq3A : i32
    %convert_element_type3A = arith.extui %eq3A_3 : i1 to i32
    %cond3A = arith.constant 0 : i32
    %cond3A_4 = arith.cmpi ne, %convert_element_type3A, %cond3A : i32
    scf.if %cond3A_4 {
      "tpu.region"() ({
        %run_scoped3A = tpu.sem_alloc : memref<!tpu.dma_semaphore, #tpu.memory_space<semaphore_mem>>
        %dma_start3A = arith.constant 0 : i32
        %dma_start3A_17 = tpu.memref_slice %arg7[%mul3A_2, %dma_start3A] : memref<10240x128xf32, #tpu.memory_space<vmem_shared>> -> memref<640x128xf32, #tpu.memory_space<vmem_shared>>
        %dma_start3A_18 = arith.constant 0 : i32
        %dma_start3A_19 = tpu.memref_slice %arg2[%mul3A_2, %dma_start3A_18] : memref<10240x128xf32, #tpu.memory_space<hbm>> -> memref<640x128xf32, #tpu.memory_space<hbm>>
        tpu.enqueue_dma source(%dma_start3A_19 : memref<640x128xf32, #tpu.memory_space<hbm>>) target(%dma_start3A_17 : memref<640x128xf32, #tpu.memory_space<vmem_shared>>) target_semaphore(%run_scoped3A : memref<!tpu.dma_semaphore, #tpu.memory_space<semaphore_mem>>)
        %dma_wait3A = arith.constant 0 : i32
        %dma_wait3A_20 = tpu.memref_slice %arg7[%mul3A_2, %dma_wait3A] : memref<10240x128xf32, #tpu.memory_space<vmem_shared>> -> memref<640x128xf32, #tpu.memory_space<vmem_shared>>
        %dma_wait3A_21 = arith.constant 0 : i32
        %dma_wait3A_22 = tpu.memref_slice %arg2[%mul3A_2, %dma_wait3A_21] : memref<10240x128xf32, #tpu.memory_space<hbm>> -> memref<640x128xf32, #tpu.memory_space<hbm>>
        tpu.wait_dma2 semaphore(%run_scoped3A : memref<!tpu.dma_semaphore, #tpu.memory_space<semaphore_mem>>) src(%dma_wait3A_22 : memref<640x128xf32, #tpu.memory_space<hbm>>) dst(%dma_wait3A_20 : memref<640x128xf32, #tpu.memory_space<vmem_shared>>)
        tpu.yield
      }) : () -> ()
    } else {
    }
    %ne3A = arith.constant 0 : i32
    %ne3A_5 = arith.cmpi ne, %arg0, %ne3A : i32
    %convert_element_type3A_6 = arith.extui %ne3A_5 : i1 to i32
    %cond3A_7 = arith.constant 0 : i32
    %cond3A_8 = arith.cmpi ne, %convert_element_type3A_6, %cond3A_7 : i32
    scf.if %cond3A_8 {
      "tpu.region"() ({
        %run_scoped3A = tpu.sem_alloc : memref<!tpu.dma_semaphore, #tpu.memory_space<semaphore_mem>>
        %dma_start3A = arith.constant 0 : i32
        %dma_start3A_17 = tpu.memref_slice %arg7[%mul3A_2, %dma_start3A] : memref<10240x128xf32, #tpu.memory_space<vmem_shared>> -> memref<640x128xf32, #tpu.memory_space<vmem_shared>>
        %dma_start3A_18 = arith.constant 0 : i32
        %dma_start3A_19 = tpu.memref_slice %arg5[%mul3A_2, %dma_start3A_18] : memref<10240x128xf32, #tpu.memory_space<hbm>> -> memref<640x128xf32, #tpu.memory_space<hbm>>
        tpu.enqueue_dma source(%dma_start3A_19 : memref<640x128xf32, #tpu.memory_space<hbm>>) target(%dma_start3A_17 : memref<640x128xf32, #tpu.memory_space<vmem_shared>>) target_semaphore(%run_scoped3A : memref<!tpu.dma_semaphore, #tpu.memory_space<semaphore_mem>>)
        %dma_wait3A = arith.constant 0 : i32
        %dma_wait3A_20 = tpu.memref_slice %arg7[%mul3A_2, %dma_wait3A] : memref<10240x128xf32, #tpu.memory_space<vmem_shared>> -> memref<640x128xf32, #tpu.memory_space<vmem_shared>>
        %dma_wait3A_21 = arith.constant 0 : i32
        %dma_wait3A_22 = tpu.memref_slice %arg5[%mul3A_2, %dma_wait3A_21] : memref<10240x128xf32, #tpu.memory_space<hbm>> -> memref<640x128xf32, #tpu.memory_space<hbm>>
        tpu.wait_dma2 semaphore(%run_scoped3A : memref<!tpu.dma_semaphore, #tpu.memory_space<semaphore_mem>>) src(%dma_wait3A_22 : memref<640x128xf32, #tpu.memory_space<hbm>>) dst(%dma_wait3A_20 : memref<640x128xf32, #tpu.memory_space<vmem_shared>>)
        tpu.yield
      }) : () -> ()
    } else {
    }
    %barrier3A = arith.constant 0 : index
    tpu.barrier barrier_id(%barrier3A)
    %mul3A_9 = arith.constant 79 : i32
    %mul3A_10 = arith.muli %add3A, %mul3A_9 : i32
    %scan3A = arith.constant 0 : i32
    %scan3A_11 = arith.constant 0 : i32
    %scan3A_12 = arith.constant 79 : i32
    %scan3A_13 = arith.addi %scan3A_11, %scan3A_12 : i32
    %scan3A_14 = arith.constant 1 : i32
    scf.for %scan3A_17 = %scan3A_11 to %scan3A_13 step %scan3A_14  : i32 {
      %dma_start3A = arith.constant 0 : i32
      %dma_start3A_18 = tpu.memref_slice %arg8[%scan3A_17, %dma_start3A] : memref<79x128xi32, #tpu.memory_space<vmem>> -> memref<1x128xi32, #tpu.memory_space<vmem>>
      %dma_start3A_19 = tpu.memref_squeeze %dma_start3A_18 : memref<1x128xi32, #tpu.memory_space<vmem>> -> memref<128xi32, #tpu.memory_space<vmem>>
      %dma_start3A_20 = arith.constant 0 : i32
      %dma_start3A_21 = arith.constant 0 : i32
      %dma_start3A_22 = tpu.memref_slice %arg2[%dma_start3A_20, %dma_start3A_21] : memref<10240x128xf32, #tpu.memory_space<hbm>> -> memref<10240x128xf32, #tpu.memory_space<hbm>>
      tpu.enqueue_indirect_dma source(%dma_start3A_22 : memref<10240x128xf32, #tpu.memory_space<hbm>>) target(%arg10 : memref<128x128xf32, #tpu.memory_space<vmem>>) offsets(%dma_start3A_19 : memref<128xi32, #tpu.memory_space<vmem>>) semaphore(%arg11 : memref<!tpu.dma_semaphore, #tpu.memory_space<semaphore_mem>>)
      %add3A_23 = arith.addi %mul3A_10, %scan3A_17 : i32
      %mul3A_24 = arith.constant 128 : i32
      %mul3A_25 = arith.muli %add3A_23, %mul3A_24 : i32
      "tpu.region"() ({
        %run_scoped3A = tpu.sem_alloc : memref<!tpu.dma_semaphore, #tpu.memory_space<semaphore_mem>>
        %dma_start3A_31 = tpu.memref_slice %arg4[%mul3A_25] : memref<323584xi32, #tpu.memory_space<hbm>> -> memref<128xi32, #tpu.memory_space<hbm>>
        %dma_start3A_32 = tpu.memref_slice %arg4[%mul3A_25] : memref<323584xi32, #tpu.memory_space<hbm>> -> memref<128xi32, #tpu.memory_space<hbm>>
        tpu.enqueue_dma source(%dma_start3A_32 : memref<128xi32, #tpu.memory_space<hbm>>) target(%arg9 : memref<128xi32, #tpu.memory_space<vmem>>) target_semaphore(%run_scoped3A : memref<!tpu.dma_semaphore, #tpu.memory_space<semaphore_mem>>)
        %dma_wait3A_33 = tpu.memref_slice %arg4[%mul3A_25] : memref<323584xi32, #tpu.memory_space<hbm>> -> memref<128xi32, #tpu.memory_space<hbm>>
        %dma_wait3A_34 = tpu.memref_slice %arg4[%mul3A_25] : memref<323584xi32, #tpu.memory_space<hbm>> -> memref<128xi32, #tpu.memory_space<hbm>>
        tpu.wait_dma2 semaphore(%run_scoped3A : memref<!tpu.dma_semaphore, #tpu.memory_space<semaphore_mem>>) src(%dma_wait3A_34 : memref<128xi32, #tpu.memory_space<hbm>>) dst(%arg9 : memref<128xi32, #tpu.memory_space<vmem>>)
        tpu.yield
      }) : () -> ()
      %dma_wait3A = arith.constant 0 : i32
      %dma_wait3A_26 = tpu.memref_slice %arg8[%scan3A_17, %dma_wait3A] : memref<79x128xi32, #tpu.memory_space<vmem>> -> memref<1x128xi32, #tpu.memory_space<vmem>>
      %dma_wait3A_27 = tpu.memref_squeeze %dma_wait3A_26 : memref<1x128xi32, #tpu.memory_space<vmem>> -> memref<128xi32, #tpu.memory_space<vmem>>
      %dma_wait3A_28 = arith.constant 0 : i32
      %dma_wait3A_29 = arith.constant 0 : i32
      %dma_wait3A_30 = tpu.memref_slice %arg2[%dma_wait3A_28, %dma_wait3A_29] : memref<10240x128xf32, #tpu.memory_space<hbm>> -> memref<10240x128xf32, #tpu.memory_space<hbm>>
      tpu.wait_indirect_dma semaphore(%arg11 : memref<!tpu.dma_semaphore, #tpu.memory_space<semaphore_mem>>) src(%dma_wait3A_30 : memref<10240x128xf32, #tpu.memory_space<hbm>>) dst(%arg10 : memref<128x128xf32, #tpu.memory_space<vmem>>)
      "tpu.region"() ({
        %run_scoped3A = tpu.sem_alloc : memref<!tpu.dma_semaphore, #tpu.memory_space<semaphore_mem>>
        %dma_start3A_31 = arith.constant 0 : i32
        %dma_start3A_32 = arith.constant 0 : i32
        %dma_start3A_33 = tpu.memref_slice %arg7[%dma_start3A_31, %dma_start3A_32] : memref<10240x128xf32, #tpu.memory_space<vmem_shared>> -> memref<10240x128xf32, #tpu.memory_space<vmem_shared>>
        tpu.enqueue_indirect_dma source(%arg10 : memref<128x128xf32, #tpu.memory_space<vmem>>) target(%dma_start3A_33 : memref<10240x128xf32, #tpu.memory_space<vmem_shared>>) offsets(%arg9 : memref<128xi32, #tpu.memory_space<vmem>>) semaphore(%run_scoped3A : memref<!tpu.dma_semaphore, #tpu.memory_space<semaphore_mem>>) {add = true}
        %dma_wait3A_34 = arith.constant 0 : i32
        %dma_wait3A_35 = arith.constant 0 : i32
        %dma_wait3A_36 = tpu.memref_slice %arg7[%dma_wait3A_34, %dma_wait3A_35] : memref<10240x128xf32, #tpu.memory_space<vmem_shared>> -> memref<10240x128xf32, #tpu.memory_space<vmem_shared>>
        tpu.wait_indirect_dma semaphore(%run_scoped3A : memref<!tpu.dma_semaphore, #tpu.memory_space<semaphore_mem>>) src(%arg10 : memref<128x128xf32, #tpu.memory_space<vmem>>) dst(%dma_wait3A_36 : memref<10240x128xf32, #tpu.memory_space<vmem_shared>>)
        tpu.yield
      }) : () -> ()
    }
    %scan3A_15 = arith.constant 79 : i32
    %barrier3A_16 = arith.constant 0 : index
    tpu.barrier barrier_id(%barrier3A_16)
    "tpu.region"() ({
      %run_scoped3A = tpu.sem_alloc : memref<!tpu.dma_semaphore, #tpu.memory_space<semaphore_mem>>
      %dma_start3A = arith.constant 0 : i32
      %dma_start3A_17 = tpu.memref_slice %arg6[%arg0, %mul3A_2, %dma_start3A] : memref<2x10240x128xf32, #tpu.memory_space<hbm>> -> memref<1x640x128xf32, #tpu.memory_space<hbm>>
      %dma_start3A_18 = tpu.memref_squeeze %dma_start3A_17 : memref<1x640x128xf32, #tpu.memory_space<hbm>> -> memref<640x128xf32, #tpu.memory_space<hbm>>
      %dma_start3A_19 = arith.constant 0 : i32
      %dma_start3A_20 = tpu.memref_slice %arg7[%mul3A_2, %dma_start3A_19] : memref<10240x128xf32, #tpu.memory_space<vmem_shared>> -> memref<640x128xf32, #tpu.memory_space<vmem_shared>>
      tpu.enqueue_dma source(%dma_start3A_20 : memref<640x128xf32, #tpu.memory_space<vmem_shared>>) target(%dma_start3A_18 : memref<640x128xf32, #tpu.memory_space<hbm>>) target_semaphore(%run_scoped3A : memref<!tpu.dma_semaphore, #tpu.memory_space<semaphore_mem>>)
      %dma_wait3A = arith.constant 0 : i32
      %dma_wait3A_21 = tpu.memref_slice %arg6[%arg0, %mul3A_2, %dma_wait3A] : memref<2x10240x128xf32, #tpu.memory_space<hbm>> -> memref<1x640x128xf32, #tpu.memory_space<hbm>>
      %dma_wait3A_22 = tpu.memref_squeeze %dma_wait3A_21 : memref<1x640x128xf32, #tpu.memory_space<hbm>> -> memref<640x128xf32, #tpu.memory_space<hbm>>
      %dma_wait3A_23 = arith.constant 0 : i32
      %dma_wait3A_24 = tpu.memref_slice %arg7[%mul3A_2, %dma_wait3A_23] : memref<10240x128xf32, #tpu.memory_space<vmem_shared>> -> memref<640x128xf32, #tpu.memory_space<vmem_shared>>
      tpu.wait_dma2 semaphore(%run_scoped3A : memref<!tpu.dma_semaphore, #tpu.memory_space<semaphore_mem>>) src(%dma_wait3A_24 : memref<640x128xf32, #tpu.memory_space<vmem_shared>>) dst(%dma_wait3A_22 : memref<640x128xf32, #tpu.memory_space<hbm>>)
      tpu.yield
    }) : () -> ()
    return
  }
}

module attributes {stable_mosaic.version = 14 : i64} {
  func.func @_prep_body(%arg0: i32, %arg1: memref<2x512x1xf32, #tpu.memory_space<vmem>>, %arg2: memref<512x1xi32, #tpu.memory_space<vmem>>, %arg3: memref<512x1xf32, #tpu.memory_space<vmem>>, %arg4: memref<16x1xf32, #tpu.memory_space<vmem>>) attributes {dimension_semantics = [#tpu.dimension_semantics<arbitrary>], iteration_bounds = array<i64: 20>, scalar_prefetch = 0 : i64, scratch_operands = 0 : i64, tpu.core_type = #tpu.core_type<tc>, window_params = [{transform_indices = @transform_0, window_bounds = array<i64: 2, 512, 1>}, {transform_indices = @transform_1, window_bounds = array<i64: 512, 1>}, {transform_indices = @transform_2, window_bounds = array<i64: 512, 1>}, {pipeline_mode = #tpu.pipeline_mode<synchronous>, transform_indices = @transform_3, window_bounds = array<i64: 16, 1>}]} {
    %get3A = arith.constant 0 : index
    %get3A_0 = arith.constant 0 : index
    %get3A_1 = arith.constant 0 : index
    %get3A_2 = vector.load %arg1[%get3A, %get3A_0, %get3A_1] : memref<2x512x1xf32, #tpu.memory_space<vmem>>, vector<1x512x1xf32>
    %get3A_3 = vector.shape_cast %get3A_2 : vector<1x512x1xf32> to vector<512x1xf32>
    %get3A_4 = arith.constant 1 : index
    %get3A_5 = arith.constant 0 : index
    %get3A_6 = arith.constant 0 : index
    %get3A_7 = vector.load %arg1[%get3A_4, %get3A_5, %get3A_6] : memref<2x512x1xf32, #tpu.memory_space<vmem>>, vector<1x512x1xf32>
    %get3A_8 = vector.shape_cast %get3A_7 : vector<1x512x1xf32> to vector<512x1xf32>
    %add3A = arith.addf %get3A_3, %get3A_8 : vector<512x1xf32>
    %add3A_9 = arith.constant 1.000000e+00 : f32
    %add3A_10 = vector.broadcast %add3A_9 : f32 to vector<512x1xf32>
    %add3A_11 = arith.addf %add3A, %add3A_10 : vector<512x1xf32>
    %rsqrt3A = math.rsqrt %add3A_11 : vector<512x1xf32>
    %swap3A = arith.constant 0 : index
    %swap3A_12 = arith.constant 0 : index
    %swap3A_13 = vector.load %arg3[%swap3A, %swap3A_12] : memref<512x1xf32, #tpu.memory_space<vmem>>, vector<512x1xf32>
    tpu.vector_store %arg3[%swap3A, %swap3A_12], %rsqrt3A {strides = array<i32>} : memref<512x1xf32, #tpu.memory_space<vmem>>, vector<512x1xf32>,
    %iota3A = tpu.iota {dimensions = array<i32: 1>} : vector<1x16xi32>
    %get3A_14 = arith.constant 0 : index
    %get3A_15 = arith.constant 0 : index
    %get3A_16 = vector.load %arg2[%get3A_14, %get3A_15] : memref<512x1xi32, #tpu.memory_space<vmem>>, vector<512x1xi32>
    %eq3A = vector.broadcast %get3A_16 : vector<512x1xi32> to vector<512x16xi32>
    %eq3A_17 = vector.broadcast %iota3A : vector<1x16xi32> to vector<512x16xi32>
    %eq3A_18 = arith.cmpi eq, %eq3A, %eq3A_17 : vector<512x16xi32>
    %convert_element_type3A = arith.extui %eq3A_18 : vector<512x16xi1> to vector<512x16xi32>
    %convert_element_type3A_19 = arith.sitofp %convert_element_type3A : vector<512x16xi32> to vector<512x16xf32>
    %broadcast_in_dim3A = arith.constant 1.000000e+00 : f32
    %broadcast_in_dim3A_20 = vector.broadcast %broadcast_in_dim3A : f32 to vector<512x1xf32>
    %dot_general3A = arith.constant dense<0.000000e+00> : vector<16x1xf32>
    %dot_general3A_21 = tpu.matmul %convert_element_type3A_19, %broadcast_in_dim3A_20, %dot_general3A {dimension_numbers = #tpu.dot_dimension_numbers<[0], [0], [1], [1], [0, 1, 1, 1], [], []>, transpose_lhs_hint = false} : vector<512x16xf32>, vector<512x1xf32>, vector<16x1xf32> -> vector<16x1xf32>
    %eq3A_22 = arith.constant 0 : i32
    %eq3A_23 = arith.cmpi eq, %arg0, %eq3A_22 : i32
    %convert_element_type3A_24 = arith.extui %eq3A_23 : i1 to i32
    %cond3A = arith.constant 0 : i32
    %cond3A_25 = arith.cmpi ne, %convert_element_type3A_24, %cond3A : i32
    scf.if %cond3A_25 {
      %swap3A_30 = arith.constant 0 : index
      %swap3A_31 = arith.constant 0 : index
      %swap3A_32 = vector.load %arg4[%swap3A_30, %swap3A_31] : memref<16x1xf32, #tpu.memory_space<vmem>>, vector<16x1xf32>
      tpu.vector_store %arg4[%swap3A_30, %swap3A_31], %dot_general3A_21 {strides = array<i32>} : memref<16x1xf32, #tpu.memory_space<vmem>>, vector<16x1xf32>,
    } else {
    }
    %ne3A = arith.constant 0 : i32
    %ne3A_26 = arith.cmpi ne, %arg0, %ne3A : i32
    %convert_element_type3A_27 = arith.extui %ne3A_26 : i1 to i32
    %cond3A_28 = arith.constant 0 : i32
    %cond3A_29 = arith.cmpi ne, %convert_element_type3A_27, %cond3A_28 : i32
    scf.if %cond3A_29 {
      %get3A_30 = arith.constant 0 : index
      %get3A_31 = arith.constant 0 : index
      %get3A_32 = vector.load %arg4[%get3A_30, %get3A_31] : memref<16x1xf32, #tpu.memory_space<vmem>>, vector<16x1xf32>
      %add3A_33 = arith.addf %get3A_32, %dot_general3A_21 : vector<16x1xf32>
      %swap3A_34 = arith.constant 0 : index
      %swap3A_35 = arith.constant 0 : index
      %swap3A_36 = vector.load %arg4[%swap3A_34, %swap3A_35] : memref<16x1xf32, #tpu.memory_space<vmem>>, vector<16x1xf32>
      tpu.vector_store %arg4[%swap3A_34, %swap3A_35], %add3A_33 {strides = array<i32>} : memref<16x1xf32, #tpu.memory_space<vmem>>, vector<16x1xf32>,
    } else {
    }
    return
  }
  func.func @transform_0(%arg0: i32) -> (i32, i32, i32) {
    %c0_i32 = arith.constant 0 : i32
    %c0_i32_0 = arith.constant 0 : i32
    %c0_i32_1 = arith.constant 0 : i32
    return %c0_i32, %arg0, %c0_i32_0 : i32, i32, i32
  }
  func.func @transform_1(%arg0: i32) -> (i32, i32) {
    %c0_i32 = arith.constant 0 : i32
    %c0_i32_0 = arith.constant 0 : i32
    return %arg0, %c0_i32 : i32, i32
  }
  func.func @transform_2(%arg0: i32) -> (i32, i32) {
    %c0_i32 = arith.constant 0 : i32
    %c0_i32_0 = arith.constant 0 : i32
    return %arg0, %c0_i32 : i32, i32
  }
  func.func @transform_3(%arg0: i32) -> (i32, i32) {
    %c0_i32 = arith.constant 0 : i32
    %c0_i32_0 = arith.constant 0 : i32
    %c0_i32_1 = arith.constant 0 : i32
    return %c0_i32, %c0_i32_0 : i32, i32
  }
}

module attributes {stable_mosaic.version = 14 : i64} {
  func.func @_head_body(%arg0: i32, %arg1: memref<512x128xf32, #tpu.memory_space<vmem>>, %arg2: memref<512x1xf32, #tpu.memory_space<vmem>>, %arg3: memref<128x128xf32, #tpu.memory_space<vmem>>, %arg4: memref<512x128xf32, #tpu.memory_space<vmem>>) attributes {dimension_semantics = [#tpu.dimension_semantics<arbitrary>], iteration_bounds = array<i64: 20>, scalar_prefetch = 0 : i64, scratch_operands = 0 : i64, tpu.core_type = #tpu.core_type<tc>, window_params = [{transform_indices = @transform_0, window_bounds = array<i64: 512, 128>}, {transform_indices = @transform_1, window_bounds = array<i64: 512, 1>}, {pipeline_mode = #tpu.pipeline_mode<synchronous>, transform_indices = @transform_2, window_bounds = array<i64: 128, 128>}, {transform_indices = @transform_3, window_bounds = array<i64: 512, 128>}]} {
    %get3A = arith.constant 0 : index
    %get3A_0 = arith.constant 0 : index
    %get3A_1 = vector.load %arg1[%get3A, %get3A_0] : memref<512x128xf32, #tpu.memory_space<vmem>>, vector<512x128xf32>
    %get3A_2 = arith.constant 0 : index
    %get3A_3 = arith.constant 0 : index
    %get3A_4 = vector.load %arg3[%get3A_2, %get3A_3] : memref<128x128xf32, #tpu.memory_space<vmem>>, vector<128x128xf32>
    %dot_general3A = arith.constant dense<0.000000e+00> : vector<512x128xf32>
    %dot_general3A_5 = tpu.matmul %get3A_1, %get3A_4, %dot_general3A {dimension_numbers = #tpu.dot_dimension_numbers<[1], [0], [0], [1], [0, 0, 1, 1], [], []>, transpose_lhs_hint = false} : vector<512x128xf32>, vector<128x128xf32>, vector<512x128xf32> -> vector<512x128xf32>
    %get3A_6 = arith.constant 0 : index
    %get3A_7 = arith.constant 0 : index
    %get3A_8 = vector.load %arg2[%get3A_6, %get3A_7] : memref<512x1xf32, #tpu.memory_space<vmem>>, vector<512x1xf32>
    %mul3A = vector.broadcast %get3A_8 : vector<512x1xf32> to vector<512x128xf32>
    %mul3A_9 = arith.mulf %dot_general3A_5, %mul3A : vector<512x128xf32>
    %swap3A = arith.constant 0 : index
    %swap3A_10 = arith.constant 0 : index
    %swap3A_11 = vector.load %arg4[%swap3A, %swap3A_10] : memref<512x128xf32, #tpu.memory_space<vmem>>, vector<512x128xf32>
    tpu.vector_store %arg4[%swap3A, %swap3A_10], %mul3A_9 {strides = array<i32>} : memref<512x128xf32, #tpu.memory_space<vmem>>, vector<512x128xf32>,
    return
  }
  func.func @transform_0(%arg0: i32) -> (i32, i32) {
    %c0_i32 = arith.constant 0 : i32
    %c0_i32_0 = arith.constant 0 : i32
    return %arg0, %c0_i32 : i32, i32
  }
  func.func @transform_1(%arg0: i32) -> (i32, i32) {
    %c0_i32 = arith.constant 0 : i32
    %c0_i32_0 = arith.constant 0 : i32
    return %arg0, %c0_i32 : i32, i32
  }
  func.func @transform_2(%arg0: i32) -> (i32, i32) {
    %c0_i32 = arith.constant 0 : i32
    %c0_i32_0 = arith.constant 0 : i32
    %c0_i32_1 = arith.constant 0 : i32
    return %c0_i32, %c0_i32_0 : i32, i32
  }
  func.func @transform_3(%arg0: i32) -> (i32, i32) {
    %c0_i32 = arith.constant 0 : i32
    %c0_i32_0 = arith.constant 0 : i32
    return %arg0, %c0_i32 : i32, i32
  }
}

module attributes {stable_mosaic.version = 14 : i64} {
  func.func @_mid_body(%arg0: i32, %arg1: memref<2x512x128xf32, #tpu.memory_space<vmem>>, %arg2: memref<512x1xf32, #tpu.memory_space<vmem>>, %arg3: memref<1x128xf32, #tpu.memory_space<vmem>>, %arg4: memref<128x128xf32, #tpu.memory_space<vmem>>, %arg5: memref<512x1xi32, #tpu.memory_space<vmem>>, %arg6: memref<512x128xf32, #tpu.memory_space<vmem>>, %arg7: memref<16x128xf32, #tpu.memory_space<vmem>>, %arg8: memref<16x128xf32, #tpu.memory_space<vmem>>) attributes {dimension_semantics = [#tpu.dimension_semantics<arbitrary>], iteration_bounds = array<i64: 20>, scalar_prefetch = 0 : i64, scratch_operands = 0 : i64, tpu.core_type = #tpu.core_type<tc>, window_params = [{transform_indices = @transform_0, window_bounds = array<i64: 2, 512, 128>}, {transform_indices = @transform_1, window_bounds = array<i64: 512, 1>}, {pipeline_mode = #tpu.pipeline_mode<synchronous>, transform_indices = @transform_2, window_bounds = array<i64: 1, 128>}, {pipeline_mode = #tpu.pipeline_mode<synchronous>, transform_indices = @transform_3, window_bounds = array<i64: 128, 128>}, {transform_indices = @transform_4, window_bounds = array<i64: 512, 1>}, {transform_indices = @transform_5, window_bounds = array<i64: 512, 128>}, {pipeline_mode = #tpu.pipeline_mode<synchronous>, transform_indices = @transform_6, window_bounds = array<i64: 16, 128>}, {pipeline_mode = #tpu.pipeline_mode<synchronous>, transform_indices = @transform_7, window_bounds = array<i64: 16, 128>}]} {
    %get3A = arith.constant 0 : index
    %get3A_0 = arith.constant 0 : index
    %get3A_1 = vector.load %arg2[%get3A, %get3A_0] : memref<512x1xf32, #tpu.memory_space<vmem>>, vector<512x1xf32>
    %get3A_2 = arith.constant 0 : index
    %get3A_3 = arith.constant 0 : index
    %get3A_4 = arith.constant 0 : index
    %get3A_5 = vector.load %arg1[%get3A_2, %get3A_3, %get3A_4] : memref<2x512x128xf32, #tpu.memory_space<vmem>>, vector<1x512x128xf32>
    %get3A_6 = vector.shape_cast %get3A_5 : vector<1x512x128xf32> to vector<512x128xf32>
    %get3A_7 = arith.constant 1 : index
    %get3A_8 = arith.constant 0 : index
    %get3A_9 = arith.constant 0 : index
    %get3A_10 = vector.load %arg1[%get3A_7, %get3A_8, %get3A_9] : memref<2x512x128xf32, #tpu.memory_space<vmem>>, vector<1x512x128xf32>
    %get3A_11 = vector.shape_cast %get3A_10 : vector<1x512x128xf32> to vector<512x128xf32>
    %add3A = arith.addf %get3A_6, %get3A_11 : vector<512x128xf32>
    %mul3A = vector.broadcast %get3A_1 : vector<512x1xf32> to vector<512x128xf32>
    %mul3A_12 = arith.mulf %add3A, %mul3A : vector<512x128xf32>
    %get3A_13 = arith.constant 0 : index
    %get3A_14 = arith.constant 0 : index
    %get3A_15 = vector.load %arg3[%get3A_13, %get3A_14] : memref<1x128xf32, #tpu.memory_space<vmem>>, vector<1x128xf32>
    %add3A_16 = vector.broadcast %get3A_15 : vector<1x128xf32> to vector<512x128xf32>
    %add3A_17 = arith.addf %mul3A_12, %add3A_16 : vector<512x128xf32>
    %max3A = arith.constant 0.000000e+00 : f32
    %max3A_18 = vector.broadcast %max3A : f32 to vector<512x128xf32>
    %max3A_19 = arith.maximumf %add3A_17, %max3A_18 : vector<512x128xf32>
    %get3A_20 = arith.constant 0 : index
    %get3A_21 = arith.constant 0 : index
    %get3A_22 = vector.load %arg4[%get3A_20, %get3A_21] : memref<128x128xf32, #tpu.memory_space<vmem>>, vector<128x128xf32>
    %dot_general3A = arith.constant dense<0.000000e+00> : vector<512x128xf32>
    %dot_general3A_23 = tpu.matmul %max3A_19, %get3A_22, %dot_general3A {dimension_numbers = #tpu.dot_dimension_numbers<[1], [0], [0], [1], [0, 0, 1, 1], [], []>, transpose_lhs_hint = false} : vector<512x128xf32>, vector<128x128xf32>, vector<512x128xf32> -> vector<512x128xf32>
    %mul3A_24 = vector.broadcast %get3A_1 : vector<512x1xf32> to vector<512x128xf32>
    %mul3A_25 = arith.mulf %dot_general3A_23, %mul3A_24 : vector<512x128xf32>
    %swap3A = arith.constant 0 : index
    %swap3A_26 = arith.constant 0 : index
    %swap3A_27 = vector.load %arg6[%swap3A, %swap3A_26] : memref<512x128xf32, #tpu.memory_space<vmem>>, vector<512x128xf32>
    tpu.vector_store %arg6[%swap3A, %swap3A_26], %mul3A_25 {strides = array<i32>} : memref<512x128xf32, #tpu.memory_space<vmem>>, vector<512x128xf32>,
    %get3A_28 = arith.constant 0 : index
    %get3A_29 = arith.constant 0 : index
    %get3A_30 = vector.load %arg5[%get3A_28, %get3A_29] : memref<512x1xi32, #tpu.memory_space<vmem>>, vector<512x1xi32>
    %iota3A = tpu.iota {dimensions = array<i32: 1>} : vector<1x16xi32>
    %eq3A = vector.broadcast %get3A_30 : vector<512x1xi32> to vector<512x16xi32>
    %eq3A_31 = vector.broadcast %iota3A : vector<1x16xi32> to vector<512x16xi32>
    %eq3A_32 = arith.cmpi eq, %eq3A, %eq3A_31 : vector<512x16xi32>
    %convert_element_type3A = arith.extui %eq3A_32 : vector<512x16xi1> to vector<512x16xi32>
    %convert_element_type3A_33 = arith.sitofp %convert_element_type3A : vector<512x16xi32> to vector<512x16xf32>
    %dot_general3A_34 = arith.constant dense<0.000000e+00> : vector<16x128xf32>
    %dot_general3A_35 = tpu.matmul %convert_element_type3A_33, %max3A_19, %dot_general3A_34 {dimension_numbers = #tpu.dot_dimension_numbers<[0], [0], [1], [1], [0, 1, 1, 1], [], []>, transpose_lhs_hint = false} : vector<512x16xf32>, vector<512x128xf32>, vector<16x128xf32> -> vector<16x128xf32>
    %broadcast_in_dim3A = vector.shape_cast %get3A_30 : vector<512x1xi32> to vector<1x512x1xi32>
    %iota3A_36 = tpu.iota {dimensions = array<i32: 0>} : vector<16x1x1xi32>
    %eq3A_37 = vector.broadcast %broadcast_in_dim3A : vector<1x512x1xi32> to vector<16x512x1xi32>
    %eq3A_38 = vector.broadcast %iota3A_36 : vector<16x1x1xi32> to vector<16x512x1xi32>
    %eq3A_39 = arith.cmpi eq, %eq3A_37, %eq3A_38 : vector<16x512x1xi32>
    %broadcast_in_dim3A_40 = vector.shape_cast %max3A_19 : vector<512x128xf32> to vector<1x512x128xf32>
    %jit3A = arith.constant 0xFF800000 : f32
    %broadcast_in_dim3A_41 = vector.shape_cast %eq3A_39 : vector<16x512x1xi1> to vector<16x512x1xi1>
    %broadcast_in_dim3A_42 = vector.broadcast %broadcast_in_dim3A_41 : vector<16x512x1xi1> to vector<16x512x128xi1>
    %broadcast_in_dim3A_43 = vector.shape_cast %broadcast_in_dim3A_40 : vector<1x512x128xf32> to vector<1x512x128xf32>
    %broadcast_in_dim3A_44 = vector.broadcast %broadcast_in_dim3A_43 : vector<1x512x128xf32> to vector<16x512x128xf32>
    %broadcast_in_dim3A_45 = vector.broadcast %jit3A : f32 to vector<16x512x128xf32>
    %select_n3A = arith.select %broadcast_in_dim3A_42, %broadcast_in_dim3A_44, %broadcast_in_dim3A_45 : vector<16x512x128xi1>, vector<16x512x128xf32>
    %reduce_max3A = arith.constant dense<0xFF800000> : vector<16x128xf32>
    %reduce_max3A_46 = vector.multi_reduction <maximumf>, %select_n3A, %reduce_max3A [1] : vector<16x512x128xf32> to vector<16x128xf32>
    %eq3A_47 = arith.constant 0 : i32
    %eq3A_48 = arith.cmpi eq, %arg0, %eq3A_47 : i32
    %convert_element_type3A_49 = arith.extui %eq3A_48 : i1 to i32
    %cond3A = arith.constant 0 : i32
    %cond3A_50 = arith.cmpi ne, %convert_element_type3A_49, %cond3A : i32
    scf.if %cond3A_50 {
      %swap3A_55 = arith.constant 0 : index
      %swap3A_56 = arith.constant 0 : index
      %swap3A_57 = vector.load %arg7[%swap3A_55, %swap3A_56] : memref<16x128xf32, #tpu.memory_space<vmem>>, vector<16x128xf32>
      tpu.vector_store %arg7[%swap3A_55, %swap3A_56], %reduce_max3A_46 {strides = array<i32>} : memref<16x128xf32, #tpu.memory_space<vmem>>, vector<16x128xf32>,
      %swap3A_58 = arith.constant 0 : index
      %swap3A_59 = arith.constant 0 : index
      %swap3A_60 = vector.load %arg8[%swap3A_58, %swap3A_59] : memref<16x128xf32, #tpu.memory_space<vmem>>, vector<16x128xf32>
      tpu.vector_store %arg8[%swap3A_58, %swap3A_59], %dot_general3A_35 {strides = array<i32>} : memref<16x128xf32, #tpu.memory_space<vmem>>, vector<16x128xf32>,
    } else {
    }
    %ne3A = arith.constant 0 : i32
    %ne3A_51 = arith.cmpi ne, %arg0, %ne3A : i32
    %convert_element_type3A_52 = arith.extui %ne3A_51 : i1 to i32
    %cond3A_53 = arith.constant 0 : i32
    %cond3A_54 = arith.cmpi ne, %convert_element_type3A_52, %cond3A_53 : i32
    scf.if %cond3A_54 {
      %get3A_55 = arith.constant 0 : index
      %get3A_56 = arith.constant 0 : index
      %get3A_57 = vector.load %arg7[%get3A_55, %get3A_56] : memref<16x128xf32, #tpu.memory_space<vmem>>, vector<16x128xf32>
      %max3A_58 = arith.maximumf %get3A_57, %reduce_max3A_46 : vector<16x128xf32>
      %swap3A_59 = arith.constant 0 : index
      %swap3A_60 = arith.constant 0 : index
      %swap3A_61 = vector.load %arg7[%swap3A_59, %swap3A_60] : memref<16x128xf32, #tpu.memory_space<vmem>>, vector<16x128xf32>
      tpu.vector_store %arg7[%swap3A_59, %swap3A_60], %max3A_58 {strides = array<i32>} : memref<16x128xf32, #tpu.memory_space<vmem>>, vector<16x128xf32>,
      %get3A_62 = arith.constant 0 : index
      %get3A_63 = arith.constant 0 : index
      %get3A_64 = vector.load %arg8[%get3A_62, %get3A_63] : memref<16x128xf32, #tpu.memory_space<vmem>>, vector<16x128xf32>
      %add3A_65 = arith.addf %get3A_64, %dot_general3A_35 : vector<16x128xf32>
      %swap3A_66 = arith.constant 0 : index
      %swap3A_67 = arith.constant 0 : index
      %swap3A_68 = vector.load %arg8[%swap3A_66, %swap3A_67] : memref<16x128xf32, #tpu.memory_space<vmem>>, vector<16x128xf32>
      tpu.vector_store %arg8[%swap3A_66, %swap3A_67], %add3A_65 {strides = array<i32>} : memref<16x128xf32, #tpu.memory_space<vmem>>, vector<16x128xf32>,
    } else {
    }
    return
  }
  func.func @transform_0(%arg0: i32) -> (i32, i32, i32) {
    %c0_i32 = arith.constant 0 : i32
    %c0_i32_0 = arith.constant 0 : i32
    %c0_i32_1 = arith.constant 0 : i32
    return %c0_i32, %arg0, %c0_i32_0 : i32, i32, i32
  }
  func.func @transform_1(%arg0: i32) -> (i32, i32) {
    %c0_i32 = arith.constant 0 : i32
    %c0_i32_0 = arith.constant 0 : i32
    return %arg0, %c0_i32 : i32, i32
  }
  func.func @transform_2(%arg0: i32) -> (i32, i32) {
    %c0_i32 = arith.constant 0 : i32
    %c0_i32_0 = arith.constant 0 : i32
    %c0_i32_1 = arith.constant 0 : i32
    return %c0_i32, %c0_i32_0 : i32, i32
  }
  func.func @transform_3(%arg0: i32) -> (i32, i32) {
    %c0_i32 = arith.constant 0 : i32
    %c0_i32_0 = arith.constant 0 : i32
    %c0_i32_1 = arith.constant 0 : i32
    return %c0_i32, %c0_i32_0 : i32, i32
  }
  func.func @transform_4(%arg0: i32) -> (i32, i32) {
    %c0_i32 = arith.constant 0 : i32
    %c0_i32_0 = arith.constant 0 : i32
    return %arg0, %c0_i32 : i32, i32
  }
  func.func @transform_5(%arg0: i32) -> (i32, i32) {
    %c0_i32 = arith.constant 0 : i32
    %c0_i32_0 = arith.constant 0 : i32
    return %arg0, %c0_i32 : i32, i32
  }
  func.func @transform_6(%arg0: i32) -> (i32, i32) {
    %c0_i32 = arith.constant 0 : i32
    %c0_i32_0 = arith.constant 0 : i32
    %c0_i32_1 = arith.constant 0 : i32
    return %c0_i32, %c0_i32_0 : i32, i32
  }
  func.func @transform_7(%arg0: i32) -> (i32, i32) {
    %c0_i32 = arith.constant 0 : i32
    %c0_i32_0 = arith.constant 0 : i32
    %c0_i32_1 = arith.constant 0 : i32
    return %c0_i32, %c0_i32_0 : i32, i32
  }
}

module attributes {stable_mosaic.version = 14 : i64} {
  func.func @_tail_body(%arg0: i32, %arg1: memref<2x512x128xf32, #tpu.memory_space<vmem>>, %arg2: memref<512x1xf32, #tpu.memory_space<vmem>>, %arg3: memref<1x128xf32, #tpu.memory_space<vmem>>, %arg4: memref<512x1xi32, #tpu.memory_space<vmem>>, %arg5: memref<16x128xf32, #tpu.memory_space<vmem>>, %arg6: memref<16x128xf32, #tpu.memory_space<vmem>>) attributes {dimension_semantics = [#tpu.dimension_semantics<arbitrary>], iteration_bounds = array<i64: 20>, scalar_prefetch = 0 : i64, scratch_operands = 0 : i64, tpu.core_type = #tpu.core_type<tc>, window_params = [{transform_indices = @transform_0, window_bounds = array<i64: 2, 512, 128>}, {transform_indices = @transform_1, window_bounds = array<i64: 512, 1>}, {pipeline_mode = #tpu.pipeline_mode<synchronous>, transform_indices = @transform_2, window_bounds = array<i64: 1, 128>}, {transform_indices = @transform_3, window_bounds = array<i64: 512, 1>}, {pipeline_mode = #tpu.pipeline_mode<synchronous>, transform_indices = @transform_4, window_bounds = array<i64: 16, 128>}, {pipeline_mode = #tpu.pipeline_mode<synchronous>, transform_indices = @transform_5, window_bounds = array<i64: 16, 128>}]} {
    %get3A = arith.constant 0 : index
    %get3A_0 = arith.constant 0 : index
    %get3A_1 = arith.constant 0 : index
    %get3A_2 = vector.load %arg1[%get3A, %get3A_0, %get3A_1] : memref<2x512x128xf32, #tpu.memory_space<vmem>>, vector<1x512x128xf32>
    %get3A_3 = vector.shape_cast %get3A_2 : vector<1x512x128xf32> to vector<512x128xf32>
    %get3A_4 = arith.constant 1 : index
    %get3A_5 = arith.constant 0 : index
    %get3A_6 = arith.constant 0 : index
    %get3A_7 = vector.load %arg1[%get3A_4, %get3A_5, %get3A_6] : memref<2x512x128xf32, #tpu.memory_space<vmem>>, vector<1x512x128xf32>
    %get3A_8 = vector.shape_cast %get3A_7 : vector<1x512x128xf32> to vector<512x128xf32>
    %add3A = arith.addf %get3A_3, %get3A_8 : vector<512x128xf32>
    %get3A_9 = arith.constant 0 : index
    %get3A_10 = arith.constant 0 : index
    %get3A_11 = vector.load %arg2[%get3A_9, %get3A_10] : memref<512x1xf32, #tpu.memory_space<vmem>>, vector<512x1xf32>
    %mul3A = vector.broadcast %get3A_11 : vector<512x1xf32> to vector<512x128xf32>
    %mul3A_12 = arith.mulf %add3A, %mul3A : vector<512x128xf32>
    %get3A_13 = arith.constant 0 : index
    %get3A_14 = arith.constant 0 : index
    %get3A_15 = vector.load %arg3[%get3A_13, %get3A_14] : memref<1x128xf32, #tpu.memory_space<vmem>>, vector<1x128xf32>
    %add3A_16 = vector.broadcast %get3A_15 : vector<1x128xf32> to vector<512x128xf32>
    %add3A_17 = arith.addf %mul3A_12, %add3A_16 : vector<512x128xf32>
    %max3A = arith.constant 0.000000e+00 : f32
    %max3A_18 = vector.broadcast %max3A : f32 to vector<512x128xf32>
    %max3A_19 = arith.maximumf %add3A_17, %max3A_18 : vector<512x128xf32>
    %get3A_20 = arith.constant 0 : index
    %get3A_21 = arith.constant 0 : index
    %get3A_22 = vector.load %arg4[%get3A_20, %get3A_21] : memref<512x1xi32, #tpu.memory_space<vmem>>, vector<512x1xi32>
    %iota3A = tpu.iota {dimensions = array<i32: 1>} : vector<1x16xi32>
    %eq3A = vector.broadcast %get3A_22 : vector<512x1xi32> to vector<512x16xi32>
    %eq3A_23 = vector.broadcast %iota3A : vector<1x16xi32> to vector<512x16xi32>
    %eq3A_24 = arith.cmpi eq, %eq3A, %eq3A_23 : vector<512x16xi32>
    %convert_element_type3A = arith.extui %eq3A_24 : vector<512x16xi1> to vector<512x16xi32>
    %convert_element_type3A_25 = arith.sitofp %convert_element_type3A : vector<512x16xi32> to vector<512x16xf32>
    %dot_general3A = arith.constant dense<0.000000e+00> : vector<16x128xf32>
    %dot_general3A_26 = tpu.matmul %convert_element_type3A_25, %max3A_19, %dot_general3A {dimension_numbers = #tpu.dot_dimension_numbers<[0], [0], [1], [1], [0, 1, 1, 1], [], []>, transpose_lhs_hint = false} : vector<512x16xf32>, vector<512x128xf32>, vector<16x128xf32> -> vector<16x128xf32>
    %broadcast_in_dim3A = vector.shape_cast %get3A_22 : vector<512x1xi32> to vector<1x512x1xi32>
    %iota3A_27 = tpu.iota {dimensions = array<i32: 0>} : vector<16x1x1xi32>
    %eq3A_28 = vector.broadcast %broadcast_in_dim3A : vector<1x512x1xi32> to vector<16x512x1xi32>
    %eq3A_29 = vector.broadcast %iota3A_27 : vector<16x1x1xi32> to vector<16x512x1xi32>
    %eq3A_30 = arith.cmpi eq, %eq3A_28, %eq3A_29 : vector<16x512x1xi32>
    %broadcast_in_dim3A_31 = vector.shape_cast %max3A_19 : vector<512x128xf32> to vector<1x512x128xf32>
    %jit3A = arith.constant 0xFF800000 : f32
    %broadcast_in_dim3A_32 = vector.shape_cast %eq3A_30 : vector<16x512x1xi1> to vector<16x512x1xi1>
    %broadcast_in_dim3A_33 = vector.broadcast %broadcast_in_dim3A_32 : vector<16x512x1xi1> to vector<16x512x128xi1>
    %broadcast_in_dim3A_34 = vector.shape_cast %broadcast_in_dim3A_31 : vector<1x512x128xf32> to vector<1x512x128xf32>
    %broadcast_in_dim3A_35 = vector.broadcast %broadcast_in_dim3A_34 : vector<1x512x128xf32> to vector<16x512x128xf32>
    %broadcast_in_dim3A_36 = vector.broadcast %jit3A : f32 to vector<16x512x128xf32>
    %select_n3A = arith.select %broadcast_in_dim3A_33, %broadcast_in_dim3A_35, %broadcast_in_dim3A_36 : vector<16x512x128xi1>, vector<16x512x128xf32>
    %reduce_max3A = arith.constant dense<0xFF800000> : vector<16x128xf32>
    %reduce_max3A_37 = vector.multi_reduction <maximumf>, %select_n3A, %reduce_max3A [1] : vector<16x512x128xf32> to vector<16x128xf32>
    %eq3A_38 = arith.constant 0 : i32
    %eq3A_39 = arith.cmpi eq, %arg0, %eq3A_38 : i32
    %convert_element_type3A_40 = arith.extui %eq3A_39 : i1 to i32
    %cond3A = arith.constant 0 : i32
    %cond3A_41 = arith.cmpi ne, %convert_element_type3A_40, %cond3A : i32
    scf.if %cond3A_41 {
      %swap3A = arith.constant 0 : index
      %swap3A_46 = arith.constant 0 : index
      %swap3A_47 = vector.load %arg5[%swap3A, %swap3A_46] : memref<16x128xf32, #tpu.memory_space<vmem>>, vector<16x128xf32>
      tpu.vector_store %arg5[%swap3A, %swap3A_46], %reduce_max3A_37 {strides = array<i32>} : memref<16x128xf32, #tpu.memory_space<vmem>>, vector<16x128xf32>,
      %swap3A_48 = arith.constant 0 : index
      %swap3A_49 = arith.constant 0 : index
      %swap3A_50 = vector.load %arg6[%swap3A_48, %swap3A_49] : memref<16x128xf32, #tpu.memory_space<vmem>>, vector<16x128xf32>
      tpu.vector_store %arg6[%swap3A_48, %swap3A_49], %dot_general3A_26 {strides = array<i32>} : memref<16x128xf32, #tpu.memory_space<vmem>>, vector<16x128xf32>,
    } else {
    }
    %ne3A = arith.constant 0 : i32
    %ne3A_42 = arith.cmpi ne, %arg0, %ne3A : i32
    %convert_element_type3A_43 = arith.extui %ne3A_42 : i1 to i32
    %cond3A_44 = arith.constant 0 : i32
    %cond3A_45 = arith.cmpi ne, %convert_element_type3A_43, %cond3A_44 : i32
    scf.if %cond3A_45 {
      %get3A_46 = arith.constant 0 : index
      %get3A_47 = arith.constant 0 : index
      %get3A_48 = vector.load %arg5[%get3A_46, %get3A_47] : memref<16x128xf32, #tpu.memory_space<vmem>>, vector<16x128xf32>
      %max3A_49 = arith.maximumf %get3A_48, %reduce_max3A_37 : vector<16x128xf32>
      %swap3A = arith.constant 0 : index
      %swap3A_50 = arith.constant 0 : index
      %swap3A_51 = vector.load %arg5[%swap3A, %swap3A_50] : memref<16x128xf32, #tpu.memory_space<vmem>>, vector<16x128xf32>
      tpu.vector_store %arg5[%swap3A, %swap3A_50], %max3A_49 {strides = array<i32>} : memref<16x128xf32, #tpu.memory_space<vmem>>, vector<16x128xf32>,
      %get3A_52 = arith.constant 0 : index
      %get3A_53 = arith.constant 0 : index
      %get3A_54 = vector.load %arg6[%get3A_52, %get3A_53] : memref<16x128xf32, #tpu.memory_space<vmem>>, vector<16x128xf32>
      %add3A_55 = arith.addf %get3A_54, %dot_general3A_26 : vector<16x128xf32>
      %swap3A_56 = arith.constant 0 : index
      %swap3A_57 = arith.constant 0 : index
      %swap3A_58 = vector.load %arg6[%swap3A_56, %swap3A_57] : memref<16x128xf32, #tpu.memory_space<vmem>>, vector<16x128xf32>
      tpu.vector_store %arg6[%swap3A_56, %swap3A_57], %add3A_55 {strides = array<i32>} : memref<16x128xf32, #tpu.memory_space<vmem>>, vector<16x128xf32>,
    } else {
    }
    return
  }
  func.func @transform_0(%arg0: i32) -> (i32, i32, i32) {
    %c0_i32 = arith.constant 0 : i32
    %c0_i32_0 = arith.constant 0 : i32
    %c0_i32_1 = arith.constant 0 : i32
    return %c0_i32, %arg0, %c0_i32_0 : i32, i32, i32
  }
  func.func @transform_1(%arg0: i32) -> (i32, i32) {
    %c0_i32 = arith.constant 0 : i32
    %c0_i32_0 = arith.constant 0 : i32
    return %arg0, %c0_i32 : i32, i32
  }
  func.func @transform_2(%arg0: i32) -> (i32, i32) {
    %c0_i32 = arith.constant 0 : i32
    %c0_i32_0 = arith.constant 0 : i32
    %c0_i32_1 = arith.constant 0 : i32
    return %c0_i32, %c0_i32_0 : i32, i32
  }
  func.func @transform_3(%arg0: i32) -> (i32, i32) {
    %c0_i32 = arith.constant 0 : i32
    %c0_i32_0 = arith.constant 0 : i32
    return %arg0, %c0_i32 : i32, i32
  }
  func.func @transform_4(%arg0: i32) -> (i32, i32) {
    %c0_i32 = arith.constant 0 : i32
    %c0_i32_0 = arith.constant 0 : i32
    %c0_i32_1 = arith.constant 0 : i32
    return %c0_i32, %c0_i32_0 : i32, i32
  }
  func.func @transform_5(%arg0: i32) -> (i32, i32) {
    %c0_i32 = arith.constant 0 : i32
    %c0_i32_0 = arith.constant 0 : i32
    %c0_i32_1 = arith.constant 0 : i32
    return %c0_i32, %c0_i32_0 : i32, i32
  }
}

</mosaic_0001>

<sc_bundles>
// kernel: kernel.32.cloned.1.call-start
scs
__scs_entry_jumppad:
0x0: {  	(pc) =	sbr.rel $0x88, $3  }
0x1: {  	(tag) =	ssettag $0x0;
	lr =	simm.s32 $0x1  }
0x2: {  	[smem:$0x3F98] =	sst lr;
	_ =	strace $0xD0000000  }
0x3: {  	_ = 	snop  }
0x4: {  	_ = 	snop  }
0x5: {  	_ = 	snop  }
0x6: {  	_ = 	snop  }
0x7: {  	_ = 	snop  }
__scs_overlays_trampoline_lowered:
0x8: {  	[smem:$0x3FA7] =	sst s0  }
0x9: {  	[smem:$0x3FA8] =	sst s1  }
0xa: {  	[smem:$0x3FA9] =	sst s2  }
0xb: {  	[smem:$0x3FAA] =	sst s3  }
0xc: {  	[smem:$0x3FAB] =	sst s4  }
0xd: {  	[smem:$0x3FAC] =	sst s5  }
0xe: {  	[smem:$0x3FAD] =	sst s6  }
0xf: {  	[smem:$0x3FAE] =	sst s7  }
0x10: {  	[smem:$0x3FAF] =	sst s8  }
0x11: {  	[smem:$0x3FB0] =	sst s9;
	s0 =	simm.s32 @!p0 $0x0  }
0x12: {  	s1 =	sld [smem:$0x3F96];
	s0 =	simm.s32 @p0 $0x1  }
0x13: {  	[smem:$0x3FB1] =	sst s0;
	s0 =	simm.s32 @!p1 $0x0  }
0x14: {  	s2 =	sld [smem:$0x3F95];
	s0 =	simm.s32 @p1 $0x1  }
0x15: {  	[smem:$0x3FB2] =	sst s0;
	s0 =	simm.s32 @!p2 $0x0  }
0x16: {  	s3 =	sld [smem:$0x3FDB];
	s0 =	simm.s32 @p2 $0x1  }
0x17: {  	s4 =	simm.s32 $0x1BF5;
	[smem:$0x3FB4] =	sst s0  }
0x18: {  	s0 =	sld [smem:$0x3F97];
	_ =	swait.ge [sflag:s4], $0x0  }
0x19: {  	s7 =	sld [smem:$0x3F98]  }
0x1a: {  	s8 =	sadd.s32 $0xFFFFE003, lr  }
0x1b: {  	s9 =	sadd.s32 $0xFFFFFEF7, lr;
	s5 =	simm.s32 $0xFFFFFFFF;
	p2 =	slt.u32 s8, $0xFFFFF086  }
0x1c: {  	p1 =	slt.u32 s9, $0xF7A;
	s5 =	simm.s32 @!p2 $0x0  }
0x1d: {  	s5 =	simm.s32 @p1 $0x1;
	p0 =	seq.s32 s7, s2  }
0x1e: {  	s7 =	smul.u32 @!p0 $0xF7A, s2;
	p2 =	seq.s32 @!p0 s5, $0x0  }
0x1f: {  	s9 =	smul.u32 $0xF7A, s1;
	s8 =	simm.s32 @!p0 $0x1BF5;
	p2 =	por !p2, p0  }
0x20: {  	[sflag:s8] =	ssyncset.s32 @!p0 $0xFFFFF086;
	s6 =	sadd.s32 @!p0 s3, s7;
	s7 =	simm.s32 @!p0 $0x108  }
0x21: {  	s3 =	sadd.s32 s3, s9;
	s6 =	sadd.s32 @!p0 $0x88, s6;
	s7 =	simm.s32 @p2 $0x1082  }
0x22: {  	[simem:s7], [sflag:s8] =	dma.local @!p0 [hbm:s6], $0xF7A  }
0x23: {  	s9 =	sor.u32 $0xD0000000, s2;
	s6 =	simm.s32 $0x108;
	_ =	swait.ge @!p0 [sflag:s8], $0x0  }
0x24: {  	s3 =	sadd.s32 $0x88, s3;
	s6 =	simm.s32 @!p1 $0x1082;
	[sflag:s4] =	ssyncset.s32 $0xFFFFF086  }
0x25: {  	[simem:s6], [sflag:s4] =	dma.local [hbm:s3], $0xF7A  }
0x26: {  	[smem:$0x3F98] =	sst s1;
	(tag) =	ssettag s2;
	_ =	strace s9  }
0x27: {  	s1 =	sld [smem:$0x3FA8]  }
0x28: {  	s2 =	sld [smem:$0x3FA9]  }
0x29: {  	s4 =	sld [smem:$0x3FAB]  }
0x2a: {  	p0 =	seq.s32 s5, $0x0;
	s5 =	sld [smem:$0x3FAC]  }
0x2b: {  	s6 =	sld [smem:$0x3FAD]  }
0x2c: {  	s7 =	sld [smem:$0x3FAE]  }
0x2d: {  	s3 =	simm.s32 $0x108;
	s8 =	sld [smem:$0x3FAF]  }
0x2e: {  	s3 =	simm.s32 @!p0 $0x1082;
	s9 =	sld [smem:$0x3FB0]  }
0x2f: {  	lr =	sadd.s32 s0, s3;
	s0 =	sld [smem:$0x3FA7]  }
0x30: {  	s3 =	sld [smem:$0x3FAA]  }
0x31: {  	[smem:$0x3FB3] =	sst s10  }
0x32: {  	s10 =	sld [smem:$0x3FB1];
	_ =	sdelay $0x3  }
0x33: {  	p0 =	seq.s32 s10, $0x1;
	s10 =	sld [smem:$0x3FB3];
	_ =	sdelay $0x3  }
0x34: {  	[smem:$0x3FB3] =	sst s10  }
0x35: {  	s10 =	sld [smem:$0x3FB2];
	_ =	sdelay $0x3  }
0x36: {  	p1 =	seq.s32 s10, $0x1;
	s10 =	sld [smem:$0x3FB3];
	_ =	sdelay $0x3  }
0x37: {  	[smem:$0x3FB3] =	sst s10  }
0x38: {  	s10 =	sld [smem:$0x3FB4]  }
0x39: {  	_ = 	snop;
	(pc) =	sbr.ind lr, $3  }
0x3a: {  	_ = 	snop  }
0x3b: {  	_ = 	snop  }
0x3c: {  	p2 =	seq.s32 s10, $0x1;
	s10 =	sld [smem:$0x3FB3]  }
0x3d: {  	_ =	shalt  }
0x3e: {  	_ =	shalt  }
0x3f: {  	_ =	shalt  }
0x40: {  	_ =	shalt  }
0x41: {  	_ =	shalt  }
0x42: {  	_ =	shalt  }
0x43: {  	_ =	shalt  }
0x44: {  	_ =	shalt  }
0x45: {  	_ =	shalt  }
0x46: {  	_ =	shalt  }
0x47: {  	_ =	shalt  }
0x48: {  	_ =	shalt  }
0x49: {  	_ =	shalt  }
0x4a: {  	_ =	shalt  }
0x4b: {  	_ =	shalt  }
0x4c: {  	_ =	shalt  }
0x4d: {  	_ =	shalt  }
0x4e: {  	_ =	shalt  }
0x4f: {  	_ =	shalt  }
0x50: {  	_ =	shalt  }
0x51: {  	_ =	shalt  }
0x52: {  	_ =	shalt  }
0x53: {  	_ =	shalt  }
0x54: {  	_ =	shalt  }
0x55: {  	_ =	shalt  }
0x56: {  	_ =	shalt  }
0x57: {  	_ =	shalt  }
0x58: {  	_ =	shalt  }
0x59: {  	_ =	shalt  }
0x5a: {  	_ =	shalt  }
0x5b: {  	_ =	shalt  }
0x5c: {  	_ =	shalt  }
0x5d: {  	_ =	shalt  }
0x5e: {  	_ =	shalt  }
0x5f: {  	_ =	shalt  }
0x60: {  	_ =	shalt  }
0x61: {  	_ =	shalt  }
0x62: {  	_ =	shalt  }
0x63: {  	_ =	shalt  }
0x64: {  	_ =	shalt  }
0x65: {  	_ =	shalt  }
0x66: {  	_ =	shalt  }
0x67: {  	_ =	shalt  }
0x68: {  	_ =	shalt  }
0x69: {  	_ =	shalt  }
0x6a: {  	_ =	shalt  }
0x6b: {  	_ =	shalt  }
0x6c: {  	_ =	shalt  }
0x6d: {  	_ =	shalt  }
0x6e: {  	_ =	shalt  }
0x6f: {  	_ =	shalt  }
0x70: {  	_ =	shalt  }
0x71: {  	_ =	shalt  }
0x72: {  	_ =	shalt  }
0x73: {  	_ =	shalt  }
0x74: {  	_ =	shalt  }
0x75: {  	_ =	shalt  }
0x76: {  	_ =	shalt  }
0x77: {  	_ =	shalt  }
0x78: {  	_ =	shalt  }
0x79: {  	_ =	shalt  }
0x7a: {  	_ =	shalt  }
0x7b: {  	_ =	shalt  }
0x7c: {  	_ =	shalt  }
0x7d: {  	_ =	shalt  }
0x7e: {  	_ =	shalt  }
0x7f: {  	_ =	shalt  }
0x80: {  	_ =	shalt  }
0x81: {  	_ =	shalt  }
0x82: {  	_ =	shalt  }
0x83: {  	_ =	shalt  }
0x84: {  	_ =	shalt  }
0x85: {  	_ =	shalt  }
0x86: {  	_ =	shalt  }
0x87: {  	_ =	shalt  }
.Lfunc_end0:
.L_simem_size_0:
called_computation_lowered:
.L_overlay_start_0:
0x88: {  	s2 =	sld [smem:$0x3FD9]  }
0x89: {  	s3 =	sld [smem:$0x3FFE];
	_ =	sdelay $0x1  }
0x8a: {  	s1 =	srdreg.scid  }
0x8b: {  	s0 =	sand.u32 $0x1, s1  }
0x8c: {  	s17 =	sshll.u32 s0, $0xA;
	s2 =	sadd.s32 s3, s2  }
0x8d: {  	s2 =	sadd.s32 s2, s17  }
0x8e: {  	[smem:$0x3FBF] =	sst s2  }
0x8f: {  	_ = 	snop  }
0x90: {  	s2 =	sld [smem:$0x3FD0];
	(tm) =	ssettm $0x1  }
0x91: {  	s18 =	sld [smem:$0x3FFB];
	_ =	sdelay $0x3  }
0x92: {  	_ =	strace s18  }
0x93: {  	s3 =	sld [smem:$0x3FFC];
	_ =	sdelay $0x3  }
0x94: {  	_ =	strace s3  }
0x95: {  	s3 =	sld [smem:$0x3FFD];
	_ =	sdelay $0x3  }
0x96: {  	_ =	strace s3  }
0x97: {  	_ =	strace $0x8FFFFFFF  }
0x98: {  	s19 =	sld [smem:$0x3FDB];
	_ =	sdelay $0x1  }
0x99: {  	s4 =	simm.s32 $_scs_section_size  }
0x9a: {  	s5 =	simm.s32 $_size__tile_overlayer_lowered;
	s6 =	simm.s32 $_tile_overlayer_lowered  }
0x9b: {  	s22 =	simm.s32 $0x1BFF;
	s21 =	sshll.u32 s6, $0x1;
	s3 =	sadd.s32 s4, s19  }
0x9c: {  	s7 =	simm.s32 $0x0;
	s20 =	sshll.u32 s5, $0x1;
	s5 =	sadd.s32 s21, s3  }
0x9d: {  	[timem:s7], [sflag:s22] =	dma.local [hbm:s5], s20  }
0x9e: {  	_ =	swait.ge [sflag:s22], s20  }
0x9f: {  	s4 =	ssub.s32 $0x0, s20;
	[sflag:s22] =	ssyncset.done $0x0  }
0xa0: {  	[sflag:s22] =	ssyncadd.s32 s4;
	_ =	sdelay $0x1  }
0xa1: {  	s23 =	simm.s32 $0x1B8B  }
0xa2: {  	_ =	swait.ge [sflag:s23], $0x1  }
0xa3: {  	[sflag:s23] =	ssyncset.done $0x0  }
0xa4: {  	s25 =	simm.s32 $0x1B8E;
	s24 =	sld [smem:$0x3FFE];
	[sflag:s23] =	ssyncadd.s32 $0xFFFFFFFF  }
0xa5: {  	s26 =	simm.s32 $execute0_lowered;
	[smem:$0x3FD2] =	sst s25  }
0xa6: {  	s5 =	sshll.u32 s26, $0x1;
	_ =	strace $0x80000046;
	[dreg:$0x1] =	wrdreg $0xFFFFFFFF  }
0xa7: {  	s28 =	simm.s32 $_size_execute0_lowered;
	s3 =	sadd.s32 s3, s5;
	[dreg:$0x0] =	wrdreg $0x0  }
0xa8: {  	s5 =	sshll.u32 s28, $0x1;
	[dreg:$0x2] =	wrdreg s3  }
0xa9: {  	[dreg:$0x3] =	wrdreg s5  }
0xaa: {  	[dreg:$0x4] =	wrdreg $0xC0  }
0xab: {  	_ =	task [dreg:s7], $0x5FFFF  }
0xac: {  	[dreg:$0x1] =	wrdreg $0xFFFFFFFF  }
0xad: {  	[dreg:$0x0] =	wrdreg $0x60  }
0xae: {  	[dreg:$0x2] =	wrdreg s24  }
0xaf: {  	[dreg:$0x3] =	wrdreg s2  }
0xb0: {  	[dreg:$0x4] =	wrdreg $0x0  }
0xb1: {  	[dreg:$0x5] =	wrdreg $0x9  }
0xb2: {  	_ =	task.clear_ibuf [dreg:s7], $0x6FFFF;
	_ =	strace $0x90000046  }
0xb3: {  	s29 =	simm.s32 $0x9;
	_ =	strace $0x80000048  }
0xb4: {  	_ =	swait.ge [sflag:s29], $0x1  }
0xb5: {  	[sflag:s29] =	ssyncadd.s32 $0xFFFFFFFF  }
0xb6: {  	_ =	strace $0x90000048  }
0xb7: {  	_ =	sfence  }
0xb8: {  	s30 =	sld [smem:$0x0];
	_ =	sdelay $0x2  }
0xb9: {  	s31 =	sshll.u32 s1, $0xD;
	s1 =	sshrl.u32 s1, $0x2  }
0xba: {  	s3 =	sand.u32 $0x4000, s31;
	s1 =	sadd.s32 s1, s30  }
0xbb: {  	s0 =	sor.u32 s3, s0;
	s1 =	sshll.u32 s1, $0x11  }
0xbc: {  	s0 =	sor.u32 s1, s0  }
0xbd: {  	s0 =	sadd.s32 $0x8F2B, s0  }
0xbe: {  	[sflag:s0] =	ssyncadd.remote.s32 $0x1  }
0xbf: {  	_ =	sfence.sel $0xFFFF  }
0xc0: {  	[dreg:$0x0] =	wrdreg $0xFFFFFFFF;
	(pc) =	sbr.abs _section_cstart, $3  }
0xc1: {  	[dreg:$0x1] =	wrdreg $0xFFFFFFFF  }
0xc2: {  	_ =	task.clear_ibuf [dreg:s7], $0x2FFFF;
	_ =	strace $0x9FFFFFFF  }
0xc3: {  	(tm) =	ssettm $0x7FFFFFFF  }
tec
execute0_lowered:
.L_overlay_start_1:
0x0: {  	(tag) =	ssettag $0x1  }
0x1: {  	s5 =	rddreg [dreg:$0x0]  }
0x2: {  	s6 =	rddreg [dreg:$0x1]  }
0x3: {  	s1 =	rddreg [dreg:$0x2];
	s2 =	srdreg.scid  }
0x4: {  	s0 =	rddreg [dreg:$0x3];
	s3 =	simm.s32 $0x0;
	s13 =	simm.s32 $0x280  }
0x5: {  	s14 =	simm.s32 $0x80;
	s15 =	simm.s32 $0x20;
	s4 =	sand.u32 $0x1, s2  }
0x6: {  	s16 =	simm.s32 $0x10;
	s2 =	stileid.u32;
	s7 =	smul.u32 $0x4F00, s4  }
0x7: {  	s17 =	simm.s32 $0x0;
	[smem:$0x7FF] =	sst s3;
	s8 =	smul.u32 $0x500, s2  }
0x8: {  	_ =	strace $0x80000047;
	s9 =	sshll.u32 s4, $0x7;
	s26 =	ssub.s32 $0x2, s4  }
0x9: {  	s11 =	smul.u32 $0x280, s2;
	s4 =	sadd.s32 $0x14C00, s5;
	s30 =	sshll.u32 s2, $0x6  }
0xa: {  	s12 =	smul.u32 $0x4F0, s2;
	s28 =	sshrl.u32 s26, $0x1;
	s10 =	sadd.s32 s7, s5  }
0xb: {  	s25 =	sor.u32 s9, s8;
	s8 =	ssub.s32 s26, s28;
	s29 =	sshrl.u32 s11, $0x3  }
0xc: {  	s11 =	sadd.s32 s11, s1;
	s7 =	sshrl.u32 s25, $0x3;
	s8 =	smax.u32 s8, $0x1  }
0xd: {  	s31 =	sadd.s32 s12, s10;
	s10 =	sshrl.u32 s11, $0x3;
	s11 =	simm.s32 $0x1  }
0xe: {  	s12 =	simm.s32 $0x300;
	s7 =	sadd.s32 s7, s5;
	s5 =	sadd.s32 s6, s29  }
0xf: {  	s6 =	sor.u32 $0x1C01, s30;
	s9 =	sadd.s32 $0xAE00, s31;
	s7 =	sadd.s32 $0x14E00, s7  }
.LBB2_1:
0x10: {  	[spmem:s10], [sflag:s6] =	dma.local [hbm:s5], $0x50  }
0x11: {  	_ =	swait.ge [sflag:s11], $0x50  }
0x12: {  	[sflag:s11] =	ssyncset.done $0x0  }
0x13: {  	[sflag:s11] =	ssyncadd.s32 $0xFFFFFFB0  }
0x14: {  	[tilespmem:s12], [sflag:$0x1] =	stream.linear.gather [hbm4b:s4+s3], $0x80, $0x38;
	[tilespmem:$0x380] =	vst v63  }
0x15: {  	_ =	swait.ge [sflag:s11], $0x80  }
0x16: {  	[sflag:s11] =	ssyncset.done $0x0  }
0x17: {  	[sflag:s11] =	ssyncadd.s32 $0xFFFFFF80  }
0x18: {  	s18 =	sadd.s32 $0x0, s9;
	[bflag:$0x0] =	sbarrier.arrive $0xFFFF  }
0x19: {  	[tilespmem:s13], [sflag:$0x1] =	stream.linear.gather [hbm4b:s18+s3], $0x80, $0x38;
	[tilespmem:$0x380] =	vst v63  }
0x1a: {  	_ =	swait.ge [sflag:s11], $0x80  }
0x1b: {  	[sflag:s11] =	ssyncset.done $0x0  }
0x1c: {  	[sflag:s11] =	ssyncadd.s32 $0xFFFFFF80  }
0x1d: {  	[spmem:s1] =	stream.indirect.scatter.add.f32 [tilespmem:s12], [sflag:$0x1], $0x1, s13, s14, $0xb8;
	[tilespmem:$0x380] =	vst v63  }
0x1e: {  	_ =	swait.ge [sflag:s11], $0x80  }
0x1f: {  	s19 =	simm.s32 $0x20;
	s18 =	simm.s32 $0x10;
	[sflag:s11] =	ssyncset.done $0x0  }
.LBB2_2:
0x20: {  	s20 =	sadd.s32 s18, s9  }
0x21: {  	[sflag:s11] =	ssyncadd.s32 $0xFFFFFF80;
	s18 =	smov.u32 s19;
	s21 =	sadd.s32 $0x10, s19  }
0x22: {  	[tilespmem:s13], [sflag:$0x1] =	stream.linear.gather [hbm4b:s20+s3], $0x80, $0x38;
	[tilespmem:$0x380] =	vst v63  }
0x23: {  	p0 =	sne.s32 s19, $0x4E0;
	_ =	swait.ge [sflag:s11], $0x80  }
.Ltmp0:
0x24: {  	[sflag:s11] =	ssyncset.done $0x0;
	(pc) =	sbr.rel @p0 .LBB2_2-.Ltmp0, $4  }
0x25: {  	[sflag:s11] =	ssyncadd.s32 $0xFFFFFF80  }
0x26: {  	[spmem:s1] =	stream.indirect.scatter.add.f32 [tilespmem:s12], [sflag:$0x1], $0x1, s13, s14, $0xb8;
	[tilespmem:$0x380] =	vst v63  }
0x27: {  	_ =	swait.ge [sflag:s11], $0x80  }
0x28: {  	s19 =	smov.u32 s21;
	[sflag:s11] =	ssyncset.done $0x0  }
0x29: {  	s18 =	sadd.s32 s18, s9;
	[sflag:s11] =	ssyncadd.s32 $0xFFFFFF80  }
0x2a: {  	[tilespmem:s13], [sflag:$0x1] =	stream.linear.gather [hbm4b:s18+s3], $0x80, $0x38;
	[tilespmem:$0x380] =	vst v63  }
0x2b: {  	_ =	swait.ge [sflag:s11], $0x80  }
0x2c: {  	[sflag:s11] =	ssyncset.done $0x0  }
0x2d: {  	[sflag:s11] =	ssyncadd.s32 $0xFFFFFF80  }
0x2e: {  	[spmem:s1] =	stream.indirect.scatter.add.f32 [tilespmem:s12], [sflag:$0x1], $0x1, s13, s14, $0xb8;
	[tilespmem:$0x380] =	vst v63  }
0x2f: {  	_ =	swait.ge [sflag:s11], $0x80  }
0x30: {  	s17 =	sadd.s32 $0x1, s17;
	[sflag:s11] =	ssyncset.done $0x0  }
0x31: {  	p0 =	sne.s32 s17, s8;
	[sflag:s11] =	ssyncadd.s32 $0xFFFFFF80  }
.Ltmp1:
0x32: {  	[bflag:$0x0] =	sbarrier.arrive $0xFFFF;
	(pc) =	sbr.rel @p0 .LBB2_1-.Ltmp1, $4  }
0x33: {  	[hbm:s7@s15], [sflag:s6] =	dma.strided [spmem:s10@s16], $0x50, s11, $0x10   }
0x34: {  	_ =	swait.ge [sflag:s11], $0x50  }
0x35: {  	[sflag:s11] =	ssyncset.done $0x0  }
0x36: {  	[sflag:s11] =	ssyncadd.s32 $0xFFFFFFB0  }
0x37: {  	_ =	sfence.sel $0x180000  }
0x38: {  	[bflag:$0x0] =	sbarrier.arrive $0xFFFF  }
0x39: {  	p0 =	sne.s32 s2, $0x0;
	_ =	strace $0x90000047  }
0x3a: {  	s0 =	sadd.s32 @!p0 $0x100000, s0;
	[bflag:$0x2] =	sbarrier.arrive $0xFFFF  }
0x3b: {  	[sflag:s0] =	ssyncadd.tile.s32 @!p0 $0x1;
	_ =	shalt  }
.Lfunc_end2:
_tile_overlayer_lowered:
.L_overlay_start_2:
0x3c: {  	(tag) =	ssettag $0x2  }
0x3d: {  	s0 =	rddreg [dreg:$0x0];
	s2 =	stileid.u32  }
0x3e: {  	s1 =	rddreg [dreg:$0x1];
	p0 =	sne.s32 s2, $0x0  }
0x3f: {  	s3 =	rddreg [dreg:$0x2];
	[bflag:$0x3] =	sbarrier.arrive $0xFFFF;
	s2 =	simm.s32 @!p0 $0x1C01  }
0x40: {  	[timem:s3], [sflag:s2] =	dma.local @!p0 [hbm:s0], s1  }
0x41: {  	s0 =	simm.s32 @!p0 $0x1  }
0x42: {  	_ =	swait.ge @!p0 [sflag:s0], s1  }
0x43: {  	s1 =	ssub.s32 @!p0 $0x0, s1;
	[sflag:s0] =	ssyncset.done @!p0 $0x0  }
0x44: {  	[sflag:s0] =	ssyncadd.s32 @!p0 s1  }
0x45: {  	[bflag:$0x3] =	sbarrier.arrive $0xFFFF  }
0x46: {  	_ =	shalt  }

// kernel: kernel.35.cloned.1.call-start
scs
__scs_entry_jumppad:
0x0: {  	(pc) =	sbr.rel $0x88, $3  }
0x1: {  	(tag) =	ssettag $0x0;
	lr =	simm.s32 $0x1  }
0x2: {  	[smem:$0x3F98] =	sst lr;
	_ =	strace $0xD0000000  }
0x3: {  	_ = 	snop  }
0x4: {  	_ = 	snop  }
0x5: {  	_ = 	snop  }
0x6: {  	_ = 	snop  }
0x7: {  	_ = 	snop  }
__scs_overlays_trampoline_lowered:
0x8: {  	[smem:$0x3FA7] =	sst s0  }
0x9: {  	[smem:$0x3FA8] =	sst s1  }
0xa: {  	[smem:$0x3FA9] =	sst s2  }
0xb: {  	[smem:$0x3FAA] =	sst s3  }
0xc: {  	[smem:$0x3FAB] =	sst s4  }
0xd: {  	[smem:$0x3FAC] =	sst s5  }
0xe: {  	[smem:$0x3FAD] =	sst s6  }
0xf: {  	[smem:$0x3FAE] =	sst s7  }
0x10: {  	[smem:$0x3FAF] =	sst s8  }
0x11: {  	[smem:$0x3FB0] =	sst s9;
	s0 =	simm.s32 @!p0 $0x0  }
0x12: {  	s1 =	sld [smem:$0x3F96];
	s0 =	simm.s32 @p0 $0x1  }
0x13: {  	[smem:$0x3FB1] =	sst s0;
	s0 =	simm.s32 @!p1 $0x0  }
0x14: {  	s2 =	sld [smem:$0x3F95];
	s0 =	simm.s32 @p1 $0x1  }
0x15: {  	[smem:$0x3FB2] =	sst s0;
	s0 =	simm.s32 @!p2 $0x0  }
0x16: {  	s3 =	sld [smem:$0x3FDB];
	s0 =	simm.s32 @p2 $0x1  }
0x17: {  	s4 =	simm.s32 $0x1BF5;
	[smem:$0x3FB4] =	sst s0  }
0x18: {  	s0 =	sld [smem:$0x3F97];
	_ =	swait.ge [sflag:s4], $0x0  }
0x19: {  	s7 =	sld [smem:$0x3F98]  }
0x1a: {  	s8 =	sadd.s32 $0xFFFFE003, lr  }
0x1b: {  	s9 =	sadd.s32 $0xFFFFFEF7, lr;
	s5 =	simm.s32 $0xFFFFFFFF;
	p2 =	slt.u32 s8, $0xFFFFF086  }
0x1c: {  	p1 =	slt.u32 s9, $0xF7A;
	s5 =	simm.s32 @!p2 $0x0  }
0x1d: {  	s5 =	simm.s32 @p1 $0x1;
	p0 =	seq.s32 s7, s2  }
0x1e: {  	s7 =	smul.u32 @!p0 $0xF7A, s2;
	p2 =	seq.s32 @!p0 s5, $0x0  }
0x1f: {  	s9 =	smul.u32 $0xF7A, s1;
	s8 =	simm.s32 @!p0 $0x1BF5;
	p2 =	por !p2, p0  }
0x20: {  	[sflag:s8] =	ssyncset.s32 @!p0 $0xFFFFF086;
	s6 =	sadd.s32 @!p0 s3, s7;
	s7 =	simm.s32 @!p0 $0x108  }
0x21: {  	s3 =	sadd.s32 s3, s9;
	s6 =	sadd.s32 @!p0 $0x88, s6;
	s7 =	simm.s32 @p2 $0x1082  }
0x22: {  	[simem:s7], [sflag:s8] =	dma.local @!p0 [hbm:s6], $0xF7A  }
0x23: {  	s9 =	sor.u32 $0xD0000000, s2;
	s6 =	simm.s32 $0x108;
	_ =	swait.ge @!p0 [sflag:s8], $0x0  }
0x24: {  	s3 =	sadd.s32 $0x88, s3;
	s6 =	simm.s32 @!p1 $0x1082;
	[sflag:s4] =	ssyncset.s32 $0xFFFFF086  }
0x25: {  	[simem:s6], [sflag:s4] =	dma.local [hbm:s3], $0xF7A  }
0x26: {  	[smem:$0x3F98] =	sst s1;
	(tag) =	ssettag s2;
	_ =	strace s9  }
0x27: {  	s1 =	sld [smem:$0x3FA8]  }
0x28: {  	s2 =	sld [smem:$0x3FA9]  }
0x29: {  	s4 =	sld [smem:$0x3FAB]  }
0x2a: {  	p0 =	seq.s32 s5, $0x0;
	s5 =	sld [smem:$0x3FAC]  }
0x2b: {  	s6 =	sld [smem:$0x3FAD]  }
0x2c: {  	s7 =	sld [smem:$0x3FAE]  }
0x2d: {  	s3 =	simm.s32 $0x108;
	s8 =	sld [smem:$0x3FAF]  }
0x2e: {  	s3 =	simm.s32 @!p0 $0x1082;
	s9 =	sld [smem:$0x3FB0]  }
0x2f: {  	lr =	sadd.s32 s0, s3;
	s0 =	sld [smem:$0x3FA7]  }
0x30: {  	s3 =	sld [smem:$0x3FAA]  }
0x31: {  	[smem:$0x3FB3] =	sst s10  }
0x32: {  	s10 =	sld [smem:$0x3FB1];
	_ =	sdelay $0x3  }
0x33: {  	p0 =	seq.s32 s10, $0x1;
	s10 =	sld [smem:$0x3FB3];
	_ =	sdelay $0x3  }
0x34: {  	[smem:$0x3FB3] =	sst s10  }
0x35: {  	s10 =	sld [smem:$0x3FB2];
	_ =	sdelay $0x3  }
0x36: {  	p1 =	seq.s32 s10, $0x1;
	s10 =	sld [smem:$0x3FB3];
	_ =	sdelay $0x3  }
0x37: {  	[smem:$0x3FB3] =	sst s10  }
0x38: {  	s10 =	sld [smem:$0x3FB4]  }
0x39: {  	_ = 	snop;
	(pc) =	sbr.ind lr, $3  }
0x3a: {  	_ = 	snop  }
0x3b: {  	_ = 	snop  }
0x3c: {  	p2 =	seq.s32 s10, $0x1;
	s10 =	sld [smem:$0x3FB3]  }
0x3d: {  	_ =	shalt  }
0x3e: {  	_ =	shalt  }
0x3f: {  	_ =	shalt  }
0x40: {  	_ =	shalt  }
0x41: {  	_ =	shalt  }
0x42: {  	_ =	shalt  }
0x43: {  	_ =	shalt  }
0x44: {  	_ =	shalt  }
0x45: {  	_ =	shalt  }
0x46: {  	_ =	shalt  }
0x47: {  	_ =	shalt  }
0x48: {  	_ =	shalt  }
0x49: {  	_ =	shalt  }
0x4a: {  	_ =	shalt  }
0x4b: {  	_ =	shalt  }
0x4c: {  	_ =	shalt  }
0x4d: {  	_ =	shalt  }
0x4e: {  	_ =	shalt  }
0x4f: {  	_ =	shalt  }
0x50: {  	_ =	shalt  }
0x51: {  	_ =	shalt  }
0x52: {  	_ =	shalt  }
0x53: {  	_ =	shalt  }
0x54: {  	_ =	shalt  }
0x55: {  	_ =	shalt  }
0x56: {  	_ =	shalt  }
0x57: {  	_ =	shalt  }
0x58: {  	_ =	shalt  }
0x59: {  	_ =	shalt  }
0x5a: {  	_ =	shalt  }
0x5b: {  	_ =	shalt  }
0x5c: {  	_ =	shalt  }
0x5d: {  	_ =	shalt  }
0x5e: {  	_ =	shalt  }
0x5f: {  	_ =	shalt  }
0x60: {  	_ =	shalt  }
0x61: {  	_ =	shalt  }
0x62: {  	_ =	shalt  }
0x63: {  	_ =	shalt  }
0x64: {  	_ =	shalt  }
0x65: {  	_ =	shalt  }
0x66: {  	_ =	shalt  }
0x67: {  	_ =	shalt  }
0x68: {  	_ =	shalt  }
0x69: {  	_ =	shalt  }
0x6a: {  	_ =	shalt  }
0x6b: {  	_ =	shalt  }
0x6c: {  	_ =	shalt  }
0x6d: {  	_ =	shalt  }
0x6e: {  	_ =	shalt  }
0x6f: {  	_ =	shalt  }
0x70: {  	_ =	shalt  }
0x71: {  	_ =	shalt  }
0x72: {  	_ =	shalt  }
0x73: {  	_ =	shalt  }
0x74: {  	_ =	shalt  }
0x75: {  	_ =	shalt  }
0x76: {  	_ =	shalt  }
0x77: {  	_ =	shalt  }
0x78: {  	_ =	shalt  }
0x79: {  	_ =	shalt  }
0x7a: {  	_ =	shalt  }
0x7b: {  	_ =	shalt  }
0x7c: {  	_ =	shalt  }
0x7d: {  	_ =	shalt  }
0x7e: {  	_ =	shalt  }
0x7f: {  	_ =	shalt  }
0x80: {  	_ =	shalt  }
0x81: {  	_ =	shalt  }
0x82: {  	_ =	shalt  }
0x83: {  	_ =	shalt  }
0x84: {  	_ =	shalt  }
0x85: {  	_ =	shalt  }
0x86: {  	_ =	shalt  }
0x87: {  	_ =	shalt  }
.Lfunc_end0:
.L_simem_size_0:
called_computation.1_lowered:
.L_overlay_start_0:
0x88: {  	s2 =	sld [smem:$0x3FD9]  }
0x89: {  	s3 =	sld [smem:$0x3FFE];
	_ =	sdelay $0x1  }
0x8a: {  	s1 =	srdreg.scid  }
0x8b: {  	s0 =	sand.u32 $0x1, s1  }
0x8c: {  	s16 =	sshll.u32 s0, $0xA;
	s2 =	sadd.s32 s3, s2  }
0x8d: {  	s2 =	sadd.s32 s2, s16  }
0x8e: {  	[smem:$0x3FBF] =	sst s2  }
0x8f: {  	_ = 	snop  }
0x90: {  	(tm) =	ssettm $0x1  }
0x91: {  	s17 =	sld [smem:$0x3FFB];
	_ =	sdelay $0x3  }
0x92: {  	_ =	strace s17  }
0x93: {  	s2 =	sld [smem:$0x3FFC];
	_ =	sdelay $0x3  }
0x94: {  	_ =	strace s2  }
0x95: {  	s2 =	sld [smem:$0x3FFD];
	_ =	sdelay $0x3  }
0x96: {  	_ =	strace s2  }
0x97: {  	_ =	strace $0x8FFFFFFF  }
0x98: {  	s18 =	sld [smem:$0x3FDB];
	_ =	sdelay $0x1  }
0x99: {  	s19 =	simm.s32 $_scs_section_size  }
0x9a: {  	s4 =	simm.s32 $_size__tile_overlayer_lowered;
	s5 =	simm.s32 $_tile_overlayer_lowered  }
0x9b: {  	s22 =	simm.s32 $0x1BFF;
	s21 =	sshll.u32 s5, $0x1;
	s2 =	sadd.s32 s19, s18  }
0x9c: {  	s6 =	simm.s32 $0x0;
	s20 =	sshll.u32 s4, $0x1;
	s4 =	sadd.s32 s21, s2  }
0x9d: {  	[timem:s6], [sflag:s22] =	dma.local [hbm:s4], s20  }
0x9e: {  	_ =	swait.ge [sflag:s22], s20  }
0x9f: {  	s3 =	ssub.s32 $0x0, s20;
	[sflag:s22] =	ssyncset.done $0x0  }
0xa0: {  	[sflag:s22] =	ssyncadd.s32 s3;
	_ =	sdelay $0x1  }
0xa1: {  	s23 =	simm.s32 $0x1B8B  }
0xa2: {  	_ =	swait.ge [sflag:s23], $0x1  }
0xa3: {  	[sflag:s23] =	ssyncset.done $0x0  }
0xa4: {  	s25 =	simm.s32 $0x1B8E;
	s24 =	sld [smem:$0x3FFE];
	[sflag:s23] =	ssyncadd.s32 $0xFFFFFFFF  }
0xa5: {  	s26 =	simm.s32 $execute0_lowered;
	[smem:$0x3FD2] =	sst s25  }
0xa6: {  	s4 =	sshll.u32 s26, $0x1;
	_ =	strace $0x80000049;
	[dreg:$0x1] =	wrdreg $0xFFFFFFFF  }
0xa7: {  	s28 =	simm.s32 $_size_execute0_lowered;
	s2 =	sadd.s32 s2, s4;
	[dreg:$0x0] =	wrdreg $0x0  }
0xa8: {  	s4 =	sshll.u32 s28, $0x1;
	[dreg:$0x2] =	wrdreg s2  }
0xa9: {  	[dreg:$0x3] =	wrdreg s4  }
0xaa: {  	[dreg:$0x4] =	wrdreg $0xC0  }
0xab: {  	_ =	task [dreg:s6], $0x5FFFF  }
0xac: {  	[dreg:$0x1] =	wrdreg $0xFFFFFFFF  }
0xad: {  	[dreg:$0x0] =	wrdreg $0x60  }
0xae: {  	[dreg:$0x2] =	wrdreg s24  }
0xaf: {  	[dreg:$0x3] =	wrdreg $0x0  }
0xb0: {  	[dreg:$0x4] =	wrdreg $0x9  }
0xb1: {  	_ =	task.clear_ibuf [dreg:s6], $0x5FFFF;
	_ =	strace $0x90000049  }
0xb2: {  	s29 =	simm.s32 $0x9;
	_ =	strace $0x8000004B  }
0xb3: {  	_ =	swait.ge [sflag:s29], $0x1  }
0xb4: {  	[sflag:s29] =	ssyncadd.s32 $0xFFFFFFFF  }
0xb5: {  	_ =	strace $0x9000004B  }
0xb6: {  	_ =	sfence  }
0xb7: {  	s30 =	sld [smem:$0x0];
	_ =	sdelay $0x2  }
0xb8: {  	s31 =	sshll.u32 s1, $0xD;
	s1 =	sshrl.u32 s1, $0x2  }
0xb9: {  	s3 =	sand.u32 $0x4000, s31;
	s1 =	sadd.s32 s1, s30  }
0xba: {  	s0 =	sor.u32 s3, s0;
	s1 =	sshll.u32 s1, $0x11  }
0xbb: {  	s0 =	sor.u32 s1, s0  }
0xbc: {  	s0 =	sadd.s32 $0x8F2B, s0  }
0xbd: {  	[sflag:s0] =	ssyncadd.remote.s32 $0x1  }
0xbe: {  	_ =	sfence.sel $0xFFFF  }
0xbf: {  	[dreg:$0x0] =	wrdreg $0xFFFFFFFF;
	(pc) =	sbr.abs _section_cstart, $3  }
0xc0: {  	[dreg:$0x1] =	wrdreg $0xFFFFFFFF  }
0xc1: {  	_ =	task.clear_ibuf [dreg:s6], $0x2FFFF;
	_ =	strace $0x9FFFFFFF  }
0xc2: {  	(tm) =	ssettm $0x7FFFFFFF  }
0xc3: {  	_ =	shalt  }
tec
execute0_lowered:
.L_overlay_start_1:
0x0: {  	(tag) =	ssettag $0x1  }
0x1: {  	s0 =	srdreg.scid;
	s5 =	rddreg [dreg:$0x0]  }
0x2: {  	s2 =	rddreg [dreg:$0x1];
	s3 =	simm.s32 $0x0;
	s6 =	sand.u32 $0x1, s0  }
0x3: {  	s15 =	simm.s32 $0x16800;
	s16 =	simm.s32 $0x1;
	s8 =	smul.u32 $0x4F00, s6  }
0x4: {  	s17 =	simm.s32 $0x0;
	s0 =	stileid.u32;
	s9 =	smul.u32 $0x140000, s6  }
0x5: {  	[smem:$0x7FF] =	sst s3;
	s4 =	sadd.s32 $0x14E00, s5;
	s10 =	smul.u32 $0x14000, s0  }
0x6: {  	s13 =	sadd.s32 $0x3CE00, s5;
	s1 =	sshll.u32 s6, $0x4;
	s12 =	smul.u32 $0x50000, s0  }
0x7: {  	s25 =	ssub.s32 $0x2, s6;
	s29 =	smul.u32 $0x2800, s0;
	p0 =	seq.s32 s6, $0x0  }
0x8: {  	s14 =	smul.u32 $0x4F0, s0;
	s31 =	sshll.u32 s0, $0x6;
	s1 =	sor.u32 s0, s1  }
0x9: {  	s26 =	sshrl.u32 s25, $0x1;
	s13 =	smov.u32 @p0 s4;
	s7 =	smul.u32 $0x500, s1  }
0xa: {  	s1 =	rddreg [dreg:$0x2];
	_ =	strace $0x8000004A;
	s11 =	sadd.s32 s8, s5  }
0xb: {  	s24 =	sadd.s32 s10, s9;
	s9 =	ssub.s32 s25, s26;
	s28 =	sshrl.u32 s12, $0x2  }
0xc: {  	s10 =	simm.s32 $0x2;
	s8 =	sshrl.u32 s24, $0x3;
	s12 =	sadd.s32 s28, s2  }
0xd: {  	s30 =	sadd.s32 s14, s11;
	s11 =	sor.u32 $0x1C02, s31;
	s14 =	simm.s32 $0x16880  }
0xe: {  	s7 =	sadd.s32 s7, s5;
	s8 =	sadd.s32 s8, s5;
	s12 =	sshrl.u32 s12, $0x3  }
0xf: {  	s5 =	sadd.s32 $0xB1C00, s7;
	s6 =	sadd.s32 $0x133C00, s8;
	s7 =	smax.u32 s9, $0x1  }
0x10: {  	s8 =	sadd.s32 s13, s29;
	s9 =	sadd.s32 $0xAE00, s30;
	s13 =	simm.s32 $0x80  }
.LBB2_1:
0x11: {  	s18 =	simm.s32 $0x14000  }
0x12: {  	[tilespmem:s18], [sflag:$0x2] =	stream.linear.gather [hbm4b:s5+s3], $0x2780, $0x38;
	[tilespmem:$0x1A880] =	vst v63  }
0x13: {  	_ =	swait.ge [sflag:s10], $0x2780  }
0x14: {  	[sflag:s10] =	ssyncset.done $0x0  }
0x15: {  	[sflag:s10] =	ssyncadd.s32 $0xFFFFD880  }
0x16: {  	[spmem:s12], [sflag:s11] =	dma.local [hbm:s8], $0x2800  }
0x17: {  	_ =	swait.ge [sflag:s10], $0x2800  }
0x18: {  	[sflag:s10] =	ssyncset.done $0x0  }
0x19: {  	[sflag:s10] =	ssyncadd.s32 $0xFFFFD800  }
0x1a: {  	[bflag:$0x0] =	sbarrier.arrive $0xFFFF  }
0x1b: {  	[tilespmem:s14], [sflag:$0x1] =	stream.indirect.gather [hbm4b:s4+s13], $0x80, s18, s13, $0xb8;
	[tilespmem:$0x1A880] =	vst v63  }
0x1c: {  	s19 =	sadd.s32 $0x0, s9  }
0x1d: {  	[tilespmem:s15], [sflag:$0x2] =	stream.linear.gather [hbm4b:s19+s3], $0x80, $0x38;
	[tilespmem:$0x1A880] =	vst v63  }
0x1e: {  	_ =	swait.ge [sflag:s10], $0x80  }
0x1f: {  	[sflag:s10] =	ssyncset.done $0x0  }
0x20: {  	[sflag:s10] =	ssyncadd.s32 $0xFFFFFF80  }
0x21: {  	_ =	swait.ge [sflag:s16], $0x4000  }
0x22: {  	[sflag:s16] =	ssyncset.done $0x0  }
0x23: {  	[sflag:s16] =	ssyncadd.s32 $0xFFFFC000  }
0x24: {  	[spmem:s2] =	stream.indirect.scatter.add.f32 [tilespmem:s14], [sflag:$0x2], $0x80, s15, s13, $0xb8;
	[tilespmem:$0x1A880] =	vst v63  }
0x25: {  	_ =	swait.ge [sflag:s10], $0x4000  }
0x26: {  	s19 =	simm.s32 $0x10;
	[sflag:s10] =	ssyncset.done $0x0  }
.LBB2_2:
0x27: {  	p0 =	sne.s32 s19, $0x4E0;
	[sflag:s10] =	ssyncadd.s32 $0xFFFFC000;
	s18 =	sadd.s32 $0x80, s18  }
0x28: {  	[tilespmem:s14], [sflag:$0x1] =	stream.indirect.gather [hbm4b:s4+s13], $0x80, s18, s13, $0xb8;
	[tilespmem:$0x1A880] =	vst v63  }
0x29: {  	s20 =	sadd.s32 s19, s9;
	s19 =	sadd.s32 $0x10, s19  }
0x2a: {  	[tilespmem:s15], [sflag:$0x2] =	stream.linear.gather [hbm4b:s20+s3], $0x80, $0x38;
	[tilespmem:$0x1A880] =	vst v63  }
0x2b: {  	_ =	swait.ge [sflag:s10], $0x80  }
0x2c: {  	[sflag:s10] =	ssyncset.done $0x0  }
0x2d: {  	[sflag:s10] =	ssyncadd.s32 $0xFFFFFF80  }
0x2e: {  	_ =	swait.ge [sflag:s16], $0x4000  }
.Ltmp0:
0x2f: {  	[sflag:s16] =	ssyncset.done $0x0;
	(pc) =	sbr.rel @p0 .LBB2_2-.Ltmp0, $4  }
0x30: {  	[sflag:s16] =	ssyncadd.s32 $0xFFFFC000  }
0x31: {  	[spmem:s2] =	stream.indirect.scatter.add.f32 [tilespmem:s14], [sflag:$0x2], $0x80, s15, s13, $0xb8;
	[tilespmem:$0x1A880] =	vst v63  }
0x32: {  	_ =	swait.ge [sflag:s10], $0x4000  }
0x33: {  	[sflag:s10] =	ssyncset.done $0x0  }
0x34: {  	s17 =	sadd.s32 $0x1, s17  }
0x35: {  	[sflag:s10] =	ssyncadd.s32 $0xFFFFC000;
	p0 =	sne.s32 s17, s7  }
.Ltmp1:
0x36: {  	[bflag:$0x0] =	sbarrier.arrive $0xFFFF;
	(pc) =	sbr.rel @p0 .LBB2_1-.Ltmp1, $4  }
0x37: {  	[hbm:s6], [sflag:s11] =	dma.local [spmem:s12], $0x2800  }
0x38: {  	_ =	swait.ge [sflag:s10], $0x2800  }
0x39: {  	[sflag:s10] =	ssyncset.done $0x0  }
0x3a: {  	[sflag:s10] =	ssyncadd.s32 $0xFFFFD800  }
0x3b: {  	_ =	sfence.sel $0x180000  }
0x3c: {  	[bflag:$0x0] =	sbarrier.arrive $0xFFFF  }
0x3d: {  	p0 =	sne.s32 s0, $0x0;
	_ =	strace $0x9000004A  }
0x3e: {  	s0 =	sadd.s32 @!p0 $0x100000, s1;
	[bflag:$0x2] =	sbarrier.arrive $0xFFFF  }
0x3f: {  	[sflag:s0] =	ssyncadd.tile.s32 @!p0 $0x1;
	_ =	shalt  }
.Lfunc_end2:
_tile_overlayer_lowered:
.L_overlay_start_2:
0x40: {  	(tag) =	ssettag $0x2  }
0x41: {  	s0 =	rddreg [dreg:$0x0];
	s2 =	stileid.u32  }
0x42: {  	s1 =	rddreg [dreg:$0x1];
	p0 =	sne.s32 s2, $0x0  }
0x43: {  	s3 =	rddreg [dreg:$0x2];
	[bflag:$0x3] =	sbarrier.arrive $0xFFFF;
	s2 =	simm.s32 @!p0 $0x1C02  }
0x44: {  	[timem:s3], [sflag:s2] =	dma.local @!p0 [hbm:s0], s1  }
0x45: {  	s0 =	simm.s32 @!p0 $0x2  }
0x46: {  	_ =	swait.ge @!p0 [sflag:s0], s1  }
0x47: {  	s1 =	ssub.s32 @!p0 $0x0, s1;
	[sflag:s0] =	ssyncset.done @!p0 $0x0  }
0x48: {  	[sflag:s0] =	ssyncadd.s32 @!p0 s1  }
0x49: {  	[bflag:$0x3] =	sbarrier.arrive $0xFFFF  }
0x4a: {  	_ =	shalt  }

// kernel: kernel.38.cloned.1.call-start
scs
__scs_entry_jumppad:
0x0: {  	(pc) =	sbr.rel $0x88, $3  }
0x1: {  	(tag) =	ssettag $0x0;
	lr =	simm.s32 $0x1  }
0x2: {  	[smem:$0x3F98] =	sst lr;
	_ =	strace $0xD0000000  }
0x3: {  	_ = 	snop  }
0x4: {  	_ = 	snop  }
0x5: {  	_ = 	snop  }
0x6: {  	_ = 	snop  }
0x7: {  	_ = 	snop  }
__scs_overlays_trampoline_lowered:
0x8: {  	[smem:$0x3FA7] =	sst s0  }
0x9: {  	[smem:$0x3FA8] =	sst s1  }
0xa: {  	[smem:$0x3FA9] =	sst s2  }
0xb: {  	[smem:$0x3FAA] =	sst s3  }
0xc: {  	[smem:$0x3FAB] =	sst s4  }
0xd: {  	[smem:$0x3FAC] =	sst s5  }
0xe: {  	[smem:$0x3FAD] =	sst s6  }
0xf: {  	[smem:$0x3FAE] =	sst s7  }
0x10: {  	[smem:$0x3FAF] =	sst s8  }
0x11: {  	[smem:$0x3FB0] =	sst s9;
	s0 =	simm.s32 @!p0 $0x0  }
0x12: {  	s1 =	sld [smem:$0x3F96];
	s0 =	simm.s32 @p0 $0x1  }
0x13: {  	[smem:$0x3FB1] =	sst s0;
	s0 =	simm.s32 @!p1 $0x0  }
0x14: {  	s2 =	sld [smem:$0x3F95];
	s0 =	simm.s32 @p1 $0x1  }
0x15: {  	[smem:$0x3FB2] =	sst s0;
	s0 =	simm.s32 @!p2 $0x0  }
0x16: {  	s3 =	sld [smem:$0x3FDB];
	s0 =	simm.s32 @p2 $0x1  }
0x17: {  	s4 =	simm.s32 $0x1BF5;
	[smem:$0x3FB4] =	sst s0  }
0x18: {  	s0 =	sld [smem:$0x3F97];
	_ =	swait.ge [sflag:s4], $0x0  }
0x19: {  	s7 =	sld [smem:$0x3F98]  }
0x1a: {  	s8 =	sadd.s32 $0xFFFFE003, lr  }
0x1b: {  	s9 =	sadd.s32 $0xFFFFFEF7, lr;
	s5 =	simm.s32 $0xFFFFFFFF;
	p2 =	slt.u32 s8, $0xFFFFF086  }
0x1c: {  	p1 =	slt.u32 s9, $0xF7A;
	s5 =	simm.s32 @!p2 $0x0  }
0x1d: {  	s5 =	simm.s32 @p1 $0x1;
	p0 =	seq.s32 s7, s2  }
0x1e: {  	s7 =	smul.u32 @!p0 $0xF7A, s2;
	p2 =	seq.s32 @!p0 s5, $0x0  }
0x1f: {  	s9 =	smul.u32 $0xF7A, s1;
	s8 =	simm.s32 @!p0 $0x1BF5;
	p2 =	por !p2, p0  }
0x20: {  	[sflag:s8] =	ssyncset.s32 @!p0 $0xFFFFF086;
	s6 =	sadd.s32 @!p0 s3, s7;
	s7 =	simm.s32 @!p0 $0x108  }
0x21: {  	s3 =	sadd.s32 s3, s9;
	s6 =	sadd.s32 @!p0 $0x88, s6;
	s7 =	simm.s32 @p2 $0x1082  }
0x22: {  	[simem:s7], [sflag:s8] =	dma.local @!p0 [hbm:s6], $0xF7A  }
0x23: {  	s9 =	sor.u32 $0xD0000000, s2;
	s6 =	simm.s32 $0x108;
	_ =	swait.ge @!p0 [sflag:s8], $0x0  }
0x24: {  	s3 =	sadd.s32 $0x88, s3;
	s6 =	simm.s32 @!p1 $0x1082;
	[sflag:s4] =	ssyncset.s32 $0xFFFFF086  }
0x25: {  	[simem:s6], [sflag:s4] =	dma.local [hbm:s3], $0xF7A  }
0x26: {  	[smem:$0x3F98] =	sst s1;
	(tag) =	ssettag s2;
	_ =	strace s9  }
0x27: {  	s1 =	sld [smem:$0x3FA8]  }
0x28: {  	s2 =	sld [smem:$0x3FA9]  }
0x29: {  	s4 =	sld [smem:$0x3FAB]  }
0x2a: {  	p0 =	seq.s32 s5, $0x0;
	s5 =	sld [smem:$0x3FAC]  }
0x2b: {  	s6 =	sld [smem:$0x3FAD]  }
0x2c: {  	s7 =	sld [smem:$0x3FAE]  }
0x2d: {  	s3 =	simm.s32 $0x108;
	s8 =	sld [smem:$0x3FAF]  }
0x2e: {  	s3 =	simm.s32 @!p0 $0x1082;
	s9 =	sld [smem:$0x3FB0]  }
0x2f: {  	lr =	sadd.s32 s0, s3;
	s0 =	sld [smem:$0x3FA7]  }
0x30: {  	s3 =	sld [smem:$0x3FAA]  }
0x31: {  	[smem:$0x3FB3] =	sst s10  }
0x32: {  	s10 =	sld [smem:$0x3FB1];
	_ =	sdelay $0x3  }
0x33: {  	p0 =	seq.s32 s10, $0x1;
	s10 =	sld [smem:$0x3FB3];
	_ =	sdelay $0x3  }
0x34: {  	[smem:$0x3FB3] =	sst s10  }
0x35: {  	s10 =	sld [smem:$0x3FB2];
	_ =	sdelay $0x3  }
0x36: {  	p1 =	seq.s32 s10, $0x1;
	s10 =	sld [smem:$0x3FB3];
	_ =	sdelay $0x3  }
0x37: {  	[smem:$0x3FB3] =	sst s10  }
0x38: {  	s10 =	sld [smem:$0x3FB4]  }
0x39: {  	_ = 	snop;
	(pc) =	sbr.ind lr, $3  }
0x3a: {  	_ = 	snop  }
0x3b: {  	_ = 	snop  }
0x3c: {  	p2 =	seq.s32 s10, $0x1;
	s10 =	sld [smem:$0x3FB3]  }
0x3d: {  	_ =	shalt  }
0x3e: {  	_ =	shalt  }
0x3f: {  	_ =	shalt  }
0x40: {  	_ =	shalt  }
0x41: {  	_ =	shalt  }
0x42: {  	_ =	shalt  }
0x43: {  	_ =	shalt  }
0x44: {  	_ =	shalt  }
0x45: {  	_ =	shalt  }
0x46: {  	_ =	shalt  }
0x47: {  	_ =	shalt  }
0x48: {  	_ =	shalt  }
0x49: {  	_ =	shalt  }
0x4a: {  	_ =	shalt  }
0x4b: {  	_ =	shalt  }
0x4c: {  	_ =	shalt  }
0x4d: {  	_ =	shalt  }
0x4e: {  	_ =	shalt  }
0x4f: {  	_ =	shalt  }
0x50: {  	_ =	shalt  }
0x51: {  	_ =	shalt  }
0x52: {  	_ =	shalt  }
0x53: {  	_ =	shalt  }
0x54: {  	_ =	shalt  }
0x55: {  	_ =	shalt  }
0x56: {  	_ =	shalt  }
0x57: {  	_ =	shalt  }
0x58: {  	_ =	shalt  }
0x59: {  	_ =	shalt  }
0x5a: {  	_ =	shalt  }
0x5b: {  	_ =	shalt  }
0x5c: {  	_ =	shalt  }
0x5d: {  	_ =	shalt  }
0x5e: {  	_ =	shalt  }
0x5f: {  	_ =	shalt  }
0x60: {  	_ =	shalt  }
0x61: {  	_ =	shalt  }
0x62: {  	_ =	shalt  }
0x63: {  	_ =	shalt  }
0x64: {  	_ =	shalt  }
0x65: {  	_ =	shalt  }
0x66: {  	_ =	shalt  }
0x67: {  	_ =	shalt  }
0x68: {  	_ =	shalt  }
0x69: {  	_ =	shalt  }
0x6a: {  	_ =	shalt  }
0x6b: {  	_ =	shalt  }
0x6c: {  	_ =	shalt  }
0x6d: {  	_ =	shalt  }
0x6e: {  	_ =	shalt  }
0x6f: {  	_ =	shalt  }
0x70: {  	_ =	shalt  }
0x71: {  	_ =	shalt  }
0x72: {  	_ =	shalt  }
0x73: {  	_ =	shalt  }
0x74: {  	_ =	shalt  }
0x75: {  	_ =	shalt  }
0x76: {  	_ =	shalt  }
0x77: {  	_ =	shalt  }
0x78: {  	_ =	shalt  }
0x79: {  	_ =	shalt  }
0x7a: {  	_ =	shalt  }
0x7b: {  	_ =	shalt  }
0x7c: {  	_ =	shalt  }
0x7d: {  	_ =	shalt  }
0x7e: {  	_ =	shalt  }
0x7f: {  	_ =	shalt  }
0x80: {  	_ =	shalt  }
0x81: {  	_ =	shalt  }
0x82: {  	_ =	shalt  }
0x83: {  	_ =	shalt  }
0x84: {  	_ =	shalt  }
0x85: {  	_ =	shalt  }
0x86: {  	_ =	shalt  }
0x87: {  	_ =	shalt  }
.Lfunc_end0:
.L_simem_size_0:
called_computation.2_lowered:
.L_overlay_start_0:
0x88: {  	s2 =	sld [smem:$0x3FD9]  }
0x89: {  	s3 =	sld [smem:$0x3FFE];
	_ =	sdelay $0x1  }
0x8a: {  	s1 =	srdreg.scid  }
0x8b: {  	s0 =	sand.u32 $0x1, s1  }
0x8c: {  	s17 =	sshll.u32 s0, $0xA;
	s2 =	sadd.s32 s3, s2  }
0x8d: {  	s2 =	sadd.s32 s2, s17  }
0x8e: {  	[smem:$0x3FBF] =	sst s2  }
0x8f: {  	_ = 	snop  }
0x90: {  	(tm) =	ssettm $0x1  }
0x91: {  	s18 =	sld [smem:$0x3FFB];
	_ =	sdelay $0x3  }
0x92: {  	_ =	strace s18  }
0x93: {  	s2 =	sld [smem:$0x3FFC];
	_ =	sdelay $0x3  }
0x94: {  	_ =	strace s2  }
0x95: {  	s2 =	sld [smem:$0x3FFD];
	_ =	sdelay $0x3  }
0x96: {  	_ =	strace s2  }
0x97: {  	_ =	strace $0x8FFFFFFF  }
0x98: {  	s19 =	sld [smem:$0x3FDB];
	_ =	sdelay $0x1  }
0x99: {  	s20 =	simm.s32 $_scs_section_size  }
0x9a: {  	s4 =	simm.s32 $_size__tile_overlayer_lowered;
	s5 =	simm.s32 $_tile_overlayer_lowered  }
0x9b: {  	s6 =	simm.s32 $0x1BFF;
	s21 =	sshll.u32 s5, $0x1;
	s3 =	sadd.s32 s20, s19  }
0x9c: {  	s22 =	simm.s32 $0x0;
	s4 =	sshll.u32 s4, $0x1;
	s5 =	sadd.s32 s21, s3  }
0x9d: {  	[timem:s22], [sflag:s6] =	dma.local [hbm:s5], s4  }
0x9e: {  	_ =	swait.ge [sflag:s6], s4  }
0x9f: {  	s4 =	ssub.s32 $0x0, s4;
	[sflag:s6] =	ssyncset.done $0x0  }
0xa0: {  	[sflag:s6] =	ssyncadd.s32 s4;
	_ =	sdelay $0x1  }
0xa1: {  	s23 =	simm.s32 $0x1B8B  }
0xa2: {  	_ =	swait.ge [sflag:s23], $0x1  }
0xa3: {  	[sflag:s23] =	ssyncset.done $0x0  }
0xa4: {  	[sflag:s23] =	ssyncadd.s32 $0xFFFFFFFF  }
0xa5: {  	s4 =	sld [smem:$0x0]  }
0xa6: {  	s5 =	sand.u32 $0xFFFFFFFE, s1  }
0xa7: {  	p0 =	sne.s32 s1, s5  }
0xa8: {  	s5 =	sshll.u32 @p0 s5, $0xE  }
0xa9: {  	s5 =	sadd.s32 @p0 $0x11B8D, s5;
	s6 =	sshll.u32 @p0 s4, $0x11  }
0xaa: {  	s5 =	sor.u32 @p0 s6, s5  }
0xab: {  	[sflag:s5] =	ssyncadd.remote.s32 @p0 $0x1;
	_ =	sdelay $0x1  }
0xac: {  	s5 =	simm.s32 @p0 $0x1B8D  }
0xad: {  	_ =	swait.eq @p0 [sflag:s5], $0x1  }
0xae: {  	[sflag:s5] =	ssyncadd.s32 @p0 $0xFFFFFFFF  }
0xaf: {  	s6 =	sshll.u32 @!p0 s1, $0xE  }
0xb0: {  	s6 =	sor.u32 @!p0 $0x4000, s6;
	s5 =	simm.s32 @!p0 $0x1B8D  }
0xb1: {  	s4 =	sshll.u32 @!p0 s4, $0x11;
	s6 =	sadd.s32 @!p0 $0x11B8D, s6;
	_ =	swait.eq @!p0 [sflag:s5], $0x1  }
0xb2: {  	s4 =	sor.u32 @!p0 s4, s6;
	[sflag:s5] =	ssyncadd.s32 @!p0 $0xFFFFFFFF  }
0xb3: {  	s25 =	simm.s32 $0x1B8E;
	s24 =	sld [smem:$0x3FFE];
	[sflag:s4] =	ssyncadd.remote.s32 @!p0 $0x1  }
0xb4: {  	s26 =	simm.s32 $execute0_lowered;
	[smem:$0x3FD2] =	sst s25  }
0xb5: {  	s5 =	sshll.u32 s26, $0x1;
	_ =	strace $0x80000055;
	[dreg:$0x1] =	wrdreg $0xFFFFFFFF  }
0xb6: {  	s28 =	simm.s32 $_size_execute0_lowered;
	s3 =	sadd.s32 s3, s5;
	[dreg:$0x0] =	wrdreg $0x0  }
0xb7: {  	s5 =	sshll.u32 s28, $0x1;
	[dreg:$0x2] =	wrdreg s3  }
0xb8: {  	[dreg:$0x3] =	wrdreg s5  }
0xb9: {  	[dreg:$0x4] =	wrdreg $0xC0  }
0xba: {  	_ =	task [dreg:s22], $0x5FFFF  }
0xbb: {  	[dreg:$0x1] =	wrdreg $0xFFFFFFFF  }
0xbc: {  	[dreg:$0x0] =	wrdreg $0x60  }
0xbd: {  	[dreg:$0x2] =	wrdreg s24  }
0xbe: {  	[dreg:$0x3] =	wrdreg $0x0  }
0xbf: {  	[dreg:$0x4] =	wrdreg $0x9  }
0xc0: {  	_ =	task.clear_ibuf [dreg:s22], $0x5FFFF;
	_ =	strace $0x90000055  }
0xc1: {  	s29 =	simm.s32 $0x9;
	_ =	strace $0x80000057  }
0xc2: {  	_ =	swait.ge [sflag:s29], $0x1  }
0xc3: {  	[sflag:s29] =	ssyncadd.s32 $0xFFFFFFFF  }
0xc4: {  	_ =	strace $0x90000057  }
0xc5: {  	_ =	sfence  }
0xc6: {  	s30 =	sld [smem:$0x0];
	_ =	sdelay $0x2  }
0xc7: {  	s31 =	sshll.u32 s1, $0xD;
	s1 =	sshrl.u32 s1, $0x2  }
0xc8: {  	s4 =	sand.u32 $0x4000, s31;
	s1 =	sadd.s32 s1, s30  }
0xc9: {  	s0 =	sor.u32 s4, s0;
	s1 =	sshll.u32 s1, $0x11  }
0xca: {  	s0 =	sor.u32 s1, s0  }
0xcb: {  	s0 =	sadd.s32 $0x8F2B, s0  }
0xcc: {  	[sflag:s0] =	ssyncadd.remote.s32 $0x1  }
0xcd: {  	_ =	sfence.sel $0xFFFF  }
0xce: {  	[dreg:$0x0] =	wrdreg $0xFFFFFFFF;
	(pc) =	sbr.abs _section_cstart, $3  }
0xcf: {  	[dreg:$0x1] =	wrdreg $0xFFFFFFFF  }
0xd0: {  	_ =	task.clear_ibuf [dreg:s22], $0x2FFFF;
	_ =	strace $0x9FFFFFFF  }
0xd1: {  	(tm) =	ssettm $0x7FFFFFFF  }
tec
execute0_lowered:
.L_overlay_start_1:
0x0: {  	(tag) =	ssettag $0x1  }
0x1: {  	s0 =	srdreg.scid;
	s5 =	rddreg [dreg:$0x0]  }
0x2: {  	s2 =	rddreg [dreg:$0x1];
	s3 =	simm.s32 $0x0;
	s6 =	sand.u32 $0x1, s0  }
0x3: {  	s15 =	simm.s32 $0x16800;
	s16 =	simm.s32 $0x1;
	s8 =	smul.u32 $0x4F00, s6  }
0x4: {  	s17 =	simm.s32 $0x0;
	s0 =	stileid.u32;
	s9 =	smul.u32 $0x140000, s6  }
0x5: {  	[smem:$0x7FF] =	sst s3;
	s4 =	sadd.s32 $0x14E00, s5;
	s10 =	smul.u32 $0x14000, s0  }
0x6: {  	s13 =	sadd.s32 $0x3CE00, s5;
	s1 =	sshll.u32 s6, $0x4;
	s12 =	smul.u32 $0x50000, s0  }
0x7: {  	s25 =	ssub.s32 $0x2, s6;
	s29 =	smul.u32 $0x2800, s0;
	p0 =	seq.s32 s6, $0x0  }
0x8: {  	s14 =	smul.u32 $0x4F0, s0;
	s31 =	sshll.u32 s0, $0x6;
	s1 =	sor.u32 s0, s1  }
0x9: {  	s26 =	sshrl.u32 s25, $0x1;
	s13 =	smov.u32 @p0 s4;
	s7 =	smul.u32 $0x500, s1  }
0xa: {  	s1 =	rddreg [dreg:$0x2];
	_ =	strace $0x80000056;
	s11 =	sadd.s32 s8, s5  }
0xb: {  	s24 =	sadd.s32 s10, s9;
	s9 =	ssub.s32 s25, s26;
	s28 =	sshrl.u32 s12, $0x2  }
0xc: {  	s10 =	simm.s32 $0x2;
	s8 =	sshrl.u32 s24, $0x3;
	s12 =	sadd.s32 s28, s2  }
0xd: {  	s30 =	sadd.s32 s14, s11;
	s11 =	sor.u32 $0x1C02, s31;
	s14 =	simm.s32 $0x16880  }
0xe: {  	s7 =	sadd.s32 s7, s5;
	s8 =	sadd.s32 s8, s5;
	s12 =	sshrl.u32 s12, $0x3  }
0xf: {  	s5 =	sadd.s32 $0xB1C00, s7;
	s6 =	sadd.s32 $0x133C00, s8;
	s7 =	smax.u32 s9, $0x1  }
0x10: {  	s8 =	sadd.s32 s13, s29;
	s9 =	sadd.s32 $0xAE00, s30;
	s13 =	simm.s32 $0x80  }
.LBB2_1:
0x11: {  	s18 =	simm.s32 $0x14000  }
0x12: {  	[tilespmem:s18], [sflag:$0x2] =	stream.linear.gather [hbm4b:s5+s3], $0x2780, $0x38;
	[tilespmem:$0x1A880] =	vst v63  }
0x13: {  	_ =	swait.ge [sflag:s10], $0x2780  }
0x14: {  	[sflag:s10] =	ssyncset.done $0x0  }
0x15: {  	[sflag:s10] =	ssyncadd.s32 $0xFFFFD880  }
0x16: {  	[spmem:s12], [sflag:s11] =	dma.local [hbm:s8], $0x2800  }
0x17: {  	_ =	swait.ge [sflag:s10], $0x2800  }
0x18: {  	[sflag:s10] =	ssyncset.done $0x0  }
0x19: {  	[sflag:s10] =	ssyncadd.s32 $0xFFFFD800  }
0x1a: {  	[bflag:$0x0] =	sbarrier.arrive $0xFFFF  }
0x1b: {  	[tilespmem:s14], [sflag:$0x1] =	stream.indirect.gather [hbm4b:s4+s13], $0x80, s18, s13, $0xb8;
	[tilespmem:$0x1A880] =	vst v63  }
0x1c: {  	s19 =	sadd.s32 $0x0, s9  }
0x1d: {  	[tilespmem:s15], [sflag:$0x2] =	stream.linear.gather [hbm4b:s19+s3], $0x80, $0x38;
	[tilespmem:$0x1A880] =	vst v63  }
0x1e: {  	_ =	swait.ge [sflag:s10], $0x80  }
0x1f: {  	[sflag:s10] =	ssyncset.done $0x0  }
0x20: {  	[sflag:s10] =	ssyncadd.s32 $0xFFFFFF80  }
0x21: {  	_ =	swait.ge [sflag:s16], $0x4000  }
0x22: {  	[sflag:s16] =	ssyncset.done $0x0  }
0x23: {  	[sflag:s16] =	ssyncadd.s32 $0xFFFFC000  }
0x24: {  	[spmem:s2] =	stream.indirect.scatter.add.f32 [tilespmem:s14], [sflag:$0x2], $0x80, s15, s13, $0xb8;
	[tilespmem:$0x1A880] =	vst v63  }
0x25: {  	_ =	swait.ge [sflag:s10], $0x4000  }
0x26: {  	s19 =	simm.s32 $0x10;
	[sflag:s10] =	ssyncset.done $0x0  }
.LBB2_2:
0x27: {  	p0 =	sne.s32 s19, $0x4E0;
	[sflag:s10] =	ssyncadd.s32 $0xFFFFC000;
	s18 =	sadd.s32 $0x80, s18  }
0x28: {  	[tilespmem:s14], [sflag:$0x1] =	stream.indirect.gather [hbm4b:s4+s13], $0x80, s18, s13, $0xb8;
	[tilespmem:$0x1A880] =	vst v63  }
0x29: {  	s20 =	sadd.s32 s19, s9;
	s19 =	sadd.s32 $0x10, s19  }
0x2a: {  	[tilespmem:s15], [sflag:$0x2] =	stream.linear.gather [hbm4b:s20+s3], $0x80, $0x38;
	[tilespmem:$0x1A880] =	vst v63  }
0x2b: {  	_ =	swait.ge [sflag:s10], $0x80  }
0x2c: {  	[sflag:s10] =	ssyncset.done $0x0  }
0x2d: {  	[sflag:s10] =	ssyncadd.s32 $0xFFFFFF80  }
0x2e: {  	_ =	swait.ge [sflag:s16], $0x4000  }
.Ltmp0:
0x2f: {  	[sflag:s16] =	ssyncset.done $0x0;
	(pc) =	sbr.rel @p0 .LBB2_2-.Ltmp0, $4  }
0x30: {  	[sflag:s16] =	ssyncadd.s32 $0xFFFFC000  }
0x31: {  	[spmem:s2] =	stream.indirect.scatter.add.f32 [tilespmem:s14], [sflag:$0x2], $0x80, s15, s13, $0xb8;
	[tilespmem:$0x1A880] =	vst v63  }
0x32: {  	_ =	swait.ge [sflag:s10], $0x4000  }
0x33: {  	[sflag:s10] =	ssyncset.done $0x0  }
0x34: {  	s17 =	sadd.s32 $0x1, s17  }
0x35: {  	[sflag:s10] =	ssyncadd.s32 $0xFFFFC000;
	p0 =	sne.s32 s17, s7  }
.Ltmp1:
0x36: {  	[bflag:$0x0] =	sbarrier.arrive $0xFFFF;
	(pc) =	sbr.rel @p0 .LBB2_1-.Ltmp1, $4  }
0x37: {  	[hbm:s6], [sflag:s11] =	dma.local [spmem:s12], $0x2800  }
0x38: {  	_ =	swait.ge [sflag:s10], $0x2800  }
0x39: {  	[sflag:s10] =	ssyncset.done $0x0  }
0x3a: {  	[sflag:s10] =	ssyncadd.s32 $0xFFFFD800  }
0x3b: {  	_ =	sfence.sel $0x180000  }
0x3c: {  	[bflag:$0x0] =	sbarrier.arrive $0xFFFF  }
0x3d: {  	p0 =	sne.s32 s0, $0x0;
	_ =	strace $0x90000056  }
0x3e: {  	s0 =	sadd.s32 @!p0 $0x100000, s1;
	[bflag:$0x2] =	sbarrier.arrive $0xFFFF  }
0x3f: {  	[sflag:s0] =	ssyncadd.tile.s32 @!p0 $0x1;
	_ =	shalt  }
.Lfunc_end2:
_tile_overlayer_lowered:
.L_overlay_start_2:
0x40: {  	(tag) =	ssettag $0x2  }
0x41: {  	s0 =	rddreg [dreg:$0x0];
	s2 =	stileid.u32  }
0x42: {  	s1 =	rddreg [dreg:$0x1];
	p0 =	sne.s32 s2, $0x0  }
0x43: {  	s3 =	rddreg [dreg:$0x2];
	[bflag:$0x3] =	sbarrier.arrive $0xFFFF;
	s2 =	simm.s32 @!p0 $0x1C02  }
0x44: {  	[timem:s3], [sflag:s2] =	dma.local @!p0 [hbm:s0], s1  }
0x45: {  	s0 =	simm.s32 @!p0 $0x2  }
0x46: {  	_ =	swait.ge @!p0 [sflag:s0], s1  }
0x47: {  	s1 =	ssub.s32 @!p0 $0x0, s1;
	[sflag:s0] =	ssyncset.done @!p0 $0x0  }
0x48: {  	[sflag:s0] =	ssyncadd.s32 @!p0 s1  }
0x49: {  	[bflag:$0x3] =	sbarrier.arrive $0xFFFF  }
0x4a: {  	_ =	shalt  }

// kernel: kernel.41.cloned.1.call-start
scs
__scs_entry_jumppad:
0x0: {  	(pc) =	sbr.rel $0x88, $3  }
0x1: {  	(tag) =	ssettag $0x0;
	lr =	simm.s32 $0x1  }
0x2: {  	[smem:$0x3F98] =	sst lr;
	_ =	strace $0xD0000000  }
0x3: {  	_ = 	snop  }
0x4: {  	_ = 	snop  }
0x5: {  	_ = 	snop  }
0x6: {  	_ = 	snop  }
0x7: {  	_ = 	snop  }
__scs_overlays_trampoline_lowered:
0x8: {  	[smem:$0x3FA7] =	sst s0  }
0x9: {  	[smem:$0x3FA8] =	sst s1  }
0xa: {  	[smem:$0x3FA9] =	sst s2  }
0xb: {  	[smem:$0x3FAA] =	sst s3  }
0xc: {  	[smem:$0x3FAB] =	sst s4  }
0xd: {  	[smem:$0x3FAC] =	sst s5  }
0xe: {  	[smem:$0x3FAD] =	sst s6  }
0xf: {  	[smem:$0x3FAE] =	sst s7  }
0x10: {  	[smem:$0x3FAF] =	sst s8  }
0x11: {  	[smem:$0x3FB0] =	sst s9;
	s0 =	simm.s32 @!p0 $0x0  }
0x12: {  	s1 =	sld [smem:$0x3F96];
	s0 =	simm.s32 @p0 $0x1  }
0x13: {  	[smem:$0x3FB1] =	sst s0;
	s0 =	simm.s32 @!p1 $0x0  }
0x14: {  	s2 =	sld [smem:$0x3F95];
	s0 =	simm.s32 @p1 $0x1  }
0x15: {  	[smem:$0x3FB2] =	sst s0;
	s0 =	simm.s32 @!p2 $0x0  }
0x16: {  	s3 =	sld [smem:$0x3FDB];
	s0 =	simm.s32 @p2 $0x1  }
0x17: {  	s4 =	simm.s32 $0x1BF5;
	[smem:$0x3FB4] =	sst s0  }
0x18: {  	s0 =	sld [smem:$0x3F97];
	_ =	swait.ge [sflag:s4], $0x0  }
0x19: {  	s7 =	sld [smem:$0x3F98]  }
0x1a: {  	s8 =	sadd.s32 $0xFFFFE003, lr  }
0x1b: {  	s9 =	sadd.s32 $0xFFFFFEF7, lr;
	s5 =	simm.s32 $0xFFFFFFFF;
	p2 =	slt.u32 s8, $0xFFFFF086  }
0x1c: {  	p1 =	slt.u32 s9, $0xF7A;
	s5 =	simm.s32 @!p2 $0x0  }
0x1d: {  	s5 =	simm.s32 @p1 $0x1;
	p0 =	seq.s32 s7, s2  }
0x1e: {  	s7 =	smul.u32 @!p0 $0xF7A, s2;
	p2 =	seq.s32 @!p0 s5, $0x0  }
0x1f: {  	s9 =	smul.u32 $0xF7A, s1;
	s8 =	simm.s32 @!p0 $0x1BF5;
	p2 =	por !p2, p0  }
0x20: {  	[sflag:s8] =	ssyncset.s32 @!p0 $0xFFFFF086;
	s6 =	sadd.s32 @!p0 s3, s7;
	s7 =	simm.s32 @!p0 $0x108  }
0x21: {  	s3 =	sadd.s32 s3, s9;
	s6 =	sadd.s32 @!p0 $0x88, s6;
	s7 =	simm.s32 @p2 $0x1082  }
0x22: {  	[simem:s7], [sflag:s8] =	dma.local @!p0 [hbm:s6], $0xF7A  }
0x23: {  	s9 =	sor.u32 $0xD0000000, s2;
	s6 =	simm.s32 $0x108;
	_ =	swait.ge @!p0 [sflag:s8], $0x0  }
0x24: {  	s3 =	sadd.s32 $0x88, s3;
	s6 =	simm.s32 @!p1 $0x1082;
	[sflag:s4] =	ssyncset.s32 $0xFFFFF086  }
0x25: {  	[simem:s6], [sflag:s4] =	dma.local [hbm:s3], $0xF7A  }
0x26: {  	[smem:$0x3F98] =	sst s1;
	(tag) =	ssettag s2;
	_ =	strace s9  }
0x27: {  	s1 =	sld [smem:$0x3FA8]  }
0x28: {  	s2 =	sld [smem:$0x3FA9]  }
0x29: {  	s4 =	sld [smem:$0x3FAB]  }
0x2a: {  	p0 =	seq.s32 s5, $0x0;
	s5 =	sld [smem:$0x3FAC]  }
0x2b: {  	s6 =	sld [smem:$0x3FAD]  }
0x2c: {  	s7 =	sld [smem:$0x3FAE]  }
0x2d: {  	s3 =	simm.s32 $0x108;
	s8 =	sld [smem:$0x3FAF]  }
0x2e: {  	s3 =	simm.s32 @!p0 $0x1082;
	s9 =	sld [smem:$0x3FB0]  }
0x2f: {  	lr =	sadd.s32 s0, s3;
	s0 =	sld [smem:$0x3FA7]  }
0x30: {  	s3 =	sld [smem:$0x3FAA]  }
0x31: {  	[smem:$0x3FB3] =	sst s10  }
0x32: {  	s10 =	sld [smem:$0x3FB1];
	_ =	sdelay $0x3  }
0x33: {  	p0 =	seq.s32 s10, $0x1;
	s10 =	sld [smem:$0x3FB3];
	_ =	sdelay $0x3  }
0x34: {  	[smem:$0x3FB3] =	sst s10  }
0x35: {  	s10 =	sld [smem:$0x3FB2];
	_ =	sdelay $0x3  }
0x36: {  	p1 =	seq.s32 s10, $0x1;
	s10 =	sld [smem:$0x3FB3];
	_ =	sdelay $0x3  }
0x37: {  	[smem:$0x3FB3] =	sst s10  }
0x38: {  	s10 =	sld [smem:$0x3FB4]  }
0x39: {  	_ = 	snop;
	(pc) =	sbr.ind lr, $3  }
0x3a: {  	_ = 	snop  }
0x3b: {  	_ = 	snop  }
0x3c: {  	p2 =	seq.s32 s10, $0x1;
	s10 =	sld [smem:$0x3FB3]  }
0x3d: {  	_ =	shalt  }
0x3e: {  	_ =	shalt  }
0x3f: {  	_ =	shalt  }
0x40: {  	_ =	shalt  }
0x41: {  	_ =	shalt  }
0x42: {  	_ =	shalt  }
0x43: {  	_ =	shalt  }
0x44: {  	_ =	shalt  }
0x45: {  	_ =	shalt  }
0x46: {  	_ =	shalt  }
0x47: {  	_ =	shalt  }
0x48: {  	_ =	shalt  }
0x49: {  	_ =	shalt  }
0x4a: {  	_ =	shalt  }
0x4b: {  	_ =	shalt  }
0x4c: {  	_ =	shalt  }
0x4d: {  	_ =	shalt  }
0x4e: {  	_ =	shalt  }
0x4f: {  	_ =	shalt  }
0x50: {  	_ =	shalt  }
0x51: {  	_ =	shalt  }
0x52: {  	_ =	shalt  }
0x53: {  	_ =	shalt  }
0x54: {  	_ =	shalt  }
0x55: {  	_ =	shalt  }
0x56: {  	_ =	shalt  }
0x57: {  	_ =	shalt  }
0x58: {  	_ =	shalt  }
0x59: {  	_ =	shalt  }
0x5a: {  	_ =	shalt  }
0x5b: {  	_ =	shalt  }
0x5c: {  	_ =	shalt  }
0x5d: {  	_ =	shalt  }
0x5e: {  	_ =	shalt  }
0x5f: {  	_ =	shalt  }
0x60: {  	_ =	shalt  }
0x61: {  	_ =	shalt  }
0x62: {  	_ =	shalt  }
0x63: {  	_ =	shalt  }
0x64: {  	_ =	shalt  }
0x65: {  	_ =	shalt  }
0x66: {  	_ =	shalt  }
0x67: {  	_ =	shalt  }
0x68: {  	_ =	shalt  }
0x69: {  	_ =	shalt  }
0x6a: {  	_ =	shalt  }
0x6b: {  	_ =	shalt  }
0x6c: {  	_ =	shalt  }
0x6d: {  	_ =	shalt  }
0x6e: {  	_ =	shalt  }
0x6f: {  	_ =	shalt  }
0x70: {  	_ =	shalt  }
0x71: {  	_ =	shalt  }
0x72: {  	_ =	shalt  }
0x73: {  	_ =	shalt  }
0x74: {  	_ =	shalt  }
0x75: {  	_ =	shalt  }
0x76: {  	_ =	shalt  }
0x77: {  	_ =	shalt  }
0x78: {  	_ =	shalt  }
0x79: {  	_ =	shalt  }
0x7a: {  	_ =	shalt  }
0x7b: {  	_ =	shalt  }
0x7c: {  	_ =	shalt  }
0x7d: {  	_ =	shalt  }
0x7e: {  	_ =	shalt  }
0x7f: {  	_ =	shalt  }
0x80: {  	_ =	shalt  }
0x81: {  	_ =	shalt  }
0x82: {  	_ =	shalt  }
0x83: {  	_ =	shalt  }
0x84: {  	_ =	shalt  }
0x85: {  	_ =	shalt  }
0x86: {  	_ =	shalt  }
0x87: {  	_ =	shalt  }
.Lfunc_end0:
.L_simem_size_0:
called_computation.3_lowered:
.L_overlay_start_0:
0x88: {  	s2 =	sld [smem:$0x3FD9]  }
0x89: {  	s3 =	sld [smem:$0x3FFE];
	_ =	sdelay $0x1  }
0x8a: {  	s1 =	srdreg.scid  }
0x8b: {  	s0 =	sand.u32 $0x1, s1  }
0x8c: {  	s17 =	sshll.u32 s0, $0xA;
	s2 =	sadd.s32 s3, s2  }
0x8d: {  	s2 =	sadd.s32 s2, s17  }
0x8e: {  	[smem:$0x3FBF] =	sst s2  }
0x8f: {  	_ = 	snop  }
0x90: {  	(tm) =	ssettm $0x1  }
0x91: {  	s18 =	sld [smem:$0x3FFB];
	_ =	sdelay $0x3  }
0x92: {  	_ =	strace s18  }
0x93: {  	s2 =	sld [smem:$0x3FFC];
	_ =	sdelay $0x3  }
0x94: {  	_ =	strace s2  }
0x95: {  	s2 =	sld [smem:$0x3FFD];
	_ =	sdelay $0x3  }
0x96: {  	_ =	strace s2  }
0x97: {  	_ =	strace $0x8FFFFFFF  }
0x98: {  	s19 =	sld [smem:$0x3FDB];
	_ =	sdelay $0x1  }
0x99: {  	s20 =	simm.s32 $_scs_section_size  }
0x9a: {  	s4 =	simm.s32 $_size__tile_overlayer_lowered;
	s5 =	simm.s32 $_tile_overlayer_lowered  }
0x9b: {  	s6 =	simm.s32 $0x1BFF;
	s21 =	sshll.u32 s5, $0x1;
	s3 =	sadd.s32 s20, s19  }
0x9c: {  	s22 =	simm.s32 $0x0;
	s4 =	sshll.u32 s4, $0x1;
	s5 =	sadd.s32 s21, s3  }
0x9d: {  	[timem:s22], [sflag:s6] =	dma.local [hbm:s5], s4  }
0x9e: {  	_ =	swait.ge [sflag:s6], s4  }
0x9f: {  	s4 =	ssub.s32 $0x0, s4;
	[sflag:s6] =	ssyncset.done $0x0  }
0xa0: {  	[sflag:s6] =	ssyncadd.s32 s4;
	_ =	sdelay $0x1  }
0xa1: {  	s23 =	simm.s32 $0x1B8B  }
0xa2: {  	_ =	swait.ge [sflag:s23], $0x1  }
0xa3: {  	[sflag:s23] =	ssyncset.done $0x0  }
0xa4: {  	[sflag:s23] =	ssyncadd.s32 $0xFFFFFFFF  }
0xa5: {  	s4 =	sld [smem:$0x0]  }
0xa6: {  	s5 =	sand.u32 $0xFFFFFFFE, s1  }
0xa7: {  	p0 =	sne.s32 s1, s5  }
0xa8: {  	s5 =	sshll.u32 @p0 s5, $0xE  }
0xa9: {  	s5 =	sadd.s32 @p0 $0x11B8D, s5;
	s6 =	sshll.u32 @p0 s4, $0x11  }
0xaa: {  	s5 =	sor.u32 @p0 s6, s5  }
0xab: {  	[sflag:s5] =	ssyncadd.remote.s32 @p0 $0x1;
	_ =	sdelay $0x1  }
0xac: {  	s5 =	simm.s32 @p0 $0x1B8D  }
0xad: {  	_ =	swait.eq @p0 [sflag:s5], $0x1  }
0xae: {  	[sflag:s5] =	ssyncadd.s32 @p0 $0xFFFFFFFF  }
0xaf: {  	s6 =	sshll.u32 @!p0 s1, $0xE  }
0xb0: {  	s6 =	sor.u32 @!p0 $0x4000, s6;
	s5 =	simm.s32 @!p0 $0x1B8D  }
0xb1: {  	s4 =	sshll.u32 @!p0 s4, $0x11;
	s6 =	sadd.s32 @!p0 $0x11B8D, s6;
	_ =	swait.eq @!p0 [sflag:s5], $0x1  }
0xb2: {  	s4 =	sor.u32 @!p0 s4, s6;
	[sflag:s5] =	ssyncadd.s32 @!p0 $0xFFFFFFFF  }
0xb3: {  	s25 =	simm.s32 $0x1B8E;
	s24 =	sld [smem:$0x3FFE];
	[sflag:s4] =	ssyncadd.remote.s32 @!p0 $0x1  }
0xb4: {  	s26 =	simm.s32 $execute0_lowered;
	[smem:$0x3FD2] =	sst s25  }
0xb5: {  	s5 =	sshll.u32 s26, $0x1;
	_ =	strace $0x80000061;
	[dreg:$0x1] =	wrdreg $0xFFFFFFFF  }
0xb6: {  	s28 =	simm.s32 $_size_execute0_lowered;
	s3 =	sadd.s32 s3, s5;
	[dreg:$0x0] =	wrdreg $0x0  }
0xb7: {  	s5 =	sshll.u32 s28, $0x1;
	[dreg:$0x2] =	wrdreg s3  }
0xb8: {  	[dreg:$0x3] =	wrdreg s5  }
0xb9: {  	[dreg:$0x4] =	wrdreg $0xC0  }
0xba: {  	_ =	task [dreg:s22], $0x5FFFF  }
0xbb: {  	[dreg:$0x1] =	wrdreg $0xFFFFFFFF  }
0xbc: {  	[dreg:$0x0] =	wrdreg $0x60  }
0xbd: {  	[dreg:$0x2] =	wrdreg s24  }
0xbe: {  	[dreg:$0x3] =	wrdreg $0x0  }
0xbf: {  	[dreg:$0x4] =	wrdreg $0x9  }
0xc0: {  	_ =	task.clear_ibuf [dreg:s22], $0x5FFFF;
	_ =	strace $0x90000061  }
0xc1: {  	s29 =	simm.s32 $0x9;
	_ =	strace $0x80000063  }
0xc2: {  	_ =	swait.ge [sflag:s29], $0x1  }
0xc3: {  	[sflag:s29] =	ssyncadd.s32 $0xFFFFFFFF  }
0xc4: {  	_ =	strace $0x90000063  }
0xc5: {  	_ =	sfence  }
0xc6: {  	s30 =	sld [smem:$0x0];
	_ =	sdelay $0x2  }
0xc7: {  	s31 =	sshll.u32 s1, $0xD;
	s1 =	sshrl.u32 s1, $0x2  }
0xc8: {  	s4 =	sand.u32 $0x4000, s31;
	s1 =	sadd.s32 s1, s30  }
0xc9: {  	s0 =	sor.u32 s4, s0;
	s1 =	sshll.u32 s1, $0x11  }
0xca: {  	s0 =	sor.u32 s1, s0  }
0xcb: {  	s0 =	sadd.s32 $0x8F2B, s0  }
0xcc: {  	[sflag:s0] =	ssyncadd.remote.s32 $0x1  }
0xcd: {  	_ =	sfence.sel $0xFFFF  }
0xce: {  	[dreg:$0x0] =	wrdreg $0xFFFFFFFF;
	(pc) =	sbr.abs _section_cstart, $3  }
0xcf: {  	[dreg:$0x1] =	wrdreg $0xFFFFFFFF  }
0xd0: {  	_ =	task.clear_ibuf [dreg:s22], $0x2FFFF;
	_ =	strace $0x9FFFFFFF  }
0xd1: {  	(tm) =	ssettm $0x7FFFFFFF  }
tec
execute0_lowered:
.L_overlay_start_1:
0x0: {  	(tag) =	ssettag $0x1  }
0x1: {  	s0 =	srdreg.scid;
	s5 =	rddreg [dreg:$0x0]  }
0x2: {  	s2 =	rddreg [dreg:$0x1];
	s3 =	simm.s32 $0x0;
	s6 =	sand.u32 $0x1, s0  }
0x3: {  	s15 =	simm.s32 $0x16800;
	s16 =	simm.s32 $0x1;
	s8 =	smul.u32 $0x4F00, s6  }
0x4: {  	s17 =	simm.s32 $0x0;
	s0 =	stileid.u32;
	s9 =	smul.u32 $0x140000, s6  }
0x5: {  	[smem:$0x7FF] =	sst s3;
	s4 =	sadd.s32 $0x14E00, s5;
	s10 =	smul.u32 $0x14000, s0  }
0x6: {  	s13 =	sadd.s32 $0x3CE00, s5;
	s1 =	sshll.u32 s6, $0x4;
	s12 =	smul.u32 $0x50000, s0  }
0x7: {  	s25 =	ssub.s32 $0x2, s6;
	s29 =	smul.u32 $0x2800, s0;
	p0 =	seq.s32 s6, $0x0  }
0x8: {  	s14 =	smul.u32 $0x4F0, s0;
	s31 =	sshll.u32 s0, $0x6;
	s1 =	sor.u32 s0, s1  }
0x9: {  	s26 =	sshrl.u32 s25, $0x1;
	s13 =	smov.u32 @p0 s4;
	s7 =	smul.u32 $0x500, s1  }
0xa: {  	s1 =	rddreg [dreg:$0x2];
	_ =	strace $0x80000062;
	s11 =	sadd.s32 s8, s5  }
0xb: {  	s24 =	sadd.s32 s10, s9;
	s9 =	ssub.s32 s25, s26;
	s28 =	sshrl.u32 s12, $0x2  }
0xc: {  	s10 =	simm.s32 $0x2;
	s8 =	sshrl.u32 s24, $0x3;
	s12 =	sadd.s32 s28, s2  }
0xd: {  	s30 =	sadd.s32 s14, s11;
	s11 =	sor.u32 $0x1C02, s31;
	s14 =	simm.s32 $0x16880  }
0xe: {  	s7 =	sadd.s32 s7, s5;
	s8 =	sadd.s32 s8, s5;
	s12 =	sshrl.u32 s12, $0x3  }
0xf: {  	s5 =	sadd.s32 $0xB1C00, s7;
	s6 =	sadd.s32 $0x133C00, s8;
	s7 =	smax.u32 s9, $0x1  }
0x10: {  	s8 =	sadd.s32 s13, s29;
	s9 =	sadd.s32 $0xAE00, s30;
	s13 =	simm.s32 $0x80  }
.LBB2_1:
0x11: {  	s18 =	simm.s32 $0x14000  }
0x12: {  	[tilespmem:s18], [sflag:$0x2] =	stream.linear.gather [hbm4b:s5+s3], $0x2780, $0x38;
	[tilespmem:$0x1A880] =	vst v63  }
0x13: {  	_ =	swait.ge [sflag:s10], $0x2780  }
0x14: {  	[sflag:s10] =	ssyncset.done $0x0  }
0x15: {  	[sflag:s10] =	ssyncadd.s32 $0xFFFFD880  }
0x16: {  	[spmem:s12], [sflag:s11] =	dma.local [hbm:s8], $0x2800  }
0x17: {  	_ =	swait.ge [sflag:s10], $0x2800  }
0x18: {  	[sflag:s10] =	ssyncset.done $0x0  }
0x19: {  	[sflag:s10] =	ssyncadd.s32 $0xFFFFD800  }
0x1a: {  	[bflag:$0x0] =	sbarrier.arrive $0xFFFF  }
0x1b: {  	[tilespmem:s14], [sflag:$0x1] =	stream.indirect.gather [hbm4b:s4+s13], $0x80, s18, s13, $0xb8;
	[tilespmem:$0x1A880] =	vst v63  }
0x1c: {  	s19 =	sadd.s32 $0x0, s9  }
0x1d: {  	[tilespmem:s15], [sflag:$0x2] =	stream.linear.gather [hbm4b:s19+s3], $0x80, $0x38;
	[tilespmem:$0x1A880] =	vst v63  }
0x1e: {  	_ =	swait.ge [sflag:s10], $0x80  }
0x1f: {  	[sflag:s10] =	ssyncset.done $0x0  }
0x20: {  	[sflag:s10] =	ssyncadd.s32 $0xFFFFFF80  }
0x21: {  	_ =	swait.ge [sflag:s16], $0x4000  }
0x22: {  	[sflag:s16] =	ssyncset.done $0x0  }
0x23: {  	[sflag:s16] =	ssyncadd.s32 $0xFFFFC000  }
0x24: {  	[spmem:s2] =	stream.indirect.scatter.add.f32 [tilespmem:s14], [sflag:$0x2], $0x80, s15, s13, $0xb8;
	[tilespmem:$0x1A880] =	vst v63  }
0x25: {  	_ =	swait.ge [sflag:s10], $0x4000  }
0x26: {  	s19 =	simm.s32 $0x10;
	[sflag:s10] =	ssyncset.done $0x0  }
.LBB2_2:
0x27: {  	p0 =	sne.s32 s19, $0x4E0;
	[sflag:s10] =	ssyncadd.s32 $0xFFFFC000;
	s18 =	sadd.s32 $0x80, s18  }
0x28: {  	[tilespmem:s14], [sflag:$0x1] =	stream.indirect.gather [hbm4b:s4+s13], $0x80, s18, s13, $0xb8;
	[tilespmem:$0x1A880] =	vst v63  }
0x29: {  	s20 =	sadd.s32 s19, s9;
	s19 =	sadd.s32 $0x10, s19  }
0x2a: {  	[tilespmem:s15], [sflag:$0x2] =	stream.linear.gather [hbm4b:s20+s3], $0x80, $0x38;
	[tilespmem:$0x1A880] =	vst v63  }
0x2b: {  	_ =	swait.ge [sflag:s10], $0x80  }
0x2c: {  	[sflag:s10] =	ssyncset.done $0x0  }
0x2d: {  	[sflag:s10] =	ssyncadd.s32 $0xFFFFFF80  }
0x2e: {  	_ =	swait.ge [sflag:s16], $0x4000  }
.Ltmp0:
0x2f: {  	[sflag:s16] =	ssyncset.done $0x0;
	(pc) =	sbr.rel @p0 .LBB2_2-.Ltmp0, $4  }
0x30: {  	[sflag:s16] =	ssyncadd.s32 $0xFFFFC000  }
0x31: {  	[spmem:s2] =	stream.indirect.scatter.add.f32 [tilespmem:s14], [sflag:$0x2], $0x80, s15, s13, $0xb8;
	[tilespmem:$0x1A880] =	vst v63  }
0x32: {  	_ =	swait.ge [sflag:s10], $0x4000  }
0x33: {  	[sflag:s10] =	ssyncset.done $0x0  }
0x34: {  	s17 =	sadd.s32 $0x1, s17  }
0x35: {  	[sflag:s10] =	ssyncadd.s32 $0xFFFFC000;
	p0 =	sne.s32 s17, s7  }
.Ltmp1:
0x36: {  	[bflag:$0x0] =	sbarrier.arrive $0xFFFF;
	(pc) =	sbr.rel @p0 .LBB2_1-.Ltmp1, $4  }
0x37: {  	[hbm:s6], [sflag:s11] =	dma.local [spmem:s12], $0x2800  }
0x38: {  	_ =	swait.ge [sflag:s10], $0x2800  }
0x39: {  	[sflag:s10] =	ssyncset.done $0x0  }
0x3a: {  	[sflag:s10] =	ssyncadd.s32 $0xFFFFD800  }
0x3b: {  	_ =	sfence.sel $0x180000  }
0x3c: {  	[bflag:$0x0] =	sbarrier.arrive $0xFFFF  }
0x3d: {  	p0 =	sne.s32 s0, $0x0;
	_ =	strace $0x90000062  }
0x3e: {  	s0 =	sadd.s32 @!p0 $0x100000, s1;
	[bflag:$0x2] =	sbarrier.arrive $0xFFFF  }
0x3f: {  	[sflag:s0] =	ssyncadd.tile.s32 @!p0 $0x1;
	_ =	shalt  }
.Lfunc_end2:
_tile_overlayer_lowered:
.L_overlay_start_2:
0x40: {  	(tag) =	ssettag $0x2  }
0x41: {  	s0 =	rddreg [dreg:$0x0];
	s2 =	stileid.u32  }
0x42: {  	s1 =	rddreg [dreg:$0x1];
	p0 =	sne.s32 s2, $0x0  }
0x43: {  	s3 =	rddreg [dreg:$0x2];
	[bflag:$0x3] =	sbarrier.arrive $0xFFFF;
	s2 =	simm.s32 @!p0 $0x1C02  }
0x44: {  	[timem:s3], [sflag:s2] =	dma.local @!p0 [hbm:s0], s1  }
0x45: {  	s0 =	simm.s32 @!p0 $0x2  }
0x46: {  	_ =	swait.ge @!p0 [sflag:s0], s1  }
0x47: {  	s1 =	ssub.s32 @!p0 $0x0, s1;
	[sflag:s0] =	ssyncset.done @!p0 $0x0  }
0x48: {  	[sflag:s0] =	ssyncadd.s32 @!p0 s1  }
0x49: {  	[bflag:$0x3] =	sbarrier.arrive $0xFFFF  }
0x4a: {  	_ =	shalt  }

// kernel: kernel.44.cloned.1.call-start
scs
__scs_entry_jumppad:
0x0: {  	(pc) =	sbr.rel $0x88, $3  }
0x1: {  	(tag) =	ssettag $0x0;
	lr =	simm.s32 $0x1  }
0x2: {  	[smem:$0x3F98] =	sst lr;
	_ =	strace $0xD0000000  }
0x3: {  	_ = 	snop  }
0x4: {  	_ = 	snop  }
0x5: {  	_ = 	snop  }
0x6: {  	_ = 	snop  }
0x7: {  	_ = 	snop  }
__scs_overlays_trampoline_lowered:
0x8: {  	[smem:$0x3FA7] =	sst s0  }
0x9: {  	[smem:$0x3FA8] =	sst s1  }
0xa: {  	[smem:$0x3FA9] =	sst s2  }
0xb: {  	[smem:$0x3FAA] =	sst s3  }
0xc: {  	[smem:$0x3FAB] =	sst s4  }
0xd: {  	[smem:$0x3FAC] =	sst s5  }
0xe: {  	[smem:$0x3FAD] =	sst s6  }
0xf: {  	[smem:$0x3FAE] =	sst s7  }
0x10: {  	[smem:$0x3FAF] =	sst s8  }
0x11: {  	[smem:$0x3FB0] =	sst s9;
	s0 =	simm.s32 @!p0 $0x0  }
0x12: {  	s1 =	sld [smem:$0x3F96];
	s0 =	simm.s32 @p0 $0x1  }
0x13: {  	[smem:$0x3FB1] =	sst s0;
	s0 =	simm.s32 @!p1 $0x0  }
0x14: {  	s2 =	sld [smem:$0x3F95];
	s0 =	simm.s32 @p1 $0x1  }
0x15: {  	[smem:$0x3FB2] =	sst s0;
	s0 =	simm.s32 @!p2 $0x0  }
0x16: {  	s3 =	sld [smem:$0x3FDB];
	s0 =	simm.s32 @p2 $0x1  }
0x17: {  	s4 =	simm.s32 $0x1BF5;
	[smem:$0x3FB4] =	sst s0  }
0x18: {  	s0 =	sld [smem:$0x3F97];
	_ =	swait.ge [sflag:s4], $0x0  }
0x19: {  	s7 =	sld [smem:$0x3F98]  }
0x1a: {  	s8 =	sadd.s32 $0xFFFFE003, lr  }
0x1b: {  	s9 =	sadd.s32 $0xFFFFFEF7, lr;
	s5 =	simm.s32 $0xFFFFFFFF;
	p2 =	slt.u32 s8, $0xFFFFF086  }
0x1c: {  	p1 =	slt.u32 s9, $0xF7A;
	s5 =	simm.s32 @!p2 $0x0  }
0x1d: {  	s5 =	simm.s32 @p1 $0x1;
	p0 =	seq.s32 s7, s2  }
0x1e: {  	s7 =	smul.u32 @!p0 $0xF7A, s2;
	p2 =	seq.s32 @!p0 s5, $0x0  }
0x1f: {  	s9 =	smul.u32 $0xF7A, s1;
	s8 =	simm.s32 @!p0 $0x1BF5;
	p2 =	por !p2, p0  }
0x20: {  	[sflag:s8] =	ssyncset.s32 @!p0 $0xFFFFF086;
	s6 =	sadd.s32 @!p0 s3, s7;
	s7 =	simm.s32 @!p0 $0x108  }
0x21: {  	s3 =	sadd.s32 s3, s9;
	s6 =	sadd.s32 @!p0 $0x88, s6;
	s7 =	simm.s32 @p2 $0x1082  }
0x22: {  	[simem:s7], [sflag:s8] =	dma.local @!p0 [hbm:s6], $0xF7A  }
0x23: {  	s9 =	sor.u32 $0xD0000000, s2;
	s6 =	simm.s32 $0x108;
	_ =	swait.ge @!p0 [sflag:s8], $0x0  }
0x24: {  	s3 =	sadd.s32 $0x88, s3;
	s6 =	simm.s32 @!p1 $0x1082;
	[sflag:s4] =	ssyncset.s32 $0xFFFFF086  }
0x25: {  	[simem:s6], [sflag:s4] =	dma.local [hbm:s3], $0xF7A  }
0x26: {  	[smem:$0x3F98] =	sst s1;
	(tag) =	ssettag s2;
	_ =	strace s9  }
0x27: {  	s1 =	sld [smem:$0x3FA8]  }
0x28: {  	s2 =	sld [smem:$0x3FA9]  }
0x29: {  	s4 =	sld [smem:$0x3FAB]  }
0x2a: {  	p0 =	seq.s32 s5, $0x0;
	s5 =	sld [smem:$0x3FAC]  }
0x2b: {  	s6 =	sld [smem:$0x3FAD]  }
0x2c: {  	s7 =	sld [smem:$0x3FAE]  }
0x2d: {  	s3 =	simm.s32 $0x108;
	s8 =	sld [smem:$0x3FAF]  }
0x2e: {  	s3 =	simm.s32 @!p0 $0x1082;
	s9 =	sld [smem:$0x3FB0]  }
0x2f: {  	lr =	sadd.s32 s0, s3;
	s0 =	sld [smem:$0x3FA7]  }
0x30: {  	s3 =	sld [smem:$0x3FAA]  }
0x31: {  	[smem:$0x3FB3] =	sst s10  }
0x32: {  	s10 =	sld [smem:$0x3FB1];
	_ =	sdelay $0x3  }
0x33: {  	p0 =	seq.s32 s10, $0x1;
	s10 =	sld [smem:$0x3FB3];
	_ =	sdelay $0x3  }
0x34: {  	[smem:$0x3FB3] =	sst s10  }
0x35: {  	s10 =	sld [smem:$0x3FB2];
	_ =	sdelay $0x3  }
0x36: {  	p1 =	seq.s32 s10, $0x1;
	s10 =	sld [smem:$0x3FB3];
	_ =	sdelay $0x3  }
0x37: {  	[smem:$0x3FB3] =	sst s10  }
0x38: {  	s10 =	sld [smem:$0x3FB4]  }
0x39: {  	_ = 	snop;
	(pc) =	sbr.ind lr, $3  }
0x3a: {  	_ = 	snop  }
0x3b: {  	_ = 	snop  }
0x3c: {  	p2 =	seq.s32 s10, $0x1;
	s10 =	sld [smem:$0x3FB3]  }
0x3d: {  	_ =	shalt  }
0x3e: {  	_ =	shalt  }
0x3f: {  	_ =	shalt  }
0x40: {  	_ =	shalt  }
0x41: {  	_ =	shalt  }
0x42: {  	_ =	shalt  }
0x43: {  	_ =	shalt  }
0x44: {  	_ =	shalt  }
0x45: {  	_ =	shalt  }
0x46: {  	_ =	shalt  }
0x47: {  	_ =	shalt  }
0x48: {  	_ =	shalt  }
0x49: {  	_ =	shalt  }
0x4a: {  	_ =	shalt  }
0x4b: {  	_ =	shalt  }
0x4c: {  	_ =	shalt  }
0x4d: {  	_ =	shalt  }
0x4e: {  	_ =	shalt  }
0x4f: {  	_ =	shalt  }
0x50: {  	_ =	shalt  }
0x51: {  	_ =	shalt  }
0x52: {  	_ =	shalt  }
0x53: {  	_ =	shalt  }
0x54: {  	_ =	shalt  }
0x55: {  	_ =	shalt  }
0x56: {  	_ =	shalt  }
0x57: {  	_ =	shalt  }
0x58: {  	_ =	shalt  }
0x59: {  	_ =	shalt  }
0x5a: {  	_ =	shalt  }
0x5b: {  	_ =	shalt  }
0x5c: {  	_ =	shalt  }
0x5d: {  	_ =	shalt  }
0x5e: {  	_ =	shalt  }
0x5f: {  	_ =	shalt  }
0x60: {  	_ =	shalt  }
0x61: {  	_ =	shalt  }
0x62: {  	_ =	shalt  }
0x63: {  	_ =	shalt  }
0x64: {  	_ =	shalt  }
0x65: {  	_ =	shalt  }
0x66: {  	_ =	shalt  }
0x67: {  	_ =	shalt  }
0x68: {  	_ =	shalt  }
0x69: {  	_ =	shalt  }
0x6a: {  	_ =	shalt  }
0x6b: {  	_ =	shalt  }
0x6c: {  	_ =	shalt  }
0x6d: {  	_ =	shalt  }
0x6e: {  	_ =	shalt  }
0x6f: {  	_ =	shalt  }
0x70: {  	_ =	shalt  }
0x71: {  	_ =	shalt  }
0x72: {  	_ =	shalt  }
0x73: {  	_ =	shalt  }
0x74: {  	_ =	shalt  }
0x75: {  	_ =	shalt  }
0x76: {  	_ =	shalt  }
0x77: {  	_ =	shalt  }
0x78: {  	_ =	shalt  }
0x79: {  	_ =	shalt  }
0x7a: {  	_ =	shalt  }
0x7b: {  	_ =	shalt  }
0x7c: {  	_ =	shalt  }
0x7d: {  	_ =	shalt  }
0x7e: {  	_ =	shalt  }
0x7f: {  	_ =	shalt  }
0x80: {  	_ =	shalt  }
0x81: {  	_ =	shalt  }
0x82: {  	_ =	shalt  }
0x83: {  	_ =	shalt  }
0x84: {  	_ =	shalt  }
0x85: {  	_ =	shalt  }
0x86: {  	_ =	shalt  }
0x87: {  	_ =	shalt  }
.Lfunc_end0:
.L_simem_size_0:
called_computation.4_lowered:
.L_overlay_start_0:
0x88: {  	s2 =	sld [smem:$0x3FD9]  }
0x89: {  	s3 =	sld [smem:$0x3FFE];
	_ =	sdelay $0x1  }
0x8a: {  	s1 =	srdreg.scid  }
0x8b: {  	s0 =	sand.u32 $0x1, s1  }
0x8c: {  	s17 =	sshll.u32 s0, $0xA;
	s2 =	sadd.s32 s3, s2  }
0x8d: {  	s2 =	sadd.s32 s2, s17  }
0x8e: {  	[smem:$0x3FBF] =	sst s2  }
0x8f: {  	_ = 	snop  }
0x90: {  	(tm) =	ssettm $0x1  }
0x91: {  	s18 =	sld [smem:$0x3FFB];
	_ =	sdelay $0x3  }
0x92: {  	_ =	strace s18  }
0x93: {  	s2 =	sld [smem:$0x3FFC];
	_ =	sdelay $0x3  }
0x94: {  	_ =	strace s2  }
0x95: {  	s2 =	sld [smem:$0x3FFD];
	_ =	sdelay $0x3  }
0x96: {  	_ =	strace s2  }
0x97: {  	_ =	strace $0x8FFFFFFF  }
0x98: {  	s19 =	sld [smem:$0x3FDB];
	_ =	sdelay $0x1  }
0x99: {  	s20 =	simm.s32 $_scs_section_size  }
0x9a: {  	s4 =	simm.s32 $_size__tile_overlayer_lowered;
	s5 =	simm.s32 $_tile_overlayer_lowered  }
0x9b: {  	s6 =	simm.s32 $0x1BFF;
	s21 =	sshll.u32 s5, $0x1;
	s3 =	sadd.s32 s20, s19  }
0x9c: {  	s22 =	simm.s32 $0x0;
	s4 =	sshll.u32 s4, $0x1;
	s5 =	sadd.s32 s21, s3  }
0x9d: {  	[timem:s22], [sflag:s6] =	dma.local [hbm:s5], s4  }
0x9e: {  	_ =	swait.ge [sflag:s6], s4  }
0x9f: {  	s4 =	ssub.s32 $0x0, s4;
	[sflag:s6] =	ssyncset.done $0x0  }
0xa0: {  	[sflag:s6] =	ssyncadd.s32 s4;
	_ =	sdelay $0x1  }
0xa1: {  	s23 =	simm.s32 $0x1B8B  }
0xa2: {  	_ =	swait.ge [sflag:s23], $0x1  }
0xa3: {  	[sflag:s23] =	ssyncset.done $0x0  }
0xa4: {  	[sflag:s23] =	ssyncadd.s32 $0xFFFFFFFF  }
0xa5: {  	s4 =	sld [smem:$0x0]  }
0xa6: {  	s5 =	sand.u32 $0xFFFFFFFE, s1  }
0xa7: {  	p0 =	sne.s32 s1, s5  }
0xa8: {  	s5 =	sshll.u32 @p0 s5, $0xE  }
0xa9: {  	s5 =	sadd.s32 @p0 $0x11B8D, s5;
	s6 =	sshll.u32 @p0 s4, $0x11  }
0xaa: {  	s5 =	sor.u32 @p0 s6, s5  }
0xab: {  	[sflag:s5] =	ssyncadd.remote.s32 @p0 $0x1;
	_ =	sdelay $0x1  }
0xac: {  	s5 =	simm.s32 @p0 $0x1B8D  }
0xad: {  	_ =	swait.eq @p0 [sflag:s5], $0x1  }
0xae: {  	[sflag:s5] =	ssyncadd.s32 @p0 $0xFFFFFFFF  }
0xaf: {  	s6 =	sshll.u32 @!p0 s1, $0xE  }
0xb0: {  	s6 =	sor.u32 @!p0 $0x4000, s6;
	s5 =	simm.s32 @!p0 $0x1B8D  }
0xb1: {  	s4 =	sshll.u32 @!p0 s4, $0x11;
	s6 =	sadd.s32 @!p0 $0x11B8D, s6;
	_ =	swait.eq @!p0 [sflag:s5], $0x1  }
0xb2: {  	s4 =	sor.u32 @!p0 s4, s6;
	[sflag:s5] =	ssyncadd.s32 @!p0 $0xFFFFFFFF  }
0xb3: {  	s25 =	simm.s32 $0x1B8E;
	s24 =	sld [smem:$0x3FFE];
	[sflag:s4] =	ssyncadd.remote.s32 @!p0 $0x1  }
0xb4: {  	s26 =	simm.s32 $execute0_lowered;
	[smem:$0x3FD2] =	sst s25  }
0xb5: {  	s5 =	sshll.u32 s26, $0x1;
	_ =	strace $0x8000004C;
	[dreg:$0x1] =	wrdreg $0xFFFFFFFF  }
0xb6: {  	s28 =	simm.s32 $_size_execute0_lowered;
	s3 =	sadd.s32 s3, s5;
	[dreg:$0x0] =	wrdreg $0x0  }
0xb7: {  	s5 =	sshll.u32 s28, $0x1;
	[dreg:$0x2] =	wrdreg s3  }
0xb8: {  	[dreg:$0x3] =	wrdreg s5  }
0xb9: {  	[dreg:$0x4] =	wrdreg $0xC0  }
0xba: {  	_ =	task [dreg:s22], $0x5FFFF  }
0xbb: {  	[dreg:$0x1] =	wrdreg $0xFFFFFFFF  }
0xbc: {  	[dreg:$0x0] =	wrdreg $0x60  }
0xbd: {  	[dreg:$0x2] =	wrdreg s24  }
0xbe: {  	[dreg:$0x3] =	wrdreg $0x0  }
0xbf: {  	[dreg:$0x4] =	wrdreg $0xA  }
0xc0: {  	_ =	task.clear_ibuf [dreg:s22], $0x5FFFF;
	_ =	strace $0x9000004C  }
0xc1: {  	s29 =	simm.s32 $0xA;
	_ =	strace $0x8000004E  }
0xc2: {  	_ =	swait.ge [sflag:s29], $0x1  }
0xc3: {  	[sflag:s29] =	ssyncadd.s32 $0xFFFFFFFF  }
0xc4: {  	_ =	strace $0x9000004E  }
0xc5: {  	_ =	sfence  }
0xc6: {  	s30 =	sld [smem:$0x0];
	_ =	sdelay $0x2  }
0xc7: {  	s31 =	sshll.u32 s1, $0xD;
	s1 =	sshrl.u32 s1, $0x2  }
0xc8: {  	s4 =	sand.u32 $0x4000, s31;
	s1 =	sadd.s32 s1, s30  }
0xc9: {  	s0 =	sor.u32 s4, s0;
	s1 =	sshll.u32 s1, $0x11  }
0xca: {  	s0 =	sor.u32 s1, s0  }
0xcb: {  	s0 =	sadd.s32 $0x8F2B, s0  }
0xcc: {  	[sflag:s0] =	ssyncadd.remote.s32 $0x1  }
0xcd: {  	_ =	sfence.sel $0xFFFF  }
0xce: {  	[dreg:$0x0] =	wrdreg $0xFFFFFFFF;
	(pc) =	sbr.abs _section_cstart, $3  }
0xcf: {  	[dreg:$0x1] =	wrdreg $0xFFFFFFFF  }
0xd0: {  	_ =	task.clear_ibuf [dreg:s22], $0x2FFFF;
	_ =	strace $0x9FFFFFFF  }
0xd1: {  	(tm) =	ssettm $0x7FFFFFFF  }
tec
execute0_lowered:
.L_overlay_start_1:
0x0: {  	(tag) =	ssettag $0x1  }
0x1: {  	s0 =	srdreg.scid;
	s5 =	rddreg [dreg:$0x0]  }
0x2: {  	s2 =	rddreg [dreg:$0x1];
	s3 =	simm.s32 $0x0;
	s6 =	sand.u32 $0x1, s0  }
0x3: {  	s15 =	simm.s32 $0x16800;
	s16 =	simm.s32 $0x1;
	s8 =	smul.u32 $0x4F00, s6  }
0x4: {  	s17 =	simm.s32 $0x0;
	s0 =	stileid.u32;
	s9 =	smul.u32 $0x140000, s6  }
0x5: {  	[smem:$0x7FF] =	sst s3;
	s4 =	sadd.s32 $0xBBC00, s5;
	s10 =	smul.u32 $0x14000, s0  }
0x6: {  	s13 =	sadd.s32 $0x3CE00, s5;
	s1 =	sshll.u32 s6, $0x4;
	s12 =	smul.u32 $0x50000, s0  }
0x7: {  	s25 =	ssub.s32 $0x2, s6;
	s29 =	smul.u32 $0x2800, s0;
	p0 =	seq.s32 s6, $0x0  }
0x8: {  	s14 =	smul.u32 $0x4F0, s0;
	s31 =	sshll.u32 s0, $0x6;
	s1 =	sor.u32 s0, s1  }
0x9: {  	s26 =	sshrl.u32 s25, $0x1;
	s13 =	smov.u32 @p0 s4;
	s7 =	smul.u32 $0x500, s1  }
0xa: {  	s1 =	rddreg [dreg:$0x2];
	_ =	strace $0x8000004D;
	s11 =	sadd.s32 s8, s5  }
0xb: {  	s24 =	sadd.s32 s10, s9;
	s9 =	ssub.s32 s25, s26;
	s28 =	sshrl.u32 s12, $0x2  }
0xc: {  	s10 =	simm.s32 $0x2;
	s8 =	sshrl.u32 s24, $0x3;
	s12 =	sadd.s32 s28, s2  }
0xd: {  	s30 =	sadd.s32 s14, s11;
	s11 =	sor.u32 $0x1C02, s31;
	s14 =	simm.s32 $0x16880  }
0xe: {  	s7 =	sadd.s32 s7, s5;
	s8 =	sadd.s32 s8, s5;
	s12 =	sshrl.u32 s12, $0x3  }
0xf: {  	s5 =	sadd.s32 $0xB1C00, s7;
	s6 =	sadd.s32 $0x183C00, s8;
	s7 =	smax.u32 s9, $0x1  }
0x10: {  	s8 =	sadd.s32 s13, s29;
	s9 =	sadd.s32 $0xAE00, s30;
	s13 =	simm.s32 $0x80  }
.LBB2_1:
0x11: {  	s18 =	simm.s32 $0x14000  }
0x12: {  	[tilespmem:s18], [sflag:$0x2] =	stream.linear.gather [hbm4b:s5+s3], $0x2780, $0x38;
	[tilespmem:$0x1A880] =	vst v63  }
0x13: {  	_ =	swait.ge [sflag:s10], $0x2780  }
0x14: {  	[sflag:s10] =	ssyncset.done $0x0  }
0x15: {  	[sflag:s10] =	ssyncadd.s32 $0xFFFFD880  }
0x16: {  	[spmem:s12], [sflag:s11] =	dma.local [hbm:s8], $0x2800  }
0x17: {  	_ =	swait.ge [sflag:s10], $0x2800  }
0x18: {  	[sflag:s10] =	ssyncset.done $0x0  }
0x19: {  	[sflag:s10] =	ssyncadd.s32 $0xFFFFD800  }
0x1a: {  	[bflag:$0x0] =	sbarrier.arrive $0xFFFF  }
0x1b: {  	[tilespmem:s14], [sflag:$0x1] =	stream.indirect.gather [hbm4b:s4+s13], $0x80, s18, s13, $0xb8;
	[tilespmem:$0x1A880] =	vst v63  }
0x1c: {  	s19 =	sadd.s32 $0x0, s9  }
0x1d: {  	[tilespmem:s15], [sflag:$0x2] =	stream.linear.gather [hbm4b:s19+s3], $0x80, $0x38;
	[tilespmem:$0x1A880] =	vst v63  }
0x1e: {  	_ =	swait.ge [sflag:s10], $0x80  }
0x1f: {  	[sflag:s10] =	ssyncset.done $0x0  }
0x20: {  	[sflag:s10] =	ssyncadd.s32 $0xFFFFFF80  }
0x21: {  	_ =	swait.ge [sflag:s16], $0x4000  }
0x22: {  	[sflag:s16] =	ssyncset.done $0x0  }
0x23: {  	[sflag:s16] =	ssyncadd.s32 $0xFFFFC000  }
0x24: {  	[spmem:s2] =	stream.indirect.scatter.add.f32 [tilespmem:s14], [sflag:$0x2], $0x80, s15, s13, $0xb8;
	[tilespmem:$0x1A880] =	vst v63  }
0x25: {  	_ =	swait.ge [sflag:s10], $0x4000  }
0x26: {  	s19 =	simm.s32 $0x10;
	[sflag:s10] =	ssyncset.done $0x0  }
.LBB2_2:
0x27: {  	p0 =	sne.s32 s19, $0x4E0;
	[sflag:s10] =	ssyncadd.s32 $0xFFFFC000;
	s18 =	sadd.s32 $0x80, s18  }
0x28: {  	[tilespmem:s14], [sflag:$0x1] =	stream.indirect.gather [hbm4b:s4+s13], $0x80, s18, s13, $0xb8;
	[tilespmem:$0x1A880] =	vst v63  }
0x29: {  	s20 =	sadd.s32 s19, s9;
	s19 =	sadd.s32 $0x10, s19  }
0x2a: {  	[tilespmem:s15], [sflag:$0x2] =	stream.linear.gather [hbm4b:s20+s3], $0x80, $0x38;
	[tilespmem:$0x1A880] =	vst v63  }
0x2b: {  	_ =	swait.ge [sflag:s10], $0x80  }
0x2c: {  	[sflag:s10] =	ssyncset.done $0x0  }
0x2d: {  	[sflag:s10] =	ssyncadd.s32 $0xFFFFFF80  }
0x2e: {  	_ =	swait.ge [sflag:s16], $0x4000  }
.Ltmp0:
0x2f: {  	[sflag:s16] =	ssyncset.done $0x0;
	(pc) =	sbr.rel @p0 .LBB2_2-.Ltmp0, $4  }
0x30: {  	[sflag:s16] =	ssyncadd.s32 $0xFFFFC000  }
0x31: {  	[spmem:s2] =	stream.indirect.scatter.add.f32 [tilespmem:s14], [sflag:$0x2], $0x80, s15, s13, $0xb8;
	[tilespmem:$0x1A880] =	vst v63  }
0x32: {  	_ =	swait.ge [sflag:s10], $0x4000  }
0x33: {  	[sflag:s10] =	ssyncset.done $0x0  }
0x34: {  	s17 =	sadd.s32 $0x1, s17  }
0x35: {  	[sflag:s10] =	ssyncadd.s32 $0xFFFFC000;
	p0 =	sne.s32 s17, s7  }
.Ltmp1:
0x36: {  	[bflag:$0x0] =	sbarrier.arrive $0xFFFF;
	(pc) =	sbr.rel @p0 .LBB2_1-.Ltmp1, $4  }
0x37: {  	[hbm:s6], [sflag:s11] =	dma.local [spmem:s12], $0x2800  }
0x38: {  	_ =	swait.ge [sflag:s10], $0x2800  }
0x39: {  	[sflag:s10] =	ssyncset.done $0x0  }
0x3a: {  	[sflag:s10] =	ssyncadd.s32 $0xFFFFD800  }
0x3b: {  	_ =	sfence.sel $0x180000  }
0x3c: {  	[bflag:$0x0] =	sbarrier.arrive $0xFFFF  }
0x3d: {  	p0 =	sne.s32 s0, $0x0;
	_ =	strace $0x9000004D  }
0x3e: {  	s0 =	sadd.s32 @!p0 $0x100000, s1;
	[bflag:$0x2] =	sbarrier.arrive $0xFFFF  }
0x3f: {  	[sflag:s0] =	ssyncadd.tile.s32 @!p0 $0x1;
	_ =	shalt  }
.Lfunc_end2:
_tile_overlayer_lowered:
.L_overlay_start_2:
0x40: {  	(tag) =	ssettag $0x2  }
0x41: {  	s0 =	rddreg [dreg:$0x0];
	s2 =	stileid.u32  }
0x42: {  	s1 =	rddreg [dreg:$0x1];
	p0 =	sne.s32 s2, $0x0  }
0x43: {  	s3 =	rddreg [dreg:$0x2];
	[bflag:$0x3] =	sbarrier.arrive $0xFFFF;
	s2 =	simm.s32 @!p0 $0x1C02  }
0x44: {  	[timem:s3], [sflag:s2] =	dma.local @!p0 [hbm:s0], s1  }
0x45: {  	s0 =	simm.s32 @!p0 $0x2  }
0x46: {  	_ =	swait.ge @!p0 [sflag:s0], s1  }
0x47: {  	s1 =	ssub.s32 @!p0 $0x0, s1;
	[sflag:s0] =	ssyncset.done @!p0 $0x0  }
0x48: {  	[sflag:s0] =	ssyncadd.s32 @!p0 s1  }
0x49: {  	[bflag:$0x3] =	sbarrier.arrive $0xFFFF  }
0x4a: {  	_ =	shalt  }

// kernel: kernel.47.cloned.1.call-start
scs
__scs_entry_jumppad:
0x0: {  	(pc) =	sbr.rel $0x88, $3  }
0x1: {  	(tag) =	ssettag $0x0;
	lr =	simm.s32 $0x1  }
0x2: {  	[smem:$0x3F98] =	sst lr;
	_ =	strace $0xD0000000  }
0x3: {  	_ = 	snop  }
0x4: {  	_ = 	snop  }
0x5: {  	_ = 	snop  }
0x6: {  	_ = 	snop  }
0x7: {  	_ = 	snop  }
__scs_overlays_trampoline_lowered:
0x8: {  	[smem:$0x3FA7] =	sst s0  }
0x9: {  	[smem:$0x3FA8] =	sst s1  }
0xa: {  	[smem:$0x3FA9] =	sst s2  }
0xb: {  	[smem:$0x3FAA] =	sst s3  }
0xc: {  	[smem:$0x3FAB] =	sst s4  }
0xd: {  	[smem:$0x3FAC] =	sst s5  }
0xe: {  	[smem:$0x3FAD] =	sst s6  }
0xf: {  	[smem:$0x3FAE] =	sst s7  }
0x10: {  	[smem:$0x3FAF] =	sst s8  }
0x11: {  	[smem:$0x3FB0] =	sst s9;
	s0 =	simm.s32 @!p0 $0x0  }
0x12: {  	s1 =	sld [smem:$0x3F96];
	s0 =	simm.s32 @p0 $0x1  }
0x13: {  	[smem:$0x3FB1] =	sst s0;
	s0 =	simm.s32 @!p1 $0x0  }
0x14: {  	s2 =	sld [smem:$0x3F95];
	s0 =	simm.s32 @p1 $0x1  }
0x15: {  	[smem:$0x3FB2] =	sst s0;
	s0 =	simm.s32 @!p2 $0x0  }
0x16: {  	s3 =	sld [smem:$0x3FDB];
	s0 =	simm.s32 @p2 $0x1  }
0x17: {  	s4 =	simm.s32 $0x1BF5;
	[smem:$0x3FB4] =	sst s0  }
0x18: {  	s0 =	sld [smem:$0x3F97];
	_ =	swait.ge [sflag:s4], $0x0  }
0x19: {  	s7 =	sld [smem:$0x3F98]  }
0x1a: {  	s8 =	sadd.s32 $0xFFFFE003, lr  }
0x1b: {  	s9 =	sadd.s32 $0xFFFFFEF7, lr;
	s5 =	simm.s32 $0xFFFFFFFF;
	p2 =	slt.u32 s8, $0xFFFFF086  }
0x1c: {  	p1 =	slt.u32 s9, $0xF7A;
	s5 =	simm.s32 @!p2 $0x0  }
0x1d: {  	s5 =	simm.s32 @p1 $0x1;
	p0 =	seq.s32 s7, s2  }
0x1e: {  	s7 =	smul.u32 @!p0 $0xF7A, s2;
	p2 =	seq.s32 @!p0 s5, $0x0  }
0x1f: {  	s9 =	smul.u32 $0xF7A, s1;
	s8 =	simm.s32 @!p0 $0x1BF5;
	p2 =	por !p2, p0  }
0x20: {  	[sflag:s8] =	ssyncset.s32 @!p0 $0xFFFFF086;
	s6 =	sadd.s32 @!p0 s3, s7;
	s7 =	simm.s32 @!p0 $0x108  }
0x21: {  	s3 =	sadd.s32 s3, s9;
	s6 =	sadd.s32 @!p0 $0x88, s6;
	s7 =	simm.s32 @p2 $0x1082  }
0x22: {  	[simem:s7], [sflag:s8] =	dma.local @!p0 [hbm:s6], $0xF7A  }
0x23: {  	s9 =	sor.u32 $0xD0000000, s2;
	s6 =	simm.s32 $0x108;
	_ =	swait.ge @!p0 [sflag:s8], $0x0  }
0x24: {  	s3 =	sadd.s32 $0x88, s3;
	s6 =	simm.s32 @!p1 $0x1082;
	[sflag:s4] =	ssyncset.s32 $0xFFFFF086  }
0x25: {  	[simem:s6], [sflag:s4] =	dma.local [hbm:s3], $0xF7A  }
0x26: {  	[smem:$0x3F98] =	sst s1;
	(tag) =	ssettag s2;
	_ =	strace s9  }
0x27: {  	s1 =	sld [smem:$0x3FA8]  }
0x28: {  	s2 =	sld [smem:$0x3FA9]  }
0x29: {  	s4 =	sld [smem:$0x3FAB]  }
0x2a: {  	p0 =	seq.s32 s5, $0x0;
	s5 =	sld [smem:$0x3FAC]  }
0x2b: {  	s6 =	sld [smem:$0x3FAD]  }
0x2c: {  	s7 =	sld [smem:$0x3FAE]  }
0x2d: {  	s3 =	simm.s32 $0x108;
	s8 =	sld [smem:$0x3FAF]  }
0x2e: {  	s3 =	simm.s32 @!p0 $0x1082;
	s9 =	sld [smem:$0x3FB0]  }
0x2f: {  	lr =	sadd.s32 s0, s3;
	s0 =	sld [smem:$0x3FA7]  }
0x30: {  	s3 =	sld [smem:$0x3FAA]  }
0x31: {  	[smem:$0x3FB3] =	sst s10  }
0x32: {  	s10 =	sld [smem:$0x3FB1];
	_ =	sdelay $0x3  }
0x33: {  	p0 =	seq.s32 s10, $0x1;
	s10 =	sld [smem:$0x3FB3];
	_ =	sdelay $0x3  }
0x34: {  	[smem:$0x3FB3] =	sst s10  }
0x35: {  	s10 =	sld [smem:$0x3FB2];
	_ =	sdelay $0x3  }
0x36: {  	p1 =	seq.s32 s10, $0x1;
	s10 =	sld [smem:$0x3FB3];
	_ =	sdelay $0x3  }
0x37: {  	[smem:$0x3FB3] =	sst s10  }
0x38: {  	s10 =	sld [smem:$0x3FB4]  }
0x39: {  	_ = 	snop;
	(pc) =	sbr.ind lr, $3  }
0x3a: {  	_ = 	snop  }
0x3b: {  	_ = 	snop  }
0x3c: {  	p2 =	seq.s32 s10, $0x1;
	s10 =	sld [smem:$0x3FB3]  }
0x3d: {  	_ =	shalt  }
0x3e: {  	_ =	shalt  }
0x3f: {  	_ =	shalt  }
0x40: {  	_ =	shalt  }
0x41: {  	_ =	shalt  }
0x42: {  	_ =	shalt  }
0x43: {  	_ =	shalt  }
0x44: {  	_ =	shalt  }
0x45: {  	_ =	shalt  }
0x46: {  	_ =	shalt  }
0x47: {  	_ =	shalt  }
0x48: {  	_ =	shalt  }
0x49: {  	_ =	shalt  }
0x4a: {  	_ =	shalt  }
0x4b: {  	_ =	shalt  }
0x4c: {  	_ =	shalt  }
0x4d: {  	_ =	shalt  }
0x4e: {  	_ =	shalt  }
0x4f: {  	_ =	shalt  }
0x50: {  	_ =	shalt  }
0x51: {  	_ =	shalt  }
0x52: {  	_ =	shalt  }
0x53: {  	_ =	shalt  }
0x54: {  	_ =	shalt  }
0x55: {  	_ =	shalt  }
0x56: {  	_ =	shalt  }
0x57: {  	_ =	shalt  }
0x58: {  	_ =	shalt  }
0x59: {  	_ =	shalt  }
0x5a: {  	_ =	shalt  }
0x5b: {  	_ =	shalt  }
0x5c: {  	_ =	shalt  }
0x5d: {  	_ =	shalt  }
0x5e: {  	_ =	shalt  }
0x5f: {  	_ =	shalt  }
0x60: {  	_ =	shalt  }
0x61: {  	_ =	shalt  }
0x62: {  	_ =	shalt  }
0x63: {  	_ =	shalt  }
0x64: {  	_ =	shalt  }
0x65: {  	_ =	shalt  }
0x66: {  	_ =	shalt  }
0x67: {  	_ =	shalt  }
0x68: {  	_ =	shalt  }
0x69: {  	_ =	shalt  }
0x6a: {  	_ =	shalt  }
0x6b: {  	_ =	shalt  }
0x6c: {  	_ =	shalt  }
0x6d: {  	_ =	shalt  }
0x6e: {  	_ =	shalt  }
0x6f: {  	_ =	shalt  }
0x70: {  	_ =	shalt  }
0x71: {  	_ =	shalt  }
0x72: {  	_ =	shalt  }
0x73: {  	_ =	shalt  }
0x74: {  	_ =	shalt  }
0x75: {  	_ =	shalt  }
0x76: {  	_ =	shalt  }
0x77: {  	_ =	shalt  }
0x78: {  	_ =	shalt  }
0x79: {  	_ =	shalt  }
0x7a: {  	_ =	shalt  }
0x7b: {  	_ =	shalt  }
0x7c: {  	_ =	shalt  }
0x7d: {  	_ =	shalt  }
0x7e: {  	_ =	shalt  }
0x7f: {  	_ =	shalt  }
0x80: {  	_ =	shalt  }
0x81: {  	_ =	shalt  }
0x82: {  	_ =	shalt  }
0x83: {  	_ =	shalt  }
0x84: {  	_ =	shalt  }
0x85: {  	_ =	shalt  }
0x86: {  	_ =	shalt  }
0x87: {  	_ =	shalt  }
.Lfunc_end0:
.L_simem_size_0:
called_computation.5_lowered:
.L_overlay_start_0:
0x88: {  	s2 =	sld [smem:$0x3FD9]  }
0x89: {  	s3 =	sld [smem:$0x3FFE];
	_ =	sdelay $0x1  }
0x8a: {  	s1 =	srdreg.scid  }
0x8b: {  	s0 =	sand.u32 $0x1, s1  }
0x8c: {  	s17 =	sshll.u32 s0, $0xA;
	s2 =	sadd.s32 s3, s2  }
0x8d: {  	s2 =	sadd.s32 s2, s17  }
0x8e: {  	[smem:$0x3FBF] =	sst s2  }
0x8f: {  	_ = 	snop  }
0x90: {  	(tm) =	ssettm $0x1  }
0x91: {  	s18 =	sld [smem:$0x3FFB];
	_ =	sdelay $0x3  }
0x92: {  	_ =	strace s18  }
0x93: {  	s2 =	sld [smem:$0x3FFC];
	_ =	sdelay $0x3  }
0x94: {  	_ =	strace s2  }
0x95: {  	s2 =	sld [smem:$0x3FFD];
	_ =	sdelay $0x3  }
0x96: {  	_ =	strace s2  }
0x97: {  	_ =	strace $0x8FFFFFFF  }
0x98: {  	s19 =	sld [smem:$0x3FDB];
	_ =	sdelay $0x1  }
0x99: {  	s20 =	simm.s32 $_scs_section_size  }
0x9a: {  	s4 =	simm.s32 $_size__tile_overlayer_lowered;
	s5 =	simm.s32 $_tile_overlayer_lowered  }
0x9b: {  	s6 =	simm.s32 $0x1BFF;
	s21 =	sshll.u32 s5, $0x1;
	s3 =	sadd.s32 s20, s19  }
0x9c: {  	s22 =	simm.s32 $0x0;
	s4 =	sshll.u32 s4, $0x1;
	s5 =	sadd.s32 s21, s3  }
0x9d: {  	[timem:s22], [sflag:s6] =	dma.local [hbm:s5], s4  }
0x9e: {  	_ =	swait.ge [sflag:s6], s4  }
0x9f: {  	s4 =	ssub.s32 $0x0, s4;
	[sflag:s6] =	ssyncset.done $0x0  }
0xa0: {  	[sflag:s6] =	ssyncadd.s32 s4;
	_ =	sdelay $0x1  }
0xa1: {  	s23 =	simm.s32 $0x1B8B  }
0xa2: {  	_ =	swait.ge [sflag:s23], $0x1  }
0xa3: {  	[sflag:s23] =	ssyncset.done $0x0  }
0xa4: {  	[sflag:s23] =	ssyncadd.s32 $0xFFFFFFFF  }
0xa5: {  	s4 =	sld [smem:$0x0]  }
0xa6: {  	s5 =	sand.u32 $0xFFFFFFFE, s1  }
0xa7: {  	p0 =	sne.s32 s1, s5  }
0xa8: {  	s5 =	sshll.u32 @p0 s5, $0xE  }
0xa9: {  	s5 =	sadd.s32 @p0 $0x11B8D, s5;
	s6 =	sshll.u32 @p0 s4, $0x11  }
0xaa: {  	s5 =	sor.u32 @p0 s6, s5  }
0xab: {  	[sflag:s5] =	ssyncadd.remote.s32 @p0 $0x1;
	_ =	sdelay $0x1  }
0xac: {  	s5 =	simm.s32 @p0 $0x1B8D  }
0xad: {  	_ =	swait.eq @p0 [sflag:s5], $0x1  }
0xae: {  	[sflag:s5] =	ssyncadd.s32 @p0 $0xFFFFFFFF  }
0xaf: {  	s6 =	sshll.u32 @!p0 s1, $0xE  }
0xb0: {  	s6 =	sor.u32 @!p0 $0x4000, s6;
	s5 =	simm.s32 @!p0 $0x1B8D  }
0xb1: {  	s4 =	sshll.u32 @!p0 s4, $0x11;
	s6 =	sadd.s32 @!p0 $0x11B8D, s6;
	_ =	swait.eq @!p0 [sflag:s5], $0x1  }
0xb2: {  	s4 =	sor.u32 @!p0 s4, s6;
	[sflag:s5] =	ssyncadd.s32 @!p0 $0xFFFFFFFF  }
0xb3: {  	s25 =	simm.s32 $0x1B8E;
	s24 =	sld [smem:$0x3FFE];
	[sflag:s4] =	ssyncadd.remote.s32 @!p0 $0x1  }
0xb4: {  	s26 =	simm.s32 $execute0_lowered;
	[smem:$0x3FD2] =	sst s25  }
0xb5: {  	s5 =	sshll.u32 s26, $0x1;
	_ =	strace $0x80000058;
	[dreg:$0x1] =	wrdreg $0xFFFFFFFF  }
0xb6: {  	s28 =	simm.s32 $_size_execute0_lowered;
	s3 =	sadd.s32 s3, s5;
	[dreg:$0x0] =	wrdreg $0x0  }
0xb7: {  	s5 =	sshll.u32 s28, $0x1;
	[dreg:$0x2] =	wrdreg s3  }
0xb8: {  	[dreg:$0x3] =	wrdreg s5  }
0xb9: {  	[dreg:$0x4] =	wrdreg $0xC0  }
0xba: {  	_ =	task [dreg:s22], $0x5FFFF  }
0xbb: {  	[dreg:$0x1] =	wrdreg $0xFFFFFFFF  }
0xbc: {  	[dreg:$0x0] =	wrdreg $0x60  }
0xbd: {  	[dreg:$0x2] =	wrdreg s24  }
0xbe: {  	[dreg:$0x3] =	wrdreg $0x0  }
0xbf: {  	[dreg:$0x4] =	wrdreg $0xA  }
0xc0: {  	_ =	task.clear_ibuf [dreg:s22], $0x5FFFF;
	_ =	strace $0x90000058  }
0xc1: {  	s29 =	simm.s32 $0xA;
	_ =	strace $0x8000005A  }
0xc2: {  	_ =	swait.ge [sflag:s29], $0x1  }
0xc3: {  	[sflag:s29] =	ssyncadd.s32 $0xFFFFFFFF  }
0xc4: {  	_ =	strace $0x9000005A  }
0xc5: {  	_ =	sfence  }
0xc6: {  	s30 =	sld [smem:$0x0];
	_ =	sdelay $0x2  }
0xc7: {  	s31 =	sshll.u32 s1, $0xD;
	s1 =	sshrl.u32 s1, $0x2  }
0xc8: {  	s4 =	sand.u32 $0x4000, s31;
	s1 =	sadd.s32 s1, s30  }
0xc9: {  	s0 =	sor.u32 s4, s0;
	s1 =	sshll.u32 s1, $0x11  }
0xca: {  	s0 =	sor.u32 s1, s0  }
0xcb: {  	s0 =	sadd.s32 $0x8F2B, s0  }
0xcc: {  	[sflag:s0] =	ssyncadd.remote.s32 $0x1  }
0xcd: {  	_ =	sfence.sel $0xFFFF  }
0xce: {  	[dreg:$0x0] =	wrdreg $0xFFFFFFFF;
	(pc) =	sbr.abs _section_cstart, $3  }
0xcf: {  	[dreg:$0x1] =	wrdreg $0xFFFFFFFF  }
0xd0: {  	_ =	task.clear_ibuf [dreg:s22], $0x2FFFF;
	_ =	strace $0x9FFFFFFF  }
0xd1: {  	(tm) =	ssettm $0x7FFFFFFF  }
tec
execute0_lowered:
.L_overlay_start_1:
0x0: {  	(tag) =	ssettag $0x1  }
0x1: {  	s0 =	srdreg.scid;
	s5 =	rddreg [dreg:$0x0]  }
0x2: {  	s2 =	rddreg [dreg:$0x1];
	s3 =	simm.s32 $0x0;
	s6 =	sand.u32 $0x1, s0  }
0x3: {  	s15 =	simm.s32 $0x16800;
	s16 =	simm.s32 $0x1;
	s8 =	smul.u32 $0x4F00, s6  }
0x4: {  	s17 =	simm.s32 $0x0;
	s0 =	stileid.u32;
	s9 =	smul.u32 $0x140000, s6  }
0x5: {  	[smem:$0x7FF] =	sst s3;
	s4 =	sadd.s32 $0xBBC00, s5;
	s10 =	smul.u32 $0x14000, s0  }
0x6: {  	s13 =	sadd.s32 $0x3CE00, s5;
	s1 =	sshll.u32 s6, $0x4;
	s12 =	smul.u32 $0x50000, s0  }
0x7: {  	s25 =	ssub.s32 $0x2, s6;
	s29 =	smul.u32 $0x2800, s0;
	p0 =	seq.s32 s6, $0x0  }
0x8: {  	s14 =	smul.u32 $0x4F0, s0;
	s31 =	sshll.u32 s0, $0x6;
	s1 =	sor.u32 s0, s1  }
0x9: {  	s26 =	sshrl.u32 s25, $0x1;
	s13 =	smov.u32 @p0 s4;
	s7 =	smul.u32 $0x500, s1  }
0xa: {  	s1 =	rddreg [dreg:$0x2];
	_ =	strace $0x80000059;
	s11 =	sadd.s32 s8, s5  }
0xb: {  	s24 =	sadd.s32 s10, s9;
	s9 =	ssub.s32 s25, s26;
	s28 =	sshrl.u32 s12, $0x2  }
0xc: {  	s10 =	simm.s32 $0x2;
	s8 =	sshrl.u32 s24, $0x3;
	s12 =	sadd.s32 s28, s2  }
0xd: {  	s30 =	sadd.s32 s14, s11;
	s11 =	sor.u32 $0x1C02, s31;
	s14 =	simm.s32 $0x16880  }
0xe: {  	s7 =	sadd.s32 s7, s5;
	s8 =	sadd.s32 s8, s5;
	s12 =	sshrl.u32 s12, $0x3  }
0xf: {  	s5 =	sadd.s32 $0xB1C00, s7;
	s6 =	sadd.s32 $0x183C00, s8;
	s7 =	smax.u32 s9, $0x1  }
0x10: {  	s8 =	sadd.s32 s13, s29;
	s9 =	sadd.s32 $0xAE00, s30;
	s13 =	simm.s32 $0x80  }
.LBB2_1:
0x11: {  	s18 =	simm.s32 $0x14000  }
0x12: {  	[tilespmem:s18], [sflag:$0x2] =	stream.linear.gather [hbm4b:s5+s3], $0x2780, $0x38;
	[tilespmem:$0x1A880] =	vst v63  }
0x13: {  	_ =	swait.ge [sflag:s10], $0x2780  }
0x14: {  	[sflag:s10] =	ssyncset.done $0x0  }
0x15: {  	[sflag:s10] =	ssyncadd.s32 $0xFFFFD880  }
0x16: {  	[spmem:s12], [sflag:s11] =	dma.local [hbm:s8], $0x2800  }
0x17: {  	_ =	swait.ge [sflag:s10], $0x2800  }
0x18: {  	[sflag:s10] =	ssyncset.done $0x0  }
0x19: {  	[sflag:s10] =	ssyncadd.s32 $0xFFFFD800  }
0x1a: {  	[bflag:$0x0] =	sbarrier.arrive $0xFFFF  }
0x1b: {  	[tilespmem:s14], [sflag:$0x1] =	stream.indirect.gather [hbm4b:s4+s13], $0x80, s18, s13, $0xb8;
	[tilespmem:$0x1A880] =	vst v63  }
0x1c: {  	s19 =	sadd.s32 $0x0, s9  }
0x1d: {  	[tilespmem:s15], [sflag:$0x2] =	stream.linear.gather [hbm4b:s19+s3], $0x80, $0x38;
	[tilespmem:$0x1A880] =	vst v63  }
0x1e: {  	_ =	swait.ge [sflag:s10], $0x80  }
0x1f: {  	[sflag:s10] =	ssyncset.done $0x0  }
0x20: {  	[sflag:s10] =	ssyncadd.s32 $0xFFFFFF80  }
0x21: {  	_ =	swait.ge [sflag:s16], $0x4000  }
0x22: {  	[sflag:s16] =	ssyncset.done $0x0  }
0x23: {  	[sflag:s16] =	ssyncadd.s32 $0xFFFFC000  }
0x24: {  	[spmem:s2] =	stream.indirect.scatter.add.f32 [tilespmem:s14], [sflag:$0x2], $0x80, s15, s13, $0xb8;
	[tilespmem:$0x1A880] =	vst v63  }
0x25: {  	_ =	swait.ge [sflag:s10], $0x4000  }
0x26: {  	s19 =	simm.s32 $0x10;
	[sflag:s10] =	ssyncset.done $0x0  }
.LBB2_2:
0x27: {  	p0 =	sne.s32 s19, $0x4E0;
	[sflag:s10] =	ssyncadd.s32 $0xFFFFC000;
	s18 =	sadd.s32 $0x80, s18  }
0x28: {  	[tilespmem:s14], [sflag:$0x1] =	stream.indirect.gather [hbm4b:s4+s13], $0x80, s18, s13, $0xb8;
	[tilespmem:$0x1A880] =	vst v63  }
0x29: {  	s20 =	sadd.s32 s19, s9;
	s19 =	sadd.s32 $0x10, s19  }
0x2a: {  	[tilespmem:s15], [sflag:$0x2] =	stream.linear.gather [hbm4b:s20+s3], $0x80, $0x38;
	[tilespmem:$0x1A880] =	vst v63  }
0x2b: {  	_ =	swait.ge [sflag:s10], $0x80  }
0x2c: {  	[sflag:s10] =	ssyncset.done $0x0  }
0x2d: {  	[sflag:s10] =	ssyncadd.s32 $0xFFFFFF80  }
0x2e: {  	_ =	swait.ge [sflag:s16], $0x4000  }
.Ltmp0:
0x2f: {  	[sflag:s16] =	ssyncset.done $0x0;
	(pc) =	sbr.rel @p0 .LBB2_2-.Ltmp0, $4  }
0x30: {  	[sflag:s16] =	ssyncadd.s32 $0xFFFFC000  }
0x31: {  	[spmem:s2] =	stream.indirect.scatter.add.f32 [tilespmem:s14], [sflag:$0x2], $0x80, s15, s13, $0xb8;
	[tilespmem:$0x1A880] =	vst v63  }
0x32: {  	_ =	swait.ge [sflag:s10], $0x4000  }
0x33: {  	[sflag:s10] =	ssyncset.done $0x0  }
0x34: {  	s17 =	sadd.s32 $0x1, s17  }
0x35: {  	[sflag:s10] =	ssyncadd.s32 $0xFFFFC000;
	p0 =	sne.s32 s17, s7  }
.Ltmp1:
0x36: {  	[bflag:$0x0] =	sbarrier.arrive $0xFFFF;
	(pc) =	sbr.rel @p0 .LBB2_1-.Ltmp1, $4  }
0x37: {  	[hbm:s6], [sflag:s11] =	dma.local [spmem:s12], $0x2800  }
0x38: {  	_ =	swait.ge [sflag:s10], $0x2800  }
0x39: {  	[sflag:s10] =	ssyncset.done $0x0  }
0x3a: {  	[sflag:s10] =	ssyncadd.s32 $0xFFFFD800  }
0x3b: {  	_ =	sfence.sel $0x180000  }
0x3c: {  	[bflag:$0x0] =	sbarrier.arrive $0xFFFF  }
0x3d: {  	p0 =	sne.s32 s0, $0x0;
	_ =	strace $0x90000059  }
0x3e: {  	s0 =	sadd.s32 @!p0 $0x100000, s1;
	[bflag:$0x2] =	sbarrier.arrive $0xFFFF  }
0x3f: {  	[sflag:s0] =	ssyncadd.tile.s32 @!p0 $0x1;
	_ =	shalt  }
.Lfunc_end2:
_tile_overlayer_lowered:
.L_overlay_start_2:
0x40: {  	(tag) =	ssettag $0x2  }
0x41: {  	s0 =	rddreg [dreg:$0x0];
	s2 =	stileid.u32  }
0x42: {  	s1 =	rddreg [dreg:$0x1];
	p0 =	sne.s32 s2, $0x0  }
0x43: {  	s3 =	rddreg [dreg:$0x2];
	[bflag:$0x3] =	sbarrier.arrive $0xFFFF;
	s2 =	simm.s32 @!p0 $0x1C02  }
0x44: {  	[timem:s3], [sflag:s2] =	dma.local @!p0 [hbm:s0], s1  }
0x45: {  	s0 =	simm.s32 @!p0 $0x2  }
0x46: {  	_ =	swait.ge @!p0 [sflag:s0], s1  }
0x47: {  	s1 =	ssub.s32 @!p0 $0x0, s1;
	[sflag:s0] =	ssyncset.done @!p0 $0x0  }
0x48: {  	[sflag:s0] =	ssyncadd.s32 @!p0 s1  }
0x49: {  	[bflag:$0x3] =	sbarrier.arrive $0xFFFF  }
0x4a: {  	_ =	shalt  }

// kernel: kernel.50.cloned.1.call-start
scs
__scs_entry_jumppad:
0x0: {  	(pc) =	sbr.rel $0x88, $3  }
0x1: {  	(tag) =	ssettag $0x0;
	lr =	simm.s32 $0x1  }
0x2: {  	[smem:$0x3F98] =	sst lr;
	_ =	strace $0xD0000000  }
0x3: {  	_ = 	snop  }
0x4: {  	_ = 	snop  }
0x5: {  	_ = 	snop  }
0x6: {  	_ = 	snop  }
0x7: {  	_ = 	snop  }
__scs_overlays_trampoline_lowered:
0x8: {  	[smem:$0x3FA7] =	sst s0  }
0x9: {  	[smem:$0x3FA8] =	sst s1  }
0xa: {  	[smem:$0x3FA9] =	sst s2  }
0xb: {  	[smem:$0x3FAA] =	sst s3  }
0xc: {  	[smem:$0x3FAB] =	sst s4  }
0xd: {  	[smem:$0x3FAC] =	sst s5  }
0xe: {  	[smem:$0x3FAD] =	sst s6  }
0xf: {  	[smem:$0x3FAE] =	sst s7  }
0x10: {  	[smem:$0x3FAF] =	sst s8  }
0x11: {  	[smem:$0x3FB0] =	sst s9;
	s0 =	simm.s32 @!p0 $0x0  }
0x12: {  	s1 =	sld [smem:$0x3F96];
	s0 =	simm.s32 @p0 $0x1  }
0x13: {  	[smem:$0x3FB1] =	sst s0;
	s0 =	simm.s32 @!p1 $0x0  }
0x14: {  	s2 =	sld [smem:$0x3F95];
	s0 =	simm.s32 @p1 $0x1  }
0x15: {  	[smem:$0x3FB2] =	sst s0;
	s0 =	simm.s32 @!p2 $0x0  }
0x16: {  	s3 =	sld [smem:$0x3FDB];
	s0 =	simm.s32 @p2 $0x1  }
0x17: {  	s4 =	simm.s32 $0x1BF5;
	[smem:$0x3FB4] =	sst s0  }
0x18: {  	s0 =	sld [smem:$0x3F97];
	_ =	swait.ge [sflag:s4], $0x0  }
0x19: {  	s7 =	sld [smem:$0x3F98]  }
0x1a: {  	s8 =	sadd.s32 $0xFFFFE003, lr  }
0x1b: {  	s9 =	sadd.s32 $0xFFFFFEF7, lr;
	s5 =	simm.s32 $0xFFFFFFFF;
	p2 =	slt.u32 s8, $0xFFFFF086  }
0x1c: {  	p1 =	slt.u32 s9, $0xF7A;
	s5 =	simm.s32 @!p2 $0x0  }
0x1d: {  	s5 =	simm.s32 @p1 $0x1;
	p0 =	seq.s32 s7, s2  }
0x1e: {  	s7 =	smul.u32 @!p0 $0xF7A, s2;
	p2 =	seq.s32 @!p0 s5, $0x0  }
0x1f: {  	s9 =	smul.u32 $0xF7A, s1;
	s8 =	simm.s32 @!p0 $0x1BF5;
	p2 =	por !p2, p0  }
0x20: {  	[sflag:s8] =	ssyncset.s32 @!p0 $0xFFFFF086;
	s6 =	sadd.s32 @!p0 s3, s7;
	s7 =	simm.s32 @!p0 $0x108  }
0x21: {  	s3 =	sadd.s32 s3, s9;
	s6 =	sadd.s32 @!p0 $0x88, s6;
	s7 =	simm.s32 @p2 $0x1082  }
0x22: {  	[simem:s7], [sflag:s8] =	dma.local @!p0 [hbm:s6], $0xF7A  }
0x23: {  	s9 =	sor.u32 $0xD0000000, s2;
	s6 =	simm.s32 $0x108;
	_ =	swait.ge @!p0 [sflag:s8], $0x0  }
0x24: {  	s3 =	sadd.s32 $0x88, s3;
	s6 =	simm.s32 @!p1 $0x1082;
	[sflag:s4] =	ssyncset.s32 $0xFFFFF086  }
0x25: {  	[simem:s6], [sflag:s4] =	dma.local [hbm:s3], $0xF7A  }
0x26: {  	[smem:$0x3F98] =	sst s1;
	(tag) =	ssettag s2;
	_ =	strace s9  }
0x27: {  	s1 =	sld [smem:$0x3FA8]  }
0x28: {  	s2 =	sld [smem:$0x3FA9]  }
0x29: {  	s4 =	sld [smem:$0x3FAB]  }
0x2a: {  	p0 =	seq.s32 s5, $0x0;
	s5 =	sld [smem:$0x3FAC]  }
0x2b: {  	s6 =	sld [smem:$0x3FAD]  }
0x2c: {  	s7 =	sld [smem:$0x3FAE]  }
0x2d: {  	s3 =	simm.s32 $0x108;
	s8 =	sld [smem:$0x3FAF]  }
0x2e: {  	s3 =	simm.s32 @!p0 $0x1082;
	s9 =	sld [smem:$0x3FB0]  }
0x2f: {  	lr =	sadd.s32 s0, s3;
	s0 =	sld [smem:$0x3FA7]  }
0x30: {  	s3 =	sld [smem:$0x3FAA]  }
0x31: {  	[smem:$0x3FB3] =	sst s10  }
0x32: {  	s10 =	sld [smem:$0x3FB1];
	_ =	sdelay $0x3  }
0x33: {  	p0 =	seq.s32 s10, $0x1;
	s10 =	sld [smem:$0x3FB3];
	_ =	sdelay $0x3  }
0x34: {  	[smem:$0x3FB3] =	sst s10  }
0x35: {  	s10 =	sld [smem:$0x3FB2];
	_ =	sdelay $0x3  }
0x36: {  	p1 =	seq.s32 s10, $0x1;
	s10 =	sld [smem:$0x3FB3];
	_ =	sdelay $0x3  }
0x37: {  	[smem:$0x3FB3] =	sst s10  }
0x38: {  	s10 =	sld [smem:$0x3FB4]  }
0x39: {  	_ = 	snop;
	(pc) =	sbr.ind lr, $3  }
0x3a: {  	_ = 	snop  }
0x3b: {  	_ = 	snop  }
0x3c: {  	p2 =	seq.s32 s10, $0x1;
	s10 =	sld [smem:$0x3FB3]  }
0x3d: {  	_ =	shalt  }
0x3e: {  	_ =	shalt  }
0x3f: {  	_ =	shalt  }
0x40: {  	_ =	shalt  }
0x41: {  	_ =	shalt  }
0x42: {  	_ =	shalt  }
0x43: {  	_ =	shalt  }
0x44: {  	_ =	shalt  }
0x45: {  	_ =	shalt  }
0x46: {  	_ =	shalt  }
0x47: {  	_ =	shalt  }
0x48: {  	_ =	shalt  }
0x49: {  	_ =	shalt  }
0x4a: {  	_ =	shalt  }
0x4b: {  	_ =	shalt  }
0x4c: {  	_ =	shalt  }
0x4d: {  	_ =	shalt  }
0x4e: {  	_ =	shalt  }
0x4f: {  	_ =	shalt  }
0x50: {  	_ =	shalt  }
0x51: {  	_ =	shalt  }
0x52: {  	_ =	shalt  }
0x53: {  	_ =	shalt  }
0x54: {  	_ =	shalt  }
0x55: {  	_ =	shalt  }
0x56: {  	_ =	shalt  }
0x57: {  	_ =	shalt  }
0x58: {  	_ =	shalt  }
0x59: {  	_ =	shalt  }
0x5a: {  	_ =	shalt  }
0x5b: {  	_ =	shalt  }
0x5c: {  	_ =	shalt  }
0x5d: {  	_ =	shalt  }
0x5e: {  	_ =	shalt  }
0x5f: {  	_ =	shalt  }
0x60: {  	_ =	shalt  }
0x61: {  	_ =	shalt  }
0x62: {  	_ =	shalt  }
0x63: {  	_ =	shalt  }
0x64: {  	_ =	shalt  }
0x65: {  	_ =	shalt  }
0x66: {  	_ =	shalt  }
0x67: {  	_ =	shalt  }
0x68: {  	_ =	shalt  }
0x69: {  	_ =	shalt  }
0x6a: {  	_ =	shalt  }
0x6b: {  	_ =	shalt  }
0x6c: {  	_ =	shalt  }
0x6d: {  	_ =	shalt  }
0x6e: {  	_ =	shalt  }
0x6f: {  	_ =	shalt  }
0x70: {  	_ =	shalt  }
0x71: {  	_ =	shalt  }
0x72: {  	_ =	shalt  }
0x73: {  	_ =	shalt  }
0x74: {  	_ =	shalt  }
0x75: {  	_ =	shalt  }
0x76: {  	_ =	shalt  }
0x77: {  	_ =	shalt  }
0x78: {  	_ =	shalt  }
0x79: {  	_ =	shalt  }
0x7a: {  	_ =	shalt  }
0x7b: {  	_ =	shalt  }
0x7c: {  	_ =	shalt  }
0x7d: {  	_ =	shalt  }
0x7e: {  	_ =	shalt  }
0x7f: {  	_ =	shalt  }
0x80: {  	_ =	shalt  }
0x81: {  	_ =	shalt  }
0x82: {  	_ =	shalt  }
0x83: {  	_ =	shalt  }
0x84: {  	_ =	shalt  }
0x85: {  	_ =	shalt  }
0x86: {  	_ =	shalt  }
0x87: {  	_ =	shalt  }
.Lfunc_end0:
.L_simem_size_0:
called_computation.6_lowered:
.L_overlay_start_0:
0x88: {  	s2 =	sld [smem:$0x3FD9]  }
0x89: {  	s3 =	sld [smem:$0x3FFE];
	_ =	sdelay $0x1  }
0x8a: {  	s1 =	srdreg.scid  }
0x8b: {  	s0 =	sand.u32 $0x1, s1  }
0x8c: {  	s17 =	sshll.u32 s0, $0xA;
	s2 =	sadd.s32 s3, s2  }
0x8d: {  	s2 =	sadd.s32 s2, s17  }
0x8e: {  	[smem:$0x3FBF] =	sst s2  }
0x8f: {  	_ = 	snop  }
0x90: {  	(tm) =	ssettm $0x1  }
0x91: {  	s18 =	sld [smem:$0x3FFB];
	_ =	sdelay $0x3  }
0x92: {  	_ =	strace s18  }
0x93: {  	s2 =	sld [smem:$0x3FFC];
	_ =	sdelay $0x3  }
0x94: {  	_ =	strace s2  }
0x95: {  	s2 =	sld [smem:$0x3FFD];
	_ =	sdelay $0x3  }
0x96: {  	_ =	strace s2  }
0x97: {  	_ =	strace $0x8FFFFFFF  }
0x98: {  	s19 =	sld [smem:$0x3FDB];
	_ =	sdelay $0x1  }
0x99: {  	s20 =	simm.s32 $_scs_section_size  }
0x9a: {  	s4 =	simm.s32 $_size__tile_overlayer_lowered;
	s5 =	simm.s32 $_tile_overlayer_lowered  }
0x9b: {  	s6 =	simm.s32 $0x1BFF;
	s21 =	sshll.u32 s5, $0x1;
	s3 =	sadd.s32 s20, s19  }
0x9c: {  	s22 =	simm.s32 $0x0;
	s4 =	sshll.u32 s4, $0x1;
	s5 =	sadd.s32 s21, s3  }
0x9d: {  	[timem:s22], [sflag:s6] =	dma.local [hbm:s5], s4  }
0x9e: {  	_ =	swait.ge [sflag:s6], s4  }
0x9f: {  	s4 =	ssub.s32 $0x0, s4;
	[sflag:s6] =	ssyncset.done $0x0  }
0xa0: {  	[sflag:s6] =	ssyncadd.s32 s4;
	_ =	sdelay $0x1  }
0xa1: {  	s23 =	simm.s32 $0x1B8B  }
0xa2: {  	_ =	swait.ge [sflag:s23], $0x1  }
0xa3: {  	[sflag:s23] =	ssyncset.done $0x0  }
0xa4: {  	[sflag:s23] =	ssyncadd.s32 $0xFFFFFFFF  }
0xa5: {  	s4 =	sld [smem:$0x0]  }
0xa6: {  	s5 =	sand.u32 $0xFFFFFFFE, s1  }
0xa7: {  	p0 =	sne.s32 s1, s5  }
0xa8: {  	s5 =	sshll.u32 @p0 s5, $0xE  }
0xa9: {  	s5 =	sadd.s32 @p0 $0x11B8D, s5;
	s6 =	sshll.u32 @p0 s4, $0x11  }
0xaa: {  	s5 =	sor.u32 @p0 s6, s5  }
0xab: {  	[sflag:s5] =	ssyncadd.remote.s32 @p0 $0x1;
	_ =	sdelay $0x1  }
0xac: {  	s5 =	simm.s32 @p0 $0x1B8D  }
0xad: {  	_ =	swait.eq @p0 [sflag:s5], $0x1  }
0xae: {  	[sflag:s5] =	ssyncadd.s32 @p0 $0xFFFFFFFF  }
0xaf: {  	s6 =	sshll.u32 @!p0 s1, $0xE  }
0xb0: {  	s6 =	sor.u32 @!p0 $0x4000, s6;
	s5 =	simm.s32 @!p0 $0x1B8D  }
0xb1: {  	s4 =	sshll.u32 @!p0 s4, $0x11;
	s6 =	sadd.s32 @!p0 $0x11B8D, s6;
	_ =	swait.eq @!p0 [sflag:s5], $0x1  }
0xb2: {  	s4 =	sor.u32 @!p0 s4, s6;
	[sflag:s5] =	ssyncadd.s32 @!p0 $0xFFFFFFFF  }
0xb3: {  	s25 =	simm.s32 $0x1B8E;
	s24 =	sld [smem:$0x3FFE];
	[sflag:s4] =	ssyncadd.remote.s32 @!p0 $0x1  }
0xb4: {  	s26 =	simm.s32 $execute0_lowered;
	[smem:$0x3FD2] =	sst s25  }
0xb5: {  	s5 =	sshll.u32 s26, $0x1;
	_ =	strace $0x80000064;
	[dreg:$0x1] =	wrdreg $0xFFFFFFFF  }
0xb6: {  	s28 =	simm.s32 $_size_execute0_lowered;
	s3 =	sadd.s32 s3, s5;
	[dreg:$0x0] =	wrdreg $0x0  }
0xb7: {  	s5 =	sshll.u32 s28, $0x1;
	[dreg:$0x2] =	wrdreg s3  }
0xb8: {  	[dreg:$0x3] =	wrdreg s5  }
0xb9: {  	[dreg:$0x4] =	wrdreg $0xC0  }
0xba: {  	_ =	task [dreg:s22], $0x5FFFF  }
0xbb: {  	[dreg:$0x1] =	wrdreg $0xFFFFFFFF  }
0xbc: {  	[dreg:$0x0] =	wrdreg $0x60  }
0xbd: {  	[dreg:$0x2] =	wrdreg s24  }
0xbe: {  	[dreg:$0x3] =	wrdreg $0x0  }
0xbf: {  	[dreg:$0x4] =	wrdreg $0xA  }
0xc0: {  	_ =	task.clear_ibuf [dreg:s22], $0x5FFFF;
	_ =	strace $0x90000064  }
0xc1: {  	s29 =	simm.s32 $0xA;
	_ =	strace $0x80000066  }
0xc2: {  	_ =	swait.ge [sflag:s29], $0x1  }
0xc3: {  	[sflag:s29] =	ssyncadd.s32 $0xFFFFFFFF  }
0xc4: {  	_ =	strace $0x90000066  }
0xc5: {  	_ =	sfence  }
0xc6: {  	s30 =	sld [smem:$0x0];
	_ =	sdelay $0x2  }
0xc7: {  	s31 =	sshll.u32 s1, $0xD;
	s1 =	sshrl.u32 s1, $0x2  }
0xc8: {  	s4 =	sand.u32 $0x4000, s31;
	s1 =	sadd.s32 s1, s30  }
0xc9: {  	s0 =	sor.u32 s4, s0;
	s1 =	sshll.u32 s1, $0x11  }
0xca: {  	s0 =	sor.u32 s1, s0  }
0xcb: {  	s0 =	sadd.s32 $0x8F2B, s0  }
0xcc: {  	[sflag:s0] =	ssyncadd.remote.s32 $0x1  }
0xcd: {  	_ =	sfence.sel $0xFFFF  }
0xce: {  	[dreg:$0x0] =	wrdreg $0xFFFFFFFF;
	(pc) =	sbr.abs _section_cstart, $3  }
0xcf: {  	[dreg:$0x1] =	wrdreg $0xFFFFFFFF  }
0xd0: {  	_ =	task.clear_ibuf [dreg:s22], $0x2FFFF;
	_ =	strace $0x9FFFFFFF  }
0xd1: {  	(tm) =	ssettm $0x7FFFFFFF  }
tec
execute0_lowered:
.L_overlay_start_1:
0x0: {  	(tag) =	ssettag $0x1  }
0x1: {  	s0 =	srdreg.scid;
	s5 =	rddreg [dreg:$0x0]  }
0x2: {  	s2 =	rddreg [dreg:$0x1];
	s3 =	simm.s32 $0x0;
	s6 =	sand.u32 $0x1, s0  }
0x3: {  	s15 =	simm.s32 $0x16800;
	s16 =	simm.s32 $0x1;
	s8 =	smul.u32 $0x4F00, s6  }
0x4: {  	s17 =	simm.s32 $0x0;
	s0 =	stileid.u32;
	s9 =	smul.u32 $0x140000, s6  }
0x5: {  	[smem:$0x7FF] =	sst s3;
	s4 =	sadd.s32 $0xBBC00, s5;
	s10 =	smul.u32 $0x14000, s0  }
0x6: {  	s13 =	sadd.s32 $0x3CE00, s5;
	s1 =	sshll.u32 s6, $0x4;
	s12 =	smul.u32 $0x50000, s0  }
0x7: {  	s25 =	ssub.s32 $0x2, s6;
	s29 =	smul.u32 $0x2800, s0;
	p0 =	seq.s32 s6, $0x0  }
0x8: {  	s14 =	smul.u32 $0x4F0, s0;
	s31 =	sshll.u32 s0, $0x6;
	s1 =	sor.u32 s0, s1  }
0x9: {  	s26 =	sshrl.u32 s25, $0x1;
	s13 =	smov.u32 @p0 s4;
	s7 =	smul.u32 $0x500, s1  }
0xa: {  	s1 =	rddreg [dreg:$0x2];
	_ =	strace $0x80000065;
	s11 =	sadd.s32 s8, s5  }
0xb: {  	s24 =	sadd.s32 s10, s9;
	s9 =	ssub.s32 s25, s26;
	s28 =	sshrl.u32 s12, $0x2  }
0xc: {  	s10 =	simm.s32 $0x2;
	s8 =	sshrl.u32 s24, $0x3;
	s12 =	sadd.s32 s28, s2  }
0xd: {  	s30 =	sadd.s32 s14, s11;
	s11 =	sor.u32 $0x1C02, s31;
	s14 =	simm.s32 $0x16880  }
0xe: {  	s7 =	sadd.s32 s7, s5;
	s8 =	sadd.s32 s8, s5;
	s12 =	sshrl.u32 s12, $0x3  }
0xf: {  	s5 =	sadd.s32 $0xB1C00, s7;
	s6 =	sadd.s32 $0x183C00, s8;
	s7 =	smax.u32 s9, $0x1  }
0x10: {  	s8 =	sadd.s32 s13, s29;
	s9 =	sadd.s32 $0xAE00, s30;
	s13 =	simm.s32 $0x80  }
.LBB2_1:
0x11: {  	s18 =	simm.s32 $0x14000  }
0x12: {  	[tilespmem:s18], [sflag:$0x2] =	stream.linear.gather [hbm4b:s5+s3], $0x2780, $0x38;
	[tilespmem:$0x1A880] =	vst v63  }
0x13: {  	_ =	swait.ge [sflag:s10], $0x2780  }
0x14: {  	[sflag:s10] =	ssyncset.done $0x0  }
0x15: {  	[sflag:s10] =	ssyncadd.s32 $0xFFFFD880  }
0x16: {  	[spmem:s12], [sflag:s11] =	dma.local [hbm:s8], $0x2800  }
0x17: {  	_ =	swait.ge [sflag:s10], $0x2800  }
0x18: {  	[sflag:s10] =	ssyncset.done $0x0  }
0x19: {  	[sflag:s10] =	ssyncadd.s32 $0xFFFFD800  }
0x1a: {  	[bflag:$0x0] =	sbarrier.arrive $0xFFFF  }
0x1b: {  	[tilespmem:s14], [sflag:$0x1] =	stream.indirect.gather [hbm4b:s4+s13], $0x80, s18, s13, $0xb8;
	[tilespmem:$0x1A880] =	vst v63  }
0x1c: {  	s19 =	sadd.s32 $0x0, s9  }
0x1d: {  	[tilespmem:s15], [sflag:$0x2] =	stream.linear.gather [hbm4b:s19+s3], $0x80, $0x38;
	[tilespmem:$0x1A880] =	vst v63  }
0x1e: {  	_ =	swait.ge [sflag:s10], $0x80  }
0x1f: {  	[sflag:s10] =	ssyncset.done $0x0  }
0x20: {  	[sflag:s10] =	ssyncadd.s32 $0xFFFFFF80  }
0x21: {  	_ =	swait.ge [sflag:s16], $0x4000  }
0x22: {  	[sflag:s16] =	ssyncset.done $0x0  }
0x23: {  	[sflag:s16] =	ssyncadd.s32 $0xFFFFC000  }
0x24: {  	[spmem:s2] =	stream.indirect.scatter.add.f32 [tilespmem:s14], [sflag:$0x2], $0x80, s15, s13, $0xb8;
	[tilespmem:$0x1A880] =	vst v63  }
0x25: {  	_ =	swait.ge [sflag:s10], $0x4000  }
0x26: {  	s19 =	simm.s32 $0x10;
	[sflag:s10] =	ssyncset.done $0x0  }
.LBB2_2:
0x27: {  	p0 =	sne.s32 s19, $0x4E0;
	[sflag:s10] =	ssyncadd.s32 $0xFFFFC000;
	s18 =	sadd.s32 $0x80, s18  }
0x28: {  	[tilespmem:s14], [sflag:$0x1] =	stream.indirect.gather [hbm4b:s4+s13], $0x80, s18, s13, $0xb8;
	[tilespmem:$0x1A880] =	vst v63  }
0x29: {  	s20 =	sadd.s32 s19, s9;
	s19 =	sadd.s32 $0x10, s19  }
0x2a: {  	[tilespmem:s15], [sflag:$0x2] =	stream.linear.gather [hbm4b:s20+s3], $0x80, $0x38;
	[tilespmem:$0x1A880] =	vst v63  }
0x2b: {  	_ =	swait.ge [sflag:s10], $0x80  }
0x2c: {  	[sflag:s10] =	ssyncset.done $0x0  }
0x2d: {  	[sflag:s10] =	ssyncadd.s32 $0xFFFFFF80  }
0x2e: {  	_ =	swait.ge [sflag:s16], $0x4000  }
.Ltmp0:
0x2f: {  	[sflag:s16] =	ssyncset.done $0x0;
	(pc) =	sbr.rel @p0 .LBB2_2-.Ltmp0, $4  }
0x30: {  	[sflag:s16] =	ssyncadd.s32 $0xFFFFC000  }
0x31: {  	[spmem:s2] =	stream.indirect.scatter.add.f32 [tilespmem:s14], [sflag:$0x2], $0x80, s15, s13, $0xb8;
	[tilespmem:$0x1A880] =	vst v63  }
0x32: {  	_ =	swait.ge [sflag:s10], $0x4000  }
0x33: {  	[sflag:s10] =	ssyncset.done $0x0  }
0x34: {  	s17 =	sadd.s32 $0x1, s17  }
0x35: {  	[sflag:s10] =	ssyncadd.s32 $0xFFFFC000;
	p0 =	sne.s32 s17, s7  }
.Ltmp1:
0x36: {  	[bflag:$0x0] =	sbarrier.arrive $0xFFFF;
	(pc) =	sbr.rel @p0 .LBB2_1-.Ltmp1, $4  }
0x37: {  	[hbm:s6], [sflag:s11] =	dma.local [spmem:s12], $0x2800  }
0x38: {  	_ =	swait.ge [sflag:s10], $0x2800  }
0x39: {  	[sflag:s10] =	ssyncset.done $0x0  }
0x3a: {  	[sflag:s10] =	ssyncadd.s32 $0xFFFFD800  }
0x3b: {  	_ =	sfence.sel $0x180000  }
0x3c: {  	[bflag:$0x0] =	sbarrier.arrive $0xFFFF  }
0x3d: {  	p0 =	sne.s32 s0, $0x0;
	_ =	strace $0x90000065  }
0x3e: {  	s0 =	sadd.s32 @!p0 $0x100000, s1;
	[bflag:$0x2] =	sbarrier.arrive $0xFFFF  }
0x3f: {  	[sflag:s0] =	ssyncadd.tile.s32 @!p0 $0x1;
	_ =	shalt  }
.Lfunc_end2:
_tile_overlayer_lowered:
.L_overlay_start_2:
0x40: {  	(tag) =	ssettag $0x2  }
0x41: {  	s0 =	rddreg [dreg:$0x0];
	s2 =	stileid.u32  }
0x42: {  	s1 =	rddreg [dreg:$0x1];
	p0 =	sne.s32 s2, $0x0  }
0x43: {  	s3 =	rddreg [dreg:$0x2];
	[bflag:$0x3] =	sbarrier.arrive $0xFFFF;
	s2 =	simm.s32 @!p0 $0x1C02  }
0x44: {  	[timem:s3], [sflag:s2] =	dma.local @!p0 [hbm:s0], s1  }
0x45: {  	s0 =	simm.s32 @!p0 $0x2  }
0x46: {  	_ =	swait.ge @!p0 [sflag:s0], s1  }
0x47: {  	s1 =	ssub.s32 @!p0 $0x0, s1;
	[sflag:s0] =	ssyncset.done @!p0 $0x0  }
0x48: {  	[sflag:s0] =	ssyncadd.s32 @!p0 s1  }
0x49: {  	[bflag:$0x3] =	sbarrier.arrive $0xFFFF  }
0x4a: {  	_ =	shalt  }

// kernel: kernel.53.cloned.1.call-start
scs
__scs_entry_jumppad:
0x0: {  	(pc) =	sbr.rel $0x88, $3  }
0x1: {  	(tag) =	ssettag $0x0;
	lr =	simm.s32 $0x1  }
0x2: {  	[smem:$0x3F98] =	sst lr;
	_ =	strace $0xD0000000  }
0x3: {  	_ = 	snop  }
0x4: {  	_ = 	snop  }
0x5: {  	_ = 	snop  }
0x6: {  	_ = 	snop  }
0x7: {  	_ = 	snop  }
__scs_overlays_trampoline_lowered:
0x8: {  	[smem:$0x3FA7] =	sst s0  }
0x9: {  	[smem:$0x3FA8] =	sst s1  }
0xa: {  	[smem:$0x3FA9] =	sst s2  }
0xb: {  	[smem:$0x3FAA] =	sst s3  }
0xc: {  	[smem:$0x3FAB] =	sst s4  }
0xd: {  	[smem:$0x3FAC] =	sst s5  }
0xe: {  	[smem:$0x3FAD] =	sst s6  }
0xf: {  	[smem:$0x3FAE] =	sst s7  }
0x10: {  	[smem:$0x3FAF] =	sst s8  }
0x11: {  	[smem:$0x3FB0] =	sst s9;
	s0 =	simm.s32 @!p0 $0x0  }
0x12: {  	s1 =	sld [smem:$0x3F96];
	s0 =	simm.s32 @p0 $0x1  }
0x13: {  	[smem:$0x3FB1] =	sst s0;
	s0 =	simm.s32 @!p1 $0x0  }
0x14: {  	s2 =	sld [smem:$0x3F95];
	s0 =	simm.s32 @p1 $0x1  }
0x15: {  	[smem:$0x3FB2] =	sst s0;
	s0 =	simm.s32 @!p2 $0x0  }
0x16: {  	s3 =	sld [smem:$0x3FDB];
	s0 =	simm.s32 @p2 $0x1  }
0x17: {  	s4 =	simm.s32 $0x1BF5;
	[smem:$0x3FB4] =	sst s0  }
0x18: {  	s0 =	sld [smem:$0x3F97];
	_ =	swait.ge [sflag:s4], $0x0  }
0x19: {  	s7 =	sld [smem:$0x3F98]  }
0x1a: {  	s8 =	sadd.s32 $0xFFFFE003, lr  }
0x1b: {  	s9 =	sadd.s32 $0xFFFFFEF7, lr;
	s5 =	simm.s32 $0xFFFFFFFF;
	p2 =	slt.u32 s8, $0xFFFFF086  }
0x1c: {  	p1 =	slt.u32 s9, $0xF7A;
	s5 =	simm.s32 @!p2 $0x0  }
0x1d: {  	s5 =	simm.s32 @p1 $0x1;
	p0 =	seq.s32 s7, s2  }
0x1e: {  	s7 =	smul.u32 @!p0 $0xF7A, s2;
	p2 =	seq.s32 @!p0 s5, $0x0  }
0x1f: {  	s9 =	smul.u32 $0xF7A, s1;
	s8 =	simm.s32 @!p0 $0x1BF5;
	p2 =	por !p2, p0  }
0x20: {  	[sflag:s8] =	ssyncset.s32 @!p0 $0xFFFFF086;
	s6 =	sadd.s32 @!p0 s3, s7;
	s7 =	simm.s32 @!p0 $0x108  }
0x21: {  	s3 =	sadd.s32 s3, s9;
	s6 =	sadd.s32 @!p0 $0x88, s6;
	s7 =	simm.s32 @p2 $0x1082  }
0x22: {  	[simem:s7], [sflag:s8] =	dma.local @!p0 [hbm:s6], $0xF7A  }
0x23: {  	s9 =	sor.u32 $0xD0000000, s2;
	s6 =	simm.s32 $0x108;
	_ =	swait.ge @!p0 [sflag:s8], $0x0  }
0x24: {  	s3 =	sadd.s32 $0x88, s3;
	s6 =	simm.s32 @!p1 $0x1082;
	[sflag:s4] =	ssyncset.s32 $0xFFFFF086  }
0x25: {  	[simem:s6], [sflag:s4] =	dma.local [hbm:s3], $0xF7A  }
0x26: {  	[smem:$0x3F98] =	sst s1;
	(tag) =	ssettag s2;
	_ =	strace s9  }
0x27: {  	s1 =	sld [smem:$0x3FA8]  }
0x28: {  	s2 =	sld [smem:$0x3FA9]  }
0x29: {  	s4 =	sld [smem:$0x3FAB]  }
0x2a: {  	p0 =	seq.s32 s5, $0x0;
	s5 =	sld [smem:$0x3FAC]  }
0x2b: {  	s6 =	sld [smem:$0x3FAD]  }
0x2c: {  	s7 =	sld [smem:$0x3FAE]  }
0x2d: {  	s3 =	simm.s32 $0x108;
	s8 =	sld [smem:$0x3FAF]  }
0x2e: {  	s3 =	simm.s32 @!p0 $0x1082;
	s9 =	sld [smem:$0x3FB0]  }
0x2f: {  	lr =	sadd.s32 s0, s3;
	s0 =	sld [smem:$0x3FA7]  }
0x30: {  	s3 =	sld [smem:$0x3FAA]  }
0x31: {  	[smem:$0x3FB3] =	sst s10  }
0x32: {  	s10 =	sld [smem:$0x3FB1];
	_ =	sdelay $0x3  }
0x33: {  	p0 =	seq.s32 s10, $0x1;
	s10 =	sld [smem:$0x3FB3];
	_ =	sdelay $0x3  }
0x34: {  	[smem:$0x3FB3] =	sst s10  }
0x35: {  	s10 =	sld [smem:$0x3FB2];
	_ =	sdelay $0x3  }
0x36: {  	p1 =	seq.s32 s10, $0x1;
	s10 =	sld [smem:$0x3FB3];
	_ =	sdelay $0x3  }
0x37: {  	[smem:$0x3FB3] =	sst s10  }
0x38: {  	s10 =	sld [smem:$0x3FB4]  }
0x39: {  	_ = 	snop;
	(pc) =	sbr.ind lr, $3  }
0x3a: {  	_ = 	snop  }
0x3b: {  	_ = 	snop  }
0x3c: {  	p2 =	seq.s32 s10, $0x1;
	s10 =	sld [smem:$0x3FB3]  }
0x3d: {  	_ =	shalt  }
0x3e: {  	_ =	shalt  }
0x3f: {  	_ =	shalt  }
0x40: {  	_ =	shalt  }
0x41: {  	_ =	shalt  }
0x42: {  	_ =	shalt  }
0x43: {  	_ =	shalt  }
0x44: {  	_ =	shalt  }
0x45: {  	_ =	shalt  }
0x46: {  	_ =	shalt  }
0x47: {  	_ =	shalt  }
0x48: {  	_ =	shalt  }
0x49: {  	_ =	shalt  }
0x4a: {  	_ =	shalt  }
0x4b: {  	_ =	shalt  }
0x4c: {  	_ =	shalt  }
0x4d: {  	_ =	shalt  }
0x4e: {  	_ =	shalt  }
0x4f: {  	_ =	shalt  }
0x50: {  	_ =	shalt  }
0x51: {  	_ =	shalt  }
0x52: {  	_ =	shalt  }
0x53: {  	_ =	shalt  }
0x54: {  	_ =	shalt  }
0x55: {  	_ =	shalt  }
0x56: {  	_ =	shalt  }
0x57: {  	_ =	shalt  }
0x58: {  	_ =	shalt  }
0x59: {  	_ =	shalt  }
0x5a: {  	_ =	shalt  }
0x5b: {  	_ =	shalt  }
0x5c: {  	_ =	shalt  }
0x5d: {  	_ =	shalt  }
0x5e: {  	_ =	shalt  }
0x5f: {  	_ =	shalt  }
0x60: {  	_ =	shalt  }
0x61: {  	_ =	shalt  }
0x62: {  	_ =	shalt  }
0x63: {  	_ =	shalt  }
0x64: {  	_ =	shalt  }
0x65: {  	_ =	shalt  }
0x66: {  	_ =	shalt  }
0x67: {  	_ =	shalt  }
0x68: {  	_ =	shalt  }
0x69: {  	_ =	shalt  }
0x6a: {  	_ =	shalt  }
0x6b: {  	_ =	shalt  }
0x6c: {  	_ =	shalt  }
0x6d: {  	_ =	shalt  }
0x6e: {  	_ =	shalt  }
0x6f: {  	_ =	shalt  }
0x70: {  	_ =	shalt  }
0x71: {  	_ =	shalt  }
0x72: {  	_ =	shalt  }
0x73: {  	_ =	shalt  }
0x74: {  	_ =	shalt  }
0x75: {  	_ =	shalt  }
0x76: {  	_ =	shalt  }
0x77: {  	_ =	shalt  }
0x78: {  	_ =	shalt  }
0x79: {  	_ =	shalt  }
0x7a: {  	_ =	shalt  }
0x7b: {  	_ =	shalt  }
0x7c: {  	_ =	shalt  }
0x7d: {  	_ =	shalt  }
0x7e: {  	_ =	shalt  }
0x7f: {  	_ =	shalt  }
0x80: {  	_ =	shalt  }
0x81: {  	_ =	shalt  }
0x82: {  	_ =	shalt  }
0x83: {  	_ =	shalt  }
0x84: {  	_ =	shalt  }
0x85: {  	_ =	shalt  }
0x86: {  	_ =	shalt  }
0x87: {  	_ =	shalt  }
.Lfunc_end0:
.L_simem_size_0:
called_computation.7_lowered:
.L_overlay_start_0:
0x88: {  	s2 =	sld [smem:$0x3FD9]  }
0x89: {  	s3 =	sld [smem:$0x3FFE];
	_ =	sdelay $0x1  }
0x8a: {  	s1 =	srdreg.scid  }
0x8b: {  	s0 =	sand.u32 $0x1, s1  }
0x8c: {  	s17 =	sshll.u32 s0, $0xA;
	s2 =	sadd.s32 s3, s2  }
0x8d: {  	s2 =	sadd.s32 s2, s17  }
0x8e: {  	[smem:$0x3FBF] =	sst s2  }
0x8f: {  	_ = 	snop  }
0x90: {  	(tm) =	ssettm $0x1  }
0x91: {  	s18 =	sld [smem:$0x3FFB];
	_ =	sdelay $0x3  }
0x92: {  	_ =	strace s18  }
0x93: {  	s2 =	sld [smem:$0x3FFC];
	_ =	sdelay $0x3  }
0x94: {  	_ =	strace s2  }
0x95: {  	s2 =	sld [smem:$0x3FFD];
	_ =	sdelay $0x3  }
0x96: {  	_ =	strace s2  }
0x97: {  	_ =	strace $0x8FFFFFFF  }
0x98: {  	s19 =	sld [smem:$0x3FDB];
	_ =	sdelay $0x1  }
0x99: {  	s20 =	simm.s32 $_scs_section_size  }
0x9a: {  	s4 =	simm.s32 $_size__tile_overlayer_lowered;
	s5 =	simm.s32 $_tile_overlayer_lowered  }
0x9b: {  	s6 =	simm.s32 $0x1BFF;
	s21 =	sshll.u32 s5, $0x1;
	s3 =	sadd.s32 s20, s19  }
0x9c: {  	s22 =	simm.s32 $0x0;
	s4 =	sshll.u32 s4, $0x1;
	s5 =	sadd.s32 s21, s3  }
0x9d: {  	[timem:s22], [sflag:s6] =	dma.local [hbm:s5], s4  }
0x9e: {  	_ =	swait.ge [sflag:s6], s4  }
0x9f: {  	s4 =	ssub.s32 $0x0, s4;
	[sflag:s6] =	ssyncset.done $0x0  }
0xa0: {  	[sflag:s6] =	ssyncadd.s32 s4;
	_ =	sdelay $0x1  }
0xa1: {  	s23 =	simm.s32 $0x1B8B  }
0xa2: {  	_ =	swait.ge [sflag:s23], $0x1  }
0xa3: {  	[sflag:s23] =	ssyncset.done $0x0  }
0xa4: {  	[sflag:s23] =	ssyncadd.s32 $0xFFFFFFFF  }
0xa5: {  	s4 =	sld [smem:$0x0]  }
0xa6: {  	s5 =	sand.u32 $0xFFFFFFFE, s1  }
0xa7: {  	p0 =	sne.s32 s1, s5  }
0xa8: {  	s5 =	sshll.u32 @p0 s5, $0xE  }
0xa9: {  	s5 =	sadd.s32 @p0 $0x11B8D, s5;
	s6 =	sshll.u32 @p0 s4, $0x11  }
0xaa: {  	s5 =	sor.u32 @p0 s6, s5  }
0xab: {  	[sflag:s5] =	ssyncadd.remote.s32 @p0 $0x1;
	_ =	sdelay $0x1  }
0xac: {  	s5 =	simm.s32 @p0 $0x1B8D  }
0xad: {  	_ =	swait.eq @p0 [sflag:s5], $0x1  }
0xae: {  	[sflag:s5] =	ssyncadd.s32 @p0 $0xFFFFFFFF  }
0xaf: {  	s6 =	sshll.u32 @!p0 s1, $0xE  }
0xb0: {  	s6 =	sor.u32 @!p0 $0x4000, s6;
	s5 =	simm.s32 @!p0 $0x1B8D  }
0xb1: {  	s4 =	sshll.u32 @!p0 s4, $0x11;
	s6 =	sadd.s32 @!p0 $0x11B8D, s6;
	_ =	swait.eq @!p0 [sflag:s5], $0x1  }
0xb2: {  	s4 =	sor.u32 @!p0 s4, s6;
	[sflag:s5] =	ssyncadd.s32 @!p0 $0xFFFFFFFF  }
0xb3: {  	s25 =	simm.s32 $0x1B8E;
	s24 =	sld [smem:$0x3FFE];
	[sflag:s4] =	ssyncadd.remote.s32 @!p0 $0x1  }
0xb4: {  	s26 =	simm.s32 $execute0_lowered;
	[smem:$0x3FD2] =	sst s25  }
0xb5: {  	s5 =	sshll.u32 s26, $0x1;
	_ =	strace $0x80000052;
	[dreg:$0x1] =	wrdreg $0xFFFFFFFF  }
0xb6: {  	s28 =	simm.s32 $_size_execute0_lowered;
	s3 =	sadd.s32 s3, s5;
	[dreg:$0x0] =	wrdreg $0x0  }
0xb7: {  	s5 =	sshll.u32 s28, $0x1;
	[dreg:$0x2] =	wrdreg s3  }
0xb8: {  	[dreg:$0x3] =	wrdreg s5  }
0xb9: {  	[dreg:$0x4] =	wrdreg $0xC0  }
0xba: {  	_ =	task [dreg:s22], $0x5FFFF  }
0xbb: {  	[dreg:$0x1] =	wrdreg $0xFFFFFFFF  }
0xbc: {  	[dreg:$0x0] =	wrdreg $0x60  }
0xbd: {  	[dreg:$0x2] =	wrdreg s24  }
0xbe: {  	[dreg:$0x3] =	wrdreg $0x0  }
0xbf: {  	[dreg:$0x4] =	wrdreg $0xB  }
0xc0: {  	_ =	task.clear_ibuf [dreg:s22], $0x5FFFF;
	_ =	strace $0x90000052  }
0xc1: {  	s29 =	simm.s32 $0xB;
	_ =	strace $0x80000054  }
0xc2: {  	_ =	swait.ge [sflag:s29], $0x1  }
0xc3: {  	[sflag:s29] =	ssyncadd.s32 $0xFFFFFFFF  }
0xc4: {  	_ =	strace $0x90000054  }
0xc5: {  	_ =	sfence  }
0xc6: {  	s30 =	sld [smem:$0x0];
	_ =	sdelay $0x2  }
0xc7: {  	s31 =	sshll.u32 s1, $0xD;
	s1 =	sshrl.u32 s1, $0x2  }
0xc8: {  	s4 =	sand.u32 $0x4000, s31;
	s1 =	sadd.s32 s1, s30  }
0xc9: {  	s0 =	sor.u32 s4, s0;
	s1 =	sshll.u32 s1, $0x11  }
0xca: {  	s0 =	sor.u32 s1, s0  }
0xcb: {  	s0 =	sadd.s32 $0x8F2B, s0  }
0xcc: {  	[sflag:s0] =	ssyncadd.remote.s32 $0x1  }
0xcd: {  	_ =	sfence.sel $0xFFFF  }
0xce: {  	[dreg:$0x0] =	wrdreg $0xFFFFFFFF;
	(pc) =	sbr.abs _section_cstart, $3  }
0xcf: {  	[dreg:$0x1] =	wrdreg $0xFFFFFFFF  }
0xd0: {  	_ =	task.clear_ibuf [dreg:s22], $0x2FFFF;
	_ =	strace $0x9FFFFFFF  }
0xd1: {  	(tm) =	ssettm $0x7FFFFFFF  }
tec
execute0_lowered:
.L_overlay_start_1:
0x0: {  	(tag) =	ssettag $0x1  }
0x1: {  	s0 =	srdreg.scid;
	s5 =	rddreg [dreg:$0x0]  }
0x2: {  	s2 =	rddreg [dreg:$0x1];
	s3 =	simm.s32 $0x0;
	s6 =	sand.u32 $0x1, s0  }
0x3: {  	s15 =	simm.s32 $0x16800;
	s16 =	simm.s32 $0x1;
	s8 =	smul.u32 $0x4F00, s6  }
0x4: {  	s17 =	simm.s32 $0x0;
	s0 =	stileid.u32;
	s9 =	smul.u32 $0x140000, s6  }
0x5: {  	[smem:$0x7FF] =	sst s3;
	s4 =	sadd.s32 $0x10BC00, s5;
	s10 =	smul.u32 $0x14000, s0  }
0x6: {  	s13 =	sadd.s32 $0x3CE00, s5;
	s1 =	sshll.u32 s6, $0x4;
	s12 =	smul.u32 $0x50000, s0  }
0x7: {  	s25 =	ssub.s32 $0x2, s6;
	s29 =	smul.u32 $0x2800, s0;
	p0 =	seq.s32 s6, $0x0  }
0x8: {  	s14 =	smul.u32 $0x4F0, s0;
	s31 =	sshll.u32 s0, $0x6;
	s1 =	sor.u32 s0, s1  }
0x9: {  	s26 =	sshrl.u32 s25, $0x1;
	s13 =	smov.u32 @p0 s4;
	s7 =	smul.u32 $0x500, s1  }
0xa: {  	s1 =	rddreg [dreg:$0x2];
	_ =	strace $0x80000053;
	s11 =	sadd.s32 s8, s5  }
0xb: {  	s24 =	sadd.s32 s10, s9;
	s9 =	ssub.s32 s25, s26;
	s28 =	sshrl.u32 s12, $0x2  }
0xc: {  	s10 =	simm.s32 $0x2;
	s8 =	sshrl.u32 s24, $0x3;
	s12 =	sadd.s32 s28, s2  }
0xd: {  	s30 =	sadd.s32 s14, s11;
	s11 =	sor.u32 $0x1C02, s31;
	s14 =	simm.s32 $0x16880  }
0xe: {  	s7 =	sadd.s32 s7, s5;
	s8 =	sadd.s32 s8, s5;
	s12 =	sshrl.u32 s12, $0x3  }
0xf: {  	s5 =	sadd.s32 $0xB1C00, s7;
	s6 =	sadd.s32 $0x223C00, s8;
	s7 =	smax.u32 s9, $0x1  }
0x10: {  	s8 =	sadd.s32 s13, s29;
	s9 =	sadd.s32 $0xAE00, s30;
	s13 =	simm.s32 $0x80  }
.LBB2_1:
0x11: {  	s18 =	simm.s32 $0x14000  }
0x12: {  	[tilespmem:s18], [sflag:$0x2] =	stream.linear.gather [hbm4b:s5+s3], $0x2780, $0x38;
	[tilespmem:$0x1A880] =	vst v63  }
0x13: {  	_ =	swait.ge [sflag:s10], $0x2780  }
0x14: {  	[sflag:s10] =	ssyncset.done $0x0  }
0x15: {  	[sflag:s10] =	ssyncadd.s32 $0xFFFFD880  }
0x16: {  	[spmem:s12], [sflag:s11] =	dma.local [hbm:s8], $0x2800  }
0x17: {  	_ =	swait.ge [sflag:s10], $0x2800  }
0x18: {  	[sflag:s10] =	ssyncset.done $0x0  }
0x19: {  	[sflag:s10] =	ssyncadd.s32 $0xFFFFD800  }
0x1a: {  	[bflag:$0x0] =	sbarrier.arrive $0xFFFF  }
0x1b: {  	[tilespmem:s14], [sflag:$0x1] =	stream.indirect.gather [hbm4b:s4+s13], $0x80, s18, s13, $0xb8;
	[tilespmem:$0x1A880] =	vst v63  }
0x1c: {  	s19 =	sadd.s32 $0x0, s9  }
0x1d: {  	[tilespmem:s15], [sflag:$0x2] =	stream.linear.gather [hbm4b:s19+s3], $0x80, $0x38;
	[tilespmem:$0x1A880] =	vst v63  }
0x1e: {  	_ =	swait.ge [sflag:s10], $0x80  }
0x1f: {  	[sflag:s10] =	ssyncset.done $0x0  }
0x20: {  	[sflag:s10] =	ssyncadd.s32 $0xFFFFFF80  }
0x21: {  	_ =	swait.ge [sflag:s16], $0x4000  }
0x22: {  	[sflag:s16] =	ssyncset.done $0x0  }
0x23: {  	[sflag:s16] =	ssyncadd.s32 $0xFFFFC000  }
0x24: {  	[spmem:s2] =	stream.indirect.scatter.add.f32 [tilespmem:s14], [sflag:$0x2], $0x80, s15, s13, $0xb8;
	[tilespmem:$0x1A880] =	vst v63  }
0x25: {  	_ =	swait.ge [sflag:s10], $0x4000  }
0x26: {  	s19 =	simm.s32 $0x10;
	[sflag:s10] =	ssyncset.done $0x0  }
.LBB2_2:
0x27: {  	p0 =	sne.s32 s19, $0x4E0;
	[sflag:s10] =	ssyncadd.s32 $0xFFFFC000;
	s18 =	sadd.s32 $0x80, s18  }
0x28: {  	[tilespmem:s14], [sflag:$0x1] =	stream.indirect.gather [hbm4b:s4+s13], $0x80, s18, s13, $0xb8;
	[tilespmem:$0x1A880] =	vst v63  }
0x29: {  	s20 =	sadd.s32 s19, s9;
	s19 =	sadd.s32 $0x10, s19  }
0x2a: {  	[tilespmem:s15], [sflag:$0x2] =	stream.linear.gather [hbm4b:s20+s3], $0x80, $0x38;
	[tilespmem:$0x1A880] =	vst v63  }
0x2b: {  	_ =	swait.ge [sflag:s10], $0x80  }
0x2c: {  	[sflag:s10] =	ssyncset.done $0x0  }
0x2d: {  	[sflag:s10] =	ssyncadd.s32 $0xFFFFFF80  }
0x2e: {  	_ =	swait.ge [sflag:s16], $0x4000  }
.Ltmp0:
0x2f: {  	[sflag:s16] =	ssyncset.done $0x0;
	(pc) =	sbr.rel @p0 .LBB2_2-.Ltmp0, $4  }
0x30: {  	[sflag:s16] =	ssyncadd.s32 $0xFFFFC000  }
0x31: {  	[spmem:s2] =	stream.indirect.scatter.add.f32 [tilespmem:s14], [sflag:$0x2], $0x80, s15, s13, $0xb8;
	[tilespmem:$0x1A880] =	vst v63  }
0x32: {  	_ =	swait.ge [sflag:s10], $0x4000  }
0x33: {  	[sflag:s10] =	ssyncset.done $0x0  }
0x34: {  	s17 =	sadd.s32 $0x1, s17  }
0x35: {  	[sflag:s10] =	ssyncadd.s32 $0xFFFFC000;
	p0 =	sne.s32 s17, s7  }
.Ltmp1:
0x36: {  	[bflag:$0x0] =	sbarrier.arrive $0xFFFF;
	(pc) =	sbr.rel @p0 .LBB2_1-.Ltmp1, $4  }
0x37: {  	[hbm:s6], [sflag:s11] =	dma.local [spmem:s12], $0x2800  }
0x38: {  	_ =	swait.ge [sflag:s10], $0x2800  }
0x39: {  	[sflag:s10] =	ssyncset.done $0x0  }
0x3a: {  	[sflag:s10] =	ssyncadd.s32 $0xFFFFD800  }
0x3b: {  	_ =	sfence.sel $0x180000  }
0x3c: {  	[bflag:$0x0] =	sbarrier.arrive $0xFFFF  }
0x3d: {  	p0 =	sne.s32 s0, $0x0;
	_ =	strace $0x90000053  }
0x3e: {  	s0 =	sadd.s32 @!p0 $0x100000, s1;
	[bflag:$0x2] =	sbarrier.arrive $0xFFFF  }
0x3f: {  	[sflag:s0] =	ssyncadd.tile.s32 @!p0 $0x1;
	_ =	shalt  }
.Lfunc_end2:
_tile_overlayer_lowered:
.L_overlay_start_2:
0x40: {  	(tag) =	ssettag $0x2  }
0x41: {  	s0 =	rddreg [dreg:$0x0];
	s2 =	stileid.u32  }
0x42: {  	s1 =	rddreg [dreg:$0x1];
	p0 =	sne.s32 s2, $0x0  }
0x43: {  	s3 =	rddreg [dreg:$0x2];
	[bflag:$0x3] =	sbarrier.arrive $0xFFFF;
	s2 =	simm.s32 @!p0 $0x1C02  }
0x44: {  	[timem:s3], [sflag:s2] =	dma.local @!p0 [hbm:s0], s1  }
0x45: {  	s0 =	simm.s32 @!p0 $0x2  }
0x46: {  	_ =	swait.ge @!p0 [sflag:s0], s1  }
0x47: {  	s1 =	ssub.s32 @!p0 $0x0, s1;
	[sflag:s0] =	ssyncset.done @!p0 $0x0  }
0x48: {  	[sflag:s0] =	ssyncadd.s32 @!p0 s1  }
0x49: {  	[bflag:$0x3] =	sbarrier.arrive $0xFFFF  }
0x4a: {  	_ =	shalt  }

// kernel: kernel.56.cloned.1.call-start
scs
__scs_entry_jumppad:
0x0: {  	(pc) =	sbr.rel $0x88, $3  }
0x1: {  	(tag) =	ssettag $0x0;
	lr =	simm.s32 $0x1  }
0x2: {  	[smem:$0x3F98] =	sst lr;
	_ =	strace $0xD0000000  }
0x3: {  	_ = 	snop  }
0x4: {  	_ = 	snop  }
0x5: {  	_ = 	snop  }
0x6: {  	_ = 	snop  }
0x7: {  	_ = 	snop  }
__scs_overlays_trampoline_lowered:
0x8: {  	[smem:$0x3FA7] =	sst s0  }
0x9: {  	[smem:$0x3FA8] =	sst s1  }
0xa: {  	[smem:$0x3FA9] =	sst s2  }
0xb: {  	[smem:$0x3FAA] =	sst s3  }
0xc: {  	[smem:$0x3FAB] =	sst s4  }
0xd: {  	[smem:$0x3FAC] =	sst s5  }
0xe: {  	[smem:$0x3FAD] =	sst s6  }
0xf: {  	[smem:$0x3FAE] =	sst s7  }
0x10: {  	[smem:$0x3FAF] =	sst s8  }
0x11: {  	[smem:$0x3FB0] =	sst s9;
	s0 =	simm.s32 @!p0 $0x0  }
0x12: {  	s1 =	sld [smem:$0x3F96];
	s0 =	simm.s32 @p0 $0x1  }
0x13: {  	[smem:$0x3FB1] =	sst s0;
	s0 =	simm.s32 @!p1 $0x0  }
0x14: {  	s2 =	sld [smem:$0x3F95];
	s0 =	simm.s32 @p1 $0x1  }
0x15: {  	[smem:$0x3FB2] =	sst s0;
	s0 =	simm.s32 @!p2 $0x0  }
0x16: {  	s3 =	sld [smem:$0x3FDB];
	s0 =	simm.s32 @p2 $0x1  }
0x17: {  	s4 =	simm.s32 $0x1BF5;
	[smem:$0x3FB4] =	sst s0  }
0x18: {  	s0 =	sld [smem:$0x3F97];
	_ =	swait.ge [sflag:s4], $0x0  }
0x19: {  	s7 =	sld [smem:$0x3F98]  }
0x1a: {  	s8 =	sadd.s32 $0xFFFFE003, lr  }
0x1b: {  	s9 =	sadd.s32 $0xFFFFFEF7, lr;
	s5 =	simm.s32 $0xFFFFFFFF;
	p2 =	slt.u32 s8, $0xFFFFF086  }
0x1c: {  	p1 =	slt.u32 s9, $0xF7A;
	s5 =	simm.s32 @!p2 $0x0  }
0x1d: {  	s5 =	simm.s32 @p1 $0x1;
	p0 =	seq.s32 s7, s2  }
0x1e: {  	s7 =	smul.u32 @!p0 $0xF7A, s2;
	p2 =	seq.s32 @!p0 s5, $0x0  }
0x1f: {  	s9 =	smul.u32 $0xF7A, s1;
	s8 =	simm.s32 @!p0 $0x1BF5;
	p2 =	por !p2, p0  }
0x20: {  	[sflag:s8] =	ssyncset.s32 @!p0 $0xFFFFF086;
	s6 =	sadd.s32 @!p0 s3, s7;
	s7 =	simm.s32 @!p0 $0x108  }
0x21: {  	s3 =	sadd.s32 s3, s9;
	s6 =	sadd.s32 @!p0 $0x88, s6;
	s7 =	simm.s32 @p2 $0x1082  }
0x22: {  	[simem:s7], [sflag:s8] =	dma.local @!p0 [hbm:s6], $0xF7A  }
0x23: {  	s9 =	sor.u32 $0xD0000000, s2;
	s6 =	simm.s32 $0x108;
	_ =	swait.ge @!p0 [sflag:s8], $0x0  }
0x24: {  	s3 =	sadd.s32 $0x88, s3;
	s6 =	simm.s32 @!p1 $0x1082;
	[sflag:s4] =	ssyncset.s32 $0xFFFFF086  }
0x25: {  	[simem:s6], [sflag:s4] =	dma.local [hbm:s3], $0xF7A  }
0x26: {  	[smem:$0x3F98] =	sst s1;
	(tag) =	ssettag s2;
	_ =	strace s9  }
0x27: {  	s1 =	sld [smem:$0x3FA8]  }
0x28: {  	s2 =	sld [smem:$0x3FA9]  }
0x29: {  	s4 =	sld [smem:$0x3FAB]  }
0x2a: {  	p0 =	seq.s32 s5, $0x0;
	s5 =	sld [smem:$0x3FAC]  }
0x2b: {  	s6 =	sld [smem:$0x3FAD]  }
0x2c: {  	s7 =	sld [smem:$0x3FAE]  }
0x2d: {  	s3 =	simm.s32 $0x108;
	s8 =	sld [smem:$0x3FAF]  }
0x2e: {  	s3 =	simm.s32 @!p0 $0x1082;
	s9 =	sld [smem:$0x3FB0]  }
0x2f: {  	lr =	sadd.s32 s0, s3;
	s0 =	sld [smem:$0x3FA7]  }
0x30: {  	s3 =	sld [smem:$0x3FAA]  }
0x31: {  	[smem:$0x3FB3] =	sst s10  }
0x32: {  	s10 =	sld [smem:$0x3FB1];
	_ =	sdelay $0x3  }
0x33: {  	p0 =	seq.s32 s10, $0x1;
	s10 =	sld [smem:$0x3FB3];
	_ =	sdelay $0x3  }
0x34: {  	[smem:$0x3FB3] =	sst s10  }
0x35: {  	s10 =	sld [smem:$0x3FB2];
	_ =	sdelay $0x3  }
0x36: {  	p1 =	seq.s32 s10, $0x1;
	s10 =	sld [smem:$0x3FB3];
	_ =	sdelay $0x3  }
0x37: {  	[smem:$0x3FB3] =	sst s10  }
0x38: {  	s10 =	sld [smem:$0x3FB4]  }
0x39: {  	_ = 	snop;
	(pc) =	sbr.ind lr, $3  }
0x3a: {  	_ = 	snop  }
0x3b: {  	_ = 	snop  }
0x3c: {  	p2 =	seq.s32 s10, $0x1;
	s10 =	sld [smem:$0x3FB3]  }
0x3d: {  	_ =	shalt  }
0x3e: {  	_ =	shalt  }
0x3f: {  	_ =	shalt  }
0x40: {  	_ =	shalt  }
0x41: {  	_ =	shalt  }
0x42: {  	_ =	shalt  }
0x43: {  	_ =	shalt  }
0x44: {  	_ =	shalt  }
0x45: {  	_ =	shalt  }
0x46: {  	_ =	shalt  }
0x47: {  	_ =	shalt  }
0x48: {  	_ =	shalt  }
0x49: {  	_ =	shalt  }
0x4a: {  	_ =	shalt  }
0x4b: {  	_ =	shalt  }
0x4c: {  	_ =	shalt  }
0x4d: {  	_ =	shalt  }
0x4e: {  	_ =	shalt  }
0x4f: {  	_ =	shalt  }
0x50: {  	_ =	shalt  }
0x51: {  	_ =	shalt  }
0x52: {  	_ =	shalt  }
0x53: {  	_ =	shalt  }
0x54: {  	_ =	shalt  }
0x55: {  	_ =	shalt  }
0x56: {  	_ =	shalt  }
0x57: {  	_ =	shalt  }
0x58: {  	_ =	shalt  }
0x59: {  	_ =	shalt  }
0x5a: {  	_ =	shalt  }
0x5b: {  	_ =	shalt  }
0x5c: {  	_ =	shalt  }
0x5d: {  	_ =	shalt  }
0x5e: {  	_ =	shalt  }
0x5f: {  	_ =	shalt  }
0x60: {  	_ =	shalt  }
0x61: {  	_ =	shalt  }
0x62: {  	_ =	shalt  }
0x63: {  	_ =	shalt  }
0x64: {  	_ =	shalt  }
0x65: {  	_ =	shalt  }
0x66: {  	_ =	shalt  }
0x67: {  	_ =	shalt  }
0x68: {  	_ =	shalt  }
0x69: {  	_ =	shalt  }
0x6a: {  	_ =	shalt  }
0x6b: {  	_ =	shalt  }
0x6c: {  	_ =	shalt  }
0x6d: {  	_ =	shalt  }
0x6e: {  	_ =	shalt  }
0x6f: {  	_ =	shalt  }
0x70: {  	_ =	shalt  }
0x71: {  	_ =	shalt  }
0x72: {  	_ =	shalt  }
0x73: {  	_ =	shalt  }
0x74: {  	_ =	shalt  }
0x75: {  	_ =	shalt  }
0x76: {  	_ =	shalt  }
0x77: {  	_ =	shalt  }
0x78: {  	_ =	shalt  }
0x79: {  	_ =	shalt  }
0x7a: {  	_ =	shalt  }
0x7b: {  	_ =	shalt  }
0x7c: {  	_ =	shalt  }
0x7d: {  	_ =	shalt  }
0x7e: {  	_ =	shalt  }
0x7f: {  	_ =	shalt  }
0x80: {  	_ =	shalt  }
0x81: {  	_ =	shalt  }
0x82: {  	_ =	shalt  }
0x83: {  	_ =	shalt  }
0x84: {  	_ =	shalt  }
0x85: {  	_ =	shalt  }
0x86: {  	_ =	shalt  }
0x87: {  	_ =	shalt  }
.Lfunc_end0:
.L_simem_size_0:
called_computation.8_lowered:
.L_overlay_start_0:
0x88: {  	s2 =	sld [smem:$0x3FD9]  }
0x89: {  	s3 =	sld [smem:$0x3FFE];
	_ =	sdelay $0x1  }
0x8a: {  	s1 =	srdreg.scid  }
0x8b: {  	s0 =	sand.u32 $0x1, s1  }
0x8c: {  	s17 =	sshll.u32 s0, $0xA;
	s2 =	sadd.s32 s3, s2  }
0x8d: {  	s2 =	sadd.s32 s2, s17  }
0x8e: {  	[smem:$0x3FBF] =	sst s2  }
0x8f: {  	_ = 	snop  }
0x90: {  	(tm) =	ssettm $0x1  }
0x91: {  	s18 =	sld [smem:$0x3FFB];
	_ =	sdelay $0x3  }
0x92: {  	_ =	strace s18  }
0x93: {  	s2 =	sld [smem:$0x3FFC];
	_ =	sdelay $0x3  }
0x94: {  	_ =	strace s2  }
0x95: {  	s2 =	sld [smem:$0x3FFD];
	_ =	sdelay $0x3  }
0x96: {  	_ =	strace s2  }
0x97: {  	_ =	strace $0x8FFFFFFF  }
0x98: {  	s19 =	sld [smem:$0x3FDB];
	_ =	sdelay $0x1  }
0x99: {  	s20 =	simm.s32 $_scs_section_size  }
0x9a: {  	s4 =	simm.s32 $_size__tile_overlayer_lowered;
	s5 =	simm.s32 $_tile_overlayer_lowered  }
0x9b: {  	s6 =	simm.s32 $0x1BFF;
	s21 =	sshll.u32 s5, $0x1;
	s3 =	sadd.s32 s20, s19  }
0x9c: {  	s22 =	simm.s32 $0x0;
	s4 =	sshll.u32 s4, $0x1;
	s5 =	sadd.s32 s21, s3  }
0x9d: {  	[timem:s22], [sflag:s6] =	dma.local [hbm:s5], s4  }
0x9e: {  	_ =	swait.ge [sflag:s6], s4  }
0x9f: {  	s4 =	ssub.s32 $0x0, s4;
	[sflag:s6] =	ssyncset.done $0x0  }
0xa0: {  	[sflag:s6] =	ssyncadd.s32 s4;
	_ =	sdelay $0x1  }
0xa1: {  	s23 =	simm.s32 $0x1B8B  }
0xa2: {  	_ =	swait.ge [sflag:s23], $0x1  }
0xa3: {  	[sflag:s23] =	ssyncset.done $0x0  }
0xa4: {  	[sflag:s23] =	ssyncadd.s32 $0xFFFFFFFF  }
0xa5: {  	s4 =	sld [smem:$0x0]  }
0xa6: {  	s5 =	sand.u32 $0xFFFFFFFE, s1  }
0xa7: {  	p0 =	sne.s32 s1, s5  }
0xa8: {  	s5 =	sshll.u32 @p0 s5, $0xE  }
0xa9: {  	s5 =	sadd.s32 @p0 $0x11B8D, s5;
	s6 =	sshll.u32 @p0 s4, $0x11  }
0xaa: {  	s5 =	sor.u32 @p0 s6, s5  }
0xab: {  	[sflag:s5] =	ssyncadd.remote.s32 @p0 $0x1;
	_ =	sdelay $0x1  }
0xac: {  	s5 =	simm.s32 @p0 $0x1B8D  }
0xad: {  	_ =	swait.eq @p0 [sflag:s5], $0x1  }
0xae: {  	[sflag:s5] =	ssyncadd.s32 @p0 $0xFFFFFFFF  }
0xaf: {  	s6 =	sshll.u32 @!p0 s1, $0xE  }
0xb0: {  	s6 =	sor.u32 @!p0 $0x4000, s6;
	s5 =	simm.s32 @!p0 $0x1B8D  }
0xb1: {  	s4 =	sshll.u32 @!p0 s4, $0x11;
	s6 =	sadd.s32 @!p0 $0x11B8D, s6;
	_ =	swait.eq @!p0 [sflag:s5], $0x1  }
0xb2: {  	s4 =	sor.u32 @!p0 s4, s6;
	[sflag:s5] =	ssyncadd.s32 @!p0 $0xFFFFFFFF  }
0xb3: {  	s25 =	simm.s32 $0x1B8E;
	s24 =	sld [smem:$0x3FFE];
	[sflag:s4] =	ssyncadd.remote.s32 @!p0 $0x1  }
0xb4: {  	s26 =	simm.s32 $execute0_lowered;
	[smem:$0x3FD2] =	sst s25  }
0xb5: {  	s5 =	sshll.u32 s26, $0x1;
	_ =	strace $0x8000005E;
	[dreg:$0x1] =	wrdreg $0xFFFFFFFF  }
0xb6: {  	s28 =	simm.s32 $_size_execute0_lowered;
	s3 =	sadd.s32 s3, s5;
	[dreg:$0x0] =	wrdreg $0x0  }
0xb7: {  	s5 =	sshll.u32 s28, $0x1;
	[dreg:$0x2] =	wrdreg s3  }
0xb8: {  	[dreg:$0x3] =	wrdreg s5  }
0xb9: {  	[dreg:$0x4] =	wrdreg $0xC0  }
0xba: {  	_ =	task [dreg:s22], $0x5FFFF  }
0xbb: {  	[dreg:$0x1] =	wrdreg $0xFFFFFFFF  }
0xbc: {  	[dreg:$0x0] =	wrdreg $0x60  }
0xbd: {  	[dreg:$0x2] =	wrdreg s24  }
0xbe: {  	[dreg:$0x3] =	wrdreg $0x0  }
0xbf: {  	[dreg:$0x4] =	wrdreg $0xB  }
0xc0: {  	_ =	task.clear_ibuf [dreg:s22], $0x5FFFF;
	_ =	strace $0x9000005E  }
0xc1: {  	s29 =	simm.s32 $0xB;
	_ =	strace $0x80000060  }
0xc2: {  	_ =	swait.ge [sflag:s29], $0x1  }
0xc3: {  	[sflag:s29] =	ssyncadd.s32 $0xFFFFFFFF  }
0xc4: {  	_ =	strace $0x90000060  }
0xc5: {  	_ =	sfence  }
0xc6: {  	s30 =	sld [smem:$0x0];
	_ =	sdelay $0x2  }
0xc7: {  	s31 =	sshll.u32 s1, $0xD;
	s1 =	sshrl.u32 s1, $0x2  }
0xc8: {  	s4 =	sand.u32 $0x4000, s31;
	s1 =	sadd.s32 s1, s30  }
0xc9: {  	s0 =	sor.u32 s4, s0;
	s1 =	sshll.u32 s1, $0x11  }
0xca: {  	s0 =	sor.u32 s1, s0  }
0xcb: {  	s0 =	sadd.s32 $0x8F2B, s0  }
0xcc: {  	[sflag:s0] =	ssyncadd.remote.s32 $0x1  }
0xcd: {  	_ =	sfence.sel $0xFFFF  }
0xce: {  	[dreg:$0x0] =	wrdreg $0xFFFFFFFF;
	(pc) =	sbr.abs _section_cstart, $3  }
0xcf: {  	[dreg:$0x1] =	wrdreg $0xFFFFFFFF  }
0xd0: {  	_ =	task.clear_ibuf [dreg:s22], $0x2FFFF;
	_ =	strace $0x9FFFFFFF  }
0xd1: {  	(tm) =	ssettm $0x7FFFFFFF  }
tec
execute0_lowered:
.L_overlay_start_1:
0x0: {  	(tag) =	ssettag $0x1  }
0x1: {  	s0 =	srdreg.scid;
	s5 =	rddreg [dreg:$0x0]  }
0x2: {  	s2 =	rddreg [dreg:$0x1];
	s3 =	simm.s32 $0x0;
	s6 =	sand.u32 $0x1, s0  }
0x3: {  	s15 =	simm.s32 $0x16800;
	s16 =	simm.s32 $0x1;
	s8 =	smul.u32 $0x4F00, s6  }
0x4: {  	s17 =	simm.s32 $0x0;
	s0 =	stileid.u32;
	s9 =	smul.u32 $0x140000, s6  }
0x5: {  	[smem:$0x7FF] =	sst s3;
	s4 =	sadd.s32 $0x10BC00, s5;
	s10 =	smul.u32 $0x14000, s0  }
0x6: {  	s13 =	sadd.s32 $0x3CE00, s5;
	s1 =	sshll.u32 s6, $0x4;
	s12 =	smul.u32 $0x50000, s0  }
0x7: {  	s25 =	ssub.s32 $0x2, s6;
	s29 =	smul.u32 $0x2800, s0;
	p0 =	seq.s32 s6, $0x0  }
0x8: {  	s14 =	smul.u32 $0x4F0, s0;
	s31 =	sshll.u32 s0, $0x6;
	s1 =	sor.u32 s0, s1  }
0x9: {  	s26 =	sshrl.u32 s25, $0x1;
	s13 =	smov.u32 @p0 s4;
	s7 =	smul.u32 $0x500, s1  }
0xa: {  	s1 =	rddreg [dreg:$0x2];
	_ =	strace $0x8000005F;
	s11 =	sadd.s32 s8, s5  }
0xb: {  	s24 =	sadd.s32 s10, s9;
	s9 =	ssub.s32 s25, s26;
	s28 =	sshrl.u32 s12, $0x2  }
0xc: {  	s10 =	simm.s32 $0x2;
	s8 =	sshrl.u32 s24, $0x3;
	s12 =	sadd.s32 s28, s2  }
0xd: {  	s30 =	sadd.s32 s14, s11;
	s11 =	sor.u32 $0x1C02, s31;
	s14 =	simm.s32 $0x16880  }
0xe: {  	s7 =	sadd.s32 s7, s5;
	s8 =	sadd.s32 s8, s5;
	s12 =	sshrl.u32 s12, $0x3  }
0xf: {  	s5 =	sadd.s32 $0xB1C00, s7;
	s6 =	sadd.s32 $0x223C00, s8;
	s7 =	smax.u32 s9, $0x1  }
0x10: {  	s8 =	sadd.s32 s13, s29;
	s9 =	sadd.s32 $0xAE00, s30;
	s13 =	simm.s32 $0x80  }
.LBB2_1:
0x11: {  	s18 =	simm.s32 $0x14000  }
0x12: {  	[tilespmem:s18], [sflag:$0x2] =	stream.linear.gather [hbm4b:s5+s3], $0x2780, $0x38;
	[tilespmem:$0x1A880] =	vst v63  }
0x13: {  	_ =	swait.ge [sflag:s10], $0x2780  }
0x14: {  	[sflag:s10] =	ssyncset.done $0x0  }
0x15: {  	[sflag:s10] =	ssyncadd.s32 $0xFFFFD880  }
0x16: {  	[spmem:s12], [sflag:s11] =	dma.local [hbm:s8], $0x2800  }
0x17: {  	_ =	swait.ge [sflag:s10], $0x2800  }
0x18: {  	[sflag:s10] =	ssyncset.done $0x0  }
0x19: {  	[sflag:s10] =	ssyncadd.s32 $0xFFFFD800  }
0x1a: {  	[bflag:$0x0] =	sbarrier.arrive $0xFFFF  }
0x1b: {  	[tilespmem:s14], [sflag:$0x1] =	stream.indirect.gather [hbm4b:s4+s13], $0x80, s18, s13, $0xb8;
	[tilespmem:$0x1A880] =	vst v63  }
0x1c: {  	s19 =	sadd.s32 $0x0, s9  }
0x1d: {  	[tilespmem:s15], [sflag:$0x2] =	stream.linear.gather [hbm4b:s19+s3], $0x80, $0x38;
	[tilespmem:$0x1A880] =	vst v63  }
0x1e: {  	_ =	swait.ge [sflag:s10], $0x80  }
0x1f: {  	[sflag:s10] =	ssyncset.done $0x0  }
0x20: {  	[sflag:s10] =	ssyncadd.s32 $0xFFFFFF80  }
0x21: {  	_ =	swait.ge [sflag:s16], $0x4000  }
0x22: {  	[sflag:s16] =	ssyncset.done $0x0  }
0x23: {  	[sflag:s16] =	ssyncadd.s32 $0xFFFFC000  }
0x24: {  	[spmem:s2] =	stream.indirect.scatter.add.f32 [tilespmem:s14], [sflag:$0x2], $0x80, s15, s13, $0xb8;
	[tilespmem:$0x1A880] =	vst v63  }
0x25: {  	_ =	swait.ge [sflag:s10], $0x4000  }
0x26: {  	s19 =	simm.s32 $0x10;
	[sflag:s10] =	ssyncset.done $0x0  }
.LBB2_2:
0x27: {  	p0 =	sne.s32 s19, $0x4E0;
	[sflag:s10] =	ssyncadd.s32 $0xFFFFC000;
	s18 =	sadd.s32 $0x80, s18  }
0x28: {  	[tilespmem:s14], [sflag:$0x1] =	stream.indirect.gather [hbm4b:s4+s13], $0x80, s18, s13, $0xb8;
	[tilespmem:$0x1A880] =	vst v63  }
0x29: {  	s20 =	sadd.s32 s19, s9;
	s19 =	sadd.s32 $0x10, s19  }
0x2a: {  	[tilespmem:s15], [sflag:$0x2] =	stream.linear.gather [hbm4b:s20+s3], $0x80, $0x38;
	[tilespmem:$0x1A880] =	vst v63  }
0x2b: {  	_ =	swait.ge [sflag:s10], $0x80  }
0x2c: {  	[sflag:s10] =	ssyncset.done $0x0  }
0x2d: {  	[sflag:s10] =	ssyncadd.s32 $0xFFFFFF80  }
0x2e: {  	_ =	swait.ge [sflag:s16], $0x4000  }
.Ltmp0:
0x2f: {  	[sflag:s16] =	ssyncset.done $0x0;
	(pc) =	sbr.rel @p0 .LBB2_2-.Ltmp0, $4  }
0x30: {  	[sflag:s16] =	ssyncadd.s32 $0xFFFFC000  }
0x31: {  	[spmem:s2] =	stream.indirect.scatter.add.f32 [tilespmem:s14], [sflag:$0x2], $0x80, s15, s13, $0xb8;
	[tilespmem:$0x1A880] =	vst v63  }
0x32: {  	_ =	swait.ge [sflag:s10], $0x4000  }
0x33: {  	[sflag:s10] =	ssyncset.done $0x0  }
0x34: {  	s17 =	sadd.s32 $0x1, s17  }
0x35: {  	[sflag:s10] =	ssyncadd.s32 $0xFFFFC000;
	p0 =	sne.s32 s17, s7  }
.Ltmp1:
0x36: {  	[bflag:$0x0] =	sbarrier.arrive $0xFFFF;
	(pc) =	sbr.rel @p0 .LBB2_1-.Ltmp1, $4  }
0x37: {  	[hbm:s6], [sflag:s11] =	dma.local [spmem:s12], $0x2800  }
0x38: {  	_ =	swait.ge [sflag:s10], $0x2800  }
0x39: {  	[sflag:s10] =	ssyncset.done $0x0  }
0x3a: {  	[sflag:s10] =	ssyncadd.s32 $0xFFFFD800  }
0x3b: {  	_ =	sfence.sel $0x180000  }
0x3c: {  	[bflag:$0x0] =	sbarrier.arrive $0xFFFF  }
0x3d: {  	p0 =	sne.s32 s0, $0x0;
	_ =	strace $0x9000005F  }
0x3e: {  	s0 =	sadd.s32 @!p0 $0x100000, s1;
	[bflag:$0x2] =	sbarrier.arrive $0xFFFF  }
0x3f: {  	[sflag:s0] =	ssyncadd.tile.s32 @!p0 $0x1;
	_ =	shalt  }
.Lfunc_end2:
_tile_overlayer_lowered:
.L_overlay_start_2:
0x40: {  	(tag) =	ssettag $0x2  }
0x41: {  	s0 =	rddreg [dreg:$0x0];
	s2 =	stileid.u32  }
0x42: {  	s1 =	rddreg [dreg:$0x1];
	p0 =	sne.s32 s2, $0x0  }
0x43: {  	s3 =	rddreg [dreg:$0x2];
	[bflag:$0x3] =	sbarrier.arrive $0xFFFF;
	s2 =	simm.s32 @!p0 $0x1C02  }
0x44: {  	[timem:s3], [sflag:s2] =	dma.local @!p0 [hbm:s0], s1  }
0x45: {  	s0 =	simm.s32 @!p0 $0x2  }
0x46: {  	_ =	swait.ge @!p0 [sflag:s0], s1  }
0x47: {  	s1 =	ssub.s32 @!p0 $0x0, s1;
	[sflag:s0] =	ssyncset.done @!p0 $0x0  }
0x48: {  	[sflag:s0] =	ssyncadd.s32 @!p0 s1  }
0x49: {  	[bflag:$0x3] =	sbarrier.arrive $0xFFFF  }
0x4a: {  	_ =	shalt  }

// kernel: kernel.59.cloned.1.call-start
scs
__scs_entry_jumppad:
0x0: {  	(pc) =	sbr.rel $0x88, $3  }
0x1: {  	(tag) =	ssettag $0x0;
	lr =	simm.s32 $0x1  }
0x2: {  	[smem:$0x3F98] =	sst lr;
	_ =	strace $0xD0000000  }
0x3: {  	_ = 	snop  }
0x4: {  	_ = 	snop  }
0x5: {  	_ = 	snop  }
0x6: {  	_ = 	snop  }
0x7: {  	_ = 	snop  }
__scs_overlays_trampoline_lowered:
0x8: {  	[smem:$0x3FA7] =	sst s0  }
0x9: {  	[smem:$0x3FA8] =	sst s1  }
0xa: {  	[smem:$0x3FA9] =	sst s2  }
0xb: {  	[smem:$0x3FAA] =	sst s3  }
0xc: {  	[smem:$0x3FAB] =	sst s4  }
0xd: {  	[smem:$0x3FAC] =	sst s5  }
0xe: {  	[smem:$0x3FAD] =	sst s6  }
0xf: {  	[smem:$0x3FAE] =	sst s7  }
0x10: {  	[smem:$0x3FAF] =	sst s8  }
0x11: {  	[smem:$0x3FB0] =	sst s9;
	s0 =	simm.s32 @!p0 $0x0  }
0x12: {  	s1 =	sld [smem:$0x3F96];
	s0 =	simm.s32 @p0 $0x1  }
0x13: {  	[smem:$0x3FB1] =	sst s0;
	s0 =	simm.s32 @!p1 $0x0  }
0x14: {  	s2 =	sld [smem:$0x3F95];
	s0 =	simm.s32 @p1 $0x1  }
0x15: {  	[smem:$0x3FB2] =	sst s0;
	s0 =	simm.s32 @!p2 $0x0  }
0x16: {  	s3 =	sld [smem:$0x3FDB];
	s0 =	simm.s32 @p2 $0x1  }
0x17: {  	s4 =	simm.s32 $0x1BF5;
	[smem:$0x3FB4] =	sst s0  }
0x18: {  	s0 =	sld [smem:$0x3F97];
	_ =	swait.ge [sflag:s4], $0x0  }
0x19: {  	s7 =	sld [smem:$0x3F98]  }
0x1a: {  	s8 =	sadd.s32 $0xFFFFE003, lr  }
0x1b: {  	s9 =	sadd.s32 $0xFFFFFEF7, lr;
	s5 =	simm.s32 $0xFFFFFFFF;
	p2 =	slt.u32 s8, $0xFFFFF086  }
0x1c: {  	p1 =	slt.u32 s9, $0xF7A;
	s5 =	simm.s32 @!p2 $0x0  }
0x1d: {  	s5 =	simm.s32 @p1 $0x1;
	p0 =	seq.s32 s7, s2  }
0x1e: {  	s7 =	smul.u32 @!p0 $0xF7A, s2;
	p2 =	seq.s32 @!p0 s5, $0x0  }
0x1f: {  	s9 =	smul.u32 $0xF7A, s1;
	s8 =	simm.s32 @!p0 $0x1BF5;
	p2 =	por !p2, p0  }
0x20: {  	[sflag:s8] =	ssyncset.s32 @!p0 $0xFFFFF086;
	s6 =	sadd.s32 @!p0 s3, s7;
	s7 =	simm.s32 @!p0 $0x108  }
0x21: {  	s3 =	sadd.s32 s3, s9;
	s6 =	sadd.s32 @!p0 $0x88, s6;
	s7 =	simm.s32 @p2 $0x1082  }
0x22: {  	[simem:s7], [sflag:s8] =	dma.local @!p0 [hbm:s6], $0xF7A  }
0x23: {  	s9 =	sor.u32 $0xD0000000, s2;
	s6 =	simm.s32 $0x108;
	_ =	swait.ge @!p0 [sflag:s8], $0x0  }
0x24: {  	s3 =	sadd.s32 $0x88, s3;
	s6 =	simm.s32 @!p1 $0x1082;
	[sflag:s4] =	ssyncset.s32 $0xFFFFF086  }
0x25: {  	[simem:s6], [sflag:s4] =	dma.local [hbm:s3], $0xF7A  }
0x26: {  	[smem:$0x3F98] =	sst s1;
	(tag) =	ssettag s2;
	_ =	strace s9  }
0x27: {  	s1 =	sld [smem:$0x3FA8]  }
0x28: {  	s2 =	sld [smem:$0x3FA9]  }
0x29: {  	s4 =	sld [smem:$0x3FAB]  }
0x2a: {  	p0 =	seq.s32 s5, $0x0;
	s5 =	sld [smem:$0x3FAC]  }
0x2b: {  	s6 =	sld [smem:$0x3FAD]  }
0x2c: {  	s7 =	sld [smem:$0x3FAE]  }
0x2d: {  	s3 =	simm.s32 $0x108;
	s8 =	sld [smem:$0x3FAF]  }
0x2e: {  	s3 =	simm.s32 @!p0 $0x1082;
	s9 =	sld [smem:$0x3FB0]  }
0x2f: {  	lr =	sadd.s32 s0, s3;
	s0 =	sld [smem:$0x3FA7]  }
0x30: {  	s3 =	sld [smem:$0x3FAA]  }
0x31: {  	[smem:$0x3FB3] =	sst s10  }
0x32: {  	s10 =	sld [smem:$0x3FB1];
	_ =	sdelay $0x3  }
0x33: {  	p0 =	seq.s32 s10, $0x1;
	s10 =	sld [smem:$0x3FB3];
	_ =	sdelay $0x3  }
0x34: {  	[smem:$0x3FB3] =	sst s10  }
0x35: {  	s10 =	sld [smem:$0x3FB2];
	_ =	sdelay $0x3  }
0x36: {  	p1 =	seq.s32 s10, $0x1;
	s10 =	sld [smem:$0x3FB3];
	_ =	sdelay $0x3  }
0x37: {  	[smem:$0x3FB3] =	sst s10  }
0x38: {  	s10 =	sld [smem:$0x3FB4]  }
0x39: {  	_ = 	snop;
	(pc) =	sbr.ind lr, $3  }
0x3a: {  	_ = 	snop  }
0x3b: {  	_ = 	snop  }
0x3c: {  	p2 =	seq.s32 s10, $0x1;
	s10 =	sld [smem:$0x3FB3]  }
0x3d: {  	_ =	shalt  }
0x3e: {  	_ =	shalt  }
0x3f: {  	_ =	shalt  }
0x40: {  	_ =	shalt  }
0x41: {  	_ =	shalt  }
0x42: {  	_ =	shalt  }
0x43: {  	_ =	shalt  }
0x44: {  	_ =	shalt  }
0x45: {  	_ =	shalt  }
0x46: {  	_ =	shalt  }
0x47: {  	_ =	shalt  }
0x48: {  	_ =	shalt  }
0x49: {  	_ =	shalt  }
0x4a: {  	_ =	shalt  }
0x4b: {  	_ =	shalt  }
0x4c: {  	_ =	shalt  }
0x4d: {  	_ =	shalt  }
0x4e: {  	_ =	shalt  }
0x4f: {  	_ =	shalt  }
0x50: {  	_ =	shalt  }
0x51: {  	_ =	shalt  }
0x52: {  	_ =	shalt  }
0x53: {  	_ =	shalt  }
0x54: {  	_ =	shalt  }
0x55: {  	_ =	shalt  }
0x56: {  	_ =	shalt  }
0x57: {  	_ =	shalt  }
0x58: {  	_ =	shalt  }
0x59: {  	_ =	shalt  }
0x5a: {  	_ =	shalt  }
0x5b: {  	_ =	shalt  }
0x5c: {  	_ =	shalt  }
0x5d: {  	_ =	shalt  }
0x5e: {  	_ =	shalt  }
0x5f: {  	_ =	shalt  }
0x60: {  	_ =	shalt  }
0x61: {  	_ =	shalt  }
0x62: {  	_ =	shalt  }
0x63: {  	_ =	shalt  }
0x64: {  	_ =	shalt  }
0x65: {  	_ =	shalt  }
0x66: {  	_ =	shalt  }
0x67: {  	_ =	shalt  }
0x68: {  	_ =	shalt  }
0x69: {  	_ =	shalt  }
0x6a: {  	_ =	shalt  }
0x6b: {  	_ =	shalt  }
0x6c: {  	_ =	shalt  }
0x6d: {  	_ =	shalt  }
0x6e: {  	_ =	shalt  }
0x6f: {  	_ =	shalt  }
0x70: {  	_ =	shalt  }
0x71: {  	_ =	shalt  }
0x72: {  	_ =	shalt  }
0x73: {  	_ =	shalt  }
0x74: {  	_ =	shalt  }
0x75: {  	_ =	shalt  }
0x76: {  	_ =	shalt  }
0x77: {  	_ =	shalt  }
0x78: {  	_ =	shalt  }
0x79: {  	_ =	shalt  }
0x7a: {  	_ =	shalt  }
0x7b: {  	_ =	shalt  }
0x7c: {  	_ =	shalt  }
0x7d: {  	_ =	shalt  }
0x7e: {  	_ =	shalt  }
0x7f: {  	_ =	shalt  }
0x80: {  	_ =	shalt  }
0x81: {  	_ =	shalt  }
0x82: {  	_ =	shalt  }
0x83: {  	_ =	shalt  }
0x84: {  	_ =	shalt  }
0x85: {  	_ =	shalt  }
0x86: {  	_ =	shalt  }
0x87: {  	_ =	shalt  }
.Lfunc_end0:
.L_simem_size_0:
called_computation.9_lowered:
.L_overlay_start_0:
0x88: {  	s2 =	sld [smem:$0x3FD9]  }
0x89: {  	s3 =	sld [smem:$0x3FFE];
	_ =	sdelay $0x1  }
0x8a: {  	s1 =	srdreg.scid  }
0x8b: {  	s0 =	sand.u32 $0x1, s1  }
0x8c: {  	s17 =	sshll.u32 s0, $0xA;
	s2 =	sadd.s32 s3, s2  }
0x8d: {  	s2 =	sadd.s32 s2, s17  }
0x8e: {  	[smem:$0x3FBF] =	sst s2  }
0x8f: {  	_ = 	snop  }
0x90: {  	(tm) =	ssettm $0x1  }
0x91: {  	s18 =	sld [smem:$0x3FFB];
	_ =	sdelay $0x3  }
0x92: {  	_ =	strace s18  }
0x93: {  	s2 =	sld [smem:$0x3FFC];
	_ =	sdelay $0x3  }
0x94: {  	_ =	strace s2  }
0x95: {  	s2 =	sld [smem:$0x3FFD];
	_ =	sdelay $0x3  }
0x96: {  	_ =	strace s2  }
0x97: {  	_ =	strace $0x8FFFFFFF  }
0x98: {  	s19 =	sld [smem:$0x3FDB];
	_ =	sdelay $0x1  }
0x99: {  	s20 =	simm.s32 $_scs_section_size  }
0x9a: {  	s4 =	simm.s32 $_size__tile_overlayer_lowered;
	s5 =	simm.s32 $_tile_overlayer_lowered  }
0x9b: {  	s6 =	simm.s32 $0x1BFF;
	s21 =	sshll.u32 s5, $0x1;
	s3 =	sadd.s32 s20, s19  }
0x9c: {  	s22 =	simm.s32 $0x0;
	s4 =	sshll.u32 s4, $0x1;
	s5 =	sadd.s32 s21, s3  }
0x9d: {  	[timem:s22], [sflag:s6] =	dma.local [hbm:s5], s4  }
0x9e: {  	_ =	swait.ge [sflag:s6], s4  }
0x9f: {  	s4 =	ssub.s32 $0x0, s4;
	[sflag:s6] =	ssyncset.done $0x0  }
0xa0: {  	[sflag:s6] =	ssyncadd.s32 s4;
	_ =	sdelay $0x1  }
0xa1: {  	s23 =	simm.s32 $0x1B8B  }
0xa2: {  	_ =	swait.ge [sflag:s23], $0x1  }
0xa3: {  	[sflag:s23] =	ssyncset.done $0x0  }
0xa4: {  	[sflag:s23] =	ssyncadd.s32 $0xFFFFFFFF  }
0xa5: {  	s4 =	sld [smem:$0x0]  }
0xa6: {  	s5 =	sand.u32 $0xFFFFFFFE, s1  }
0xa7: {  	p0 =	sne.s32 s1, s5  }
0xa8: {  	s5 =	sshll.u32 @p0 s5, $0xE  }
0xa9: {  	s5 =	sadd.s32 @p0 $0x11B8D, s5;
	s6 =	sshll.u32 @p0 s4, $0x11  }
0xaa: {  	s5 =	sor.u32 @p0 s6, s5  }
0xab: {  	[sflag:s5] =	ssyncadd.remote.s32 @p0 $0x1;
	_ =	sdelay $0x1  }
0xac: {  	s5 =	simm.s32 @p0 $0x1B8D  }
0xad: {  	_ =	swait.eq @p0 [sflag:s5], $0x1  }
0xae: {  	[sflag:s5] =	ssyncadd.s32 @p0 $0xFFFFFFFF  }
0xaf: {  	s6 =	sshll.u32 @!p0 s1, $0xE  }
0xb0: {  	s6 =	sor.u32 @!p0 $0x4000, s6;
	s5 =	simm.s32 @!p0 $0x1B8D  }
0xb1: {  	s4 =	sshll.u32 @!p0 s4, $0x11;
	s6 =	sadd.s32 @!p0 $0x11B8D, s6;
	_ =	swait.eq @!p0 [sflag:s5], $0x1  }
0xb2: {  	s4 =	sor.u32 @!p0 s4, s6;
	[sflag:s5] =	ssyncadd.s32 @!p0 $0xFFFFFFFF  }
0xb3: {  	s25 =	simm.s32 $0x1B8E;
	s24 =	sld [smem:$0x3FFE];
	[sflag:s4] =	ssyncadd.remote.s32 @!p0 $0x1  }
0xb4: {  	s26 =	simm.s32 $execute0_lowered;
	[smem:$0x3FD2] =	sst s25  }
0xb5: {  	s5 =	sshll.u32 s26, $0x1;
	_ =	strace $0x8000006A;
	[dreg:$0x1] =	wrdreg $0xFFFFFFFF  }
0xb6: {  	s28 =	simm.s32 $_size_execute0_lowered;
	s3 =	sadd.s32 s3, s5;
	[dreg:$0x0] =	wrdreg $0x0  }
0xb7: {  	s5 =	sshll.u32 s28, $0x1;
	[dreg:$0x2] =	wrdreg s3  }
0xb8: {  	[dreg:$0x3] =	wrdreg s5  }
0xb9: {  	[dreg:$0x4] =	wrdreg $0xC0  }
0xba: {  	_ =	task [dreg:s22], $0x5FFFF  }
0xbb: {  	[dreg:$0x1] =	wrdreg $0xFFFFFFFF  }
0xbc: {  	[dreg:$0x0] =	wrdreg $0x60  }
0xbd: {  	[dreg:$0x2] =	wrdreg s24  }
0xbe: {  	[dreg:$0x3] =	wrdreg $0x0  }
0xbf: {  	[dreg:$0x4] =	wrdreg $0xB  }
0xc0: {  	_ =	task.clear_ibuf [dreg:s22], $0x5FFFF;
	_ =	strace $0x9000006A  }
0xc1: {  	s29 =	simm.s32 $0xB;
	_ =	strace $0x8000006C  }
0xc2: {  	_ =	swait.ge [sflag:s29], $0x1  }
0xc3: {  	[sflag:s29] =	ssyncadd.s32 $0xFFFFFFFF  }
0xc4: {  	_ =	strace $0x9000006C  }
0xc5: {  	_ =	sfence  }
0xc6: {  	s30 =	sld [smem:$0x0];
	_ =	sdelay $0x2  }
0xc7: {  	s31 =	sshll.u32 s1, $0xD;
	s1 =	sshrl.u32 s1, $0x2  }
0xc8: {  	s4 =	sand.u32 $0x4000, s31;
	s1 =	sadd.s32 s1, s30  }
0xc9: {  	s0 =	sor.u32 s4, s0;
	s1 =	sshll.u32 s1, $0x11  }
0xca: {  	s0 =	sor.u32 s1, s0  }
0xcb: {  	s0 =	sadd.s32 $0x8F2B, s0  }
0xcc: {  	[sflag:s0] =	ssyncadd.remote.s32 $0x1  }
0xcd: {  	_ =	sfence.sel $0xFFFF  }
0xce: {  	[dreg:$0x0] =	wrdreg $0xFFFFFFFF;
	(pc) =	sbr.abs _section_cstart, $3  }
0xcf: {  	[dreg:$0x1] =	wrdreg $0xFFFFFFFF  }
0xd0: {  	_ =	task.clear_ibuf [dreg:s22], $0x2FFFF;
	_ =	strace $0x9FFFFFFF  }
0xd1: {  	(tm) =	ssettm $0x7FFFFFFF  }
tec
execute0_lowered:
.L_overlay_start_1:
0x0: {  	(tag) =	ssettag $0x1  }
0x1: {  	s0 =	srdreg.scid;
	s5 =	rddreg [dreg:$0x0]  }
0x2: {  	s2 =	rddreg [dreg:$0x1];
	s3 =	simm.s32 $0x0;
	s6 =	sand.u32 $0x1, s0  }
0x3: {  	s15 =	simm.s32 $0x16800;
	s16 =	simm.s32 $0x1;
	s8 =	smul.u32 $0x4F00, s6  }
0x4: {  	s17 =	simm.s32 $0x0;
	s0 =	stileid.u32;
	s9 =	smul.u32 $0x140000, s6  }
0x5: {  	[smem:$0x7FF] =	sst s3;
	s4 =	sadd.s32 $0x10BC00, s5;
	s10 =	smul.u32 $0x14000, s0  }
0x6: {  	s13 =	sadd.s32 $0x3CE00, s5;
	s1 =	sshll.u32 s6, $0x4;
	s12 =	smul.u32 $0x50000, s0  }
0x7: {  	s25 =	ssub.s32 $0x2, s6;
	s29 =	smul.u32 $0x2800, s0;
	p0 =	seq.s32 s6, $0x0  }
0x8: {  	s14 =	smul.u32 $0x4F0, s0;
	s31 =	sshll.u32 s0, $0x6;
	s1 =	sor.u32 s0, s1  }
0x9: {  	s26 =	sshrl.u32 s25, $0x1;
	s13 =	smov.u32 @p0 s4;
	s7 =	smul.u32 $0x500, s1  }
0xa: {  	s1 =	rddreg [dreg:$0x2];
	_ =	strace $0x8000006B;
	s11 =	sadd.s32 s8, s5  }
0xb: {  	s24 =	sadd.s32 s10, s9;
	s9 =	ssub.s32 s25, s26;
	s28 =	sshrl.u32 s12, $0x2  }
0xc: {  	s10 =	simm.s32 $0x2;
	s8 =	sshrl.u32 s24, $0x3;
	s12 =	sadd.s32 s28, s2  }
0xd: {  	s30 =	sadd.s32 s14, s11;
	s11 =	sor.u32 $0x1C02, s31;
	s14 =	simm.s32 $0x16880  }
0xe: {  	s7 =	sadd.s32 s7, s5;
	s8 =	sadd.s32 s8, s5;
	s12 =	sshrl.u32 s12, $0x3  }
0xf: {  	s5 =	sadd.s32 $0xB1C00, s7;
	s6 =	sadd.s32 $0x223C00, s8;
	s7 =	smax.u32 s9, $0x1  }
0x10: {  	s8 =	sadd.s32 s13, s29;
	s9 =	sadd.s32 $0xAE00, s30;
	s13 =	simm.s32 $0x80  }
.LBB2_1:
0x11: {  	s18 =	simm.s32 $0x14000  }
0x12: {  	[tilespmem:s18], [sflag:$0x2] =	stream.linear.gather [hbm4b:s5+s3], $0x2780, $0x38;
	[tilespmem:$0x1A880] =	vst v63  }
0x13: {  	_ =	swait.ge [sflag:s10], $0x2780  }
0x14: {  	[sflag:s10] =	ssyncset.done $0x0  }
0x15: {  	[sflag:s10] =	ssyncadd.s32 $0xFFFFD880  }
0x16: {  	[spmem:s12], [sflag:s11] =	dma.local [hbm:s8], $0x2800  }
0x17: {  	_ =	swait.ge [sflag:s10], $0x2800  }
0x18: {  	[sflag:s10] =	ssyncset.done $0x0  }
0x19: {  	[sflag:s10] =	ssyncadd.s32 $0xFFFFD800  }
0x1a: {  	[bflag:$0x0] =	sbarrier.arrive $0xFFFF  }
0x1b: {  	[tilespmem:s14], [sflag:$0x1] =	stream.indirect.gather [hbm4b:s4+s13], $0x80, s18, s13, $0xb8;
	[tilespmem:$0x1A880] =	vst v63  }
0x1c: {  	s19 =	sadd.s32 $0x0, s9  }
0x1d: {  	[tilespmem:s15], [sflag:$0x2] =	stream.linear.gather [hbm4b:s19+s3], $0x80, $0x38;
	[tilespmem:$0x1A880] =	vst v63  }
0x1e: {  	_ =	swait.ge [sflag:s10], $0x80  }
0x1f: {  	[sflag:s10] =	ssyncset.done $0x0  }
0x20: {  	[sflag:s10] =	ssyncadd.s32 $0xFFFFFF80  }
0x21: {  	_ =	swait.ge [sflag:s16], $0x4000  }
0x22: {  	[sflag:s16] =	ssyncset.done $0x0  }
0x23: {  	[sflag:s16] =	ssyncadd.s32 $0xFFFFC000  }
0x24: {  	[spmem:s2] =	stream.indirect.scatter.add.f32 [tilespmem:s14], [sflag:$0x2], $0x80, s15, s13, $0xb8;
	[tilespmem:$0x1A880] =	vst v63  }
0x25: {  	_ =	swait.ge [sflag:s10], $0x4000  }
0x26: {  	s19 =	simm.s32 $0x10;
	[sflag:s10] =	ssyncset.done $0x0  }
.LBB2_2:
0x27: {  	p0 =	sne.s32 s19, $0x4E0;
	[sflag:s10] =	ssyncadd.s32 $0xFFFFC000;
	s18 =	sadd.s32 $0x80, s18  }
0x28: {  	[tilespmem:s14], [sflag:$0x1] =	stream.indirect.gather [hbm4b:s4+s13], $0x80, s18, s13, $0xb8;
	[tilespmem:$0x1A880] =	vst v63  }
0x29: {  	s20 =	sadd.s32 s19, s9;
	s19 =	sadd.s32 $0x10, s19  }
0x2a: {  	[tilespmem:s15], [sflag:$0x2] =	stream.linear.gather [hbm4b:s20+s3], $0x80, $0x38;
	[tilespmem:$0x1A880] =	vst v63  }
0x2b: {  	_ =	swait.ge [sflag:s10], $0x80  }
0x2c: {  	[sflag:s10] =	ssyncset.done $0x0  }
0x2d: {  	[sflag:s10] =	ssyncadd.s32 $0xFFFFFF80  }
0x2e: {  	_ =	swait.ge [sflag:s16], $0x4000  }
.Ltmp0:
0x2f: {  	[sflag:s16] =	ssyncset.done $0x0;
	(pc) =	sbr.rel @p0 .LBB2_2-.Ltmp0, $4  }
0x30: {  	[sflag:s16] =	ssyncadd.s32 $0xFFFFC000  }
0x31: {  	[spmem:s2] =	stream.indirect.scatter.add.f32 [tilespmem:s14], [sflag:$0x2], $0x80, s15, s13, $0xb8;
	[tilespmem:$0x1A880] =	vst v63  }
0x32: {  	_ =	swait.ge [sflag:s10], $0x4000  }
0x33: {  	[sflag:s10] =	ssyncset.done $0x0  }
0x34: {  	s17 =	sadd.s32 $0x1, s17  }
0x35: {  	[sflag:s10] =	ssyncadd.s32 $0xFFFFC000;
	p0 =	sne.s32 s17, s7  }
.Ltmp1:
0x36: {  	[bflag:$0x0] =	sbarrier.arrive $0xFFFF;
	(pc) =	sbr.rel @p0 .LBB2_1-.Ltmp1, $4  }
0x37: {  	[hbm:s6], [sflag:s11] =	dma.local [spmem:s12], $0x2800  }
0x38: {  	_ =	swait.ge [sflag:s10], $0x2800  }
0x39: {  	[sflag:s10] =	ssyncset.done $0x0  }
0x3a: {  	[sflag:s10] =	ssyncadd.s32 $0xFFFFD800  }
0x3b: {  	_ =	sfence.sel $0x180000  }
0x3c: {  	[bflag:$0x0] =	sbarrier.arrive $0xFFFF  }
0x3d: {  	p0 =	sne.s32 s0, $0x0;
	_ =	strace $0x9000006B  }
0x3e: {  	s0 =	sadd.s32 @!p0 $0x100000, s1;
	[bflag:$0x2] =	sbarrier.arrive $0xFFFF  }
0x3f: {  	[sflag:s0] =	ssyncadd.tile.s32 @!p0 $0x1;
	_ =	shalt  }
.Lfunc_end2:
_tile_overlayer_lowered:
.L_overlay_start_2:
0x40: {  	(tag) =	ssettag $0x2  }
0x41: {  	s0 =	rddreg [dreg:$0x0];
	s2 =	stileid.u32  }
0x42: {  	s1 =	rddreg [dreg:$0x1];
	p0 =	sne.s32 s2, $0x0  }
0x43: {  	s3 =	rddreg [dreg:$0x2];
	[bflag:$0x3] =	sbarrier.arrive $0xFFFF;
	s2 =	simm.s32 @!p0 $0x1C02  }
0x44: {  	[timem:s3], [sflag:s2] =	dma.local @!p0 [hbm:s0], s1  }
0x45: {  	s0 =	simm.s32 @!p0 $0x2  }
0x46: {  	_ =	swait.ge @!p0 [sflag:s0], s1  }
0x47: {  	s1 =	ssub.s32 @!p0 $0x0, s1;
	[sflag:s0] =	ssyncset.done @!p0 $0x0  }
0x48: {  	[sflag:s0] =	ssyncadd.s32 @!p0 s1  }
0x49: {  	[bflag:$0x3] =	sbarrier.arrive $0xFFFF  }
0x4a: {  	_ =	shalt  }

// kernel: kernel.62.cloned.1.call-start
scs
__scs_entry_jumppad:
0x0: {  	(pc) =	sbr.rel $0x88, $3  }
0x1: {  	(tag) =	ssettag $0x0;
	lr =	simm.s32 $0x1  }
0x2: {  	[smem:$0x3F98] =	sst lr;
	_ =	strace $0xD0000000  }
0x3: {  	_ = 	snop  }
0x4: {  	_ = 	snop  }
0x5: {  	_ = 	snop  }
0x6: {  	_ = 	snop  }
0x7: {  	_ = 	snop  }
__scs_overlays_trampoline_lowered:
0x8: {  	[smem:$0x3FA7] =	sst s0  }
0x9: {  	[smem:$0x3FA8] =	sst s1  }
0xa: {  	[smem:$0x3FA9] =	sst s2  }
0xb: {  	[smem:$0x3FAA] =	sst s3  }
0xc: {  	[smem:$0x3FAB] =	sst s4  }
0xd: {  	[smem:$0x3FAC] =	sst s5  }
0xe: {  	[smem:$0x3FAD] =	sst s6  }
0xf: {  	[smem:$0x3FAE] =	sst s7  }
0x10: {  	[smem:$0x3FAF] =	sst s8  }
0x11: {  	[smem:$0x3FB0] =	sst s9;
	s0 =	simm.s32 @!p0 $0x0  }
0x12: {  	s1 =	sld [smem:$0x3F96];
	s0 =	simm.s32 @p0 $0x1  }
0x13: {  	[smem:$0x3FB1] =	sst s0;
	s0 =	simm.s32 @!p1 $0x0  }
0x14: {  	s2 =	sld [smem:$0x3F95];
	s0 =	simm.s32 @p1 $0x1  }
0x15: {  	[smem:$0x3FB2] =	sst s0;
	s0 =	simm.s32 @!p2 $0x0  }
0x16: {  	s3 =	sld [smem:$0x3FDB];
	s0 =	simm.s32 @p2 $0x1  }
0x17: {  	s4 =	simm.s32 $0x1BF5;
	[smem:$0x3FB4] =	sst s0  }
0x18: {  	s0 =	sld [smem:$0x3F97];
	_ =	swait.ge [sflag:s4], $0x0  }
0x19: {  	s7 =	sld [smem:$0x3F98]  }
0x1a: {  	s8 =	sadd.s32 $0xFFFFE003, lr  }
0x1b: {  	s9 =	sadd.s32 $0xFFFFFEF7, lr;
	s5 =	simm.s32 $0xFFFFFFFF;
	p2 =	slt.u32 s8, $0xFFFFF086  }
0x1c: {  	p1 =	slt.u32 s9, $0xF7A;
	s5 =	simm.s32 @!p2 $0x0  }
0x1d: {  	s5 =	simm.s32 @p1 $0x1;
	p0 =	seq.s32 s7, s2  }
0x1e: {  	s7 =	smul.u32 @!p0 $0xF7A, s2;
	p2 =	seq.s32 @!p0 s5, $0x0  }
0x1f: {  	s9 =	smul.u32 $0xF7A, s1;
	s8 =	simm.s32 @!p0 $0x1BF5;
	p2 =	por !p2, p0  }
0x20: {  	[sflag:s8] =	ssyncset.s32 @!p0 $0xFFFFF086;
	s6 =	sadd.s32 @!p0 s3, s7;
	s7 =	simm.s32 @!p0 $0x108  }
0x21: {  	s3 =	sadd.s32 s3, s9;
	s6 =	sadd.s32 @!p0 $0x88, s6;
	s7 =	simm.s32 @p2 $0x1082  }
0x22: {  	[simem:s7], [sflag:s8] =	dma.local @!p0 [hbm:s6], $0xF7A  }
0x23: {  	s9 =	sor.u32 $0xD0000000, s2;
	s6 =	simm.s32 $0x108;
	_ =	swait.ge @!p0 [sflag:s8], $0x0  }
0x24: {  	s3 =	sadd.s32 $0x88, s3;
	s6 =	simm.s32 @!p1 $0x1082;
	[sflag:s4] =	ssyncset.s32 $0xFFFFF086  }
0x25: {  	[simem:s6], [sflag:s4] =	dma.local [hbm:s3], $0xF7A  }
0x26: {  	[smem:$0x3F98] =	sst s1;
	(tag) =	ssettag s2;
	_ =	strace s9  }
0x27: {  	s1 =	sld [smem:$0x3FA8]  }
0x28: {  	s2 =	sld [smem:$0x3FA9]  }
0x29: {  	s4 =	sld [smem:$0x3FAB]  }
0x2a: {  	p0 =	seq.s32 s5, $0x0;
	s5 =	sld [smem:$0x3FAC]  }
0x2b: {  	s6 =	sld [smem:$0x3FAD]  }
0x2c: {  	s7 =	sld [smem:$0x3FAE]  }
0x2d: {  	s3 =	simm.s32 $0x108;
	s8 =	sld [smem:$0x3FAF]  }
0x2e: {  	s3 =	simm.s32 @!p0 $0x1082;
	s9 =	sld [smem:$0x3FB0]  }
0x2f: {  	lr =	sadd.s32 s0, s3;
	s0 =	sld [smem:$0x3FA7]  }
0x30: {  	s3 =	sld [smem:$0x3FAA]  }
0x31: {  	[smem:$0x3FB3] =	sst s10  }
0x32: {  	s10 =	sld [smem:$0x3FB1];
	_ =	sdelay $0x3  }
0x33: {  	p0 =	seq.s32 s10, $0x1;
	s10 =	sld [smem:$0x3FB3];
	_ =	sdelay $0x3  }
0x34: {  	[smem:$0x3FB3] =	sst s10  }
0x35: {  	s10 =	sld [smem:$0x3FB2];
	_ =	sdelay $0x3  }
0x36: {  	p1 =	seq.s32 s10, $0x1;
	s10 =	sld [smem:$0x3FB3];
	_ =	sdelay $0x3  }
0x37: {  	[smem:$0x3FB3] =	sst s10  }
0x38: {  	s10 =	sld [smem:$0x3FB4]  }
0x39: {  	_ = 	snop;
	(pc) =	sbr.ind lr, $3  }
0x3a: {  	_ = 	snop  }
0x3b: {  	_ = 	snop  }
0x3c: {  	p2 =	seq.s32 s10, $0x1;
	s10 =	sld [smem:$0x3FB3]  }
0x3d: {  	_ =	shalt  }
0x3e: {  	_ =	shalt  }
0x3f: {  	_ =	shalt  }
0x40: {  	_ =	shalt  }
0x41: {  	_ =	shalt  }
0x42: {  	_ =	shalt  }
0x43: {  	_ =	shalt  }
0x44: {  	_ =	shalt  }
0x45: {  	_ =	shalt  }
0x46: {  	_ =	shalt  }
0x47: {  	_ =	shalt  }
0x48: {  	_ =	shalt  }
0x49: {  	_ =	shalt  }
0x4a: {  	_ =	shalt  }
0x4b: {  	_ =	shalt  }
0x4c: {  	_ =	shalt  }
0x4d: {  	_ =	shalt  }
0x4e: {  	_ =	shalt  }
0x4f: {  	_ =	shalt  }
0x50: {  	_ =	shalt  }
0x51: {  	_ =	shalt  }
0x52: {  	_ =	shalt  }
0x53: {  	_ =	shalt  }
0x54: {  	_ =	shalt  }
0x55: {  	_ =	shalt  }
0x56: {  	_ =	shalt  }
0x57: {  	_ =	shalt  }
0x58: {  	_ =	shalt  }
0x59: {  	_ =	shalt  }
0x5a: {  	_ =	shalt  }
0x5b: {  	_ =	shalt  }
0x5c: {  	_ =	shalt  }
0x5d: {  	_ =	shalt  }
0x5e: {  	_ =	shalt  }
0x5f: {  	_ =	shalt  }
0x60: {  	_ =	shalt  }
0x61: {  	_ =	shalt  }
0x62: {  	_ =	shalt  }
0x63: {  	_ =	shalt  }
0x64: {  	_ =	shalt  }
0x65: {  	_ =	shalt  }
0x66: {  	_ =	shalt  }
0x67: {  	_ =	shalt  }
0x68: {  	_ =	shalt  }
0x69: {  	_ =	shalt  }
0x6a: {  	_ =	shalt  }
0x6b: {  	_ =	shalt  }
0x6c: {  	_ =	shalt  }
0x6d: {  	_ =	shalt  }
0x6e: {  	_ =	shalt  }
0x6f: {  	_ =	shalt  }
0x70: {  	_ =	shalt  }
0x71: {  	_ =	shalt  }
0x72: {  	_ =	shalt  }
0x73: {  	_ =	shalt  }
0x74: {  	_ =	shalt  }
0x75: {  	_ =	shalt  }
0x76: {  	_ =	shalt  }
0x77: {  	_ =	shalt  }
0x78: {  	_ =	shalt  }
0x79: {  	_ =	shalt  }
0x7a: {  	_ =	shalt  }
0x7b: {  	_ =	shalt  }
0x7c: {  	_ =	shalt  }
0x7d: {  	_ =	shalt  }
0x7e: {  	_ =	shalt  }
0x7f: {  	_ =	shalt  }
0x80: {  	_ =	shalt  }
0x81: {  	_ =	shalt  }
0x82: {  	_ =	shalt  }
0x83: {  	_ =	shalt  }
0x84: {  	_ =	shalt  }
0x85: {  	_ =	shalt  }
0x86: {  	_ =	shalt  }
0x87: {  	_ =	shalt  }
.Lfunc_end0:
.L_simem_size_0:
called_computation.10_lowered:
.L_overlay_start_0:
0x88: {  	s2 =	sld [smem:$0x3FD9]  }
0x89: {  	s3 =	sld [smem:$0x3FFE];
	_ =	sdelay $0x1  }
0x8a: {  	s1 =	srdreg.scid  }
0x8b: {  	s0 =	sand.u32 $0x1, s1  }
0x8c: {  	s17 =	sshll.u32 s0, $0xA;
	s2 =	sadd.s32 s3, s2  }
0x8d: {  	s2 =	sadd.s32 s2, s17  }
0x8e: {  	[smem:$0x3FBF] =	sst s2  }
0x8f: {  	_ = 	snop  }
0x90: {  	(tm) =	ssettm $0x1  }
0x91: {  	s18 =	sld [smem:$0x3FFB];
	_ =	sdelay $0x3  }
0x92: {  	_ =	strace s18  }
0x93: {  	s2 =	sld [smem:$0x3FFC];
	_ =	sdelay $0x3  }
0x94: {  	_ =	strace s2  }
0x95: {  	s2 =	sld [smem:$0x3FFD];
	_ =	sdelay $0x3  }
0x96: {  	_ =	strace s2  }
0x97: {  	_ =	strace $0x8FFFFFFF  }
0x98: {  	s19 =	sld [smem:$0x3FDB];
	_ =	sdelay $0x1  }
0x99: {  	s20 =	simm.s32 $_scs_section_size  }
0x9a: {  	s4 =	simm.s32 $_size__tile_overlayer_lowered;
	s5 =	simm.s32 $_tile_overlayer_lowered  }
0x9b: {  	s6 =	simm.s32 $0x1BFF;
	s21 =	sshll.u32 s5, $0x1;
	s3 =	sadd.s32 s20, s19  }
0x9c: {  	s22 =	simm.s32 $0x0;
	s4 =	sshll.u32 s4, $0x1;
	s5 =	sadd.s32 s21, s3  }
0x9d: {  	[timem:s22], [sflag:s6] =	dma.local [hbm:s5], s4  }
0x9e: {  	_ =	swait.ge [sflag:s6], s4  }
0x9f: {  	s4 =	ssub.s32 $0x0, s4;
	[sflag:s6] =	ssyncset.done $0x0  }
0xa0: {  	[sflag:s6] =	ssyncadd.s32 s4;
	_ =	sdelay $0x1  }
0xa1: {  	s23 =	simm.s32 $0x1B8B  }
0xa2: {  	_ =	swait.ge [sflag:s23], $0x1  }
0xa3: {  	[sflag:s23] =	ssyncset.done $0x0  }
0xa4: {  	[sflag:s23] =	ssyncadd.s32 $0xFFFFFFFF  }
0xa5: {  	s4 =	sld [smem:$0x0]  }
0xa6: {  	s5 =	sand.u32 $0xFFFFFFFE, s1  }
0xa7: {  	p0 =	sne.s32 s1, s5  }
0xa8: {  	s5 =	sshll.u32 @p0 s5, $0xE  }
0xa9: {  	s5 =	sadd.s32 @p0 $0x11B8D, s5;
	s6 =	sshll.u32 @p0 s4, $0x11  }
0xaa: {  	s5 =	sor.u32 @p0 s6, s5  }
0xab: {  	[sflag:s5] =	ssyncadd.remote.s32 @p0 $0x1;
	_ =	sdelay $0x1  }
0xac: {  	s5 =	simm.s32 @p0 $0x1B8D  }
0xad: {  	_ =	swait.eq @p0 [sflag:s5], $0x1  }
0xae: {  	[sflag:s5] =	ssyncadd.s32 @p0 $0xFFFFFFFF  }
0xaf: {  	s6 =	sshll.u32 @!p0 s1, $0xE  }
0xb0: {  	s6 =	sor.u32 @!p0 $0x4000, s6;
	s5 =	simm.s32 @!p0 $0x1B8D  }
0xb1: {  	s4 =	sshll.u32 @!p0 s4, $0x11;
	s6 =	sadd.s32 @!p0 $0x11B8D, s6;
	_ =	swait.eq @!p0 [sflag:s5], $0x1  }
0xb2: {  	s4 =	sor.u32 @!p0 s4, s6;
	[sflag:s5] =	ssyncadd.s32 @!p0 $0xFFFFFFFF  }
0xb3: {  	s25 =	simm.s32 $0x1B8E;
	s24 =	sld [smem:$0x3FFE];
	[sflag:s4] =	ssyncadd.remote.s32 @!p0 $0x1  }
0xb4: {  	s26 =	simm.s32 $execute0_lowered;
	[smem:$0x3FD2] =	sst s25  }
0xb5: {  	s5 =	sshll.u32 s26, $0x1;
	_ =	strace $0x8000004F;
	[dreg:$0x1] =	wrdreg $0xFFFFFFFF  }
0xb6: {  	s28 =	simm.s32 $_size_execute0_lowered;
	s3 =	sadd.s32 s3, s5;
	[dreg:$0x0] =	wrdreg $0x0  }
0xb7: {  	s5 =	sshll.u32 s28, $0x1;
	[dreg:$0x2] =	wrdreg s3  }
0xb8: {  	[dreg:$0x3] =	wrdreg s5  }
0xb9: {  	[dreg:$0x4] =	wrdreg $0xC0  }
0xba: {  	_ =	task [dreg:s22], $0x5FFFF  }
0xbb: {  	[dreg:$0x1] =	wrdreg $0xFFFFFFFF  }
0xbc: {  	[dreg:$0x0] =	wrdreg $0x60  }
0xbd: {  	[dreg:$0x2] =	wrdreg s24  }
0xbe: {  	[dreg:$0x3] =	wrdreg $0x0  }
0xbf: {  	[dreg:$0x4] =	wrdreg $0xC  }
0xc0: {  	_ =	task.clear_ibuf [dreg:s22], $0x5FFFF;
	_ =	strace $0x9000004F  }
0xc1: {  	s29 =	simm.s32 $0xC;
	_ =	strace $0x80000051  }
0xc2: {  	_ =	swait.ge [sflag:s29], $0x1  }
0xc3: {  	[sflag:s29] =	ssyncadd.s32 $0xFFFFFFFF  }
0xc4: {  	_ =	strace $0x90000051  }
0xc5: {  	_ =	sfence  }
0xc6: {  	s30 =	sld [smem:$0x0];
	_ =	sdelay $0x2  }
0xc7: {  	s31 =	sshll.u32 s1, $0xD;
	s1 =	sshrl.u32 s1, $0x2  }
0xc8: {  	s4 =	sand.u32 $0x4000, s31;
	s1 =	sadd.s32 s1, s30  }
0xc9: {  	s0 =	sor.u32 s4, s0;
	s1 =	sshll.u32 s1, $0x11  }
0xca: {  	s0 =	sor.u32 s1, s0  }
0xcb: {  	s0 =	sadd.s32 $0x8F2B, s0  }
0xcc: {  	[sflag:s0] =	ssyncadd.remote.s32 $0x1  }
0xcd: {  	_ =	sfence.sel $0xFFFF  }
0xce: {  	[dreg:$0x0] =	wrdreg $0xFFFFFFFF;
	(pc) =	sbr.abs _section_cstart, $3  }
0xcf: {  	[dreg:$0x1] =	wrdreg $0xFFFFFFFF  }
0xd0: {  	_ =	task.clear_ibuf [dreg:s22], $0x2FFFF;
	_ =	strace $0x9FFFFFFF  }
0xd1: {  	(tm) =	ssettm $0x7FFFFFFF  }
tec
execute0_lowered:
.L_overlay_start_1:
0x0: {  	(tag) =	ssettag $0x1  }
0x1: {  	s0 =	srdreg.scid;
	s5 =	rddreg [dreg:$0x0]  }
0x2: {  	s2 =	rddreg [dreg:$0x1];
	s3 =	simm.s32 $0x0;
	s6 =	sand.u32 $0x1, s0  }
0x3: {  	s15 =	simm.s32 $0x16800;
	s16 =	simm.s32 $0x1;
	s8 =	smul.u32 $0x4F00, s6  }
0x4: {  	s17 =	simm.s32 $0x0;
	s0 =	stileid.u32;
	s9 =	smul.u32 $0x140000, s6  }
0x5: {  	[smem:$0x7FF] =	sst s3;
	s4 =	sadd.s32 $0xE3C00, s5;
	s10 =	smul.u32 $0x14000, s0  }
0x6: {  	s13 =	sadd.s32 $0x3CE00, s5;
	s1 =	sshll.u32 s6, $0x4;
	s12 =	smul.u32 $0x50000, s0  }
0x7: {  	s25 =	ssub.s32 $0x2, s6;
	s29 =	smul.u32 $0x2800, s0;
	p0 =	seq.s32 s6, $0x0  }
0x8: {  	s14 =	smul.u32 $0x4F0, s0;
	s31 =	sshll.u32 s0, $0x6;
	s1 =	sor.u32 s0, s1  }
0x9: {  	s26 =	sshrl.u32 s25, $0x1;
	s13 =	smov.u32 @p0 s4;
	s7 =	smul.u32 $0x500, s1  }
0xa: {  	s1 =	rddreg [dreg:$0x2];
	_ =	strace $0x80000050;
	s11 =	sadd.s32 s8, s5  }
0xb: {  	s24 =	sadd.s32 s10, s9;
	s9 =	ssub.s32 s25, s26;
	s28 =	sshrl.u32 s12, $0x2  }
0xc: {  	s10 =	simm.s32 $0x2;
	s8 =	sshrl.u32 s24, $0x3;
	s12 =	sadd.s32 s28, s2  }
0xd: {  	s30 =	sadd.s32 s14, s11;
	s11 =	sor.u32 $0x1C02, s31;
	s14 =	simm.s32 $0x16880  }
0xe: {  	s7 =	sadd.s32 s7, s5;
	s8 =	sadd.s32 s8, s5;
	s12 =	sshrl.u32 s12, $0x3  }
0xf: {  	s5 =	sadd.s32 $0xB1C00, s7;
	s6 =	sadd.s32 $0x1D3C00, s8;
	s7 =	smax.u32 s9, $0x1  }
0x10: {  	s8 =	sadd.s32 s13, s29;
	s9 =	sadd.s32 $0xAE00, s30;
	s13 =	simm.s32 $0x80  }
.LBB2_1:
0x11: {  	s18 =	simm.s32 $0x14000  }
0x12: {  	[tilespmem:s18], [sflag:$0x2] =	stream.linear.gather [hbm4b:s5+s3], $0x2780, $0x38;
	[tilespmem:$0x1A880] =	vst v63  }
0x13: {  	_ =	swait.ge [sflag:s10], $0x2780  }
0x14: {  	[sflag:s10] =	ssyncset.done $0x0  }
0x15: {  	[sflag:s10] =	ssyncadd.s32 $0xFFFFD880  }
0x16: {  	[spmem:s12], [sflag:s11] =	dma.local [hbm:s8], $0x2800  }
0x17: {  	_ =	swait.ge [sflag:s10], $0x2800  }
0x18: {  	[sflag:s10] =	ssyncset.done $0x0  }
0x19: {  	[sflag:s10] =	ssyncadd.s32 $0xFFFFD800  }
0x1a: {  	[bflag:$0x0] =	sbarrier.arrive $0xFFFF  }
0x1b: {  	[tilespmem:s14], [sflag:$0x1] =	stream.indirect.gather [hbm4b:s4+s13], $0x80, s18, s13, $0xb8;
	[tilespmem:$0x1A880] =	vst v63  }
0x1c: {  	s19 =	sadd.s32 $0x0, s9  }
0x1d: {  	[tilespmem:s15], [sflag:$0x2] =	stream.linear.gather [hbm4b:s19+s3], $0x80, $0x38;
	[tilespmem:$0x1A880] =	vst v63  }
0x1e: {  	_ =	swait.ge [sflag:s10], $0x80  }
0x1f: {  	[sflag:s10] =	ssyncset.done $0x0  }
0x20: {  	[sflag:s10] =	ssyncadd.s32 $0xFFFFFF80  }
0x21: {  	_ =	swait.ge [sflag:s16], $0x4000  }
0x22: {  	[sflag:s16] =	ssyncset.done $0x0  }
0x23: {  	[sflag:s16] =	ssyncadd.s32 $0xFFFFC000  }
0x24: {  	[spmem:s2] =	stream.indirect.scatter.add.f32 [tilespmem:s14], [sflag:$0x2], $0x80, s15, s13, $0xb8;
	[tilespmem:$0x1A880] =	vst v63  }
0x25: {  	_ =	swait.ge [sflag:s10], $0x4000  }
0x26: {  	s19 =	simm.s32 $0x10;
	[sflag:s10] =	ssyncset.done $0x0  }
.LBB2_2:
0x27: {  	p0 =	sne.s32 s19, $0x4E0;
	[sflag:s10] =	ssyncadd.s32 $0xFFFFC000;
	s18 =	sadd.s32 $0x80, s18  }
0x28: {  	[tilespmem:s14], [sflag:$0x1] =	stream.indirect.gather [hbm4b:s4+s13], $0x80, s18, s13, $0xb8;
	[tilespmem:$0x1A880] =	vst v63  }
0x29: {  	s20 =	sadd.s32 s19, s9;
	s19 =	sadd.s32 $0x10, s19  }
0x2a: {  	[tilespmem:s15], [sflag:$0x2] =	stream.linear.gather [hbm4b:s20+s3], $0x80, $0x38;
	[tilespmem:$0x1A880] =	vst v63  }
0x2b: {  	_ =	swait.ge [sflag:s10], $0x80  }
0x2c: {  	[sflag:s10] =	ssyncset.done $0x0  }
0x2d: {  	[sflag:s10] =	ssyncadd.s32 $0xFFFFFF80  }
0x2e: {  	_ =	swait.ge [sflag:s16], $0x4000  }
.Ltmp0:
0x2f: {  	[sflag:s16] =	ssyncset.done $0x0;
	(pc) =	sbr.rel @p0 .LBB2_2-.Ltmp0, $4  }
0x30: {  	[sflag:s16] =	ssyncadd.s32 $0xFFFFC000  }
0x31: {  	[spmem:s2] =	stream.indirect.scatter.add.f32 [tilespmem:s14], [sflag:$0x2], $0x80, s15, s13, $0xb8;
	[tilespmem:$0x1A880] =	vst v63  }
0x32: {  	_ =	swait.ge [sflag:s10], $0x4000  }
0x33: {  	[sflag:s10] =	ssyncset.done $0x0  }
0x34: {  	s17 =	sadd.s32 $0x1, s17  }
0x35: {  	[sflag:s10] =	ssyncadd.s32 $0xFFFFC000;
	p0 =	sne.s32 s17, s7  }
.Ltmp1:
0x36: {  	[bflag:$0x0] =	sbarrier.arrive $0xFFFF;
	(pc) =	sbr.rel @p0 .LBB2_1-.Ltmp1, $4  }
0x37: {  	[hbm:s6], [sflag:s11] =	dma.local [spmem:s12], $0x2800  }
0x38: {  	_ =	swait.ge [sflag:s10], $0x2800  }
0x39: {  	[sflag:s10] =	ssyncset.done $0x0  }
0x3a: {  	[sflag:s10] =	ssyncadd.s32 $0xFFFFD800  }
0x3b: {  	_ =	sfence.sel $0x180000  }
0x3c: {  	[bflag:$0x0] =	sbarrier.arrive $0xFFFF  }
0x3d: {  	p0 =	sne.s32 s0, $0x0;
	_ =	strace $0x90000050  }
0x3e: {  	s0 =	sadd.s32 @!p0 $0x100000, s1;
	[bflag:$0x2] =	sbarrier.arrive $0xFFFF  }
0x3f: {  	[sflag:s0] =	ssyncadd.tile.s32 @!p0 $0x1;
	_ =	shalt  }
.Lfunc_end2:
_tile_overlayer_lowered:
.L_overlay_start_2:
0x40: {  	(tag) =	ssettag $0x2  }
0x41: {  	s0 =	rddreg [dreg:$0x0];
	s2 =	stileid.u32  }
0x42: {  	s1 =	rddreg [dreg:$0x1];
	p0 =	sne.s32 s2, $0x0  }
0x43: {  	s3 =	rddreg [dreg:$0x2];
	[bflag:$0x3] =	sbarrier.arrive $0xFFFF;
	s2 =	simm.s32 @!p0 $0x1C02  }
0x44: {  	[timem:s3], [sflag:s2] =	dma.local @!p0 [hbm:s0], s1  }
0x45: {  	s0 =	simm.s32 @!p0 $0x2  }
0x46: {  	_ =	swait.ge @!p0 [sflag:s0], s1  }
0x47: {  	s1 =	ssub.s32 @!p0 $0x0, s1;
	[sflag:s0] =	ssyncset.done @!p0 $0x0  }
0x48: {  	[sflag:s0] =	ssyncadd.s32 @!p0 s1  }
0x49: {  	[bflag:$0x3] =	sbarrier.arrive $0xFFFF  }
0x4a: {  	_ =	shalt  }

// kernel: kernel.65.cloned.1.call-start
scs
__scs_entry_jumppad:
0x0: {  	(pc) =	sbr.rel $0x88, $3  }
0x1: {  	(tag) =	ssettag $0x0;
	lr =	simm.s32 $0x1  }
0x2: {  	[smem:$0x3F98] =	sst lr;
	_ =	strace $0xD0000000  }
0x3: {  	_ = 	snop  }
0x4: {  	_ = 	snop  }
0x5: {  	_ = 	snop  }
0x6: {  	_ = 	snop  }
0x7: {  	_ = 	snop  }
__scs_overlays_trampoline_lowered:
0x8: {  	[smem:$0x3FA7] =	sst s0  }
0x9: {  	[smem:$0x3FA8] =	sst s1  }
0xa: {  	[smem:$0x3FA9] =	sst s2  }
0xb: {  	[smem:$0x3FAA] =	sst s3  }
0xc: {  	[smem:$0x3FAB] =	sst s4  }
0xd: {  	[smem:$0x3FAC] =	sst s5  }
0xe: {  	[smem:$0x3FAD] =	sst s6  }
0xf: {  	[smem:$0x3FAE] =	sst s7  }
0x10: {  	[smem:$0x3FAF] =	sst s8  }
0x11: {  	[smem:$0x3FB0] =	sst s9;
	s0 =	simm.s32 @!p0 $0x0  }
0x12: {  	s1 =	sld [smem:$0x3F96];
	s0 =	simm.s32 @p0 $0x1  }
0x13: {  	[smem:$0x3FB1] =	sst s0;
	s0 =	simm.s32 @!p1 $0x0  }
0x14: {  	s2 =	sld [smem:$0x3F95];
	s0 =	simm.s32 @p1 $0x1  }
0x15: {  	[smem:$0x3FB2] =	sst s0;
	s0 =	simm.s32 @!p2 $0x0  }
0x16: {  	s3 =	sld [smem:$0x3FDB];
	s0 =	simm.s32 @p2 $0x1  }
0x17: {  	s4 =	simm.s32 $0x1BF5;
	[smem:$0x3FB4] =	sst s0  }
0x18: {  	s0 =	sld [smem:$0x3F97];
	_ =	swait.ge [sflag:s4], $0x0  }
0x19: {  	s7 =	sld [smem:$0x3F98]  }
0x1a: {  	s8 =	sadd.s32 $0xFFFFE003, lr  }
0x1b: {  	s9 =	sadd.s32 $0xFFFFFEF7, lr;
	s5 =	simm.s32 $0xFFFFFFFF;
	p2 =	slt.u32 s8, $0xFFFFF086  }
0x1c: {  	p1 =	slt.u32 s9, $0xF7A;
	s5 =	simm.s32 @!p2 $0x0  }
0x1d: {  	s5 =	simm.s32 @p1 $0x1;
	p0 =	seq.s32 s7, s2  }
0x1e: {  	s7 =	smul.u32 @!p0 $0xF7A, s2;
	p2 =	seq.s32 @!p0 s5, $0x0  }
0x1f: {  	s9 =	smul.u32 $0xF7A, s1;
	s8 =	simm.s32 @!p0 $0x1BF5;
	p2 =	por !p2, p0  }
0x20: {  	[sflag:s8] =	ssyncset.s32 @!p0 $0xFFFFF086;
	s6 =	sadd.s32 @!p0 s3, s7;
	s7 =	simm.s32 @!p0 $0x108  }
0x21: {  	s3 =	sadd.s32 s3, s9;
	s6 =	sadd.s32 @!p0 $0x88, s6;
	s7 =	simm.s32 @p2 $0x1082  }
0x22: {  	[simem:s7], [sflag:s8] =	dma.local @!p0 [hbm:s6], $0xF7A  }
0x23: {  	s9 =	sor.u32 $0xD0000000, s2;
	s6 =	simm.s32 $0x108;
	_ =	swait.ge @!p0 [sflag:s8], $0x0  }
0x24: {  	s3 =	sadd.s32 $0x88, s3;
	s6 =	simm.s32 @!p1 $0x1082;
	[sflag:s4] =	ssyncset.s32 $0xFFFFF086  }
0x25: {  	[simem:s6], [sflag:s4] =	dma.local [hbm:s3], $0xF7A  }
0x26: {  	[smem:$0x3F98] =	sst s1;
	(tag) =	ssettag s2;
	_ =	strace s9  }
0x27: {  	s1 =	sld [smem:$0x3FA8]  }
0x28: {  	s2 =	sld [smem:$0x3FA9]  }
0x29: {  	s4 =	sld [smem:$0x3FAB]  }
0x2a: {  	p0 =	seq.s32 s5, $0x0;
	s5 =	sld [smem:$0x3FAC]  }
0x2b: {  	s6 =	sld [smem:$0x3FAD]  }
0x2c: {  	s7 =	sld [smem:$0x3FAE]  }
0x2d: {  	s3 =	simm.s32 $0x108;
	s8 =	sld [smem:$0x3FAF]  }
0x2e: {  	s3 =	simm.s32 @!p0 $0x1082;
	s9 =	sld [smem:$0x3FB0]  }
0x2f: {  	lr =	sadd.s32 s0, s3;
	s0 =	sld [smem:$0x3FA7]  }
0x30: {  	s3 =	sld [smem:$0x3FAA]  }
0x31: {  	[smem:$0x3FB3] =	sst s10  }
0x32: {  	s10 =	sld [smem:$0x3FB1];
	_ =	sdelay $0x3  }
0x33: {  	p0 =	seq.s32 s10, $0x1;
	s10 =	sld [smem:$0x3FB3];
	_ =	sdelay $0x3  }
0x34: {  	[smem:$0x3FB3] =	sst s10  }
0x35: {  	s10 =	sld [smem:$0x3FB2];
	_ =	sdelay $0x3  }
0x36: {  	p1 =	seq.s32 s10, $0x1;
	s10 =	sld [smem:$0x3FB3];
	_ =	sdelay $0x3  }
0x37: {  	[smem:$0x3FB3] =	sst s10  }
0x38: {  	s10 =	sld [smem:$0x3FB4]  }
0x39: {  	_ = 	snop;
	(pc) =	sbr.ind lr, $3  }
0x3a: {  	_ = 	snop  }
0x3b: {  	_ = 	snop  }
0x3c: {  	p2 =	seq.s32 s10, $0x1;
	s10 =	sld [smem:$0x3FB3]  }
0x3d: {  	_ =	shalt  }
0x3e: {  	_ =	shalt  }
0x3f: {  	_ =	shalt  }
0x40: {  	_ =	shalt  }
0x41: {  	_ =	shalt  }
0x42: {  	_ =	shalt  }
0x43: {  	_ =	shalt  }
0x44: {  	_ =	shalt  }
0x45: {  	_ =	shalt  }
0x46: {  	_ =	shalt  }
0x47: {  	_ =	shalt  }
0x48: {  	_ =	shalt  }
0x49: {  	_ =	shalt  }
0x4a: {  	_ =	shalt  }
0x4b: {  	_ =	shalt  }
0x4c: {  	_ =	shalt  }
0x4d: {  	_ =	shalt  }
0x4e: {  	_ =	shalt  }
0x4f: {  	_ =	shalt  }
0x50: {  	_ =	shalt  }
0x51: {  	_ =	shalt  }
0x52: {  	_ =	shalt  }
0x53: {  	_ =	shalt  }
0x54: {  	_ =	shalt  }
0x55: {  	_ =	shalt  }
0x56: {  	_ =	shalt  }
0x57: {  	_ =	shalt  }
0x58: {  	_ =	shalt  }
0x59: {  	_ =	shalt  }
0x5a: {  	_ =	shalt  }
0x5b: {  	_ =	shalt  }
0x5c: {  	_ =	shalt  }
0x5d: {  	_ =	shalt  }
0x5e: {  	_ =	shalt  }
0x5f: {  	_ =	shalt  }
0x60: {  	_ =	shalt  }
0x61: {  	_ =	shalt  }
0x62: {  	_ =	shalt  }
0x63: {  	_ =	shalt  }
0x64: {  	_ =	shalt  }
0x65: {  	_ =	shalt  }
0x66: {  	_ =	shalt  }
0x67: {  	_ =	shalt  }
0x68: {  	_ =	shalt  }
0x69: {  	_ =	shalt  }
0x6a: {  	_ =	shalt  }
0x6b: {  	_ =	shalt  }
0x6c: {  	_ =	shalt  }
0x6d: {  	_ =	shalt  }
0x6e: {  	_ =	shalt  }
0x6f: {  	_ =	shalt  }
0x70: {  	_ =	shalt  }
0x71: {  	_ =	shalt  }
0x72: {  	_ =	shalt  }
0x73: {  	_ =	shalt  }
0x74: {  	_ =	shalt  }
0x75: {  	_ =	shalt  }
0x76: {  	_ =	shalt  }
0x77: {  	_ =	shalt  }
0x78: {  	_ =	shalt  }
0x79: {  	_ =	shalt  }
0x7a: {  	_ =	shalt  }
0x7b: {  	_ =	shalt  }
0x7c: {  	_ =	shalt  }
0x7d: {  	_ =	shalt  }
0x7e: {  	_ =	shalt  }
0x7f: {  	_ =	shalt  }
0x80: {  	_ =	shalt  }
0x81: {  	_ =	shalt  }
0x82: {  	_ =	shalt  }
0x83: {  	_ =	shalt  }
0x84: {  	_ =	shalt  }
0x85: {  	_ =	shalt  }
0x86: {  	_ =	shalt  }
0x87: {  	_ =	shalt  }
.Lfunc_end0:
.L_simem_size_0:
called_computation.11_lowered:
.L_overlay_start_0:
0x88: {  	s2 =	sld [smem:$0x3FD9]  }
0x89: {  	s3 =	sld [smem:$0x3FFE];
	_ =	sdelay $0x1  }
0x8a: {  	s1 =	srdreg.scid  }
0x8b: {  	s0 =	sand.u32 $0x1, s1  }
0x8c: {  	s17 =	sshll.u32 s0, $0xA;
	s2 =	sadd.s32 s3, s2  }
0x8d: {  	s2 =	sadd.s32 s2, s17  }
0x8e: {  	[smem:$0x3FBF] =	sst s2  }
0x8f: {  	_ = 	snop  }
0x90: {  	(tm) =	ssettm $0x1  }
0x91: {  	s18 =	sld [smem:$0x3FFB];
	_ =	sdelay $0x3  }
0x92: {  	_ =	strace s18  }
0x93: {  	s2 =	sld [smem:$0x3FFC];
	_ =	sdelay $0x3  }
0x94: {  	_ =	strace s2  }
0x95: {  	s2 =	sld [smem:$0x3FFD];
	_ =	sdelay $0x3  }
0x96: {  	_ =	strace s2  }
0x97: {  	_ =	strace $0x8FFFFFFF  }
0x98: {  	s19 =	sld [smem:$0x3FDB];
	_ =	sdelay $0x1  }
0x99: {  	s20 =	simm.s32 $_scs_section_size  }
0x9a: {  	s4 =	simm.s32 $_size__tile_overlayer_lowered;
	s5 =	simm.s32 $_tile_overlayer_lowered  }
0x9b: {  	s6 =	simm.s32 $0x1BFF;
	s21 =	sshll.u32 s5, $0x1;
	s3 =	sadd.s32 s20, s19  }
0x9c: {  	s22 =	simm.s32 $0x0;
	s4 =	sshll.u32 s4, $0x1;
	s5 =	sadd.s32 s21, s3  }
0x9d: {  	[timem:s22], [sflag:s6] =	dma.local [hbm:s5], s4  }
0x9e: {  	_ =	swait.ge [sflag:s6], s4  }
0x9f: {  	s4 =	ssub.s32 $0x0, s4;
	[sflag:s6] =	ssyncset.done $0x0  }
0xa0: {  	[sflag:s6] =	ssyncadd.s32 s4;
	_ =	sdelay $0x1  }
0xa1: {  	s23 =	simm.s32 $0x1B8B  }
0xa2: {  	_ =	swait.ge [sflag:s23], $0x1  }
0xa3: {  	[sflag:s23] =	ssyncset.done $0x0  }
0xa4: {  	[sflag:s23] =	ssyncadd.s32 $0xFFFFFFFF  }
0xa5: {  	s4 =	sld [smem:$0x0]  }
0xa6: {  	s5 =	sand.u32 $0xFFFFFFFE, s1  }
0xa7: {  	p0 =	sne.s32 s1, s5  }
0xa8: {  	s5 =	sshll.u32 @p0 s5, $0xE  }
0xa9: {  	s5 =	sadd.s32 @p0 $0x11B8D, s5;
	s6 =	sshll.u32 @p0 s4, $0x11  }
0xaa: {  	s5 =	sor.u32 @p0 s6, s5  }
0xab: {  	[sflag:s5] =	ssyncadd.remote.s32 @p0 $0x1;
	_ =	sdelay $0x1  }
0xac: {  	s5 =	simm.s32 @p0 $0x1B8D  }
0xad: {  	_ =	swait.eq @p0 [sflag:s5], $0x1  }
0xae: {  	[sflag:s5] =	ssyncadd.s32 @p0 $0xFFFFFFFF  }
0xaf: {  	s6 =	sshll.u32 @!p0 s1, $0xE  }
0xb0: {  	s6 =	sor.u32 @!p0 $0x4000, s6;
	s5 =	simm.s32 @!p0 $0x1B8D  }
0xb1: {  	s4 =	sshll.u32 @!p0 s4, $0x11;
	s6 =	sadd.s32 @!p0 $0x11B8D, s6;
	_ =	swait.eq @!p0 [sflag:s5], $0x1  }
0xb2: {  	s4 =	sor.u32 @!p0 s4, s6;
	[sflag:s5] =	ssyncadd.s32 @!p0 $0xFFFFFFFF  }
0xb3: {  	s25 =	simm.s32 $0x1B8E;
	s24 =	sld [smem:$0x3FFE];
	[sflag:s4] =	ssyncadd.remote.s32 @!p0 $0x1  }
0xb4: {  	s26 =	simm.s32 $execute0_lowered;
	[smem:$0x3FD2] =	sst s25  }
0xb5: {  	s5 =	sshll.u32 s26, $0x1;
	_ =	strace $0x8000005B;
	[dreg:$0x1] =	wrdreg $0xFFFFFFFF  }
0xb6: {  	s28 =	simm.s32 $_size_execute0_lowered;
	s3 =	sadd.s32 s3, s5;
	[dreg:$0x0] =	wrdreg $0x0  }
0xb7: {  	s5 =	sshll.u32 s28, $0x1;
	[dreg:$0x2] =	wrdreg s3  }
0xb8: {  	[dreg:$0x3] =	wrdreg s5  }
0xb9: {  	[dreg:$0x4] =	wrdreg $0xC0  }
0xba: {  	_ =	task [dreg:s22], $0x5FFFF  }
0xbb: {  	[dreg:$0x1] =	wrdreg $0xFFFFFFFF  }
0xbc: {  	[dreg:$0x0] =	wrdreg $0x60  }
0xbd: {  	[dreg:$0x2] =	wrdreg s24  }
0xbe: {  	[dreg:$0x3] =	wrdreg $0x0  }
0xbf: {  	[dreg:$0x4] =	wrdreg $0xC  }
0xc0: {  	_ =	task.clear_ibuf [dreg:s22], $0x5FFFF;
	_ =	strace $0x9000005B  }
0xc1: {  	s29 =	simm.s32 $0xC;
	_ =	strace $0x8000005D  }
0xc2: {  	_ =	swait.ge [sflag:s29], $0x1  }
0xc3: {  	[sflag:s29] =	ssyncadd.s32 $0xFFFFFFFF  }
0xc4: {  	_ =	strace $0x9000005D  }
0xc5: {  	_ =	sfence  }
0xc6: {  	s30 =	sld [smem:$0x0];
	_ =	sdelay $0x2  }
0xc7: {  	s31 =	sshll.u32 s1, $0xD;
	s1 =	sshrl.u32 s1, $0x2  }
0xc8: {  	s4 =	sand.u32 $0x4000, s31;
	s1 =	sadd.s32 s1, s30  }
0xc9: {  	s0 =	sor.u32 s4, s0;
	s1 =	sshll.u32 s1, $0x11  }
0xca: {  	s0 =	sor.u32 s1, s0  }
0xcb: {  	s0 =	sadd.s32 $0x8F2B, s0  }
0xcc: {  	[sflag:s0] =	ssyncadd.remote.s32 $0x1  }
0xcd: {  	_ =	sfence.sel $0xFFFF  }
0xce: {  	[dreg:$0x0] =	wrdreg $0xFFFFFFFF;
	(pc) =	sbr.abs _section_cstart, $3  }
0xcf: {  	[dreg:$0x1] =	wrdreg $0xFFFFFFFF  }
0xd0: {  	_ =	task.clear_ibuf [dreg:s22], $0x2FFFF;
	_ =	strace $0x9FFFFFFF  }
0xd1: {  	(tm) =	ssettm $0x7FFFFFFF  }
tec
execute0_lowered:
.L_overlay_start_1:
0x0: {  	(tag) =	ssettag $0x1  }
0x1: {  	s0 =	srdreg.scid;
	s5 =	rddreg [dreg:$0x0]  }
0x2: {  	s2 =	rddreg [dreg:$0x1];
	s3 =	simm.s32 $0x0;
	s6 =	sand.u32 $0x1, s0  }
0x3: {  	s15 =	simm.s32 $0x16800;
	s16 =	simm.s32 $0x1;
	s8 =	smul.u32 $0x4F00, s6  }
0x4: {  	s17 =	simm.s32 $0x0;
	s0 =	stileid.u32;
	s9 =	smul.u32 $0x140000, s6  }
0x5: {  	[smem:$0x7FF] =	sst s3;
	s4 =	sadd.s32 $0xE3C00, s5;
	s10 =	smul.u32 $0x14000, s0  }
0x6: {  	s13 =	sadd.s32 $0x3CE00, s5;
	s1 =	sshll.u32 s6, $0x4;
	s12 =	smul.u32 $0x50000, s0  }
0x7: {  	s25 =	ssub.s32 $0x2, s6;
	s29 =	smul.u32 $0x2800, s0;
	p0 =	seq.s32 s6, $0x0  }
0x8: {  	s14 =	smul.u32 $0x4F0, s0;
	s31 =	sshll.u32 s0, $0x6;
	s1 =	sor.u32 s0, s1  }
0x9: {  	s26 =	sshrl.u32 s25, $0x1;
	s13 =	smov.u32 @p0 s4;
	s7 =	smul.u32 $0x500, s1  }
0xa: {  	s1 =	rddreg [dreg:$0x2];
	_ =	strace $0x8000005C;
	s11 =	sadd.s32 s8, s5  }
0xb: {  	s24 =	sadd.s32 s10, s9;
	s9 =	ssub.s32 s25, s26;
	s28 =	sshrl.u32 s12, $0x2  }
0xc: {  	s10 =	simm.s32 $0x2;
	s8 =	sshrl.u32 s24, $0x3;
	s12 =	sadd.s32 s28, s2  }
0xd: {  	s30 =	sadd.s32 s14, s11;
	s11 =	sor.u32 $0x1C02, s31;
	s14 =	simm.s32 $0x16880  }
0xe: {  	s7 =	sadd.s32 s7, s5;
	s8 =	sadd.s32 s8, s5;
	s12 =	sshrl.u32 s12, $0x3  }
0xf: {  	s5 =	sadd.s32 $0xB1C00, s7;
	s6 =	sadd.s32 $0x1D3C00, s8;
	s7 =	smax.u32 s9, $0x1  }
0x10: {  	s8 =	sadd.s32 s13, s29;
	s9 =	sadd.s32 $0xAE00, s30;
	s13 =	simm.s32 $0x80  }
.LBB2_1:
0x11: {  	s18 =	simm.s32 $0x14000  }
0x12: {  	[tilespmem:s18], [sflag:$0x2] =	stream.linear.gather [hbm4b:s5+s3], $0x2780, $0x38;
	[tilespmem:$0x1A880] =	vst v63  }
0x13: {  	_ =	swait.ge [sflag:s10], $0x2780  }
0x14: {  	[sflag:s10] =	ssyncset.done $0x0  }
0x15: {  	[sflag:s10] =	ssyncadd.s32 $0xFFFFD880  }
0x16: {  	[spmem:s12], [sflag:s11] =	dma.local [hbm:s8], $0x2800  }
0x17: {  	_ =	swait.ge [sflag:s10], $0x2800  }
0x18: {  	[sflag:s10] =	ssyncset.done $0x0  }
0x19: {  	[sflag:s10] =	ssyncadd.s32 $0xFFFFD800  }
0x1a: {  	[bflag:$0x0] =	sbarrier.arrive $0xFFFF  }
0x1b: {  	[tilespmem:s14], [sflag:$0x1] =	stream.indirect.gather [hbm4b:s4+s13], $0x80, s18, s13, $0xb8;
	[tilespmem:$0x1A880] =	vst v63  }
0x1c: {  	s19 =	sadd.s32 $0x0, s9  }
0x1d: {  	[tilespmem:s15], [sflag:$0x2] =	stream.linear.gather [hbm4b:s19+s3], $0x80, $0x38;
	[tilespmem:$0x1A880] =	vst v63  }
0x1e: {  	_ =	swait.ge [sflag:s10], $0x80  }
0x1f: {  	[sflag:s10] =	ssyncset.done $0x0  }
0x20: {  	[sflag:s10] =	ssyncadd.s32 $0xFFFFFF80  }
0x21: {  	_ =	swait.ge [sflag:s16], $0x4000  }
0x22: {  	[sflag:s16] =	ssyncset.done $0x0  }
0x23: {  	[sflag:s16] =	ssyncadd.s32 $0xFFFFC000  }
0x24: {  	[spmem:s2] =	stream.indirect.scatter.add.f32 [tilespmem:s14], [sflag:$0x2], $0x80, s15, s13, $0xb8;
	[tilespmem:$0x1A880] =	vst v63  }
0x25: {  	_ =	swait.ge [sflag:s10], $0x4000  }
0x26: {  	s19 =	simm.s32 $0x10;
	[sflag:s10] =	ssyncset.done $0x0  }
.LBB2_2:
0x27: {  	p0 =	sne.s32 s19, $0x4E0;
	[sflag:s10] =	ssyncadd.s32 $0xFFFFC000;
	s18 =	sadd.s32 $0x80, s18  }
0x28: {  	[tilespmem:s14], [sflag:$0x1] =	stream.indirect.gather [hbm4b:s4+s13], $0x80, s18, s13, $0xb8;
	[tilespmem:$0x1A880] =	vst v63  }
0x29: {  	s20 =	sadd.s32 s19, s9;
	s19 =	sadd.s32 $0x10, s19  }
0x2a: {  	[tilespmem:s15], [sflag:$0x2] =	stream.linear.gather [hbm4b:s20+s3], $0x80, $0x38;
	[tilespmem:$0x1A880] =	vst v63  }
0x2b: {  	_ =	swait.ge [sflag:s10], $0x80  }
0x2c: {  	[sflag:s10] =	ssyncset.done $0x0  }
0x2d: {  	[sflag:s10] =	ssyncadd.s32 $0xFFFFFF80  }
0x2e: {  	_ =	swait.ge [sflag:s16], $0x4000  }
.Ltmp0:
0x2f: {  	[sflag:s16] =	ssyncset.done $0x0;
	(pc) =	sbr.rel @p0 .LBB2_2-.Ltmp0, $4  }
0x30: {  	[sflag:s16] =	ssyncadd.s32 $0xFFFFC000  }
0x31: {  	[spmem:s2] =	stream.indirect.scatter.add.f32 [tilespmem:s14], [sflag:$0x2], $0x80, s15, s13, $0xb8;
	[tilespmem:$0x1A880] =	vst v63  }
0x32: {  	_ =	swait.ge [sflag:s10], $0x4000  }
0x33: {  	[sflag:s10] =	ssyncset.done $0x0  }
0x34: {  	s17 =	sadd.s32 $0x1, s17  }
0x35: {  	[sflag:s10] =	ssyncadd.s32 $0xFFFFC000;
	p0 =	sne.s32 s17, s7  }
.Ltmp1:
0x36: {  	[bflag:$0x0] =	sbarrier.arrive $0xFFFF;
	(pc) =	sbr.rel @p0 .LBB2_1-.Ltmp1, $4  }
0x37: {  	[hbm:s6], [sflag:s11] =	dma.local [spmem:s12], $0x2800  }
0x38: {  	_ =	swait.ge [sflag:s10], $0x2800  }
0x39: {  	[sflag:s10] =	ssyncset.done $0x0  }
0x3a: {  	[sflag:s10] =	ssyncadd.s32 $0xFFFFD800  }
0x3b: {  	_ =	sfence.sel $0x180000  }
0x3c: {  	[bflag:$0x0] =	sbarrier.arrive $0xFFFF  }
0x3d: {  	p0 =	sne.s32 s0, $0x0;
	_ =	strace $0x9000005C  }
0x3e: {  	s0 =	sadd.s32 @!p0 $0x100000, s1;
	[bflag:$0x2] =	sbarrier.arrive $0xFFFF  }
0x3f: {  	[sflag:s0] =	ssyncadd.tile.s32 @!p0 $0x1;
	_ =	shalt  }
.Lfunc_end2:
_tile_overlayer_lowered:
.L_overlay_start_2:
0x40: {  	(tag) =	ssettag $0x2  }
0x41: {  	s0 =	rddreg [dreg:$0x0];
	s2 =	stileid.u32  }
0x42: {  	s1 =	rddreg [dreg:$0x1];
	p0 =	sne.s32 s2, $0x0  }
0x43: {  	s3 =	rddreg [dreg:$0x2];
	[bflag:$0x3] =	sbarrier.arrive $0xFFFF;
	s2 =	simm.s32 @!p0 $0x1C02  }
0x44: {  	[timem:s3], [sflag:s2] =	dma.local @!p0 [hbm:s0], s1  }
0x45: {  	s0 =	simm.s32 @!p0 $0x2  }
0x46: {  	_ =	swait.ge @!p0 [sflag:s0], s1  }
0x47: {  	s1 =	ssub.s32 @!p0 $0x0, s1;
	[sflag:s0] =	ssyncset.done @!p0 $0x0  }
0x48: {  	[sflag:s0] =	ssyncadd.s32 @!p0 s1  }
0x49: {  	[bflag:$0x3] =	sbarrier.arrive $0xFFFF  }
0x4a: {  	_ =	shalt  }

// kernel: kernel.68.cloned.1.call-start
scs
__scs_entry_jumppad:
0x0: {  	(pc) =	sbr.rel $0x88, $3  }
0x1: {  	(tag) =	ssettag $0x0;
	lr =	simm.s32 $0x1  }
0x2: {  	[smem:$0x3F98] =	sst lr;
	_ =	strace $0xD0000000  }
0x3: {  	_ = 	snop  }
0x4: {  	_ = 	snop  }
0x5: {  	_ = 	snop  }
0x6: {  	_ = 	snop  }
0x7: {  	_ = 	snop  }
__scs_overlays_trampoline_lowered:
0x8: {  	[smem:$0x3FA7] =	sst s0  }
0x9: {  	[smem:$0x3FA8] =	sst s1  }
0xa: {  	[smem:$0x3FA9] =	sst s2  }
0xb: {  	[smem:$0x3FAA] =	sst s3  }
0xc: {  	[smem:$0x3FAB] =	sst s4  }
0xd: {  	[smem:$0x3FAC] =	sst s5  }
0xe: {  	[smem:$0x3FAD] =	sst s6  }
0xf: {  	[smem:$0x3FAE] =	sst s7  }
0x10: {  	[smem:$0x3FAF] =	sst s8  }
0x11: {  	[smem:$0x3FB0] =	sst s9;
	s0 =	simm.s32 @!p0 $0x0  }
0x12: {  	s1 =	sld [smem:$0x3F96];
	s0 =	simm.s32 @p0 $0x1  }
0x13: {  	[smem:$0x3FB1] =	sst s0;
	s0 =	simm.s32 @!p1 $0x0  }
0x14: {  	s2 =	sld [smem:$0x3F95];
	s0 =	simm.s32 @p1 $0x1  }
0x15: {  	[smem:$0x3FB2] =	sst s0;
	s0 =	simm.s32 @!p2 $0x0  }
0x16: {  	s3 =	sld [smem:$0x3FDB];
	s0 =	simm.s32 @p2 $0x1  }
0x17: {  	s4 =	simm.s32 $0x1BF5;
	[smem:$0x3FB4] =	sst s0  }
0x18: {  	s0 =	sld [smem:$0x3F97];
	_ =	swait.ge [sflag:s4], $0x0  }
0x19: {  	s7 =	sld [smem:$0x3F98]  }
0x1a: {  	s8 =	sadd.s32 $0xFFFFE003, lr  }
0x1b: {  	s9 =	sadd.s32 $0xFFFFFEF7, lr;
	s5 =	simm.s32 $0xFFFFFFFF;
	p2 =	slt.u32 s8, $0xFFFFF086  }
0x1c: {  	p1 =	slt.u32 s9, $0xF7A;
	s5 =	simm.s32 @!p2 $0x0  }
0x1d: {  	s5 =	simm.s32 @p1 $0x1;
	p0 =	seq.s32 s7, s2  }
0x1e: {  	s7 =	smul.u32 @!p0 $0xF7A, s2;
	p2 =	seq.s32 @!p0 s5, $0x0  }
0x1f: {  	s9 =	smul.u32 $0xF7A, s1;
	s8 =	simm.s32 @!p0 $0x1BF5;
	p2 =	por !p2, p0  }
0x20: {  	[sflag:s8] =	ssyncset.s32 @!p0 $0xFFFFF086;
	s6 =	sadd.s32 @!p0 s3, s7;
	s7 =	simm.s32 @!p0 $0x108  }
0x21: {  	s3 =	sadd.s32 s3, s9;
	s6 =	sadd.s32 @!p0 $0x88, s6;
	s7 =	simm.s32 @p2 $0x1082  }
0x22: {  	[simem:s7], [sflag:s8] =	dma.local @!p0 [hbm:s6], $0xF7A  }
0x23: {  	s9 =	sor.u32 $0xD0000000, s2;
	s6 =	simm.s32 $0x108;
	_ =	swait.ge @!p0 [sflag:s8], $0x0  }
0x24: {  	s3 =	sadd.s32 $0x88, s3;
	s6 =	simm.s32 @!p1 $0x1082;
	[sflag:s4] =	ssyncset.s32 $0xFFFFF086  }
0x25: {  	[simem:s6], [sflag:s4] =	dma.local [hbm:s3], $0xF7A  }
0x26: {  	[smem:$0x3F98] =	sst s1;
	(tag) =	ssettag s2;
	_ =	strace s9  }
0x27: {  	s1 =	sld [smem:$0x3FA8]  }
0x28: {  	s2 =	sld [smem:$0x3FA9]  }
0x29: {  	s4 =	sld [smem:$0x3FAB]  }
0x2a: {  	p0 =	seq.s32 s5, $0x0;
	s5 =	sld [smem:$0x3FAC]  }
0x2b: {  	s6 =	sld [smem:$0x3FAD]  }
0x2c: {  	s7 =	sld [smem:$0x3FAE]  }
0x2d: {  	s3 =	simm.s32 $0x108;
	s8 =	sld [smem:$0x3FAF]  }
0x2e: {  	s3 =	simm.s32 @!p0 $0x1082;
	s9 =	sld [smem:$0x3FB0]  }
0x2f: {  	lr =	sadd.s32 s0, s3;
	s0 =	sld [smem:$0x3FA7]  }
0x30: {  	s3 =	sld [smem:$0x3FAA]  }
0x31: {  	[smem:$0x3FB3] =	sst s10  }
0x32: {  	s10 =	sld [smem:$0x3FB1];
	_ =	sdelay $0x3  }
0x33: {  	p0 =	seq.s32 s10, $0x1;
	s10 =	sld [smem:$0x3FB3];
	_ =	sdelay $0x3  }
0x34: {  	[smem:$0x3FB3] =	sst s10  }
0x35: {  	s10 =	sld [smem:$0x3FB2];
	_ =	sdelay $0x3  }
0x36: {  	p1 =	seq.s32 s10, $0x1;
	s10 =	sld [smem:$0x3FB3];
	_ =	sdelay $0x3  }
0x37: {  	[smem:$0x3FB3] =	sst s10  }
0x38: {  	s10 =	sld [smem:$0x3FB4]  }
0x39: {  	_ = 	snop;
	(pc) =	sbr.ind lr, $3  }
0x3a: {  	_ = 	snop  }
0x3b: {  	_ = 	snop  }
0x3c: {  	p2 =	seq.s32 s10, $0x1;
	s10 =	sld [smem:$0x3FB3]  }
0x3d: {  	_ =	shalt  }
0x3e: {  	_ =	shalt  }
0x3f: {  	_ =	shalt  }
0x40: {  	_ =	shalt  }
0x41: {  	_ =	shalt  }
0x42: {  	_ =	shalt  }
0x43: {  	_ =	shalt  }
0x44: {  	_ =	shalt  }
0x45: {  	_ =	shalt  }
0x46: {  	_ =	shalt  }
0x47: {  	_ =	shalt  }
0x48: {  	_ =	shalt  }
0x49: {  	_ =	shalt  }
0x4a: {  	_ =	shalt  }
0x4b: {  	_ =	shalt  }
0x4c: {  	_ =	shalt  }
0x4d: {  	_ =	shalt  }
0x4e: {  	_ =	shalt  }
0x4f: {  	_ =	shalt  }
0x50: {  	_ =	shalt  }
0x51: {  	_ =	shalt  }
0x52: {  	_ =	shalt  }
0x53: {  	_ =	shalt  }
0x54: {  	_ =	shalt  }
0x55: {  	_ =	shalt  }
0x56: {  	_ =	shalt  }
0x57: {  	_ =	shalt  }
0x58: {  	_ =	shalt  }
0x59: {  	_ =	shalt  }
0x5a: {  	_ =	shalt  }
0x5b: {  	_ =	shalt  }
0x5c: {  	_ =	shalt  }
0x5d: {  	_ =	shalt  }
0x5e: {  	_ =	shalt  }
0x5f: {  	_ =	shalt  }
0x60: {  	_ =	shalt  }
0x61: {  	_ =	shalt  }
0x62: {  	_ =	shalt  }
0x63: {  	_ =	shalt  }
0x64: {  	_ =	shalt  }
0x65: {  	_ =	shalt  }
0x66: {  	_ =	shalt  }
0x67: {  	_ =	shalt  }
0x68: {  	_ =	shalt  }
0x69: {  	_ =	shalt  }
0x6a: {  	_ =	shalt  }
0x6b: {  	_ =	shalt  }
0x6c: {  	_ =	shalt  }
0x6d: {  	_ =	shalt  }
0x6e: {  	_ =	shalt  }
0x6f: {  	_ =	shalt  }
0x70: {  	_ =	shalt  }
0x71: {  	_ =	shalt  }
0x72: {  	_ =	shalt  }
0x73: {  	_ =	shalt  }
0x74: {  	_ =	shalt  }
0x75: {  	_ =	shalt  }
0x76: {  	_ =	shalt  }
0x77: {  	_ =	shalt  }
0x78: {  	_ =	shalt  }
0x79: {  	_ =	shalt  }
0x7a: {  	_ =	shalt  }
0x7b: {  	_ =	shalt  }
0x7c: {  	_ =	shalt  }
0x7d: {  	_ =	shalt  }
0x7e: {  	_ =	shalt  }
0x7f: {  	_ =	shalt  }
0x80: {  	_ =	shalt  }
0x81: {  	_ =	shalt  }
0x82: {  	_ =	shalt  }
0x83: {  	_ =	shalt  }
0x84: {  	_ =	shalt  }
0x85: {  	_ =	shalt  }
0x86: {  	_ =	shalt  }
0x87: {  	_ =	shalt  }
.Lfunc_end0:
.L_simem_size_0:
called_computation.12_lowered:
.L_overlay_start_0:
0x88: {  	s2 =	sld [smem:$0x3FD9]  }
0x89: {  	s3 =	sld [smem:$0x3FFE];
	_ =	sdelay $0x1  }
0x8a: {  	s1 =	srdreg.scid  }
0x8b: {  	s0 =	sand.u32 $0x1, s1  }
0x8c: {  	s17 =	sshll.u32 s0, $0xA;
	s2 =	sadd.s32 s3, s2  }
0x8d: {  	s2 =	sadd.s32 s2, s17  }
0x8e: {  	[smem:$0x3FBF] =	sst s2  }
0x8f: {  	_ = 	snop  }
0x90: {  	(tm) =	ssettm $0x1  }
0x91: {  	s18 =	sld [smem:$0x3FFB];
	_ =	sdelay $0x3  }
0x92: {  	_ =	strace s18  }
0x93: {  	s2 =	sld [smem:$0x3FFC];
	_ =	sdelay $0x3  }
0x94: {  	_ =	strace s2  }
0x95: {  	s2 =	sld [smem:$0x3FFD];
	_ =	sdelay $0x3  }
0x96: {  	_ =	strace s2  }
0x97: {  	_ =	strace $0x8FFFFFFF  }
0x98: {  	s19 =	sld [smem:$0x3FDB];
	_ =	sdelay $0x1  }
0x99: {  	s20 =	simm.s32 $_scs_section_size  }
0x9a: {  	s4 =	simm.s32 $_size__tile_overlayer_lowered;
	s5 =	simm.s32 $_tile_overlayer_lowered  }
0x9b: {  	s6 =	simm.s32 $0x1BFF;
	s21 =	sshll.u32 s5, $0x1;
	s3 =	sadd.s32 s20, s19  }
0x9c: {  	s22 =	simm.s32 $0x0;
	s4 =	sshll.u32 s4, $0x1;
	s5 =	sadd.s32 s21, s3  }
0x9d: {  	[timem:s22], [sflag:s6] =	dma.local [hbm:s5], s4  }
0x9e: {  	_ =	swait.ge [sflag:s6], s4  }
0x9f: {  	s4 =	ssub.s32 $0x0, s4;
	[sflag:s6] =	ssyncset.done $0x0  }
0xa0: {  	[sflag:s6] =	ssyncadd.s32 s4;
	_ =	sdelay $0x1  }
0xa1: {  	s23 =	simm.s32 $0x1B8B  }
0xa2: {  	_ =	swait.ge [sflag:s23], $0x1  }
0xa3: {  	[sflag:s23] =	ssyncset.done $0x0  }
0xa4: {  	[sflag:s23] =	ssyncadd.s32 $0xFFFFFFFF  }
0xa5: {  	s4 =	sld [smem:$0x0]  }
0xa6: {  	s5 =	sand.u32 $0xFFFFFFFE, s1  }
0xa7: {  	p0 =	sne.s32 s1, s5  }
0xa8: {  	s5 =	sshll.u32 @p0 s5, $0xE  }
0xa9: {  	s5 =	sadd.s32 @p0 $0x11B8D, s5;
	s6 =	sshll.u32 @p0 s4, $0x11  }
0xaa: {  	s5 =	sor.u32 @p0 s6, s5  }
0xab: {  	[sflag:s5] =	ssyncadd.remote.s32 @p0 $0x1;
	_ =	sdelay $0x1  }
0xac: {  	s5 =	simm.s32 @p0 $0x1B8D  }
0xad: {  	_ =	swait.eq @p0 [sflag:s5], $0x1  }
0xae: {  	[sflag:s5] =	ssyncadd.s32 @p0 $0xFFFFFFFF  }
0xaf: {  	s6 =	sshll.u32 @!p0 s1, $0xE  }
0xb0: {  	s6 =	sor.u32 @!p0 $0x4000, s6;
	s5 =	simm.s32 @!p0 $0x1B8D  }
0xb1: {  	s4 =	sshll.u32 @!p0 s4, $0x11;
	s6 =	sadd.s32 @!p0 $0x11B8D, s6;
	_ =	swait.eq @!p0 [sflag:s5], $0x1  }
0xb2: {  	s4 =	sor.u32 @!p0 s4, s6;
	[sflag:s5] =	ssyncadd.s32 @!p0 $0xFFFFFFFF  }
0xb3: {  	s25 =	simm.s32 $0x1B8E;
	s24 =	sld [smem:$0x3FFE];
	[sflag:s4] =	ssyncadd.remote.s32 @!p0 $0x1  }
0xb4: {  	s26 =	simm.s32 $execute0_lowered;
	[smem:$0x3FD2] =	sst s25  }
0xb5: {  	s5 =	sshll.u32 s26, $0x1;
	_ =	strace $0x80000067;
	[dreg:$0x1] =	wrdreg $0xFFFFFFFF  }
0xb6: {  	s28 =	simm.s32 $_size_execute0_lowered;
	s3 =	sadd.s32 s3, s5;
	[dreg:$0x0] =	wrdreg $0x0  }
0xb7: {  	s5 =	sshll.u32 s28, $0x1;
	[dreg:$0x2] =	wrdreg s3  }
0xb8: {  	[dreg:$0x3] =	wrdreg s5  }
0xb9: {  	[dreg:$0x4] =	wrdreg $0xC0  }
0xba: {  	_ =	task [dreg:s22], $0x5FFFF  }
0xbb: {  	[dreg:$0x1] =	wrdreg $0xFFFFFFFF  }
0xbc: {  	[dreg:$0x0] =	wrdreg $0x60  }
0xbd: {  	[dreg:$0x2] =	wrdreg s24  }
0xbe: {  	[dreg:$0x3] =	wrdreg $0x0  }
0xbf: {  	[dreg:$0x4] =	wrdreg $0xC  }
0xc0: {  	_ =	task.clear_ibuf [dreg:s22], $0x5FFFF;
	_ =	strace $0x90000067  }
0xc1: {  	s29 =	simm.s32 $0xC;
	_ =	strace $0x80000069  }
0xc2: {  	_ =	swait.ge [sflag:s29], $0x1  }
0xc3: {  	[sflag:s29] =	ssyncadd.s32 $0xFFFFFFFF  }
0xc4: {  	_ =	strace $0x90000069  }
0xc5: {  	_ =	sfence  }
0xc6: {  	s30 =	sld [smem:$0x0];
	_ =	sdelay $0x2  }
0xc7: {  	s31 =	sshll.u32 s1, $0xD;
	s1 =	sshrl.u32 s1, $0x2  }
0xc8: {  	s4 =	sand.u32 $0x4000, s31;
	s1 =	sadd.s32 s1, s30  }
0xc9: {  	s0 =	sor.u32 s4, s0;
	s1 =	sshll.u32 s1, $0x11  }
0xca: {  	s0 =	sor.u32 s1, s0  }
0xcb: {  	s0 =	sadd.s32 $0x8F2B, s0  }
0xcc: {  	[sflag:s0] =	ssyncadd.remote.s32 $0x1  }
0xcd: {  	_ =	sfence.sel $0xFFFF  }
0xce: {  	[dreg:$0x0] =	wrdreg $0xFFFFFFFF;
	(pc) =	sbr.abs _section_cstart, $3  }
0xcf: {  	[dreg:$0x1] =	wrdreg $0xFFFFFFFF  }
0xd0: {  	_ =	task.clear_ibuf [dreg:s22], $0x2FFFF;
	_ =	strace $0x9FFFFFFF  }
0xd1: {  	(tm) =	ssettm $0x7FFFFFFF  }
tec
execute0_lowered:
.L_overlay_start_1:
0x0: {  	(tag) =	ssettag $0x1  }
0x1: {  	s0 =	srdreg.scid;
	s5 =	rddreg [dreg:$0x0]  }
0x2: {  	s2 =	rddreg [dreg:$0x1];
	s3 =	simm.s32 $0x0;
	s6 =	sand.u32 $0x1, s0  }
0x3: {  	s15 =	simm.s32 $0x16800;
	s16 =	simm.s32 $0x1;
	s8 =	smul.u32 $0x4F00, s6  }
0x4: {  	s17 =	simm.s32 $0x0;
	s0 =	stileid.u32;
	s9 =	smul.u32 $0x140000, s6  }
0x5: {  	[smem:$0x7FF] =	sst s3;
	s4 =	sadd.s32 $0xE3C00, s5;
	s10 =	smul.u32 $0x14000, s0  }
0x6: {  	s13 =	sadd.s32 $0x3CE00, s5;
	s1 =	sshll.u32 s6, $0x4;
	s12 =	smul.u32 $0x50000, s0  }
0x7: {  	s25 =	ssub.s32 $0x2, s6;
	s29 =	smul.u32 $0x2800, s0;
	p0 =	seq.s32 s6, $0x0  }
0x8: {  	s14 =	smul.u32 $0x4F0, s0;
	s31 =	sshll.u32 s0, $0x6;
	s1 =	sor.u32 s0, s1  }
0x9: {  	s26 =	sshrl.u32 s25, $0x1;
	s13 =	smov.u32 @p0 s4;
	s7 =	smul.u32 $0x500, s1  }
0xa: {  	s1 =	rddreg [dreg:$0x2];
	_ =	strace $0x80000068;
	s11 =	sadd.s32 s8, s5  }
0xb: {  	s24 =	sadd.s32 s10, s9;
	s9 =	ssub.s32 s25, s26;
	s28 =	sshrl.u32 s12, $0x2  }
0xc: {  	s10 =	simm.s32 $0x2;
	s8 =	sshrl.u32 s24, $0x3;
	s12 =	sadd.s32 s28, s2  }
0xd: {  	s30 =	sadd.s32 s14, s11;
	s11 =	sor.u32 $0x1C02, s31;
	s14 =	simm.s32 $0x16880  }
0xe: {  	s7 =	sadd.s32 s7, s5;
	s8 =	sadd.s32 s8, s5;
	s12 =	sshrl.u32 s12, $0x3  }
0xf: {  	s5 =	sadd.s32 $0xB1C00, s7;
	s6 =	sadd.s32 $0x1D3C00, s8;
	s7 =	smax.u32 s9, $0x1  }
0x10: {  	s8 =	sadd.s32 s13, s29;
	s9 =	sadd.s32 $0xAE00, s30;
	s13 =	simm.s32 $0x80  }
.LBB2_1:
0x11: {  	s18 =	simm.s32 $0x14000  }
0x12: {  	[tilespmem:s18], [sflag:$0x2] =	stream.linear.gather [hbm4b:s5+s3], $0x2780, $0x38;
	[tilespmem:$0x1A880] =	vst v63  }
0x13: {  	_ =	swait.ge [sflag:s10], $0x2780  }
0x14: {  	[sflag:s10] =	ssyncset.done $0x0  }
0x15: {  	[sflag:s10] =	ssyncadd.s32 $0xFFFFD880  }
0x16: {  	[spmem:s12], [sflag:s11] =	dma.local [hbm:s8], $0x2800  }
0x17: {  	_ =	swait.ge [sflag:s10], $0x2800  }
0x18: {  	[sflag:s10] =	ssyncset.done $0x0  }
0x19: {  	[sflag:s10] =	ssyncadd.s32 $0xFFFFD800  }
0x1a: {  	[bflag:$0x0] =	sbarrier.arrive $0xFFFF  }
0x1b: {  	[tilespmem:s14], [sflag:$0x1] =	stream.indirect.gather [hbm4b:s4+s13], $0x80, s18, s13, $0xb8;
	[tilespmem:$0x1A880] =	vst v63  }
0x1c: {  	s19 =	sadd.s32 $0x0, s9  }
0x1d: {  	[tilespmem:s15], [sflag:$0x2] =	stream.linear.gather [hbm4b:s19+s3], $0x80, $0x38;
	[tilespmem:$0x1A880] =	vst v63  }
0x1e: {  	_ =	swait.ge [sflag:s10], $0x80  }
0x1f: {  	[sflag:s10] =	ssyncset.done $0x0  }
0x20: {  	[sflag:s10] =	ssyncadd.s32 $0xFFFFFF80  }
0x21: {  	_ =	swait.ge [sflag:s16], $0x4000  }
0x22: {  	[sflag:s16] =	ssyncset.done $0x0  }
0x23: {  	[sflag:s16] =	ssyncadd.s32 $0xFFFFC000  }
0x24: {  	[spmem:s2] =	stream.indirect.scatter.add.f32 [tilespmem:s14], [sflag:$0x2], $0x80, s15, s13, $0xb8;
	[tilespmem:$0x1A880] =	vst v63  }
0x25: {  	_ =	swait.ge [sflag:s10], $0x4000  }
0x26: {  	s19 =	simm.s32 $0x10;
	[sflag:s10] =	ssyncset.done $0x0  }
.LBB2_2:
0x27: {  	p0 =	sne.s32 s19, $0x4E0;
	[sflag:s10] =	ssyncadd.s32 $0xFFFFC000;
	s18 =	sadd.s32 $0x80, s18  }
0x28: {  	[tilespmem:s14], [sflag:$0x1] =	stream.indirect.gather [hbm4b:s4+s13], $0x80, s18, s13, $0xb8;
	[tilespmem:$0x1A880] =	vst v63  }
0x29: {  	s20 =	sadd.s32 s19, s9;
	s19 =	sadd.s32 $0x10, s19  }
0x2a: {  	[tilespmem:s15], [sflag:$0x2] =	stream.linear.gather [hbm4b:s20+s3], $0x80, $0x38;
	[tilespmem:$0x1A880] =	vst v63  }
0x2b: {  	_ =	swait.ge [sflag:s10], $0x80  }
0x2c: {  	[sflag:s10] =	ssyncset.done $0x0  }
0x2d: {  	[sflag:s10] =	ssyncadd.s32 $0xFFFFFF80  }
0x2e: {  	_ =	swait.ge [sflag:s16], $0x4000  }
.Ltmp0:
0x2f: {  	[sflag:s16] =	ssyncset.done $0x0;
	(pc) =	sbr.rel @p0 .LBB2_2-.Ltmp0, $4  }
0x30: {  	[sflag:s16] =	ssyncadd.s32 $0xFFFFC000  }
0x31: {  	[spmem:s2] =	stream.indirect.scatter.add.f32 [tilespmem:s14], [sflag:$0x2], $0x80, s15, s13, $0xb8;
	[tilespmem:$0x1A880] =	vst v63  }
0x32: {  	_ =	swait.ge [sflag:s10], $0x4000  }
0x33: {  	[sflag:s10] =	ssyncset.done $0x0  }
0x34: {  	s17 =	sadd.s32 $0x1, s17  }
0x35: {  	[sflag:s10] =	ssyncadd.s32 $0xFFFFC000;
	p0 =	sne.s32 s17, s7  }
.Ltmp1:
0x36: {  	[bflag:$0x0] =	sbarrier.arrive $0xFFFF;
	(pc) =	sbr.rel @p0 .LBB2_1-.Ltmp1, $4  }
0x37: {  	[hbm:s6], [sflag:s11] =	dma.local [spmem:s12], $0x2800  }
0x38: {  	_ =	swait.ge [sflag:s10], $0x2800  }
0x39: {  	[sflag:s10] =	ssyncset.done $0x0  }
0x3a: {  	[sflag:s10] =	ssyncadd.s32 $0xFFFFD800  }
0x3b: {  	_ =	sfence.sel $0x180000  }
0x3c: {  	[bflag:$0x0] =	sbarrier.arrive $0xFFFF  }
0x3d: {  	p0 =	sne.s32 s0, $0x0;
	_ =	strace $0x90000068  }
0x3e: {  	s0 =	sadd.s32 @!p0 $0x100000, s1;
	[bflag:$0x2] =	sbarrier.arrive $0xFFFF  }
0x3f: {  	[sflag:s0] =	ssyncadd.tile.s32 @!p0 $0x1;
	_ =	shalt  }
.Lfunc_end2:
_tile_overlayer_lowered:
.L_overlay_start_2:
0x40: {  	(tag) =	ssettag $0x2  }
0x41: {  	s0 =	rddreg [dreg:$0x0];
	s2 =	stileid.u32  }
0x42: {  	s1 =	rddreg [dreg:$0x1];
	p0 =	sne.s32 s2, $0x0  }
0x43: {  	s3 =	rddreg [dreg:$0x2];
	[bflag:$0x3] =	sbarrier.arrive $0xFFFF;
	s2 =	simm.s32 @!p0 $0x1C02  }
0x44: {  	[timem:s3], [sflag:s2] =	dma.local @!p0 [hbm:s0], s1  }
0x45: {  	s0 =	simm.s32 @!p0 $0x2  }
0x46: {  	_ =	swait.ge @!p0 [sflag:s0], s1  }
0x47: {  	s1 =	ssub.s32 @!p0 $0x0, s1;
	[sflag:s0] =	ssyncset.done @!p0 $0x0  }
0x48: {  	[sflag:s0] =	ssyncadd.s32 @!p0 s1  }
0x49: {  	[bflag:$0x3] =	sbarrier.arrive $0xFFFF  }
0x4a: {  	_ =	shalt  }

</sc_bundles>
